<compile_context>
chip_gen: v7x
topology: tpu7x:2x2x1
jax: 0.10.2.dev20260603
libtpu: 0.0.44.dev20260713+nightly
codegen_flags: <defaults>
</compile_context>

<pallas_src>
import functools

import jax
import jax.numpy as jnp
from jax import lax
from jax.experimental import pallas as pl
from jax.experimental.pallas import tpu as pltpu
from jax.experimental.pallas import tpu_sc as plsc

N = 10000
E = 160000
IN_DIM = 256
HID = 512
F = 128
NP = 10112
NPD = 10240
EPAD = 163840
NCORE = 2
NSUB = 16
B = 128
EPT = EPAD // NSUB
NBLK = EPT // B
HBLK = NBLK // 2
RPT = NP // NSUB
BR = 2000

_SC_MESH = dict(mesh=plsc.VectorSubcoreMesh(core_axis_name="c",
                                            subcore_axis_name="s"))


@functools.partial(
    pl.kernel,
    out_type=jax.ShapeDtypeStruct((NCORE * NPD,), jnp.float32),
    scratch_types=[
        pltpu.VMEM((EPAD // (NCORE * NSUB),), jnp.int32),
        pltpu.VMEM((EPAD // (NCORE * NSUB),), jnp.float32),
        pltpu.VMEM_SHARED((NPD,), jnp.float32),
    ],
    **_SC_MESH,
)
def _deg_sc(dst_hbm, zeros1_hbm, out_hbm, idx_v, ones_v, acc_sh):
    cid = lax.axis_index("c")
    sid = lax.axis_index("s")
    ept = EPAD // (NCORE * NSUB)
    rpt = NPD // NSUB

    def fill(i, carry):
        ones_v[pl.ds(i * 16, 16)] = jnp.full((16,), 1.0, jnp.float32)
        return carry

    lax.fori_loop(0, ept // 16, fill, 0)
    pltpu.sync_copy(zeros1_hbm.at[pl.ds(sid * rpt, rpt)],
                    acc_sh.at[pl.ds(sid * rpt, rpt)])
    plsc.subcore_barrier()
    e0 = (sid * NCORE + cid) * ept
    pltpu.sync_copy(dst_hbm.at[pl.ds(e0, ept)], idx_v)
    pltpu.sync_copy(ones_v, acc_sh.at[idx_v], add=True)
    plsc.subcore_barrier()
    pltpu.sync_copy(acc_sh.at[pl.ds(sid * rpt, rpt)],
                    out_hbm.at[pl.ds(cid * NPD + sid * rpt, rpt)])


def _make_agg(C):
    @functools.partial(
        pl.kernel,
        out_type=jax.ShapeDtypeStruct((C, NP, F), jnp.float32),
        scratch_types=[
            pltpu.VMEM((HBLK, B), jnp.int32),
            pltpu.VMEM((HBLK, B), jnp.int32),
            pltpu.VMEM((2, B, F), jnp.float32),
            pltpu.VMEM_SHARED((NP, F), jnp.float32),
            pltpu.SemaphoreType.DMA,
        ],
        **_SC_MESH,
    )
    def agg(src_hbm, dst_hbm, xs_hbm, out_hbm,
            src_v, dst_v, rows_v, acc_sh, sem):
        cid = lax.axis_index("c")
        sid = lax.axis_index("s")

        def sweep(cc):
            @pl.when(sid < NSUB - 1)
            def _():
                pltpu.sync_copy(xs_hbm.at[cc].at[pl.ds(sid * RPT, RPT)],
                                acc_sh.at[pl.ds(sid * RPT, RPT)])

            @pl.when(sid == NSUB - 1)
            def _():
                pltpu.sync_copy(
                    xs_hbm.at[cc].at[pl.ds((NSUB - 1) * RPT, N - (NSUB - 1) * RPT)],
                    acc_sh.at[pl.ds((NSUB - 1) * RPT, N - (NSUB - 1) * RPT)])

            plsc.subcore_barrier()
            for h in range(2):
                base_b = sid * NBLK + h * HBLK
                pltpu.sync_copy(src_hbm.at[pl.ds(base_b, HBLK)], src_v)
                pltpu.sync_copy(dst_hbm.at[pl.ds(base_b, HBLK)], dst_v)

                pltpu.async_copy(xs_hbm.at[cc].at[src_v.at[0]],
                                 rows_v.at[0], sem)

                def blk(b, carry):
                    par = lax.rem(b, 2)
                    pltpu.make_async_copy(
                        xs_hbm.at[cc].at[pl.ds(0, B)],
                        rows_v.at[par], sem).wait()

                    @pl.when(b + 1 < HBLK)
                    def _():
                        pltpu.async_copy(xs_hbm.at[cc].at[src_v.at[b + 1]],
                                         rows_v.at[1 - par], sem)

                    pltpu.sync_copy(rows_v.at[par], acc_sh.at[dst_v.at[b]],
                                    add=True)
                    return carry

                lax.fori_loop(0, HBLK, blk, 0)
            plsc.subcore_barrier()
            pltpu.sync_copy(acc_sh.at[pl.ds(sid * RPT, RPT)],
                            out_hbm.at[cc].at[pl.ds(sid * RPT, RPT)])

        for cc in range(C):
            @pl.when(cid == (cc % NCORE))
            def _():
                sweep(cc)

    return agg


_agg2 = _make_agg(2)
_agg4 = _make_agg(4)


def _scale_body(dis_ref, x_ref, xs_ref):
    xsb = x_ref[...] * dis_ref[...]
    for c in range(2):
        xs_ref[c] = xsb[:, c * F:(c + 1) * F]


def _scale(dis, x):
    return pl.pallas_call(
        _scale_body,
        grid=(N // BR,),
        in_specs=[
            pl.BlockSpec((BR, 1), lambda i: (i, 0)),
            pl.BlockSpec((BR, IN_DIM), lambda i: (i, 0)),
        ],
        out_specs=pl.BlockSpec((2, BR, F), lambda i: (0, i, 0)),
        out_shape=jax.ShapeDtypeStruct((2, N, F), jnp.float32),
    )(dis, x)


def _layer1_body(p_ref, dis_ref, W_ref, b_ref, xs2_ref):
    dis_col = dis_ref[...]
    acc = jnp.broadcast_to(b_ref[...], (BR, HID))
    for c in range(2):
        z = p_ref[c] * dis_col
        acc = acc + jnp.dot(z, W_ref[pl.ds(c * F, F), :],
                            preferred_element_type=jnp.float32)
    h = jnp.maximum(acc, 0.0) * dis_col
    for c in range(4):
        xs2_ref[c] = h[:, c * F:(c + 1) * F]


def _layer1(p1, dis, W1, b1):
    return pl.pallas_call(
        _layer1_body,
        grid=(N // BR,),
        in_specs=[
            pl.BlockSpec((2, BR, F), lambda i: (0, i, 0)),
            pl.BlockSpec((BR, 1), lambda i: (i, 0)),
            pl.BlockSpec((IN_DIM, HID), lambda i: (0, 0)),
            pl.BlockSpec((1, HID), lambda i: (0, 0)),
        ],
        out_specs=pl.BlockSpec((4, BR, F), lambda i: (0, i, 0)),
        out_shape=jax.ShapeDtypeStruct((4, N, F), jnp.float32),
    )(p1, dis, W1, b1)


def _layer2_body(p_ref, dis_ref, W_ref, b_ref, W3_ref, b3_ref, y_ref):
    dis_col = dis_ref[...]
    acc = jnp.broadcast_to(b_ref[...], (BR, HID))
    for c in range(4):
        z = p_ref[c] * dis_col
        acc = acc + jnp.dot(z, W_ref[pl.ds(c * F, F), :],
                            preferred_element_type=jnp.float32)
    h = jnp.maximum(acc, 0.0)
    y_ref[...] = jnp.dot(h, W3_ref[...],
                         preferred_element_type=jnp.float32) + b3_ref[...]


def _layer2(p2, dis, W2, b2, W3, b3):
    return pl.pallas_call(
        _layer2_body,
        grid=(N // BR,),
        in_specs=[
            pl.BlockSpec((4, BR, F), lambda i: (0, i, 0)),
            pl.BlockSpec((BR, 1), lambda i: (i, 0)),
            pl.BlockSpec((HID, HID), lambda i: (0, 0)),
            pl.BlockSpec((1, HID), lambda i: (0, 0)),
            pl.BlockSpec((HID, 1), lambda i: (0, 0)),
            pl.BlockSpec((1, 1), lambda i: (0, 0)),
        ],
        out_specs=pl.BlockSpec((BR, 1), lambda i: (i, 0)),
        out_shape=jax.ShapeDtypeStruct((N, 1), jnp.float32),
    )(p2, dis, W2, b2, W3, b3)


def kernel(x, edge_index, W1, b1, W2, b2, W3, b3):
    npad_e = EPAD - E
    src = jnp.concatenate(
        [edge_index[0], jnp.arange(npad_e, dtype=jnp.int32)])
    dst = jnp.concatenate(
        [edge_index[1], N + (jnp.arange(npad_e, dtype=jnp.int32) % (NP - N))])
    zeros1 = jnp.zeros((NPD,), jnp.float32)
    src2 = src.reshape(EPAD // B, B)
    dst2 = dst.reshape(EPAD // B, B)

    degp = _deg_sc(dst, zeros1).reshape(NCORE, NPD)
    dis = lax.rsqrt(degp[0, :N] + degp[1, :N] + 1.0).reshape(N, 1)
    xs1 = _scale(dis, x)

    p1 = _agg2(src2, dst2, xs1)
    xs2 = _layer1(p1, dis, W1, b1.reshape(1, HID))

    p2 = _agg4(src2, dst2, xs2)
    return _layer2(p2, dis, W2, b2.reshape(1, HID), W3, b3.reshape(1, 1))

# --- scband reference (transcript-rebuilt; emitter-appended) ---
"""Pipeline reference for scband-gcnonly-36447092474503 (READ-ONLY COPY).

The authoritative reference and input builder live on the scoring server;
editing this copy changes nothing except your own understanding.
"""

import jax, jax.numpy as jnp
import numpy as np

N = 10000
E = 160000
IN_DIM = 256
HID = 512


def setup_inputs(seed: int = 0) -> dict:
    key = jax.random.key(seed)
    ks = jax.random.split(key, 8)
    x = jax.random.normal(ks[0], (N, IN_DIM), dtype=jnp.float32)
    edge_index = jax.random.randint(ks[1], (2, E), 0, N, dtype=jnp.int32)
    W1 = jax.random.normal(ks[2], (IN_DIM, HID), dtype=jnp.float32) / np.sqrt(IN_DIM)
    b1 = jnp.zeros((HID,), dtype=jnp.float32)
    W2 = jax.random.normal(ks[3], (HID, HID), dtype=jnp.float32) / np.sqrt(HID)
    b2 = jnp.zeros((HID,), dtype=jnp.float32)
    W3 = jax.random.normal(ks[4], (HID, 1), dtype=jnp.float32) / np.sqrt(HID)
    b3 = jnp.zeros((1,), dtype=jnp.float32)
    return {"x": x, "edge_index": edge_index, "W1": W1, "b1": b1, "W2": W2, "b2": b2, "W3": W3, "b3": b3}


def _gcn_layer(x, src, dst, norm, W, b):
    # PyG GCNConv: h = x @ W, then propagate with symmetric norm, then + bias
    h = x @ W
    msg = h[src] * norm[:, None]
    out = jnp.zeros((N, W.shape[1]), dtype=x.dtype).at[dst].add(msg)
    return out + b


def reference(x, edge_index, W1, b1, W2, b2, W3, b3):
    # add self loops
    loop = jnp.arange(N, dtype=edge_index.dtype)
    src = jnp.concatenate([edge_index[0], loop])
    dst = jnp.concatenate([edge_index[1], loop])
    # symmetric normalization D^{-1/2} (A+I) D^{-1/2}
    deg = jnp.zeros((N,), dtype=jnp.float32).at[dst].add(1.0)
    dis = jnp.where(deg > 0, 1.0 / jnp.sqrt(deg), 0.0)
    norm = dis[src] * dis[dst]
    h = jax.nn.relu(_gcn_layer(x, src, dst, norm, W1, b1))
    # dropout p=0.0 -> no-op
    h = jax.nn.relu(_gcn_layer(h, src, dst, norm, W2, b2))
    return h @ W3 + b3

if __name__ == "__main__":
    import jax
    _d = setup_inputs()
    print(jax.jit(kernel)(*tuple(_d.values())))

</pallas_src>

<mosaic_0001>
#map = affine_map<(d0, d1) -> (0, 0)>
#map1 = affine_map<(d0, d1) -> (0, 0, 0)>
module attributes {stable_mosaic.version = 14 : i64} {
  func.func @agg(%arg0: i32, %arg1: i32, %arg2: memref<1280x128xi32, #tpu.memory_space<hbm>>, %arg3: memref<1280x128xi32, #tpu.memory_space<hbm>>, %arg4: memref<2x10000x128xf32, #tpu.memory_space<hbm>>, %arg5: memref<2x10112x128xf32, #tpu.memory_space<hbm>>, %arg6: memref<40x128xi32, #tpu.memory_space<vmem>>, %arg7: memref<40x128xi32, #tpu.memory_space<vmem>>, %arg8: memref<2x128x128xf32, #tpu.memory_space<vmem>>, %arg9: memref<10112x128xf32, #tpu.memory_space<vmem_shared>>, %arg10: memref<!tpu.dma_semaphore, #tpu.memory_space<semaphore_mem>>) attributes {dimension_semantics = [#tpu.dimension_semantics<core_parallel>, #tpu.dimension_semantics<subcore_parallel>], iteration_bounds = array<i64: 2, 16>, scalar_prefetch = 0 : i64, scratch_operands = 5 : i64, tpu.core_type = #tpu.core_type<sc_vector_subcore>, window_params = [{transform_indices = #map}, {transform_indices = #map}, {transform_indices = #map1}, {transform_indices = #map1}]} {
    %eq3A = arith.constant 0 : i32
    %eq3A_0 = arith.cmpi eq, %arg0, %eq3A : i32
    %convert_element_type3A = arith.extui %eq3A_0 : i1 to i32
    %cond3A = arith.constant 0 : i32
    %cond3A_1 = arith.cmpi ne, %convert_element_type3A, %cond3A : i32
    scf.if %cond3A_1 {
      %lt3A = arith.constant 15 : i32
      %lt3A_7 = arith.cmpi slt, %arg1, %lt3A : i32
      %convert_element_type3A_8 = arith.extui %lt3A_7 : i1 to i32
      %cond3A_9 = arith.constant 0 : i32
      %cond3A_10 = arith.cmpi ne, %convert_element_type3A_8, %cond3A_9 : i32
      scf.if %cond3A_10 {
        %mul3A_71 = arith.constant 632 : i32
        %mul3A_72 = arith.muli %arg1, %mul3A_71 : i32
        %mul3A_73 = arith.constant 632 : i32
        %mul3A_74 = arith.muli %arg1, %mul3A_73 : i32
        %run_scoped3A_75 = arith.constant 0 : i32
        "tpu.region"() ({
          %run_scoped3A_76 = tpu.sem_alloc : memref<!tpu.dma_semaphore, #tpu.memory_space<semaphore_mem>>
          %dma_start3A_77 = arith.constant 0 : i32
          %dma_start3A_78 = tpu.memref_slice %arg9[%mul3A_74, %dma_start3A_77] : memref<10112x128xf32, #tpu.memory_space<vmem_shared>> -> memref<632x128xf32, #tpu.memory_space<vmem_shared>>
          %dma_start3A_79 = arith.constant 0 : i32
          %dma_start3A_80 = arith.constant 0 : i32
          %dma_start3A_81 = tpu.memref_slice %arg4[%run_scoped3A_75, %dma_start3A_79, %dma_start3A_80] : memref<2x10000x128xf32, #tpu.memory_space<hbm>> -> memref<1x10000x128xf32, #tpu.memory_space<hbm>>
          %dma_start3A_82 = tpu.memref_squeeze %dma_start3A_81 : memref<1x10000x128xf32, #tpu.memory_space<hbm>> -> memref<10000x128xf32, #tpu.memory_space<hbm>>
          %dma_start3A_83 = arith.constant 0 : i32
          %dma_start3A_84 = tpu.memref_slice %dma_start3A_82[%mul3A_72, %dma_start3A_83] : memref<10000x128xf32, #tpu.memory_space<hbm>> -> memref<632x128xf32, #tpu.memory_space<hbm>>
          tpu.enqueue_dma source(%dma_start3A_84 : memref<632x128xf32, #tpu.memory_space<hbm>>) target(%dma_start3A_78 : memref<632x128xf32, #tpu.memory_space<vmem_shared>>) target_semaphore(%run_scoped3A_76 : memref<!tpu.dma_semaphore, #tpu.memory_space<semaphore_mem>>)
          %dma_wait3A = arith.constant 0 : i32
          %dma_wait3A_85 = tpu.memref_slice %arg9[%mul3A_74, %dma_wait3A] : memref<10112x128xf32, #tpu.memory_space<vmem_shared>> -> memref<632x128xf32, #tpu.memory_space<vmem_shared>>
          %dma_wait3A_86 = arith.constant 0 : i32
          %dma_wait3A_87 = arith.constant 0 : i32
          %dma_wait3A_88 = tpu.memref_slice %arg4[%run_scoped3A_75, %dma_wait3A_86, %dma_wait3A_87] : memref<2x10000x128xf32, #tpu.memory_space<hbm>> -> memref<1x10000x128xf32, #tpu.memory_space<hbm>>
          %dma_wait3A_89 = tpu.memref_squeeze %dma_wait3A_88 : memref<1x10000x128xf32, #tpu.memory_space<hbm>> -> memref<10000x128xf32, #tpu.memory_space<hbm>>
          %dma_wait3A_90 = arith.constant 0 : i32
          %dma_wait3A_91 = tpu.memref_slice %dma_wait3A_89[%mul3A_72, %dma_wait3A_90] : memref<10000x128xf32, #tpu.memory_space<hbm>> -> memref<632x128xf32, #tpu.memory_space<hbm>>
          tpu.wait_dma2 semaphore(%run_scoped3A_76 : memref<!tpu.dma_semaphore, #tpu.memory_space<semaphore_mem>>) src(%dma_wait3A_91 : memref<632x128xf32, #tpu.memory_space<hbm>>) dst(%dma_wait3A_85 : memref<632x128xf32, #tpu.memory_space<vmem_shared>>)
          tpu.yield
        }) : () -> ()
      } else {
      }
      %eq3A_11 = arith.constant 15 : i32
      %eq3A_12 = arith.cmpi eq, %arg1, %eq3A_11 : i32
      %convert_element_type3A_13 = arith.extui %eq3A_12 : i1 to i32
      %cond3A_14 = arith.constant 0 : i32
      %cond3A_15 = arith.cmpi ne, %convert_element_type3A_13, %cond3A_14 : i32
      scf.if %cond3A_15 {
        %run_scoped3A_71 = arith.constant 0 : i32
        "tpu.region"() ({
          %run_scoped3A_72 = tpu.sem_alloc : memref<!tpu.dma_semaphore, #tpu.memory_space<semaphore_mem>>
          %dma_start3A_73 = arith.constant 9480 : i32
          %dma_start3A_74 = arith.constant 0 : i32
          %dma_start3A_75 = tpu.memref_slice %arg9[%dma_start3A_73, %dma_start3A_74] : memref<10112x128xf32, #tpu.memory_space<vmem_shared>> -> memref<520x128xf32, #tpu.memory_space<vmem_shared>>
          %dma_start3A_76 = arith.constant 0 : i32
          %dma_start3A_77 = arith.constant 0 : i32
          %dma_start3A_78 = tpu.memref_slice %arg4[%run_scoped3A_71, %dma_start3A_76, %dma_start3A_77] : memref<2x10000x128xf32, #tpu.memory_space<hbm>> -> memref<1x10000x128xf32, #tpu.memory_space<hbm>>
          %dma_start3A_79 = tpu.memref_squeeze %dma_start3A_78 : memref<1x10000x128xf32, #tpu.memory_space<hbm>> -> memref<10000x128xf32, #tpu.memory_space<hbm>>
          %dma_start3A_80 = arith.constant 9480 : i32
          %dma_start3A_81 = arith.constant 0 : i32
          %dma_start3A_82 = tpu.memref_slice %dma_start3A_79[%dma_start3A_80, %dma_start3A_81] : memref<10000x128xf32, #tpu.memory_space<hbm>> -> memref<520x128xf32, #tpu.memory_space<hbm>>
          tpu.enqueue_dma source(%dma_start3A_82 : memref<520x128xf32, #tpu.memory_space<hbm>>) target(%dma_start3A_75 : memref<520x128xf32, #tpu.memory_space<vmem_shared>>) target_semaphore(%run_scoped3A_72 : memref<!tpu.dma_semaphore, #tpu.memory_space<semaphore_mem>>)
          %dma_wait3A = arith.constant 9480 : i32
          %dma_wait3A_83 = arith.constant 0 : i32
          %dma_wait3A_84 = tpu.memref_slice %arg9[%dma_wait3A, %dma_wait3A_83] : memref<10112x128xf32, #tpu.memory_space<vmem_shared>> -> memref<520x128xf32, #tpu.memory_space<vmem_shared>>
          %dma_wait3A_85 = arith.constant 0 : i32
          %dma_wait3A_86 = arith.constant 0 : i32
          %dma_wait3A_87 = tpu.memref_slice %arg4[%run_scoped3A_71, %dma_wait3A_85, %dma_wait3A_86] : memref<2x10000x128xf32, #tpu.memory_space<hbm>> -> memref<1x10000x128xf32, #tpu.memory_space<hbm>>
          %dma_wait3A_88 = tpu.memref_squeeze %dma_wait3A_87 : memref<1x10000x128xf32, #tpu.memory_space<hbm>> -> memref<10000x128xf32, #tpu.memory_space<hbm>>
          %dma_wait3A_89 = arith.constant 9480 : i32
          %dma_wait3A_90 = arith.constant 0 : i32
          %dma_wait3A_91 = tpu.memref_slice %dma_wait3A_88[%dma_wait3A_89, %dma_wait3A_90] : memref<10000x128xf32, #tpu.memory_space<hbm>> -> memref<520x128xf32, #tpu.memory_space<hbm>>
          tpu.wait_dma2 semaphore(%run_scoped3A_72 : memref<!tpu.dma_semaphore, #tpu.memory_space<semaphore_mem>>) src(%dma_wait3A_91 : memref<520x128xf32, #tpu.memory_space<hbm>>) dst(%dma_wait3A_84 : memref<520x128xf32, #tpu.memory_space<vmem_shared>>)
          tpu.yield
        }) : () -> ()
      } else {
      }
      %barrier3A = arith.constant 0 : index
      tpu.barrier barrier_id(%barrier3A)
      %mul3A = arith.constant 80 : i32
      %mul3A_16 = arith.muli %arg1, %mul3A : i32
      %add3A = arith.constant 0 : i32
      %add3A_17 = arith.addi %mul3A_16, %add3A : i32
      "tpu.region"() ({
        %run_scoped3A_71 = tpu.sem_alloc : memref<!tpu.dma_semaphore, #tpu.memory_space<semaphore_mem>>
        %dma_start3A_72 = arith.constant 0 : i32
        %dma_start3A_73 = tpu.memref_slice %arg2[%add3A_17, %dma_start3A_72] : memref<1280x128xi32, #tpu.memory_space<hbm>> -> memref<40x128xi32, #tpu.memory_space<hbm>>
        %dma_start3A_74 = arith.constant 0 : i32
        %dma_start3A_75 = tpu.memref_slice %arg2[%add3A_17, %dma_start3A_74] : memref<1280x128xi32, #tpu.memory_space<hbm>> -> memref<40x128xi32, #tpu.memory_space<hbm>>
        tpu.enqueue_dma source(%dma_start3A_75 : memref<40x128xi32, #tpu.memory_space<hbm>>) target(%arg6 : memref<40x128xi32, #tpu.memory_space<vmem>>) target_semaphore(%run_scoped3A_71 : memref<!tpu.dma_semaphore, #tpu.memory_space<semaphore_mem>>)
        %dma_wait3A = arith.constant 0 : i32
        %dma_wait3A_76 = tpu.memref_slice %arg2[%add3A_17, %dma_wait3A] : memref<1280x128xi32, #tpu.memory_space<hbm>> -> memref<40x128xi32, #tpu.memory_space<hbm>>
        %dma_wait3A_77 = arith.constant 0 : i32
        %dma_wait3A_78 = tpu.memref_slice %arg2[%add3A_17, %dma_wait3A_77] : memref<1280x128xi32, #tpu.memory_space<hbm>> -> memref<40x128xi32, #tpu.memory_space<hbm>>
        tpu.wait_dma2 semaphore(%run_scoped3A_71 : memref<!tpu.dma_semaphore, #tpu.memory_space<semaphore_mem>>) src(%dma_wait3A_78 : memref<40x128xi32, #tpu.memory_space<hbm>>) dst(%arg6 : memref<40x128xi32, #tpu.memory_space<vmem>>)
        tpu.yield
      }) : () -> ()
      "tpu.region"() ({
        %run_scoped3A_71 = tpu.sem_alloc : memref<!tpu.dma_semaphore, #tpu.memory_space<semaphore_mem>>
        %dma_start3A_72 = arith.constant 0 : i32
        %dma_start3A_73 = tpu.memref_slice %arg3[%add3A_17, %dma_start3A_72] : memref<1280x128xi32, #tpu.memory_space<hbm>> -> memref<40x128xi32, #tpu.memory_space<hbm>>
        %dma_start3A_74 = arith.constant 0 : i32
        %dma_start3A_75 = tpu.memref_slice %arg3[%add3A_17, %dma_start3A_74] : memref<1280x128xi32, #tpu.memory_space<hbm>> -> memref<40x128xi32, #tpu.memory_space<hbm>>
        tpu.enqueue_dma source(%dma_start3A_75 : memref<40x128xi32, #tpu.memory_space<hbm>>) target(%arg7 : memref<40x128xi32, #tpu.memory_space<vmem>>) target_semaphore(%run_scoped3A_71 : memref<!tpu.dma_semaphore, #tpu.memory_space<semaphore_mem>>)
        %dma_wait3A = arith.constant 0 : i32
        %dma_wait3A_76 = tpu.memref_slice %arg3[%add3A_17, %dma_wait3A] : memref<1280x128xi32, #tpu.memory_space<hbm>> -> memref<40x128xi32, #tpu.memory_space<hbm>>
        %dma_wait3A_77 = arith.constant 0 : i32
        %dma_wait3A_78 = tpu.memref_slice %arg3[%add3A_17, %dma_wait3A_77] : memref<1280x128xi32, #tpu.memory_space<hbm>> -> memref<40x128xi32, #tpu.memory_space<hbm>>
        tpu.wait_dma2 semaphore(%run_scoped3A_71 : memref<!tpu.dma_semaphore, #tpu.memory_space<semaphore_mem>>) src(%dma_wait3A_78 : memref<40x128xi32, #tpu.memory_space<hbm>>) dst(%arg7 : memref<40x128xi32, #tpu.memory_space<vmem>>)
        tpu.yield
      }) : () -> ()
      %dma_start3A = arith.constant 0 : i32
      %dma_start3A_18 = arith.constant 0 : i32
      %dma_start3A_19 = arith.constant 0 : i32
      %dma_start3A_20 = arith.constant 0 : i32
      %dma_start3A_21 = arith.constant 0 : i32
      %dma_start3A_22 = tpu.memref_slice %arg8[%dma_start3A_19, %dma_start3A_20, %dma_start3A_21] : memref<2x128x128xf32, #tpu.memory_space<vmem>> -> memref<1x128x128xf32, #tpu.memory_space<vmem>>
      %dma_start3A_23 = tpu.memref_squeeze %dma_start3A_22 : memref<1x128x128xf32, #tpu.memory_space<vmem>> -> memref<128x128xf32, #tpu.memory_space<vmem>>
      %dma_start3A_24 = arith.constant 0 : i32
      %dma_start3A_25 = tpu.memref_slice %arg6[%dma_start3A_18, %dma_start3A_24] : memref<40x128xi32, #tpu.memory_space<vmem>> -> memref<1x128xi32, #tpu.memory_space<vmem>>
      %dma_start3A_26 = tpu.memref_squeeze %dma_start3A_25 : memref<1x128xi32, #tpu.memory_space<vmem>> -> memref<128xi32, #tpu.memory_space<vmem>>
      %dma_start3A_27 = arith.constant 0 : i32
      %dma_start3A_28 = arith.constant 0 : i32
      %dma_start3A_29 = tpu.memref_slice %arg4[%dma_start3A, %dma_start3A_27, %dma_start3A_28] : memref<2x10000x128xf32, #tpu.memory_space<hbm>> -> memref<1x10000x128xf32, #tpu.memory_space<hbm>>
      %dma_start3A_30 = tpu.memref_squeeze %dma_start3A_29 : memref<1x10000x128xf32, #tpu.memory_space<hbm>> -> memref<10000x128xf32, #tpu.memory_space<hbm>>
      %dma_start3A_31 = arith.constant 0 : i32
      %dma_start3A_32 = arith.constant 0 : i32
      %dma_start3A_33 = tpu.memref_slice %dma_start3A_30[%dma_start3A_31, %dma_start3A_32] : memref<10000x128xf32, #tpu.memory_space<hbm>> -> memref<10000x128xf32, #tpu.memory_space<hbm>>
      tpu.enqueue_indirect_dma source(%dma_start3A_33 : memref<10000x128xf32, #tpu.memory_space<hbm>>) target(%dma_start3A_23 : memref<128x128xf32, #tpu.memory_space<vmem>>) offsets(%dma_start3A_26 : memref<128xi32, #tpu.memory_space<vmem>>) semaphore(%arg10 : memref<!tpu.dma_semaphore, #tpu.memory_space<semaphore_mem>>)
      %scan3A = arith.constant 0 : i32
      %scan3A_34 = arith.constant 0 : i32
      %scan3A_35 = arith.constant 40 : i32
      %scan3A_36 = arith.addi %scan3A_34, %scan3A_35 : i32
      %scan3A_37 = arith.constant 1 : i32
      scf.for %scan3A_71 = %scan3A_34 to %scan3A_36 step %scan3A_37  : i32 {
        %rem3A = arith.constant 2 : i32
        %rem3A_72 = arith.remsi %scan3A_71, %rem3A : i32
        %dma_wait3A = arith.constant 0 : i32
        %dma_wait3A_73 = arith.constant 0 : i32
        %dma_wait3A_74 = arith.constant 0 : i32
        %dma_wait3A_75 = tpu.memref_slice %arg8[%rem3A_72, %dma_wait3A_73, %dma_wait3A_74] : memref<2x128x128xf32, #tpu.memory_space<vmem>> -> memref<1x128x128xf32, #tpu.memory_space<vmem>>
        %dma_wait3A_76 = tpu.memref_squeeze %dma_wait3A_75 : memref<1x128x128xf32, #tpu.memory_space<vmem>> -> memref<128x128xf32, #tpu.memory_space<vmem>>
        %dma_wait3A_77 = arith.constant 0 : i32
        %dma_wait3A_78 = arith.constant 0 : i32
        %dma_wait3A_79 = tpu.memref_slice %arg4[%dma_wait3A, %dma_wait3A_77, %dma_wait3A_78] : memref<2x10000x128xf32, #tpu.memory_space<hbm>> -> memref<1x10000x128xf32, #tpu.memory_space<hbm>>
        %dma_wait3A_80 = tpu.memref_squeeze %dma_wait3A_79 : memref<1x10000x128xf32, #tpu.memory_space<hbm>> -> memref<10000x128xf32, #tpu.memory_space<hbm>>
        %dma_wait3A_81 = arith.constant 0 : i32
        %dma_wait3A_82 = arith.constant 0 : i32
        %dma_wait3A_83 = tpu.memref_slice %dma_wait3A_80[%dma_wait3A_81, %dma_wait3A_82] : memref<10000x128xf32, #tpu.memory_space<hbm>> -> memref<128x128xf32, #tpu.memory_space<hbm>>
        %dma_wait3A_84 = arith.constant 0 : i32
        %dma_wait3A_85 = arith.constant 0 : i32
        %dma_wait3A_86 = tpu.memref_slice %arg8[%rem3A_72, %dma_wait3A_84, %dma_wait3A_85] : memref<2x128x128xf32, #tpu.memory_space<vmem>> -> memref<1x128x128xf32, #tpu.memory_space<vmem>>
        %dma_wait3A_87 = tpu.memref_squeeze %dma_wait3A_86 : memref<1x128x128xf32, #tpu.memory_space<vmem>> -> memref<128x128xf32, #tpu.memory_space<vmem>>
        %dma_wait3A_88 = arith.constant 0 : i32
        %dma_wait3A_89 = arith.constant 0 : i32
        %dma_wait3A_90 = tpu.memref_slice %arg4[%dma_wait3A, %dma_wait3A_88, %dma_wait3A_89] : memref<2x10000x128xf32, #tpu.memory_space<hbm>> -> memref<1x10000x128xf32, #tpu.memory_space<hbm>>
        %dma_wait3A_91 = tpu.memref_squeeze %dma_wait3A_90 : memref<1x10000x128xf32, #tpu.memory_space<hbm>> -> memref<10000x128xf32, #tpu.memory_space<hbm>>
        %dma_wait3A_92 = arith.constant 0 : i32
        %dma_wait3A_93 = arith.constant 0 : i32
        %dma_wait3A_94 = tpu.memref_slice %dma_wait3A_91[%dma_wait3A_92, %dma_wait3A_93] : memref<10000x128xf32, #tpu.memory_space<hbm>> -> memref<128x128xf32, #tpu.memory_space<hbm>>
        tpu.wait_dma2 semaphore(%arg10 : memref<!tpu.dma_semaphore, #tpu.memory_space<semaphore_mem>>) src(%dma_wait3A_94 : memref<128x128xf32, #tpu.memory_space<hbm>>) dst(%dma_wait3A_87 : memref<128x128xf32, #tpu.memory_space<vmem>>)
        %add3A_95 = arith.constant 1 : i32
        %add3A_96 = arith.addi %scan3A_71, %add3A_95 : i32
        %lt3A_97 = arith.constant 40 : i32
        %lt3A_98 = arith.cmpi slt, %add3A_96, %lt3A_97 : i32
        %convert_element_type3A_99 = arith.extui %lt3A_98 : i1 to i32
        %cond3A_100 = arith.constant 0 : i32
        %cond3A_101 = arith.cmpi ne, %convert_element_type3A_99, %cond3A_100 : i32
        scf.if %cond3A_101 {
          %add3A_102 = arith.constant 1 : i32
          %add3A_103 = arith.addi %scan3A_71, %add3A_102 : i32
          %sub3A = arith.constant 1 : i32
          %sub3A_104 = arith.subi %sub3A, %rem3A_72 : i32
          %dma_start3A_105 = arith.constant 0 : i32
          %dma_start3A_106 = arith.constant 0 : i32
          %dma_start3A_107 = arith.constant 0 : i32
          %dma_start3A_108 = tpu.memref_slice %arg8[%sub3A_104, %dma_start3A_106, %dma_start3A_107] : memref<2x128x128xf32, #tpu.memory_space<vmem>> -> memref<1x128x128xf32, #tpu.memory_space<vmem>>
          %dma_start3A_109 = tpu.memref_squeeze %dma_start3A_108 : memref<1x128x128xf32, #tpu.memory_space<vmem>> -> memref<128x128xf32, #tpu.memory_space<vmem>>
          %dma_start3A_110 = arith.constant 0 : i32
          %dma_start3A_111 = tpu.memref_slice %arg6[%add3A_103, %dma_start3A_110] : memref<40x128xi32, #tpu.memory_space<vmem>> -> memref<1x128xi32, #tpu.memory_space<vmem>>
          %dma_start3A_112 = tpu.memref_squeeze %dma_start3A_111 : memref<1x128xi32, #tpu.memory_space<vmem>> -> memref<128xi32, #tpu.memory_space<vmem>>
          %dma_start3A_113 = arith.constant 0 : i32
          %dma_start3A_114 = arith.constant 0 : i32
          %dma_start3A_115 = tpu.memref_slice %arg4[%dma_start3A_105, %dma_start3A_113, %dma_start3A_114] : memref<2x10000x128xf32, #tpu.memory_space<hbm>> -> memref<1x10000x128xf32, #tpu.memory_space<hbm>>
          %dma_start3A_116 = tpu.memref_squeeze %dma_start3A_115 : memref<1x10000x128xf32, #tpu.memory_space<hbm>> -> memref<10000x128xf32, #tpu.memory_space<hbm>>
          %dma_start3A_117 = arith.constant 0 : i32
          %dma_start3A_118 = arith.constant 0 : i32
          %dma_start3A_119 = tpu.memref_slice %dma_start3A_116[%dma_start3A_117, %dma_start3A_118] : memref<10000x128xf32, #tpu.memory_space<hbm>> -> memref<10000x128xf32, #tpu.memory_space<hbm>>
          tpu.enqueue_indirect_dma source(%dma_start3A_119 : memref<10000x128xf32, #tpu.memory_space<hbm>>) target(%dma_start3A_109 : memref<128x128xf32, #tpu.memory_space<vmem>>) offsets(%dma_start3A_112 : memref<128xi32, #tpu.memory_space<vmem>>) semaphore(%arg10 : memref<!tpu.dma_semaphore, #tpu.memory_space<semaphore_mem>>)
        } else {
        }
        "tpu.region"() ({
          %run_scoped3A_102 = tpu.sem_alloc : memref<!tpu.dma_semaphore, #tpu.memory_space<semaphore_mem>>
          %dma_start3A_103 = arith.constant 0 : i32
          %dma_start3A_104 = arith.constant 0 : i32
          %dma_start3A_105 = tpu.memref_slice %arg8[%rem3A_72, %dma_start3A_103, %dma_start3A_104] : memref<2x128x128xf32, #tpu.memory_space<vmem>> -> memref<1x128x128xf32, #tpu.memory_space<vmem>>
          %dma_start3A_106 = tpu.memref_squeeze %dma_start3A_105 : memref<1x128x128xf32, #tpu.memory_space<vmem>> -> memref<128x128xf32, #tpu.memory_space<vmem>>
          %dma_start3A_107 = arith.constant 0 : i32
          %dma_start3A_108 = tpu.memref_slice %arg7[%scan3A_71, %dma_start3A_107] : memref<40x128xi32, #tpu.memory_space<vmem>> -> memref<1x128xi32, #tpu.memory_space<vmem>>
          %dma_start3A_109 = tpu.memref_squeeze %dma_start3A_108 : memref<1x128xi32, #tpu.memory_space<vmem>> -> memref<128xi32, #tpu.memory_space<vmem>>
          %dma_start3A_110 = arith.constant 0 : i32
          %dma_start3A_111 = arith.constant 0 : i32
          %dma_start3A_112 = tpu.memref_slice %arg9[%dma_start3A_110, %dma_start3A_111] : memref<10112x128xf32, #tpu.memory_space<vmem_shared>> -> memref<10112x128xf32, #tpu.memory_space<vmem_shared>>
          tpu.enqueue_indirect_dma source(%dma_start3A_106 : memref<128x128xf32, #tpu.memory_space<vmem>>) target(%dma_start3A_112 : memref<10112x128xf32, #tpu.memory_space<vmem_shared>>) offsets(%dma_start3A_109 : memref<128xi32, #tpu.memory_space<vmem>>) semaphore(%run_scoped3A_102 : memref<!tpu.dma_semaphore, #tpu.memory_space<semaphore_mem>>) {add = true}
          %dma_wait3A_113 = arith.constant 0 : i32
          %dma_wait3A_114 = arith.constant 0 : i32
          %dma_wait3A_115 = tpu.memref_slice %arg8[%rem3A_72, %dma_wait3A_113, %dma_wait3A_114] : memref<2x128x128xf32, #tpu.memory_space<vmem>> -> memref<1x128x128xf32, #tpu.memory_space<vmem>>
          %dma_wait3A_116 = tpu.memref_squeeze %dma_wait3A_115 : memref<1x128x128xf32, #tpu.memory_space<vmem>> -> memref<128x128xf32, #tpu.memory_space<vmem>>
          %dma_wait3A_117 = arith.constant 0 : i32
          %dma_wait3A_118 = tpu.memref_slice %arg7[%scan3A_71, %dma_wait3A_117] : memref<40x128xi32, #tpu.memory_space<vmem>> -> memref<1x128xi32, #tpu.memory_space<vmem>>
          %dma_wait3A_119 = tpu.memref_squeeze %dma_wait3A_118 : memref<1x128xi32, #tpu.memory_space<vmem>> -> memref<128xi32, #tpu.memory_space<vmem>>
          %dma_wait3A_120 = arith.constant 0 : i32
          %dma_wait3A_121 = arith.constant 0 : i32
          %dma_wait3A_122 = tpu.memref_slice %arg9[%dma_wait3A_120, %dma_wait3A_121] : memref<10112x128xf32, #tpu.memory_space<vmem_shared>> -> memref<10112x128xf32, #tpu.memory_space<vmem_shared>>
          tpu.wait_indirect_dma semaphore(%run_scoped3A_102 : memref<!tpu.dma_semaphore, #tpu.memory_space<semaphore_mem>>) src(%dma_wait3A_116 : memref<128x128xf32, #tpu.memory_space<vmem>>) dst(%dma_wait3A_122 : memref<10112x128xf32, #tpu.memory_space<vmem_shared>>)
          tpu.yield
        }) : () -> ()
      }
      %scan3A_38 = arith.constant 40 : i32
      %mul3A_39 = arith.constant 80 : i32
      %mul3A_40 = arith.muli %arg1, %mul3A_39 : i32
      %add3A_41 = arith.constant 40 : i32
      %add3A_42 = arith.addi %mul3A_40, %add3A_41 : i32
      "tpu.region"() ({
        %run_scoped3A_71 = tpu.sem_alloc : memref<!tpu.dma_semaphore, #tpu.memory_space<semaphore_mem>>
        %dma_start3A_72 = arith.constant 0 : i32
        %dma_start3A_73 = tpu.memref_slice %arg2[%add3A_42, %dma_start3A_72] : memref<1280x128xi32, #tpu.memory_space<hbm>> -> memref<40x128xi32, #tpu.memory_space<hbm>>
        %dma_start3A_74 = arith.constant 0 : i32
        %dma_start3A_75 = tpu.memref_slice %arg2[%add3A_42, %dma_start3A_74] : memref<1280x128xi32, #tpu.memory_space<hbm>> -> memref<40x128xi32, #tpu.memory_space<hbm>>
        tpu.enqueue_dma source(%dma_start3A_75 : memref<40x128xi32, #tpu.memory_space<hbm>>) target(%arg6 : memref<40x128xi32, #tpu.memory_space<vmem>>) target_semaphore(%run_scoped3A_71 : memref<!tpu.dma_semaphore, #tpu.memory_space<semaphore_mem>>)
        %dma_wait3A = arith.constant 0 : i32
        %dma_wait3A_76 = tpu.memref_slice %arg2[%add3A_42, %dma_wait3A] : memref<1280x128xi32, #tpu.memory_space<hbm>> -> memref<40x128xi32, #tpu.memory_space<hbm>>
        %dma_wait3A_77 = arith.constant 0 : i32
        %dma_wait3A_78 = tpu.memref_slice %arg2[%add3A_42, %dma_wait3A_77] : memref<1280x128xi32, #tpu.memory_space<hbm>> -> memref<40x128xi32, #tpu.memory_space<hbm>>
        tpu.wait_dma2 semaphore(%run_scoped3A_71 : memref<!tpu.dma_semaphore, #tpu.memory_space<semaphore_mem>>) src(%dma_wait3A_78 : memref<40x128xi32, #tpu.memory_space<hbm>>) dst(%arg6 : memref<40x128xi32, #tpu.memory_space<vmem>>)
        tpu.yield
      }) : () -> ()
      "tpu.region"() ({
        %run_scoped3A_71 = tpu.sem_alloc : memref<!tpu.dma_semaphore, #tpu.memory_space<semaphore_mem>>
        %dma_start3A_72 = arith.constant 0 : i32
        %dma_start3A_73 = tpu.memref_slice %arg3[%add3A_42, %dma_start3A_72] : memref<1280x128xi32, #tpu.memory_space<hbm>> -> memref<40x128xi32, #tpu.memory_space<hbm>>
        %dma_start3A_74 = arith.constant 0 : i32
        %dma_start3A_75 = tpu.memref_slice %arg3[%add3A_42, %dma_start3A_74] : memref<1280x128xi32, #tpu.memory_space<hbm>> -> memref<40x128xi32, #tpu.memory_space<hbm>>
        tpu.enqueue_dma source(%dma_start3A_75 : memref<40x128xi32, #tpu.memory_space<hbm>>) target(%arg7 : memref<40x128xi32, #tpu.memory_space<vmem>>) target_semaphore(%run_scoped3A_71 : memref<!tpu.dma_semaphore, #tpu.memory_space<semaphore_mem>>)
        %dma_wait3A = arith.constant 0 : i32
        %dma_wait3A_76 = tpu.memref_slice %arg3[%add3A_42, %dma_wait3A] : memref<1280x128xi32, #tpu.memory_space<hbm>> -> memref<40x128xi32, #tpu.memory_space<hbm>>
        %dma_wait3A_77 = arith.constant 0 : i32
        %dma_wait3A_78 = tpu.memref_slice %arg3[%add3A_42, %dma_wait3A_77] : memref<1280x128xi32, #tpu.memory_space<hbm>> -> memref<40x128xi32, #tpu.memory_space<hbm>>
        tpu.wait_dma2 semaphore(%run_scoped3A_71 : memref<!tpu.dma_semaphore, #tpu.memory_space<semaphore_mem>>) src(%dma_wait3A_78 : memref<40x128xi32, #tpu.memory_space<hbm>>) dst(%arg7 : memref<40x128xi32, #tpu.memory_space<vmem>>)
        tpu.yield
      }) : () -> ()
      %dma_start3A_43 = arith.constant 0 : i32
      %dma_start3A_44 = arith.constant 0 : i32
      %dma_start3A_45 = arith.constant 0 : i32
      %dma_start3A_46 = arith.constant 0 : i32
      %dma_start3A_47 = arith.constant 0 : i32
      %dma_start3A_48 = tpu.memref_slice %arg8[%dma_start3A_45, %dma_start3A_46, %dma_start3A_47] : memref<2x128x128xf32, #tpu.memory_space<vmem>> -> memref<1x128x128xf32, #tpu.memory_space<vmem>>
      %dma_start3A_49 = tpu.memref_squeeze %dma_start3A_48 : memref<1x128x128xf32, #tpu.memory_space<vmem>> -> memref<128x128xf32, #tpu.memory_space<vmem>>
      %dma_start3A_50 = arith.constant 0 : i32
      %dma_start3A_51 = tpu.memref_slice %arg6[%dma_start3A_44, %dma_start3A_50] : memref<40x128xi32, #tpu.memory_space<vmem>> -> memref<1x128xi32, #tpu.memory_space<vmem>>
      %dma_start3A_52 = tpu.memref_squeeze %dma_start3A_51 : memref<1x128xi32, #tpu.memory_space<vmem>> -> memref<128xi32, #tpu.memory_space<vmem>>
      %dma_start3A_53 = arith.constant 0 : i32
      %dma_start3A_54 = arith.constant 0 : i32
      %dma_start3A_55 = tpu.memref_slice %arg4[%dma_start3A_43, %dma_start3A_53, %dma_start3A_54] : memref<2x10000x128xf32, #tpu.memory_space<hbm>> -> memref<1x10000x128xf32, #tpu.memory_space<hbm>>
      %dma_start3A_56 = tpu.memref_squeeze %dma_start3A_55 : memref<1x10000x128xf32, #tpu.memory_space<hbm>> -> memref<10000x128xf32, #tpu.memory_space<hbm>>
      %dma_start3A_57 = arith.constant 0 : i32
      %dma_start3A_58 = arith.constant 0 : i32
      %dma_start3A_59 = tpu.memref_slice %dma_start3A_56[%dma_start3A_57, %dma_start3A_58] : memref<10000x128xf32, #tpu.memory_space<hbm>> -> memref<10000x128xf32, #tpu.memory_space<hbm>>
      tpu.enqueue_indirect_dma source(%dma_start3A_59 : memref<10000x128xf32, #tpu.memory_space<hbm>>) target(%dma_start3A_49 : memref<128x128xf32, #tpu.memory_space<vmem>>) offsets(%dma_start3A_52 : memref<128xi32, #tpu.memory_space<vmem>>) semaphore(%arg10 : memref<!tpu.dma_semaphore, #tpu.memory_space<semaphore_mem>>)
      %scan3A_60 = arith.constant 0 : i32
      %scan3A_61 = arith.constant 0 : i32
      %scan3A_62 = arith.constant 40 : i32
      %scan3A_63 = arith.addi %scan3A_61, %scan3A_62 : i32
      %scan3A_64 = arith.constant 1 : i32
      scf.for %scan3A_71 = %scan3A_61 to %scan3A_63 step %scan3A_64  : i32 {
        %rem3A = arith.constant 2 : i32
        %rem3A_72 = arith.remsi %scan3A_71, %rem3A : i32
        %dma_wait3A = arith.constant 0 : i32
        %dma_wait3A_73 = arith.constant 0 : i32
        %dma_wait3A_74 = arith.constant 0 : i32
        %dma_wait3A_75 = tpu.memref_slice %arg8[%rem3A_72, %dma_wait3A_73, %dma_wait3A_74] : memref<2x128x128xf32, #tpu.memory_space<vmem>> -> memref<1x128x128xf32, #tpu.memory_space<vmem>>
        %dma_wait3A_76 = tpu.memref_squeeze %dma_wait3A_75 : memref<1x128x128xf32, #tpu.memory_space<vmem>> -> memref<128x128xf32, #tpu.memory_space<vmem>>
        %dma_wait3A_77 = arith.constant 0 : i32
        %dma_wait3A_78 = arith.constant 0 : i32
        %dma_wait3A_79 = tpu.memref_slice %arg4[%dma_wait3A, %dma_wait3A_77, %dma_wait3A_78] : memref<2x10000x128xf32, #tpu.memory_space<hbm>> -> memref<1x10000x128xf32, #tpu.memory_space<hbm>>
        %dma_wait3A_80 = tpu.memref_squeeze %dma_wait3A_79 : memref<1x10000x128xf32, #tpu.memory_space<hbm>> -> memref<10000x128xf32, #tpu.memory_space<hbm>>
        %dma_wait3A_81 = arith.constant 0 : i32
        %dma_wait3A_82 = arith.constant 0 : i32
        %dma_wait3A_83 = tpu.memref_slice %dma_wait3A_80[%dma_wait3A_81, %dma_wait3A_82] : memref<10000x128xf32, #tpu.memory_space<hbm>> -> memref<128x128xf32, #tpu.memory_space<hbm>>
        %dma_wait3A_84 = arith.constant 0 : i32
        %dma_wait3A_85 = arith.constant 0 : i32
        %dma_wait3A_86 = tpu.memref_slice %arg8[%rem3A_72, %dma_wait3A_84, %dma_wait3A_85] : memref<2x128x128xf32, #tpu.memory_space<vmem>> -> memref<1x128x128xf32, #tpu.memory_space<vmem>>
        %dma_wait3A_87 = tpu.memref_squeeze %dma_wait3A_86 : memref<1x128x128xf32, #tpu.memory_space<vmem>> -> memref<128x128xf32, #tpu.memory_space<vmem>>
        %dma_wait3A_88 = arith.constant 0 : i32
        %dma_wait3A_89 = arith.constant 0 : i32
        %dma_wait3A_90 = tpu.memref_slice %arg4[%dma_wait3A, %dma_wait3A_88, %dma_wait3A_89] : memref<2x10000x128xf32, #tpu.memory_space<hbm>> -> memref<1x10000x128xf32, #tpu.memory_space<hbm>>
        %dma_wait3A_91 = tpu.memref_squeeze %dma_wait3A_90 : memref<1x10000x128xf32, #tpu.memory_space<hbm>> -> memref<10000x128xf32, #tpu.memory_space<hbm>>
        %dma_wait3A_92 = arith.constant 0 : i32
        %dma_wait3A_93 = arith.constant 0 : i32
        %dma_wait3A_94 = tpu.memref_slice %dma_wait3A_91[%dma_wait3A_92, %dma_wait3A_93] : memref<10000x128xf32, #tpu.memory_space<hbm>> -> memref<128x128xf32, #tpu.memory_space<hbm>>
        tpu.wait_dma2 semaphore(%arg10 : memref<!tpu.dma_semaphore, #tpu.memory_space<semaphore_mem>>) src(%dma_wait3A_94 : memref<128x128xf32, #tpu.memory_space<hbm>>) dst(%dma_wait3A_87 : memref<128x128xf32, #tpu.memory_space<vmem>>)
        %add3A_95 = arith.constant 1 : i32
        %add3A_96 = arith.addi %scan3A_71, %add3A_95 : i32
        %lt3A_97 = arith.constant 40 : i32
        %lt3A_98 = arith.cmpi slt, %add3A_96, %lt3A_97 : i32
        %convert_element_type3A_99 = arith.extui %lt3A_98 : i1 to i32
        %cond3A_100 = arith.constant 0 : i32
        %cond3A_101 = arith.cmpi ne, %convert_element_type3A_99, %cond3A_100 : i32
        scf.if %cond3A_101 {
          %add3A_102 = arith.constant 1 : i32
          %add3A_103 = arith.addi %scan3A_71, %add3A_102 : i32
          %sub3A = arith.constant 1 : i32
          %sub3A_104 = arith.subi %sub3A, %rem3A_72 : i32
          %dma_start3A_105 = arith.constant 0 : i32
          %dma_start3A_106 = arith.constant 0 : i32
          %dma_start3A_107 = arith.constant 0 : i32
          %dma_start3A_108 = tpu.memref_slice %arg8[%sub3A_104, %dma_start3A_106, %dma_start3A_107] : memref<2x128x128xf32, #tpu.memory_space<vmem>> -> memref<1x128x128xf32, #tpu.memory_space<vmem>>
          %dma_start3A_109 = tpu.memref_squeeze %dma_start3A_108 : memref<1x128x128xf32, #tpu.memory_space<vmem>> -> memref<128x128xf32, #tpu.memory_space<vmem>>
          %dma_start3A_110 = arith.constant 0 : i32
          %dma_start3A_111 = tpu.memref_slice %arg6[%add3A_103, %dma_start3A_110] : memref<40x128xi32, #tpu.memory_space<vmem>> -> memref<1x128xi32, #tpu.memory_space<vmem>>
          %dma_start3A_112 = tpu.memref_squeeze %dma_start3A_111 : memref<1x128xi32, #tpu.memory_space<vmem>> -> memref<128xi32, #tpu.memory_space<vmem>>
          %dma_start3A_113 = arith.constant 0 : i32
          %dma_start3A_114 = arith.constant 0 : i32
          %dma_start3A_115 = tpu.memref_slice %arg4[%dma_start3A_105, %dma_start3A_113, %dma_start3A_114] : memref<2x10000x128xf32, #tpu.memory_space<hbm>> -> memref<1x10000x128xf32, #tpu.memory_space<hbm>>
          %dma_start3A_116 = tpu.memref_squeeze %dma_start3A_115 : memref<1x10000x128xf32, #tpu.memory_space<hbm>> -> memref<10000x128xf32, #tpu.memory_space<hbm>>
          %dma_start3A_117 = arith.constant 0 : i32
          %dma_start3A_118 = arith.constant 0 : i32
          %dma_start3A_119 = tpu.memref_slice %dma_start3A_116[%dma_start3A_117, %dma_start3A_118] : memref<10000x128xf32, #tpu.memory_space<hbm>> -> memref<10000x128xf32, #tpu.memory_space<hbm>>
          tpu.enqueue_indirect_dma source(%dma_start3A_119 : memref<10000x128xf32, #tpu.memory_space<hbm>>) target(%dma_start3A_109 : memref<128x128xf32, #tpu.memory_space<vmem>>) offsets(%dma_start3A_112 : memref<128xi32, #tpu.memory_space<vmem>>) semaphore(%arg10 : memref<!tpu.dma_semaphore, #tpu.memory_space<semaphore_mem>>)
        } else {
        }
        "tpu.region"() ({
          %run_scoped3A_102 = tpu.sem_alloc : memref<!tpu.dma_semaphore, #tpu.memory_space<semaphore_mem>>
          %dma_start3A_103 = arith.constant 0 : i32
          %dma_start3A_104 = arith.constant 0 : i32
          %dma_start3A_105 = tpu.memref_slice %arg8[%rem3A_72, %dma_start3A_103, %dma_start3A_104] : memref<2x128x128xf32, #tpu.memory_space<vmem>> -> memref<1x128x128xf32, #tpu.memory_space<vmem>>
          %dma_start3A_106 = tpu.memref_squeeze %dma_start3A_105 : memref<1x128x128xf32, #tpu.memory_space<vmem>> -> memref<128x128xf32, #tpu.memory_space<vmem>>
          %dma_start3A_107 = arith.constant 0 : i32
          %dma_start3A_108 = tpu.memref_slice %arg7[%scan3A_71, %dma_start3A_107] : memref<40x128xi32, #tpu.memory_space<vmem>> -> memref<1x128xi32, #tpu.memory_space<vmem>>
          %dma_start3A_109 = tpu.memref_squeeze %dma_start3A_108 : memref<1x128xi32, #tpu.memory_space<vmem>> -> memref<128xi32, #tpu.memory_space<vmem>>
          %dma_start3A_110 = arith.constant 0 : i32
          %dma_start3A_111 = arith.constant 0 : i32
          %dma_start3A_112 = tpu.memref_slice %arg9[%dma_start3A_110, %dma_start3A_111] : memref<10112x128xf32, #tpu.memory_space<vmem_shared>> -> memref<10112x128xf32, #tpu.memory_space<vmem_shared>>
          tpu.enqueue_indirect_dma source(%dma_start3A_106 : memref<128x128xf32, #tpu.memory_space<vmem>>) target(%dma_start3A_112 : memref<10112x128xf32, #tpu.memory_space<vmem_shared>>) offsets(%dma_start3A_109 : memref<128xi32, #tpu.memory_space<vmem>>) semaphore(%run_scoped3A_102 : memref<!tpu.dma_semaphore, #tpu.memory_space<semaphore_mem>>) {add = true}
          %dma_wait3A_113 = arith.constant 0 : i32
          %dma_wait3A_114 = arith.constant 0 : i32
          %dma_wait3A_115 = tpu.memref_slice %arg8[%rem3A_72, %dma_wait3A_113, %dma_wait3A_114] : memref<2x128x128xf32, #tpu.memory_space<vmem>> -> memref<1x128x128xf32, #tpu.memory_space<vmem>>
          %dma_wait3A_116 = tpu.memref_squeeze %dma_wait3A_115 : memref<1x128x128xf32, #tpu.memory_space<vmem>> -> memref<128x128xf32, #tpu.memory_space<vmem>>
          %dma_wait3A_117 = arith.constant 0 : i32
          %dma_wait3A_118 = tpu.memref_slice %arg7[%scan3A_71, %dma_wait3A_117] : memref<40x128xi32, #tpu.memory_space<vmem>> -> memref<1x128xi32, #tpu.memory_space<vmem>>
          %dma_wait3A_119 = tpu.memref_squeeze %dma_wait3A_118 : memref<1x128xi32, #tpu.memory_space<vmem>> -> memref<128xi32, #tpu.memory_space<vmem>>
          %dma_wait3A_120 = arith.constant 0 : i32
          %dma_wait3A_121 = arith.constant 0 : i32
          %dma_wait3A_122 = tpu.memref_slice %arg9[%dma_wait3A_120, %dma_wait3A_121] : memref<10112x128xf32, #tpu.memory_space<vmem_shared>> -> memref<10112x128xf32, #tpu.memory_space<vmem_shared>>
          tpu.wait_indirect_dma semaphore(%run_scoped3A_102 : memref<!tpu.dma_semaphore, #tpu.memory_space<semaphore_mem>>) src(%dma_wait3A_116 : memref<128x128xf32, #tpu.memory_space<vmem>>) dst(%dma_wait3A_122 : memref<10112x128xf32, #tpu.memory_space<vmem_shared>>)
          tpu.yield
        }) : () -> ()
      }
      %scan3A_65 = arith.constant 40 : i32
      %barrier3A_66 = arith.constant 0 : index
      tpu.barrier barrier_id(%barrier3A_66)
      %mul3A_67 = arith.constant 632 : i32
      %mul3A_68 = arith.muli %arg1, %mul3A_67 : i32
      %mul3A_69 = arith.constant 632 : i32
      %mul3A_70 = arith.muli %arg1, %mul3A_69 : i32
      %run_scoped3A = arith.constant 0 : i32
      "tpu.region"() ({
        %run_scoped3A_71 = tpu.sem_alloc : memref<!tpu.dma_semaphore, #tpu.memory_space<semaphore_mem>>
        %dma_start3A_72 = arith.constant 0 : i32
        %dma_start3A_73 = arith.constant 0 : i32
        %dma_start3A_74 = tpu.memref_slice %arg5[%run_scoped3A, %dma_start3A_72, %dma_start3A_73] : memref<2x10112x128xf32, #tpu.memory_space<hbm>> -> memref<1x10112x128xf32, #tpu.memory_space<hbm>>
        %dma_start3A_75 = tpu.memref_squeeze %dma_start3A_74 : memref<1x10112x128xf32, #tpu.memory_space<hbm>> -> memref<10112x128xf32, #tpu.memory_space<hbm>>
        %dma_start3A_76 = arith.constant 0 : i32
        %dma_start3A_77 = tpu.memref_slice %dma_start3A_75[%mul3A_70, %dma_start3A_76] : memref<10112x128xf32, #tpu.memory_space<hbm>> -> memref<632x128xf32, #tpu.memory_space<hbm>>
        %dma_start3A_78 = arith.constant 0 : i32
        %dma_start3A_79 = tpu.memref_slice %arg9[%mul3A_68, %dma_start3A_78] : memref<10112x128xf32, #tpu.memory_space<vmem_shared>> -> memref<632x128xf32, #tpu.memory_space<vmem_shared>>
        tpu.enqueue_dma source(%dma_start3A_79 : memref<632x128xf32, #tpu.memory_space<vmem_shared>>) target(%dma_start3A_77 : memref<632x128xf32, #tpu.memory_space<hbm>>) target_semaphore(%run_scoped3A_71 : memref<!tpu.dma_semaphore, #tpu.memory_space<semaphore_mem>>)
        %dma_wait3A = arith.constant 0 : i32
        %dma_wait3A_80 = arith.constant 0 : i32
        %dma_wait3A_81 = tpu.memref_slice %arg5[%run_scoped3A, %dma_wait3A, %dma_wait3A_80] : memref<2x10112x128xf32, #tpu.memory_space<hbm>> -> memref<1x10112x128xf32, #tpu.memory_space<hbm>>
        %dma_wait3A_82 = tpu.memref_squeeze %dma_wait3A_81 : memref<1x10112x128xf32, #tpu.memory_space<hbm>> -> memref<10112x128xf32, #tpu.memory_space<hbm>>
        %dma_wait3A_83 = arith.constant 0 : i32
        %dma_wait3A_84 = tpu.memref_slice %dma_wait3A_82[%mul3A_70, %dma_wait3A_83] : memref<10112x128xf32, #tpu.memory_space<hbm>> -> memref<632x128xf32, #tpu.memory_space<hbm>>
        %dma_wait3A_85 = arith.constant 0 : i32
        %dma_wait3A_86 = tpu.memref_slice %arg9[%mul3A_68, %dma_wait3A_85] : memref<10112x128xf32, #tpu.memory_space<vmem_shared>> -> memref<632x128xf32, #tpu.memory_space<vmem_shared>>
        tpu.wait_dma2 semaphore(%run_scoped3A_71 : memref<!tpu.dma_semaphore, #tpu.memory_space<semaphore_mem>>) src(%dma_wait3A_86 : memref<632x128xf32, #tpu.memory_space<vmem_shared>>) dst(%dma_wait3A_84 : memref<632x128xf32, #tpu.memory_space<hbm>>)
        tpu.yield
      }) : () -> ()
    } else {
    }
    %eq3A_2 = arith.constant 1 : i32
    %eq3A_3 = arith.cmpi eq, %arg0, %eq3A_2 : i32
    %convert_element_type3A_4 = arith.extui %eq3A_3 : i1 to i32
    %cond3A_5 = arith.constant 0 : i32
    %cond3A_6 = arith.cmpi ne, %convert_element_type3A_4, %cond3A_5 : i32
    scf.if %cond3A_6 {
      %lt3A = arith.constant 15 : i32
      %lt3A_7 = arith.cmpi slt, %arg1, %lt3A : i32
      %convert_element_type3A_8 = arith.extui %lt3A_7 : i1 to i32
      %cond3A_9 = arith.constant 0 : i32
      %cond3A_10 = arith.cmpi ne, %convert_element_type3A_8, %cond3A_9 : i32
      scf.if %cond3A_10 {
        %mul3A_71 = arith.constant 632 : i32
        %mul3A_72 = arith.muli %arg1, %mul3A_71 : i32
        %mul3A_73 = arith.constant 632 : i32
        %mul3A_74 = arith.muli %arg1, %mul3A_73 : i32
        %run_scoped3A_75 = arith.constant 1 : i32
        "tpu.region"() ({
          %run_scoped3A_76 = tpu.sem_alloc : memref<!tpu.dma_semaphore, #tpu.memory_space<semaphore_mem>>
          %dma_start3A_77 = arith.constant 0 : i32
          %dma_start3A_78 = tpu.memref_slice %arg9[%mul3A_74, %dma_start3A_77] : memref<10112x128xf32, #tpu.memory_space<vmem_shared>> -> memref<632x128xf32, #tpu.memory_space<vmem_shared>>
          %dma_start3A_79 = arith.constant 0 : i32
          %dma_start3A_80 = arith.constant 0 : i32
          %dma_start3A_81 = tpu.memref_slice %arg4[%run_scoped3A_75, %dma_start3A_79, %dma_start3A_80] : memref<2x10000x128xf32, #tpu.memory_space<hbm>> -> memref<1x10000x128xf32, #tpu.memory_space<hbm>>
          %dma_start3A_82 = tpu.memref_squeeze %dma_start3A_81 : memref<1x10000x128xf32, #tpu.memory_space<hbm>> -> memref<10000x128xf32, #tpu.memory_space<hbm>>
          %dma_start3A_83 = arith.constant 0 : i32
          %dma_start3A_84 = tpu.memref_slice %dma_start3A_82[%mul3A_72, %dma_start3A_83] : memref<10000x128xf32, #tpu.memory_space<hbm>> -> memref<632x128xf32, #tpu.memory_space<hbm>>
          tpu.enqueue_dma source(%dma_start3A_84 : memref<632x128xf32, #tpu.memory_space<hbm>>) target(%dma_start3A_78 : memref<632x128xf32, #tpu.memory_space<vmem_shared>>) target_semaphore(%run_scoped3A_76 : memref<!tpu.dma_semaphore, #tpu.memory_space<semaphore_mem>>)
          %dma_wait3A = arith.constant 0 : i32
          %dma_wait3A_85 = tpu.memref_slice %arg9[%mul3A_74, %dma_wait3A] : memref<10112x128xf32, #tpu.memory_space<vmem_shared>> -> memref<632x128xf32, #tpu.memory_space<vmem_shared>>
          %dma_wait3A_86 = arith.constant 0 : i32
          %dma_wait3A_87 = arith.constant 0 : i32
          %dma_wait3A_88 = tpu.memref_slice %arg4[%run_scoped3A_75, %dma_wait3A_86, %dma_wait3A_87] : memref<2x10000x128xf32, #tpu.memory_space<hbm>> -> memref<1x10000x128xf32, #tpu.memory_space<hbm>>
          %dma_wait3A_89 = tpu.memref_squeeze %dma_wait3A_88 : memref<1x10000x128xf32, #tpu.memory_space<hbm>> -> memref<10000x128xf32, #tpu.memory_space<hbm>>
          %dma_wait3A_90 = arith.constant 0 : i32
          %dma_wait3A_91 = tpu.memref_slice %dma_wait3A_89[%mul3A_72, %dma_wait3A_90] : memref<10000x128xf32, #tpu.memory_space<hbm>> -> memref<632x128xf32, #tpu.memory_space<hbm>>
          tpu.wait_dma2 semaphore(%run_scoped3A_76 : memref<!tpu.dma_semaphore, #tpu.memory_space<semaphore_mem>>) src(%dma_wait3A_91 : memref<632x128xf32, #tpu.memory_space<hbm>>) dst(%dma_wait3A_85 : memref<632x128xf32, #tpu.memory_space<vmem_shared>>)
          tpu.yield
        }) : () -> ()
      } else {
      }
      %eq3A_11 = arith.constant 15 : i32
      %eq3A_12 = arith.cmpi eq, %arg1, %eq3A_11 : i32
      %convert_element_type3A_13 = arith.extui %eq3A_12 : i1 to i32
      %cond3A_14 = arith.constant 0 : i32
      %cond3A_15 = arith.cmpi ne, %convert_element_type3A_13, %cond3A_14 : i32
      scf.if %cond3A_15 {
        %run_scoped3A_71 = arith.constant 1 : i32
        "tpu.region"() ({
          %run_scoped3A_72 = tpu.sem_alloc : memref<!tpu.dma_semaphore, #tpu.memory_space<semaphore_mem>>
          %dma_start3A_73 = arith.constant 9480 : i32
          %dma_start3A_74 = arith.constant 0 : i32
          %dma_start3A_75 = tpu.memref_slice %arg9[%dma_start3A_73, %dma_start3A_74] : memref<10112x128xf32, #tpu.memory_space<vmem_shared>> -> memref<520x128xf32, #tpu.memory_space<vmem_shared>>
          %dma_start3A_76 = arith.constant 0 : i32
          %dma_start3A_77 = arith.constant 0 : i32
          %dma_start3A_78 = tpu.memref_slice %arg4[%run_scoped3A_71, %dma_start3A_76, %dma_start3A_77] : memref<2x10000x128xf32, #tpu.memory_space<hbm>> -> memref<1x10000x128xf32, #tpu.memory_space<hbm>>
          %dma_start3A_79 = tpu.memref_squeeze %dma_start3A_78 : memref<1x10000x128xf32, #tpu.memory_space<hbm>> -> memref<10000x128xf32, #tpu.memory_space<hbm>>
          %dma_start3A_80 = arith.constant 9480 : i32
          %dma_start3A_81 = arith.constant 0 : i32
          %dma_start3A_82 = tpu.memref_slice %dma_start3A_79[%dma_start3A_80, %dma_start3A_81] : memref<10000x128xf32, #tpu.memory_space<hbm>> -> memref<520x128xf32, #tpu.memory_space<hbm>>
          tpu.enqueue_dma source(%dma_start3A_82 : memref<520x128xf32, #tpu.memory_space<hbm>>) target(%dma_start3A_75 : memref<520x128xf32, #tpu.memory_space<vmem_shared>>) target_semaphore(%run_scoped3A_72 : memref<!tpu.dma_semaphore, #tpu.memory_space<semaphore_mem>>)
          %dma_wait3A = arith.constant 9480 : i32
          %dma_wait3A_83 = arith.constant 0 : i32
          %dma_wait3A_84 = tpu.memref_slice %arg9[%dma_wait3A, %dma_wait3A_83] : memref<10112x128xf32, #tpu.memory_space<vmem_shared>> -> memref<520x128xf32, #tpu.memory_space<vmem_shared>>
          %dma_wait3A_85 = arith.constant 0 : i32
          %dma_wait3A_86 = arith.constant 0 : i32
          %dma_wait3A_87 = tpu.memref_slice %arg4[%run_scoped3A_71, %dma_wait3A_85, %dma_wait3A_86] : memref<2x10000x128xf32, #tpu.memory_space<hbm>> -> memref<1x10000x128xf32, #tpu.memory_space<hbm>>
          %dma_wait3A_88 = tpu.memref_squeeze %dma_wait3A_87 : memref<1x10000x128xf32, #tpu.memory_space<hbm>> -> memref<10000x128xf32, #tpu.memory_space<hbm>>
          %dma_wait3A_89 = arith.constant 9480 : i32
          %dma_wait3A_90 = arith.constant 0 : i32
          %dma_wait3A_91 = tpu.memref_slice %dma_wait3A_88[%dma_wait3A_89, %dma_wait3A_90] : memref<10000x128xf32, #tpu.memory_space<hbm>> -> memref<520x128xf32, #tpu.memory_space<hbm>>
          tpu.wait_dma2 semaphore(%run_scoped3A_72 : memref<!tpu.dma_semaphore, #tpu.memory_space<semaphore_mem>>) src(%dma_wait3A_91 : memref<520x128xf32, #tpu.memory_space<hbm>>) dst(%dma_wait3A_84 : memref<520x128xf32, #tpu.memory_space<vmem_shared>>)
          tpu.yield
        }) : () -> ()
      } else {
      }
      %barrier3A = arith.constant 0 : index
      tpu.barrier barrier_id(%barrier3A)
      %mul3A = arith.constant 80 : i32
      %mul3A_16 = arith.muli %arg1, %mul3A : i32
      %add3A = arith.constant 0 : i32
      %add3A_17 = arith.addi %mul3A_16, %add3A : i32
      "tpu.region"() ({
        %run_scoped3A_71 = tpu.sem_alloc : memref<!tpu.dma_semaphore, #tpu.memory_space<semaphore_mem>>
        %dma_start3A_72 = arith.constant 0 : i32
        %dma_start3A_73 = tpu.memref_slice %arg2[%add3A_17, %dma_start3A_72] : memref<1280x128xi32, #tpu.memory_space<hbm>> -> memref<40x128xi32, #tpu.memory_space<hbm>>
        %dma_start3A_74 = arith.constant 0 : i32
        %dma_start3A_75 = tpu.memref_slice %arg2[%add3A_17, %dma_start3A_74] : memref<1280x128xi32, #tpu.memory_space<hbm>> -> memref<40x128xi32, #tpu.memory_space<hbm>>
        tpu.enqueue_dma source(%dma_start3A_75 : memref<40x128xi32, #tpu.memory_space<hbm>>) target(%arg6 : memref<40x128xi32, #tpu.memory_space<vmem>>) target_semaphore(%run_scoped3A_71 : memref<!tpu.dma_semaphore, #tpu.memory_space<semaphore_mem>>)
        %dma_wait3A = arith.constant 0 : i32
        %dma_wait3A_76 = tpu.memref_slice %arg2[%add3A_17, %dma_wait3A] : memref<1280x128xi32, #tpu.memory_space<hbm>> -> memref<40x128xi32, #tpu.memory_space<hbm>>
        %dma_wait3A_77 = arith.constant 0 : i32
        %dma_wait3A_78 = tpu.memref_slice %arg2[%add3A_17, %dma_wait3A_77] : memref<1280x128xi32, #tpu.memory_space<hbm>> -> memref<40x128xi32, #tpu.memory_space<hbm>>
        tpu.wait_dma2 semaphore(%run_scoped3A_71 : memref<!tpu.dma_semaphore, #tpu.memory_space<semaphore_mem>>) src(%dma_wait3A_78 : memref<40x128xi32, #tpu.memory_space<hbm>>) dst(%arg6 : memref<40x128xi32, #tpu.memory_space<vmem>>)
        tpu.yield
      }) : () -> ()
      "tpu.region"() ({
        %run_scoped3A_71 = tpu.sem_alloc : memref<!tpu.dma_semaphore, #tpu.memory_space<semaphore_mem>>
        %dma_start3A_72 = arith.constant 0 : i32
        %dma_start3A_73 = tpu.memref_slice %arg3[%add3A_17, %dma_start3A_72] : memref<1280x128xi32, #tpu.memory_space<hbm>> -> memref<40x128xi32, #tpu.memory_space<hbm>>
        %dma_start3A_74 = arith.constant 0 : i32
        %dma_start3A_75 = tpu.memref_slice %arg3[%add3A_17, %dma_start3A_74] : memref<1280x128xi32, #tpu.memory_space<hbm>> -> memref<40x128xi32, #tpu.memory_space<hbm>>
        tpu.enqueue_dma source(%dma_start3A_75 : memref<40x128xi32, #tpu.memory_space<hbm>>) target(%arg7 : memref<40x128xi32, #tpu.memory_space<vmem>>) target_semaphore(%run_scoped3A_71 : memref<!tpu.dma_semaphore, #tpu.memory_space<semaphore_mem>>)
        %dma_wait3A = arith.constant 0 : i32
        %dma_wait3A_76 = tpu.memref_slice %arg3[%add3A_17, %dma_wait3A] : memref<1280x128xi32, #tpu.memory_space<hbm>> -> memref<40x128xi32, #tpu.memory_space<hbm>>
        %dma_wait3A_77 = arith.constant 0 : i32
        %dma_wait3A_78 = tpu.memref_slice %arg3[%add3A_17, %dma_wait3A_77] : memref<1280x128xi32, #tpu.memory_space<hbm>> -> memref<40x128xi32, #tpu.memory_space<hbm>>
        tpu.wait_dma2 semaphore(%run_scoped3A_71 : memref<!tpu.dma_semaphore, #tpu.memory_space<semaphore_mem>>) src(%dma_wait3A_78 : memref<40x128xi32, #tpu.memory_space<hbm>>) dst(%arg7 : memref<40x128xi32, #tpu.memory_space<vmem>>)
        tpu.yield
      }) : () -> ()
      %dma_start3A = arith.constant 1 : i32
      %dma_start3A_18 = arith.constant 0 : i32
      %dma_start3A_19 = arith.constant 0 : i32
      %dma_start3A_20 = arith.constant 0 : i32
      %dma_start3A_21 = arith.constant 0 : i32
      %dma_start3A_22 = tpu.memref_slice %arg8[%dma_start3A_19, %dma_start3A_20, %dma_start3A_21] : memref<2x128x128xf32, #tpu.memory_space<vmem>> -> memref<1x128x128xf32, #tpu.memory_space<vmem>>
      %dma_start3A_23 = tpu.memref_squeeze %dma_start3A_22 : memref<1x128x128xf32, #tpu.memory_space<vmem>> -> memref<128x128xf32, #tpu.memory_space<vmem>>
      %dma_start3A_24 = arith.constant 0 : i32
      %dma_start3A_25 = tpu.memref_slice %arg6[%dma_start3A_18, %dma_start3A_24] : memref<40x128xi32, #tpu.memory_space<vmem>> -> memref<1x128xi32, #tpu.memory_space<vmem>>
      %dma_start3A_26 = tpu.memref_squeeze %dma_start3A_25 : memref<1x128xi32, #tpu.memory_space<vmem>> -> memref<128xi32, #tpu.memory_space<vmem>>
      %dma_start3A_27 = arith.constant 0 : i32
      %dma_start3A_28 = arith.constant 0 : i32
      %dma_start3A_29 = tpu.memref_slice %arg4[%dma_start3A, %dma_start3A_27, %dma_start3A_28] : memref<2x10000x128xf32, #tpu.memory_space<hbm>> -> memref<1x10000x128xf32, #tpu.memory_space<hbm>>
      %dma_start3A_30 = tpu.memref_squeeze %dma_start3A_29 : memref<1x10000x128xf32, #tpu.memory_space<hbm>> -> memref<10000x128xf32, #tpu.memory_space<hbm>>
      %dma_start3A_31 = arith.constant 0 : i32
      %dma_start3A_32 = arith.constant 0 : i32
      %dma_start3A_33 = tpu.memref_slice %dma_start3A_30[%dma_start3A_31, %dma_start3A_32] : memref<10000x128xf32, #tpu.memory_space<hbm>> -> memref<10000x128xf32, #tpu.memory_space<hbm>>
      tpu.enqueue_indirect_dma source(%dma_start3A_33 : memref<10000x128xf32, #tpu.memory_space<hbm>>) target(%dma_start3A_23 : memref<128x128xf32, #tpu.memory_space<vmem>>) offsets(%dma_start3A_26 : memref<128xi32, #tpu.memory_space<vmem>>) semaphore(%arg10 : memref<!tpu.dma_semaphore, #tpu.memory_space<semaphore_mem>>)
      %scan3A = arith.constant 0 : i32
      %scan3A_34 = arith.constant 0 : i32
      %scan3A_35 = arith.constant 40 : i32
      %scan3A_36 = arith.addi %scan3A_34, %scan3A_35 : i32
      %scan3A_37 = arith.constant 1 : i32
      scf.for %scan3A_71 = %scan3A_34 to %scan3A_36 step %scan3A_37  : i32 {
        %rem3A = arith.constant 2 : i32
        %rem3A_72 = arith.remsi %scan3A_71, %rem3A : i32
        %dma_wait3A = arith.constant 1 : i32
        %dma_wait3A_73 = arith.constant 0 : i32
        %dma_wait3A_74 = arith.constant 0 : i32
        %dma_wait3A_75 = tpu.memref_slice %arg8[%rem3A_72, %dma_wait3A_73, %dma_wait3A_74] : memref<2x128x128xf32, #tpu.memory_space<vmem>> -> memref<1x128x128xf32, #tpu.memory_space<vmem>>
        %dma_wait3A_76 = tpu.memref_squeeze %dma_wait3A_75 : memref<1x128x128xf32, #tpu.memory_space<vmem>> -> memref<128x128xf32, #tpu.memory_space<vmem>>
        %dma_wait3A_77 = arith.constant 0 : i32
        %dma_wait3A_78 = arith.constant 0 : i32
        %dma_wait3A_79 = tpu.memref_slice %arg4[%dma_wait3A, %dma_wait3A_77, %dma_wait3A_78] : memref<2x10000x128xf32, #tpu.memory_space<hbm>> -> memref<1x10000x128xf32, #tpu.memory_space<hbm>>
        %dma_wait3A_80 = tpu.memref_squeeze %dma_wait3A_79 : memref<1x10000x128xf32, #tpu.memory_space<hbm>> -> memref<10000x128xf32, #tpu.memory_space<hbm>>
        %dma_wait3A_81 = arith.constant 0 : i32
        %dma_wait3A_82 = arith.constant 0 : i32
        %dma_wait3A_83 = tpu.memref_slice %dma_wait3A_80[%dma_wait3A_81, %dma_wait3A_82] : memref<10000x128xf32, #tpu.memory_space<hbm>> -> memref<128x128xf32, #tpu.memory_space<hbm>>
        %dma_wait3A_84 = arith.constant 0 : i32
        %dma_wait3A_85 = arith.constant 0 : i32
        %dma_wait3A_86 = tpu.memref_slice %arg8[%rem3A_72, %dma_wait3A_84, %dma_wait3A_85] : memref<2x128x128xf32, #tpu.memory_space<vmem>> -> memref<1x128x128xf32, #tpu.memory_space<vmem>>
        %dma_wait3A_87 = tpu.memref_squeeze %dma_wait3A_86 : memref<1x128x128xf32, #tpu.memory_space<vmem>> -> memref<128x128xf32, #tpu.memory_space<vmem>>
        %dma_wait3A_88 = arith.constant 0 : i32
        %dma_wait3A_89 = arith.constant 0 : i32
        %dma_wait3A_90 = tpu.memref_slice %arg4[%dma_wait3A, %dma_wait3A_88, %dma_wait3A_89] : memref<2x10000x128xf32, #tpu.memory_space<hbm>> -> memref<1x10000x128xf32, #tpu.memory_space<hbm>>
        %dma_wait3A_91 = tpu.memref_squeeze %dma_wait3A_90 : memref<1x10000x128xf32, #tpu.memory_space<hbm>> -> memref<10000x128xf32, #tpu.memory_space<hbm>>
        %dma_wait3A_92 = arith.constant 0 : i32
        %dma_wait3A_93 = arith.constant 0 : i32
        %dma_wait3A_94 = tpu.memref_slice %dma_wait3A_91[%dma_wait3A_92, %dma_wait3A_93] : memref<10000x128xf32, #tpu.memory_space<hbm>> -> memref<128x128xf32, #tpu.memory_space<hbm>>
        tpu.wait_dma2 semaphore(%arg10 : memref<!tpu.dma_semaphore, #tpu.memory_space<semaphore_mem>>) src(%dma_wait3A_94 : memref<128x128xf32, #tpu.memory_space<hbm>>) dst(%dma_wait3A_87 : memref<128x128xf32, #tpu.memory_space<vmem>>)
        %add3A_95 = arith.constant 1 : i32
        %add3A_96 = arith.addi %scan3A_71, %add3A_95 : i32
        %lt3A_97 = arith.constant 40 : i32
        %lt3A_98 = arith.cmpi slt, %add3A_96, %lt3A_97 : i32
        %convert_element_type3A_99 = arith.extui %lt3A_98 : i1 to i32
        %cond3A_100 = arith.constant 0 : i32
        %cond3A_101 = arith.cmpi ne, %convert_element_type3A_99, %cond3A_100 : i32
        scf.if %cond3A_101 {
          %add3A_102 = arith.constant 1 : i32
          %add3A_103 = arith.addi %scan3A_71, %add3A_102 : i32
          %sub3A = arith.constant 1 : i32
          %sub3A_104 = arith.subi %sub3A, %rem3A_72 : i32
          %dma_start3A_105 = arith.constant 1 : i32
          %dma_start3A_106 = arith.constant 0 : i32
          %dma_start3A_107 = arith.constant 0 : i32
          %dma_start3A_108 = tpu.memref_slice %arg8[%sub3A_104, %dma_start3A_106, %dma_start3A_107] : memref<2x128x128xf32, #tpu.memory_space<vmem>> -> memref<1x128x128xf32, #tpu.memory_space<vmem>>
          %dma_start3A_109 = tpu.memref_squeeze %dma_start3A_108 : memref<1x128x128xf32, #tpu.memory_space<vmem>> -> memref<128x128xf32, #tpu.memory_space<vmem>>
          %dma_start3A_110 = arith.constant 0 : i32
          %dma_start3A_111 = tpu.memref_slice %arg6[%add3A_103, %dma_start3A_110] : memref<40x128xi32, #tpu.memory_space<vmem>> -> memref<1x128xi32, #tpu.memory_space<vmem>>
          %dma_start3A_112 = tpu.memref_squeeze %dma_start3A_111 : memref<1x128xi32, #tpu.memory_space<vmem>> -> memref<128xi32, #tpu.memory_space<vmem>>
          %dma_start3A_113 = arith.constant 0 : i32
          %dma_start3A_114 = arith.constant 0 : i32
          %dma_start3A_115 = tpu.memref_slice %arg4[%dma_start3A_105, %dma_start3A_113, %dma_start3A_114] : memref<2x10000x128xf32, #tpu.memory_space<hbm>> -> memref<1x10000x128xf32, #tpu.memory_space<hbm>>
          %dma_start3A_116 = tpu.memref_squeeze %dma_start3A_115 : memref<1x10000x128xf32, #tpu.memory_space<hbm>> -> memref<10000x128xf32, #tpu.memory_space<hbm>>
          %dma_start3A_117 = arith.constant 0 : i32
          %dma_start3A_118 = arith.constant 0 : i32
          %dma_start3A_119 = tpu.memref_slice %dma_start3A_116[%dma_start3A_117, %dma_start3A_118] : memref<10000x128xf32, #tpu.memory_space<hbm>> -> memref<10000x128xf32, #tpu.memory_space<hbm>>
          tpu.enqueue_indirect_dma source(%dma_start3A_119 : memref<10000x128xf32, #tpu.memory_space<hbm>>) target(%dma_start3A_109 : memref<128x128xf32, #tpu.memory_space<vmem>>) offsets(%dma_start3A_112 : memref<128xi32, #tpu.memory_space<vmem>>) semaphore(%arg10 : memref<!tpu.dma_semaphore, #tpu.memory_space<semaphore_mem>>)
        } else {
        }
        "tpu.region"() ({
          %run_scoped3A_102 = tpu.sem_alloc : memref<!tpu.dma_semaphore, #tpu.memory_space<semaphore_mem>>
          %dma_start3A_103 = arith.constant 0 : i32
          %dma_start3A_104 = arith.constant 0 : i32
          %dma_start3A_105 = tpu.memref_slice %arg8[%rem3A_72, %dma_start3A_103, %dma_start3A_104] : memref<2x128x128xf32, #tpu.memory_space<vmem>> -> memref<1x128x128xf32, #tpu.memory_space<vmem>>
          %dma_start3A_106 = tpu.memref_squeeze %dma_start3A_105 : memref<1x128x128xf32, #tpu.memory_space<vmem>> -> memref<128x128xf32, #tpu.memory_space<vmem>>
          %dma_start3A_107 = arith.constant 0 : i32
          %dma_start3A_108 = tpu.memref_slice %arg7[%scan3A_71, %dma_start3A_107] : memref<40x128xi32, #tpu.memory_space<vmem>> -> memref<1x128xi32, #tpu.memory_space<vmem>>
          %dma_start3A_109 = tpu.memref_squeeze %dma_start3A_108 : memref<1x128xi32, #tpu.memory_space<vmem>> -> memref<128xi32, #tpu.memory_space<vmem>>
          %dma_start3A_110 = arith.constant 0 : i32
          %dma_start3A_111 = arith.constant 0 : i32
          %dma_start3A_112 = tpu.memref_slice %arg9[%dma_start3A_110, %dma_start3A_111] : memref<10112x128xf32, #tpu.memory_space<vmem_shared>> -> memref<10112x128xf32, #tpu.memory_space<vmem_shared>>
          tpu.enqueue_indirect_dma source(%dma_start3A_106 : memref<128x128xf32, #tpu.memory_space<vmem>>) target(%dma_start3A_112 : memref<10112x128xf32, #tpu.memory_space<vmem_shared>>) offsets(%dma_start3A_109 : memref<128xi32, #tpu.memory_space<vmem>>) semaphore(%run_scoped3A_102 : memref<!tpu.dma_semaphore, #tpu.memory_space<semaphore_mem>>) {add = true}
          %dma_wait3A_113 = arith.constant 0 : i32
          %dma_wait3A_114 = arith.constant 0 : i32
          %dma_wait3A_115 = tpu.memref_slice %arg8[%rem3A_72, %dma_wait3A_113, %dma_wait3A_114] : memref<2x128x128xf32, #tpu.memory_space<vmem>> -> memref<1x128x128xf32, #tpu.memory_space<vmem>>
          %dma_wait3A_116 = tpu.memref_squeeze %dma_wait3A_115 : memref<1x128x128xf32, #tpu.memory_space<vmem>> -> memref<128x128xf32, #tpu.memory_space<vmem>>
          %dma_wait3A_117 = arith.constant 0 : i32
          %dma_wait3A_118 = tpu.memref_slice %arg7[%scan3A_71, %dma_wait3A_117] : memref<40x128xi32, #tpu.memory_space<vmem>> -> memref<1x128xi32, #tpu.memory_space<vmem>>
          %dma_wait3A_119 = tpu.memref_squeeze %dma_wait3A_118 : memref<1x128xi32, #tpu.memory_space<vmem>> -> memref<128xi32, #tpu.memory_space<vmem>>
          %dma_wait3A_120 = arith.constant 0 : i32
          %dma_wait3A_121 = arith.constant 0 : i32
          %dma_wait3A_122 = tpu.memref_slice %arg9[%dma_wait3A_120, %dma_wait3A_121] : memref<10112x128xf32, #tpu.memory_space<vmem_shared>> -> memref<10112x128xf32, #tpu.memory_space<vmem_shared>>
          tpu.wait_indirect_dma semaphore(%run_scoped3A_102 : memref<!tpu.dma_semaphore, #tpu.memory_space<semaphore_mem>>) src(%dma_wait3A_116 : memref<128x128xf32, #tpu.memory_space<vmem>>) dst(%dma_wait3A_122 : memref<10112x128xf32, #tpu.memory_space<vmem_shared>>)
          tpu.yield
        }) : () -> ()
      }
      %scan3A_38 = arith.constant 40 : i32
      %mul3A_39 = arith.constant 80 : i32
      %mul3A_40 = arith.muli %arg1, %mul3A_39 : i32
      %add3A_41 = arith.constant 40 : i32
      %add3A_42 = arith.addi %mul3A_40, %add3A_41 : i32
      "tpu.region"() ({
        %run_scoped3A_71 = tpu.sem_alloc : memref<!tpu.dma_semaphore, #tpu.memory_space<semaphore_mem>>
        %dma_start3A_72 = arith.constant 0 : i32
        %dma_start3A_73 = tpu.memref_slice %arg2[%add3A_42, %dma_start3A_72] : memref<1280x128xi32, #tpu.memory_space<hbm>> -> memref<40x128xi32, #tpu.memory_space<hbm>>
        %dma_start3A_74 = arith.constant 0 : i32
        %dma_start3A_75 = tpu.memref_slice %arg2[%add3A_42, %dma_start3A_74] : memref<1280x128xi32, #tpu.memory_space<hbm>> -> memref<40x128xi32, #tpu.memory_space<hbm>>
        tpu.enqueue_dma source(%dma_start3A_75 : memref<40x128xi32, #tpu.memory_space<hbm>>) target(%arg6 : memref<40x128xi32, #tpu.memory_space<vmem>>) target_semaphore(%run_scoped3A_71 : memref<!tpu.dma_semaphore, #tpu.memory_space<semaphore_mem>>)
        %dma_wait3A = arith.constant 0 : i32
        %dma_wait3A_76 = tpu.memref_slice %arg2[%add3A_42, %dma_wait3A] : memref<1280x128xi32, #tpu.memory_space<hbm>> -> memref<40x128xi32, #tpu.memory_space<hbm>>
        %dma_wait3A_77 = arith.constant 0 : i32
        %dma_wait3A_78 = tpu.memref_slice %arg2[%add3A_42, %dma_wait3A_77] : memref<1280x128xi32, #tpu.memory_space<hbm>> -> memref<40x128xi32, #tpu.memory_space<hbm>>
        tpu.wait_dma2 semaphore(%run_scoped3A_71 : memref<!tpu.dma_semaphore, #tpu.memory_space<semaphore_mem>>) src(%dma_wait3A_78 : memref<40x128xi32, #tpu.memory_space<hbm>>) dst(%arg6 : memref<40x128xi32, #tpu.memory_space<vmem>>)
        tpu.yield
      }) : () -> ()
      "tpu.region"() ({
        %run_scoped3A_71 = tpu.sem_alloc : memref<!tpu.dma_semaphore, #tpu.memory_space<semaphore_mem>>
        %dma_start3A_72 = arith.constant 0 : i32
        %dma_start3A_73 = tpu.memref_slice %arg3[%add3A_42, %dma_start3A_72] : memref<1280x128xi32, #tpu.memory_space<hbm>> -> memref<40x128xi32, #tpu.memory_space<hbm>>
        %dma_start3A_74 = arith.constant 0 : i32
        %dma_start3A_75 = tpu.memref_slice %arg3[%add3A_42, %dma_start3A_74] : memref<1280x128xi32, #tpu.memory_space<hbm>> -> memref<40x128xi32, #tpu.memory_space<hbm>>
        tpu.enqueue_dma source(%dma_start3A_75 : memref<40x128xi32, #tpu.memory_space<hbm>>) target(%arg7 : memref<40x128xi32, #tpu.memory_space<vmem>>) target_semaphore(%run_scoped3A_71 : memref<!tpu.dma_semaphore, #tpu.memory_space<semaphore_mem>>)
        %dma_wait3A = arith.constant 0 : i32
        %dma_wait3A_76 = tpu.memref_slice %arg3[%add3A_42, %dma_wait3A] : memref<1280x128xi32, #tpu.memory_space<hbm>> -> memref<40x128xi32, #tpu.memory_space<hbm>>
        %dma_wait3A_77 = arith.constant 0 : i32
        %dma_wait3A_78 = tpu.memref_slice %arg3[%add3A_42, %dma_wait3A_77] : memref<1280x128xi32, #tpu.memory_space<hbm>> -> memref<40x128xi32, #tpu.memory_space<hbm>>
        tpu.wait_dma2 semaphore(%run_scoped3A_71 : memref<!tpu.dma_semaphore, #tpu.memory_space<semaphore_mem>>) src(%dma_wait3A_78 : memref<40x128xi32, #tpu.memory_space<hbm>>) dst(%arg7 : memref<40x128xi32, #tpu.memory_space<vmem>>)
        tpu.yield
      }) : () -> ()
      %dma_start3A_43 = arith.constant 1 : i32
      %dma_start3A_44 = arith.constant 0 : i32
      %dma_start3A_45 = arith.constant 0 : i32
      %dma_start3A_46 = arith.constant 0 : i32
      %dma_start3A_47 = arith.constant 0 : i32
      %dma_start3A_48 = tpu.memref_slice %arg8[%dma_start3A_45, %dma_start3A_46, %dma_start3A_47] : memref<2x128x128xf32, #tpu.memory_space<vmem>> -> memref<1x128x128xf32, #tpu.memory_space<vmem>>
      %dma_start3A_49 = tpu.memref_squeeze %dma_start3A_48 : memref<1x128x128xf32, #tpu.memory_space<vmem>> -> memref<128x128xf32, #tpu.memory_space<vmem>>
      %dma_start3A_50 = arith.constant 0 : i32
      %dma_start3A_51 = tpu.memref_slice %arg6[%dma_start3A_44, %dma_start3A_50] : memref<40x128xi32, #tpu.memory_space<vmem>> -> memref<1x128xi32, #tpu.memory_space<vmem>>
      %dma_start3A_52 = tpu.memref_squeeze %dma_start3A_51 : memref<1x128xi32, #tpu.memory_space<vmem>> -> memref<128xi32, #tpu.memory_space<vmem>>
      %dma_start3A_53 = arith.constant 0 : i32
      %dma_start3A_54 = arith.constant 0 : i32
      %dma_start3A_55 = tpu.memref_slice %arg4[%dma_start3A_43, %dma_start3A_53, %dma_start3A_54] : memref<2x10000x128xf32, #tpu.memory_space<hbm>> -> memref<1x10000x128xf32, #tpu.memory_space<hbm>>
      %dma_start3A_56 = tpu.memref_squeeze %dma_start3A_55 : memref<1x10000x128xf32, #tpu.memory_space<hbm>> -> memref<10000x128xf32, #tpu.memory_space<hbm>>
      %dma_start3A_57 = arith.constant 0 : i32
      %dma_start3A_58 = arith.constant 0 : i32
      %dma_start3A_59 = tpu.memref_slice %dma_start3A_56[%dma_start3A_57, %dma_start3A_58] : memref<10000x128xf32, #tpu.memory_space<hbm>> -> memref<10000x128xf32, #tpu.memory_space<hbm>>
      tpu.enqueue_indirect_dma source(%dma_start3A_59 : memref<10000x128xf32, #tpu.memory_space<hbm>>) target(%dma_start3A_49 : memref<128x128xf32, #tpu.memory_space<vmem>>) offsets(%dma_start3A_52 : memref<128xi32, #tpu.memory_space<vmem>>) semaphore(%arg10 : memref<!tpu.dma_semaphore, #tpu.memory_space<semaphore_mem>>)
      %scan3A_60 = arith.constant 0 : i32
      %scan3A_61 = arith.constant 0 : i32
      %scan3A_62 = arith.constant 40 : i32
      %scan3A_63 = arith.addi %scan3A_61, %scan3A_62 : i32
      %scan3A_64 = arith.constant 1 : i32
      scf.for %scan3A_71 = %scan3A_61 to %scan3A_63 step %scan3A_64  : i32 {
        %rem3A = arith.constant 2 : i32
        %rem3A_72 = arith.remsi %scan3A_71, %rem3A : i32
        %dma_wait3A = arith.constant 1 : i32
        %dma_wait3A_73 = arith.constant 0 : i32
        %dma_wait3A_74 = arith.constant 0 : i32
        %dma_wait3A_75 = tpu.memref_slice %arg8[%rem3A_72, %dma_wait3A_73, %dma_wait3A_74] : memref<2x128x128xf32, #tpu.memory_space<vmem>> -> memref<1x128x128xf32, #tpu.memory_space<vmem>>
        %dma_wait3A_76 = tpu.memref_squeeze %dma_wait3A_75 : memref<1x128x128xf32, #tpu.memory_space<vmem>> -> memref<128x128xf32, #tpu.memory_space<vmem>>
        %dma_wait3A_77 = arith.constant 0 : i32
        %dma_wait3A_78 = arith.constant 0 : i32
        %dma_wait3A_79 = tpu.memref_slice %arg4[%dma_wait3A, %dma_wait3A_77, %dma_wait3A_78] : memref<2x10000x128xf32, #tpu.memory_space<hbm>> -> memref<1x10000x128xf32, #tpu.memory_space<hbm>>
        %dma_wait3A_80 = tpu.memref_squeeze %dma_wait3A_79 : memref<1x10000x128xf32, #tpu.memory_space<hbm>> -> memref<10000x128xf32, #tpu.memory_space<hbm>>
        %dma_wait3A_81 = arith.constant 0 : i32
        %dma_wait3A_82 = arith.constant 0 : i32
        %dma_wait3A_83 = tpu.memref_slice %dma_wait3A_80[%dma_wait3A_81, %dma_wait3A_82] : memref<10000x128xf32, #tpu.memory_space<hbm>> -> memref<128x128xf32, #tpu.memory_space<hbm>>
        %dma_wait3A_84 = arith.constant 0 : i32
        %dma_wait3A_85 = arith.constant 0 : i32
        %dma_wait3A_86 = tpu.memref_slice %arg8[%rem3A_72, %dma_wait3A_84, %dma_wait3A_85] : memref<2x128x128xf32, #tpu.memory_space<vmem>> -> memref<1x128x128xf32, #tpu.memory_space<vmem>>
        %dma_wait3A_87 = tpu.memref_squeeze %dma_wait3A_86 : memref<1x128x128xf32, #tpu.memory_space<vmem>> -> memref<128x128xf32, #tpu.memory_space<vmem>>
        %dma_wait3A_88 = arith.constant 0 : i32
        %dma_wait3A_89 = arith.constant 0 : i32
        %dma_wait3A_90 = tpu.memref_slice %arg4[%dma_wait3A, %dma_wait3A_88, %dma_wait3A_89] : memref<2x10000x128xf32, #tpu.memory_space<hbm>> -> memref<1x10000x128xf32, #tpu.memory_space<hbm>>
        %dma_wait3A_91 = tpu.memref_squeeze %dma_wait3A_90 : memref<1x10000x128xf32, #tpu.memory_space<hbm>> -> memref<10000x128xf32, #tpu.memory_space<hbm>>
        %dma_wait3A_92 = arith.constant 0 : i32
        %dma_wait3A_93 = arith.constant 0 : i32
        %dma_wait3A_94 = tpu.memref_slice %dma_wait3A_91[%dma_wait3A_92, %dma_wait3A_93] : memref<10000x128xf32, #tpu.memory_space<hbm>> -> memref<128x128xf32, #tpu.memory_space<hbm>>
        tpu.wait_dma2 semaphore(%arg10 : memref<!tpu.dma_semaphore, #tpu.memory_space<semaphore_mem>>) src(%dma_wait3A_94 : memref<128x128xf32, #tpu.memory_space<hbm>>) dst(%dma_wait3A_87 : memref<128x128xf32, #tpu.memory_space<vmem>>)
        %add3A_95 = arith.constant 1 : i32
        %add3A_96 = arith.addi %scan3A_71, %add3A_95 : i32
        %lt3A_97 = arith.constant 40 : i32
        %lt3A_98 = arith.cmpi slt, %add3A_96, %lt3A_97 : i32
        %convert_element_type3A_99 = arith.extui %lt3A_98 : i1 to i32
        %cond3A_100 = arith.constant 0 : i32
        %cond3A_101 = arith.cmpi ne, %convert_element_type3A_99, %cond3A_100 : i32
        scf.if %cond3A_101 {
          %add3A_102 = arith.constant 1 : i32
          %add3A_103 = arith.addi %scan3A_71, %add3A_102 : i32
          %sub3A = arith.constant 1 : i32
          %sub3A_104 = arith.subi %sub3A, %rem3A_72 : i32
          %dma_start3A_105 = arith.constant 1 : i32
          %dma_start3A_106 = arith.constant 0 : i32
          %dma_start3A_107 = arith.constant 0 : i32
          %dma_start3A_108 = tpu.memref_slice %arg8[%sub3A_104, %dma_start3A_106, %dma_start3A_107] : memref<2x128x128xf32, #tpu.memory_space<vmem>> -> memref<1x128x128xf32, #tpu.memory_space<vmem>>
          %dma_start3A_109 = tpu.memref_squeeze %dma_start3A_108 : memref<1x128x128xf32, #tpu.memory_space<vmem>> -> memref<128x128xf32, #tpu.memory_space<vmem>>
          %dma_start3A_110 = arith.constant 0 : i32
          %dma_start3A_111 = tpu.memref_slice %arg6[%add3A_103, %dma_start3A_110] : memref<40x128xi32, #tpu.memory_space<vmem>> -> memref<1x128xi32, #tpu.memory_space<vmem>>
          %dma_start3A_112 = tpu.memref_squeeze %dma_start3A_111 : memref<1x128xi32, #tpu.memory_space<vmem>> -> memref<128xi32, #tpu.memory_space<vmem>>
          %dma_start3A_113 = arith.constant 0 : i32
          %dma_start3A_114 = arith.constant 0 : i32
          %dma_start3A_115 = tpu.memref_slice %arg4[%dma_start3A_105, %dma_start3A_113, %dma_start3A_114] : memref<2x10000x128xf32, #tpu.memory_space<hbm>> -> memref<1x10000x128xf32, #tpu.memory_space<hbm>>
          %dma_start3A_116 = tpu.memref_squeeze %dma_start3A_115 : memref<1x10000x128xf32, #tpu.memory_space<hbm>> -> memref<10000x128xf32, #tpu.memory_space<hbm>>
          %dma_start3A_117 = arith.constant 0 : i32
          %dma_start3A_118 = arith.constant 0 : i32
          %dma_start3A_119 = tpu.memref_slice %dma_start3A_116[%dma_start3A_117, %dma_start3A_118] : memref<10000x128xf32, #tpu.memory_space<hbm>> -> memref<10000x128xf32, #tpu.memory_space<hbm>>
          tpu.enqueue_indirect_dma source(%dma_start3A_119 : memref<10000x128xf32, #tpu.memory_space<hbm>>) target(%dma_start3A_109 : memref<128x128xf32, #tpu.memory_space<vmem>>) offsets(%dma_start3A_112 : memref<128xi32, #tpu.memory_space<vmem>>) semaphore(%arg10 : memref<!tpu.dma_semaphore, #tpu.memory_space<semaphore_mem>>)
        } else {
        }
        "tpu.region"() ({
          %run_scoped3A_102 = tpu.sem_alloc : memref<!tpu.dma_semaphore, #tpu.memory_space<semaphore_mem>>
          %dma_start3A_103 = arith.constant 0 : i32
          %dma_start3A_104 = arith.constant 0 : i32
          %dma_start3A_105 = tpu.memref_slice %arg8[%rem3A_72, %dma_start3A_103, %dma_start3A_104] : memref<2x128x128xf32, #tpu.memory_space<vmem>> -> memref<1x128x128xf32, #tpu.memory_space<vmem>>
          %dma_start3A_106 = tpu.memref_squeeze %dma_start3A_105 : memref<1x128x128xf32, #tpu.memory_space<vmem>> -> memref<128x128xf32, #tpu.memory_space<vmem>>
          %dma_start3A_107 = arith.constant 0 : i32
          %dma_start3A_108 = tpu.memref_slice %arg7[%scan3A_71, %dma_start3A_107] : memref<40x128xi32, #tpu.memory_space<vmem>> -> memref<1x128xi32, #tpu.memory_space<vmem>>
          %dma_start3A_109 = tpu.memref_squeeze %dma_start3A_108 : memref<1x128xi32, #tpu.memory_space<vmem>> -> memref<128xi32, #tpu.memory_space<vmem>>
          %dma_start3A_110 = arith.constant 0 : i32
          %dma_start3A_111 = arith.constant 0 : i32
          %dma_start3A_112 = tpu.memref_slice %arg9[%dma_start3A_110, %dma_start3A_111] : memref<10112x128xf32, #tpu.memory_space<vmem_shared>> -> memref<10112x128xf32, #tpu.memory_space<vmem_shared>>
          tpu.enqueue_indirect_dma source(%dma_start3A_106 : memref<128x128xf32, #tpu.memory_space<vmem>>) target(%dma_start3A_112 : memref<10112x128xf32, #tpu.memory_space<vmem_shared>>) offsets(%dma_start3A_109 : memref<128xi32, #tpu.memory_space<vmem>>) semaphore(%run_scoped3A_102 : memref<!tpu.dma_semaphore, #tpu.memory_space<semaphore_mem>>) {add = true}
          %dma_wait3A_113 = arith.constant 0 : i32
          %dma_wait3A_114 = arith.constant 0 : i32
          %dma_wait3A_115 = tpu.memref_slice %arg8[%rem3A_72, %dma_wait3A_113, %dma_wait3A_114] : memref<2x128x128xf32, #tpu.memory_space<vmem>> -> memref<1x128x128xf32, #tpu.memory_space<vmem>>
          %dma_wait3A_116 = tpu.memref_squeeze %dma_wait3A_115 : memref<1x128x128xf32, #tpu.memory_space<vmem>> -> memref<128x128xf32, #tpu.memory_space<vmem>>
          %dma_wait3A_117 = arith.constant 0 : i32
          %dma_wait3A_118 = tpu.memref_slice %arg7[%scan3A_71, %dma_wait3A_117] : memref<40x128xi32, #tpu.memory_space<vmem>> -> memref<1x128xi32, #tpu.memory_space<vmem>>
          %dma_wait3A_119 = tpu.memref_squeeze %dma_wait3A_118 : memref<1x128xi32, #tpu.memory_space<vmem>> -> memref<128xi32, #tpu.memory_space<vmem>>
          %dma_wait3A_120 = arith.constant 0 : i32
          %dma_wait3A_121 = arith.constant 0 : i32
          %dma_wait3A_122 = tpu.memref_slice %arg9[%dma_wait3A_120, %dma_wait3A_121] : memref<10112x128xf32, #tpu.memory_space<vmem_shared>> -> memref<10112x128xf32, #tpu.memory_space<vmem_shared>>
          tpu.wait_indirect_dma semaphore(%run_scoped3A_102 : memref<!tpu.dma_semaphore, #tpu.memory_space<semaphore_mem>>) src(%dma_wait3A_116 : memref<128x128xf32, #tpu.memory_space<vmem>>) dst(%dma_wait3A_122 : memref<10112x128xf32, #tpu.memory_space<vmem_shared>>)
          tpu.yield
        }) : () -> ()
      }
      %scan3A_65 = arith.constant 40 : i32
      %barrier3A_66 = arith.constant 0 : index
      tpu.barrier barrier_id(%barrier3A_66)
      %mul3A_67 = arith.constant 632 : i32
      %mul3A_68 = arith.muli %arg1, %mul3A_67 : i32
      %mul3A_69 = arith.constant 632 : i32
      %mul3A_70 = arith.muli %arg1, %mul3A_69 : i32
      %run_scoped3A = arith.constant 1 : i32
      "tpu.region"() ({
        %run_scoped3A_71 = tpu.sem_alloc : memref<!tpu.dma_semaphore, #tpu.memory_space<semaphore_mem>>
        %dma_start3A_72 = arith.constant 0 : i32
        %dma_start3A_73 = arith.constant 0 : i32
        %dma_start3A_74 = tpu.memref_slice %arg5[%run_scoped3A, %dma_start3A_72, %dma_start3A_73] : memref<2x10112x128xf32, #tpu.memory_space<hbm>> -> memref<1x10112x128xf32, #tpu.memory_space<hbm>>
        %dma_start3A_75 = tpu.memref_squeeze %dma_start3A_74 : memref<1x10112x128xf32, #tpu.memory_space<hbm>> -> memref<10112x128xf32, #tpu.memory_space<hbm>>
        %dma_start3A_76 = arith.constant 0 : i32
        %dma_start3A_77 = tpu.memref_slice %dma_start3A_75[%mul3A_70, %dma_start3A_76] : memref<10112x128xf32, #tpu.memory_space<hbm>> -> memref<632x128xf32, #tpu.memory_space<hbm>>
        %dma_start3A_78 = arith.constant 0 : i32
        %dma_start3A_79 = tpu.memref_slice %arg9[%mul3A_68, %dma_start3A_78] : memref<10112x128xf32, #tpu.memory_space<vmem_shared>> -> memref<632x128xf32, #tpu.memory_space<vmem_shared>>
        tpu.enqueue_dma source(%dma_start3A_79 : memref<632x128xf32, #tpu.memory_space<vmem_shared>>) target(%dma_start3A_77 : memref<632x128xf32, #tpu.memory_space<hbm>>) target_semaphore(%run_scoped3A_71 : memref<!tpu.dma_semaphore, #tpu.memory_space<semaphore_mem>>)
        %dma_wait3A = arith.constant 0 : i32
        %dma_wait3A_80 = arith.constant 0 : i32
        %dma_wait3A_81 = tpu.memref_slice %arg5[%run_scoped3A, %dma_wait3A, %dma_wait3A_80] : memref<2x10112x128xf32, #tpu.memory_space<hbm>> -> memref<1x10112x128xf32, #tpu.memory_space<hbm>>
        %dma_wait3A_82 = tpu.memref_squeeze %dma_wait3A_81 : memref<1x10112x128xf32, #tpu.memory_space<hbm>> -> memref<10112x128xf32, #tpu.memory_space<hbm>>
        %dma_wait3A_83 = arith.constant 0 : i32
        %dma_wait3A_84 = tpu.memref_slice %dma_wait3A_82[%mul3A_70, %dma_wait3A_83] : memref<10112x128xf32, #tpu.memory_space<hbm>> -> memref<632x128xf32, #tpu.memory_space<hbm>>
        %dma_wait3A_85 = arith.constant 0 : i32
        %dma_wait3A_86 = tpu.memref_slice %arg9[%mul3A_68, %dma_wait3A_85] : memref<10112x128xf32, #tpu.memory_space<vmem_shared>> -> memref<632x128xf32, #tpu.memory_space<vmem_shared>>
        tpu.wait_dma2 semaphore(%run_scoped3A_71 : memref<!tpu.dma_semaphore, #tpu.memory_space<semaphore_mem>>) src(%dma_wait3A_86 : memref<632x128xf32, #tpu.memory_space<vmem_shared>>) dst(%dma_wait3A_84 : memref<632x128xf32, #tpu.memory_space<hbm>>)
        tpu.yield
      }) : () -> ()
    } else {
    }
    return
  }
}

#map = affine_map<(d0, d1) -> (0)>
module attributes {stable_mosaic.version = 14 : i64} {
  func.func @_deg_sc(%arg0: i32, %arg1: i32, %arg2: memref<163840xi32, #tpu.memory_space<hbm>>, %arg3: memref<10240xf32, #tpu.memory_space<hbm>>, %arg4: memref<20480xf32, #tpu.memory_space<hbm>>, %arg5: memref<5120xi32, #tpu.memory_space<vmem>>, %arg6: memref<5120xf32, #tpu.memory_space<vmem>>, %arg7: memref<10240xf32, #tpu.memory_space<vmem_shared>>) attributes {dimension_semantics = [#tpu.dimension_semantics<core_parallel>, #tpu.dimension_semantics<subcore_parallel>], iteration_bounds = array<i64: 2, 16>, scalar_prefetch = 0 : i64, scratch_operands = 3 : i64, tpu.core_type = #tpu.core_type<sc_vector_subcore>, window_params = [{transform_indices = #map}, {transform_indices = #map}, {transform_indices = #map}]} {
    %scan3A = arith.constant 0 : i32
    %scan3A_0 = arith.constant 0 : i32
    %scan3A_1 = arith.constant 320 : i32
    %scan3A_2 = arith.addi %scan3A_0, %scan3A_1 : i32
    %scan3A_3 = arith.constant 1 : i32
    scf.for %scan3A_20 = %scan3A_0 to %scan3A_2 step %scan3A_3  : i32 {
      %broadcast_in_dim3A = arith.constant 1.000000e+00 : f32
      %broadcast_in_dim3A_21 = vector.broadcast %broadcast_in_dim3A : f32 to vector<16xf32>
      %mul3A_22 = arith.constant 16 : i32
      %mul3A_23 = arith.muli %scan3A_20, %mul3A_22 : i32
      %swap3A = arith.index_cast %mul3A_23 : i32 to index
      %swap3A_24 = tpu.vector_load %arg6[%swap3A] {strides = array<i32>} : memref<5120xf32, #tpu.memory_space<vmem>>, vector<16xf32>,
      %swap3A_25 = vector.shape_cast %swap3A_24 : vector<16xf32> to vector<16xf32>
      %swap3A_26 = vector.shape_cast %broadcast_in_dim3A_21 : vector<16xf32> to vector<16xf32>
      tpu.vector_store %arg6[%swap3A], %swap3A_26 {strides = array<i32>} : memref<5120xf32, #tpu.memory_space<vmem>>, vector<16xf32>,
    }
    %scan3A_4 = arith.constant 320 : i32
    %mul3A = arith.constant 640 : i32
    %mul3A_5 = arith.muli %arg1, %mul3A : i32
    %mul3A_6 = arith.constant 640 : i32
    %mul3A_7 = arith.muli %arg1, %mul3A_6 : i32
    "tpu.region"() ({
      %run_scoped3A = tpu.sem_alloc : memref<!tpu.dma_semaphore, #tpu.memory_space<semaphore_mem>>
      %dma_start3A = tpu.memref_slice %arg7[%mul3A_7] : memref<10240xf32, #tpu.memory_space<vmem_shared>> -> memref<640xf32, #tpu.memory_space<vmem_shared>>
      %dma_start3A_20 = tpu.memref_slice %arg3[%mul3A_5] : memref<10240xf32, #tpu.memory_space<hbm>> -> memref<640xf32, #tpu.memory_space<hbm>>
      tpu.enqueue_dma source(%dma_start3A_20 : memref<640xf32, #tpu.memory_space<hbm>>) target(%dma_start3A : memref<640xf32, #tpu.memory_space<vmem_shared>>) target_semaphore(%run_scoped3A : memref<!tpu.dma_semaphore, #tpu.memory_space<semaphore_mem>>)
      %dma_wait3A = tpu.memref_slice %arg7[%mul3A_7] : memref<10240xf32, #tpu.memory_space<vmem_shared>> -> memref<640xf32, #tpu.memory_space<vmem_shared>>
      %dma_wait3A_21 = tpu.memref_slice %arg3[%mul3A_5] : memref<10240xf32, #tpu.memory_space<hbm>> -> memref<640xf32, #tpu.memory_space<hbm>>
      tpu.wait_dma2 semaphore(%run_scoped3A : memref<!tpu.dma_semaphore, #tpu.memory_space<semaphore_mem>>) src(%dma_wait3A_21 : memref<640xf32, #tpu.memory_space<hbm>>) dst(%dma_wait3A : memref<640xf32, #tpu.memory_space<vmem_shared>>)
      tpu.yield
    }) : () -> ()
    %barrier3A = arith.constant 0 : index
    tpu.barrier barrier_id(%barrier3A)
    %mul3A_8 = arith.constant 2 : i32
    %mul3A_9 = arith.muli %arg1, %mul3A_8 : i32
    %add3A = arith.addi %mul3A_9, %arg0 : i32
    %mul3A_10 = arith.constant 5120 : i32
    %mul3A_11 = arith.muli %add3A, %mul3A_10 : i32
    "tpu.region"() ({
      %run_scoped3A = tpu.sem_alloc : memref<!tpu.dma_semaphore, #tpu.memory_space<semaphore_mem>>
      %dma_start3A = tpu.memref_slice %arg2[%mul3A_11] : memref<163840xi32, #tpu.memory_space<hbm>> -> memref<5120xi32, #tpu.memory_space<hbm>>
      %dma_start3A_20 = tpu.memref_slice %arg2[%mul3A_11] : memref<163840xi32, #tpu.memory_space<hbm>> -> memref<5120xi32, #tpu.memory_space<hbm>>
      tpu.enqueue_dma source(%dma_start3A_20 : memref<5120xi32, #tpu.memory_space<hbm>>) target(%arg5 : memref<5120xi32, #tpu.memory_space<vmem>>) target_semaphore(%run_scoped3A : memref<!tpu.dma_semaphore, #tpu.memory_space<semaphore_mem>>)
      %dma_wait3A = tpu.memref_slice %arg2[%mul3A_11] : memref<163840xi32, #tpu.memory_space<hbm>> -> memref<5120xi32, #tpu.memory_space<hbm>>
      %dma_wait3A_21 = tpu.memref_slice %arg2[%mul3A_11] : memref<163840xi32, #tpu.memory_space<hbm>> -> memref<5120xi32, #tpu.memory_space<hbm>>
      tpu.wait_dma2 semaphore(%run_scoped3A : memref<!tpu.dma_semaphore, #tpu.memory_space<semaphore_mem>>) src(%dma_wait3A_21 : memref<5120xi32, #tpu.memory_space<hbm>>) dst(%arg5 : memref<5120xi32, #tpu.memory_space<vmem>>)
      tpu.yield
    }) : () -> ()
    "tpu.region"() ({
      %run_scoped3A = tpu.sem_alloc : memref<!tpu.dma_semaphore, #tpu.memory_space<semaphore_mem>>
      %dma_start3A = arith.constant 0 : i32
      %dma_start3A_20 = tpu.memref_slice %arg7[%dma_start3A] : memref<10240xf32, #tpu.memory_space<vmem_shared>> -> memref<10240xf32, #tpu.memory_space<vmem_shared>>
      tpu.enqueue_indirect_dma source(%arg6 : memref<5120xf32, #tpu.memory_space<vmem>>) target(%dma_start3A_20 : memref<10240xf32, #tpu.memory_space<vmem_shared>>) offsets(%arg5 : memref<5120xi32, #tpu.memory_space<vmem>>) semaphore(%run_scoped3A : memref<!tpu.dma_semaphore, #tpu.memory_space<semaphore_mem>>) {add = true}
      %dma_wait3A = arith.constant 0 : i32
      %dma_wait3A_21 = tpu.memref_slice %arg7[%dma_wait3A] : memref<10240xf32, #tpu.memory_space<vmem_shared>> -> memref<10240xf32, #tpu.memory_space<vmem_shared>>
      tpu.wait_indirect_dma semaphore(%run_scoped3A : memref<!tpu.dma_semaphore, #tpu.memory_space<semaphore_mem>>) src(%arg6 : memref<5120xf32, #tpu.memory_space<vmem>>) dst(%dma_wait3A_21 : memref<10240xf32, #tpu.memory_space<vmem_shared>>)
      tpu.yield
    }) : () -> ()
    %barrier3A_12 = arith.constant 0 : index
    tpu.barrier barrier_id(%barrier3A_12)
    %mul3A_13 = arith.constant 640 : i32
    %mul3A_14 = arith.muli %arg1, %mul3A_13 : i32
    %mul3A_15 = arith.constant 10240 : i32
    %mul3A_16 = arith.muli %arg0, %mul3A_15 : i32
    %mul3A_17 = arith.constant 640 : i32
    %mul3A_18 = arith.muli %arg1, %mul3A_17 : i32
    %add3A_19 = arith.addi %mul3A_16, %mul3A_18 : i32
    "tpu.region"() ({
      %run_scoped3A = tpu.sem_alloc : memref<!tpu.dma_semaphore, #tpu.memory_space<semaphore_mem>>
      %dma_start3A = tpu.memref_slice %arg4[%add3A_19] : memref<20480xf32, #tpu.memory_space<hbm>> -> memref<640xf32, #tpu.memory_space<hbm>>
      %dma_start3A_20 = tpu.memref_slice %arg7[%mul3A_14] : memref<10240xf32, #tpu.memory_space<vmem_shared>> -> memref<640xf32, #tpu.memory_space<vmem_shared>>
      tpu.enqueue_dma source(%dma_start3A_20 : memref<640xf32, #tpu.memory_space<vmem_shared>>) target(%dma_start3A : memref<640xf32, #tpu.memory_space<hbm>>) target_semaphore(%run_scoped3A : memref<!tpu.dma_semaphore, #tpu.memory_space<semaphore_mem>>)
      %dma_wait3A = tpu.memref_slice %arg4[%add3A_19] : memref<20480xf32, #tpu.memory_space<hbm>> -> memref<640xf32, #tpu.memory_space<hbm>>
      %dma_wait3A_21 = tpu.memref_slice %arg7[%mul3A_14] : memref<10240xf32, #tpu.memory_space<vmem_shared>> -> memref<640xf32, #tpu.memory_space<vmem_shared>>
      tpu.wait_dma2 semaphore(%run_scoped3A : memref<!tpu.dma_semaphore, #tpu.memory_space<semaphore_mem>>) src(%dma_wait3A_21 : memref<640xf32, #tpu.memory_space<vmem_shared>>) dst(%dma_wait3A : memref<640xf32, #tpu.memory_space<hbm>>)
      tpu.yield
    }) : () -> ()
    return
  }
}

#map = affine_map<(d0, d1) -> (0, 0)>
#map1 = affine_map<(d0, d1) -> (0, 0, 0)>
module attributes {stable_mosaic.version = 14 : i64} {
  func.func @agg(%arg0: i32, %arg1: i32, %arg2: memref<1280x128xi32, #tpu.memory_space<hbm>>, %arg3: memref<1280x128xi32, #tpu.memory_space<hbm>>, %arg4: memref<4x10000x128xf32, #tpu.memory_space<hbm>>, %arg5: memref<4x10112x128xf32, #tpu.memory_space<hbm>>, %arg6: memref<40x128xi32, #tpu.memory_space<vmem>>, %arg7: memref<40x128xi32, #tpu.memory_space<vmem>>, %arg8: memref<2x128x128xf32, #tpu.memory_space<vmem>>, %arg9: memref<10112x128xf32, #tpu.memory_space<vmem_shared>>, %arg10: memref<!tpu.dma_semaphore, #tpu.memory_space<semaphore_mem>>) attributes {dimension_semantics = [#tpu.dimension_semantics<core_parallel>, #tpu.dimension_semantics<subcore_parallel>], iteration_bounds = array<i64: 2, 16>, scalar_prefetch = 0 : i64, scratch_operands = 5 : i64, tpu.core_type = #tpu.core_type<sc_vector_subcore>, window_params = [{transform_indices = #map}, {transform_indices = #map}, {transform_indices = #map1}, {transform_indices = #map1}]} {
    %eq3A = arith.constant 0 : i32
    %eq3A_0 = arith.cmpi eq, %arg0, %eq3A : i32
    %convert_element_type3A = arith.extui %eq3A_0 : i1 to i32
    %cond3A = arith.constant 0 : i32
    %cond3A_1 = arith.cmpi ne, %convert_element_type3A, %cond3A : i32
    scf.if %cond3A_1 {
      %lt3A = arith.constant 15 : i32
      %lt3A_17 = arith.cmpi slt, %arg1, %lt3A : i32
      %convert_element_type3A_18 = arith.extui %lt3A_17 : i1 to i32
      %cond3A_19 = arith.constant 0 : i32
      %cond3A_20 = arith.cmpi ne, %convert_element_type3A_18, %cond3A_19 : i32
      scf.if %cond3A_20 {
        %mul3A_81 = arith.constant 632 : i32
        %mul3A_82 = arith.muli %arg1, %mul3A_81 : i32
        %mul3A_83 = arith.constant 632 : i32
        %mul3A_84 = arith.muli %arg1, %mul3A_83 : i32
        %run_scoped3A_85 = arith.constant 0 : i32
        "tpu.region"() ({
          %run_scoped3A_86 = tpu.sem_alloc : memref<!tpu.dma_semaphore, #tpu.memory_space<semaphore_mem>>
          %dma_start3A_87 = arith.constant 0 : i32
          %dma_start3A_88 = tpu.memref_slice %arg9[%mul3A_84, %dma_start3A_87] : memref<10112x128xf32, #tpu.memory_space<vmem_shared>> -> memref<632x128xf32, #tpu.memory_space<vmem_shared>>
          %dma_start3A_89 = arith.constant 0 : i32
          %dma_start3A_90 = arith.constant 0 : i32
          %dma_start3A_91 = tpu.memref_slice %arg4[%run_scoped3A_85, %dma_start3A_89, %dma_start3A_90] : memref<4x10000x128xf32, #tpu.memory_space<hbm>> -> memref<1x10000x128xf32, #tpu.memory_space<hbm>>
          %dma_start3A_92 = tpu.memref_squeeze %dma_start3A_91 : memref<1x10000x128xf32, #tpu.memory_space<hbm>> -> memref<10000x128xf32, #tpu.memory_space<hbm>>
          %dma_start3A_93 = arith.constant 0 : i32
          %dma_start3A_94 = tpu.memref_slice %dma_start3A_92[%mul3A_82, %dma_start3A_93] : memref<10000x128xf32, #tpu.memory_space<hbm>> -> memref<632x128xf32, #tpu.memory_space<hbm>>
          tpu.enqueue_dma source(%dma_start3A_94 : memref<632x128xf32, #tpu.memory_space<hbm>>) target(%dma_start3A_88 : memref<632x128xf32, #tpu.memory_space<vmem_shared>>) target_semaphore(%run_scoped3A_86 : memref<!tpu.dma_semaphore, #tpu.memory_space<semaphore_mem>>)
          %dma_wait3A = arith.constant 0 : i32
          %dma_wait3A_95 = tpu.memref_slice %arg9[%mul3A_84, %dma_wait3A] : memref<10112x128xf32, #tpu.memory_space<vmem_shared>> -> memref<632x128xf32, #tpu.memory_space<vmem_shared>>
          %dma_wait3A_96 = arith.constant 0 : i32
          %dma_wait3A_97 = arith.constant 0 : i32
          %dma_wait3A_98 = tpu.memref_slice %arg4[%run_scoped3A_85, %dma_wait3A_96, %dma_wait3A_97] : memref<4x10000x128xf32, #tpu.memory_space<hbm>> -> memref<1x10000x128xf32, #tpu.memory_space<hbm>>
          %dma_wait3A_99 = tpu.memref_squeeze %dma_wait3A_98 : memref<1x10000x128xf32, #tpu.memory_space<hbm>> -> memref<10000x128xf32, #tpu.memory_space<hbm>>
          %dma_wait3A_100 = arith.constant 0 : i32
          %dma_wait3A_101 = tpu.memref_slice %dma_wait3A_99[%mul3A_82, %dma_wait3A_100] : memref<10000x128xf32, #tpu.memory_space<hbm>> -> memref<632x128xf32, #tpu.memory_space<hbm>>
          tpu.wait_dma2 semaphore(%run_scoped3A_86 : memref<!tpu.dma_semaphore, #tpu.memory_space<semaphore_mem>>) src(%dma_wait3A_101 : memref<632x128xf32, #tpu.memory_space<hbm>>) dst(%dma_wait3A_95 : memref<632x128xf32, #tpu.memory_space<vmem_shared>>)
          tpu.yield
        }) : () -> ()
      } else {
      }
      %eq3A_21 = arith.constant 15 : i32
      %eq3A_22 = arith.cmpi eq, %arg1, %eq3A_21 : i32
      %convert_element_type3A_23 = arith.extui %eq3A_22 : i1 to i32
      %cond3A_24 = arith.constant 0 : i32
      %cond3A_25 = arith.cmpi ne, %convert_element_type3A_23, %cond3A_24 : i32
      scf.if %cond3A_25 {
        %run_scoped3A_81 = arith.constant 0 : i32
        "tpu.region"() ({
          %run_scoped3A_82 = tpu.sem_alloc : memref<!tpu.dma_semaphore, #tpu.memory_space<semaphore_mem>>
          %dma_start3A_83 = arith.constant 9480 : i32
          %dma_start3A_84 = arith.constant 0 : i32
          %dma_start3A_85 = tpu.memref_slice %arg9[%dma_start3A_83, %dma_start3A_84] : memref<10112x128xf32, #tpu.memory_space<vmem_shared>> -> memref<520x128xf32, #tpu.memory_space<vmem_shared>>
          %dma_start3A_86 = arith.constant 0 : i32
          %dma_start3A_87 = arith.constant 0 : i32
          %dma_start3A_88 = tpu.memref_slice %arg4[%run_scoped3A_81, %dma_start3A_86, %dma_start3A_87] : memref<4x10000x128xf32, #tpu.memory_space<hbm>> -> memref<1x10000x128xf32, #tpu.memory_space<hbm>>
          %dma_start3A_89 = tpu.memref_squeeze %dma_start3A_88 : memref<1x10000x128xf32, #tpu.memory_space<hbm>> -> memref<10000x128xf32, #tpu.memory_space<hbm>>
          %dma_start3A_90 = arith.constant 9480 : i32
          %dma_start3A_91 = arith.constant 0 : i32
          %dma_start3A_92 = tpu.memref_slice %dma_start3A_89[%dma_start3A_90, %dma_start3A_91] : memref<10000x128xf32, #tpu.memory_space<hbm>> -> memref<520x128xf32, #tpu.memory_space<hbm>>
          tpu.enqueue_dma source(%dma_start3A_92 : memref<520x128xf32, #tpu.memory_space<hbm>>) target(%dma_start3A_85 : memref<520x128xf32, #tpu.memory_space<vmem_shared>>) target_semaphore(%run_scoped3A_82 : memref<!tpu.dma_semaphore, #tpu.memory_space<semaphore_mem>>)
          %dma_wait3A = arith.constant 9480 : i32
          %dma_wait3A_93 = arith.constant 0 : i32
          %dma_wait3A_94 = tpu.memref_slice %arg9[%dma_wait3A, %dma_wait3A_93] : memref<10112x128xf32, #tpu.memory_space<vmem_shared>> -> memref<520x128xf32, #tpu.memory_space<vmem_shared>>
          %dma_wait3A_95 = arith.constant 0 : i32
          %dma_wait3A_96 = arith.constant 0 : i32
          %dma_wait3A_97 = tpu.memref_slice %arg4[%run_scoped3A_81, %dma_wait3A_95, %dma_wait3A_96] : memref<4x10000x128xf32, #tpu.memory_space<hbm>> -> memref<1x10000x128xf32, #tpu.memory_space<hbm>>
          %dma_wait3A_98 = tpu.memref_squeeze %dma_wait3A_97 : memref<1x10000x128xf32, #tpu.memory_space<hbm>> -> memref<10000x128xf32, #tpu.memory_space<hbm>>
          %dma_wait3A_99 = arith.constant 9480 : i32
          %dma_wait3A_100 = arith.constant 0 : i32
          %dma_wait3A_101 = tpu.memref_slice %dma_wait3A_98[%dma_wait3A_99, %dma_wait3A_100] : memref<10000x128xf32, #tpu.memory_space<hbm>> -> memref<520x128xf32, #tpu.memory_space<hbm>>
          tpu.wait_dma2 semaphore(%run_scoped3A_82 : memref<!tpu.dma_semaphore, #tpu.memory_space<semaphore_mem>>) src(%dma_wait3A_101 : memref<520x128xf32, #tpu.memory_space<hbm>>) dst(%dma_wait3A_94 : memref<520x128xf32, #tpu.memory_space<vmem_shared>>)
          tpu.yield
        }) : () -> ()
      } else {
      }
      %barrier3A = arith.constant 0 : index
      tpu.barrier barrier_id(%barrier3A)
      %mul3A = arith.constant 80 : i32
      %mul3A_26 = arith.muli %arg1, %mul3A : i32
      %add3A = arith.constant 0 : i32
      %add3A_27 = arith.addi %mul3A_26, %add3A : i32
      "tpu.region"() ({
        %run_scoped3A_81 = tpu.sem_alloc : memref<!tpu.dma_semaphore, #tpu.memory_space<semaphore_mem>>
        %dma_start3A_82 = arith.constant 0 : i32
        %dma_start3A_83 = tpu.memref_slice %arg2[%add3A_27, %dma_start3A_82] : memref<1280x128xi32, #tpu.memory_space<hbm>> -> memref<40x128xi32, #tpu.memory_space<hbm>>
        %dma_start3A_84 = arith.constant 0 : i32
        %dma_start3A_85 = tpu.memref_slice %arg2[%add3A_27, %dma_start3A_84] : memref<1280x128xi32, #tpu.memory_space<hbm>> -> memref<40x128xi32, #tpu.memory_space<hbm>>
        tpu.enqueue_dma source(%dma_start3A_85 : memref<40x128xi32, #tpu.memory_space<hbm>>) target(%arg6 : memref<40x128xi32, #tpu.memory_space<vmem>>) target_semaphore(%run_scoped3A_81 : memref<!tpu.dma_semaphore, #tpu.memory_space<semaphore_mem>>)
        %dma_wait3A = arith.constant 0 : i32
        %dma_wait3A_86 = tpu.memref_slice %arg2[%add3A_27, %dma_wait3A] : memref<1280x128xi32, #tpu.memory_space<hbm>> -> memref<40x128xi32, #tpu.memory_space<hbm>>
        %dma_wait3A_87 = arith.constant 0 : i32
        %dma_wait3A_88 = tpu.memref_slice %arg2[%add3A_27, %dma_wait3A_87] : memref<1280x128xi32, #tpu.memory_space<hbm>> -> memref<40x128xi32, #tpu.memory_space<hbm>>
        tpu.wait_dma2 semaphore(%run_scoped3A_81 : memref<!tpu.dma_semaphore, #tpu.memory_space<semaphore_mem>>) src(%dma_wait3A_88 : memref<40x128xi32, #tpu.memory_space<hbm>>) dst(%arg6 : memref<40x128xi32, #tpu.memory_space<vmem>>)
        tpu.yield
      }) : () -> ()
      "tpu.region"() ({
        %run_scoped3A_81 = tpu.sem_alloc : memref<!tpu.dma_semaphore, #tpu.memory_space<semaphore_mem>>
        %dma_start3A_82 = arith.constant 0 : i32
        %dma_start3A_83 = tpu.memref_slice %arg3[%add3A_27, %dma_start3A_82] : memref<1280x128xi32, #tpu.memory_space<hbm>> -> memref<40x128xi32, #tpu.memory_space<hbm>>
        %dma_start3A_84 = arith.constant 0 : i32
        %dma_start3A_85 = tpu.memref_slice %arg3[%add3A_27, %dma_start3A_84] : memref<1280x128xi32, #tpu.memory_space<hbm>> -> memref<40x128xi32, #tpu.memory_space<hbm>>
        tpu.enqueue_dma source(%dma_start3A_85 : memref<40x128xi32, #tpu.memory_space<hbm>>) target(%arg7 : memref<40x128xi32, #tpu.memory_space<vmem>>) target_semaphore(%run_scoped3A_81 : memref<!tpu.dma_semaphore, #tpu.memory_space<semaphore_mem>>)
        %dma_wait3A = arith.constant 0 : i32
        %dma_wait3A_86 = tpu.memref_slice %arg3[%add3A_27, %dma_wait3A] : memref<1280x128xi32, #tpu.memory_space<hbm>> -> memref<40x128xi32, #tpu.memory_space<hbm>>
        %dma_wait3A_87 = arith.constant 0 : i32
        %dma_wait3A_88 = tpu.memref_slice %arg3[%add3A_27, %dma_wait3A_87] : memref<1280x128xi32, #tpu.memory_space<hbm>> -> memref<40x128xi32, #tpu.memory_space<hbm>>
        tpu.wait_dma2 semaphore(%run_scoped3A_81 : memref<!tpu.dma_semaphore, #tpu.memory_space<semaphore_mem>>) src(%dma_wait3A_88 : memref<40x128xi32, #tpu.memory_space<hbm>>) dst(%arg7 : memref<40x128xi32, #tpu.memory_space<vmem>>)
        tpu.yield
      }) : () -> ()
      %dma_start3A = arith.constant 0 : i32
      %dma_start3A_28 = arith.constant 0 : i32
      %dma_start3A_29 = arith.constant 0 : i32
      %dma_start3A_30 = arith.constant 0 : i32
      %dma_start3A_31 = arith.constant 0 : i32
      %dma_start3A_32 = tpu.memref_slice %arg8[%dma_start3A_29, %dma_start3A_30, %dma_start3A_31] : memref<2x128x128xf32, #tpu.memory_space<vmem>> -> memref<1x128x128xf32, #tpu.memory_space<vmem>>
      %dma_start3A_33 = tpu.memref_squeeze %dma_start3A_32 : memref<1x128x128xf32, #tpu.memory_space<vmem>> -> memref<128x128xf32, #tpu.memory_space<vmem>>
      %dma_start3A_34 = arith.constant 0 : i32
      %dma_start3A_35 = tpu.memref_slice %arg6[%dma_start3A_28, %dma_start3A_34] : memref<40x128xi32, #tpu.memory_space<vmem>> -> memref<1x128xi32, #tpu.memory_space<vmem>>
      %dma_start3A_36 = tpu.memref_squeeze %dma_start3A_35 : memref<1x128xi32, #tpu.memory_space<vmem>> -> memref<128xi32, #tpu.memory_space<vmem>>
      %dma_start3A_37 = arith.constant 0 : i32
      %dma_start3A_38 = arith.constant 0 : i32
      %dma_start3A_39 = tpu.memref_slice %arg4[%dma_start3A, %dma_start3A_37, %dma_start3A_38] : memref<4x10000x128xf32, #tpu.memory_space<hbm>> -> memref<1x10000x128xf32, #tpu.memory_space<hbm>>
      %dma_start3A_40 = tpu.memref_squeeze %dma_start3A_39 : memref<1x10000x128xf32, #tpu.memory_space<hbm>> -> memref<10000x128xf32, #tpu.memory_space<hbm>>
      %dma_start3A_41 = arith.constant 0 : i32
      %dma_start3A_42 = arith.constant 0 : i32
      %dma_start3A_43 = tpu.memref_slice %dma_start3A_40[%dma_start3A_41, %dma_start3A_42] : memref<10000x128xf32, #tpu.memory_space<hbm>> -> memref<10000x128xf32, #tpu.memory_space<hbm>>
      tpu.enqueue_indirect_dma source(%dma_start3A_43 : memref<10000x128xf32, #tpu.memory_space<hbm>>) target(%dma_start3A_33 : memref<128x128xf32, #tpu.memory_space<vmem>>) offsets(%dma_start3A_36 : memref<128xi32, #tpu.memory_space<vmem>>) semaphore(%arg10 : memref<!tpu.dma_semaphore, #tpu.memory_space<semaphore_mem>>)
      %scan3A = arith.constant 0 : i32
      %scan3A_44 = arith.constant 0 : i32
      %scan3A_45 = arith.constant 40 : i32
      %scan3A_46 = arith.addi %scan3A_44, %scan3A_45 : i32
      %scan3A_47 = arith.constant 1 : i32
      scf.for %scan3A_81 = %scan3A_44 to %scan3A_46 step %scan3A_47  : i32 {
        %rem3A = arith.constant 2 : i32
        %rem3A_82 = arith.remsi %scan3A_81, %rem3A : i32
        %dma_wait3A = arith.constant 0 : i32
        %dma_wait3A_83 = arith.constant 0 : i32
        %dma_wait3A_84 = arith.constant 0 : i32
        %dma_wait3A_85 = tpu.memref_slice %arg8[%rem3A_82, %dma_wait3A_83, %dma_wait3A_84] : memref<2x128x128xf32, #tpu.memory_space<vmem>> -> memref<1x128x128xf32, #tpu.memory_space<vmem>>
        %dma_wait3A_86 = tpu.memref_squeeze %dma_wait3A_85 : memref<1x128x128xf32, #tpu.memory_space<vmem>> -> memref<128x128xf32, #tpu.memory_space<vmem>>
        %dma_wait3A_87 = arith.constant 0 : i32
        %dma_wait3A_88 = arith.constant 0 : i32
        %dma_wait3A_89 = tpu.memref_slice %arg4[%dma_wait3A, %dma_wait3A_87, %dma_wait3A_88] : memref<4x10000x128xf32, #tpu.memory_space<hbm>> -> memref<1x10000x128xf32, #tpu.memory_space<hbm>>
        %dma_wait3A_90 = tpu.memref_squeeze %dma_wait3A_89 : memref<1x10000x128xf32, #tpu.memory_space<hbm>> -> memref<10000x128xf32, #tpu.memory_space<hbm>>
        %dma_wait3A_91 = arith.constant 0 : i32
        %dma_wait3A_92 = arith.constant 0 : i32
        %dma_wait3A_93 = tpu.memref_slice %dma_wait3A_90[%dma_wait3A_91, %dma_wait3A_92] : memref<10000x128xf32, #tpu.memory_space<hbm>> -> memref<128x128xf32, #tpu.memory_space<hbm>>
        %dma_wait3A_94 = arith.constant 0 : i32
        %dma_wait3A_95 = arith.constant 0 : i32
        %dma_wait3A_96 = tpu.memref_slice %arg8[%rem3A_82, %dma_wait3A_94, %dma_wait3A_95] : memref<2x128x128xf32, #tpu.memory_space<vmem>> -> memref<1x128x128xf32, #tpu.memory_space<vmem>>
        %dma_wait3A_97 = tpu.memref_squeeze %dma_wait3A_96 : memref<1x128x128xf32, #tpu.memory_space<vmem>> -> memref<128x128xf32, #tpu.memory_space<vmem>>
        %dma_wait3A_98 = arith.constant 0 : i32
        %dma_wait3A_99 = arith.constant 0 : i32
        %dma_wait3A_100 = tpu.memref_slice %arg4[%dma_wait3A, %dma_wait3A_98, %dma_wait3A_99] : memref<4x10000x128xf32, #tpu.memory_space<hbm>> -> memref<1x10000x128xf32, #tpu.memory_space<hbm>>
        %dma_wait3A_101 = tpu.memref_squeeze %dma_wait3A_100 : memref<1x10000x128xf32, #tpu.memory_space<hbm>> -> memref<10000x128xf32, #tpu.memory_space<hbm>>
        %dma_wait3A_102 = arith.constant 0 : i32
        %dma_wait3A_103 = arith.constant 0 : i32
        %dma_wait3A_104 = tpu.memref_slice %dma_wait3A_101[%dma_wait3A_102, %dma_wait3A_103] : memref<10000x128xf32, #tpu.memory_space<hbm>> -> memref<128x128xf32, #tpu.memory_space<hbm>>
        tpu.wait_dma2 semaphore(%arg10 : memref<!tpu.dma_semaphore, #tpu.memory_space<semaphore_mem>>) src(%dma_wait3A_104 : memref<128x128xf32, #tpu.memory_space<hbm>>) dst(%dma_wait3A_97 : memref<128x128xf32, #tpu.memory_space<vmem>>)
        %add3A_105 = arith.constant 1 : i32
        %add3A_106 = arith.addi %scan3A_81, %add3A_105 : i32
        %lt3A_107 = arith.constant 40 : i32
        %lt3A_108 = arith.cmpi slt, %add3A_106, %lt3A_107 : i32
        %convert_element_type3A_109 = arith.extui %lt3A_108 : i1 to i32
        %cond3A_110 = arith.constant 0 : i32
        %cond3A_111 = arith.cmpi ne, %convert_element_type3A_109, %cond3A_110 : i32
        scf.if %cond3A_111 {
          %add3A_112 = arith.constant 1 : i32
          %add3A_113 = arith.addi %scan3A_81, %add3A_112 : i32
          %sub3A = arith.constant 1 : i32
          %sub3A_114 = arith.subi %sub3A, %rem3A_82 : i32
          %dma_start3A_115 = arith.constant 0 : i32
          %dma_start3A_116 = arith.constant 0 : i32
          %dma_start3A_117 = arith.constant 0 : i32
          %dma_start3A_118 = tpu.memref_slice %arg8[%sub3A_114, %dma_start3A_116, %dma_start3A_117] : memref<2x128x128xf32, #tpu.memory_space<vmem>> -> memref<1x128x128xf32, #tpu.memory_space<vmem>>
          %dma_start3A_119 = tpu.memref_squeeze %dma_start3A_118 : memref<1x128x128xf32, #tpu.memory_space<vmem>> -> memref<128x128xf32, #tpu.memory_space<vmem>>
          %dma_start3A_120 = arith.constant 0 : i32
          %dma_start3A_121 = tpu.memref_slice %arg6[%add3A_113, %dma_start3A_120] : memref<40x128xi32, #tpu.memory_space<vmem>> -> memref<1x128xi32, #tpu.memory_space<vmem>>
          %dma_start3A_122 = tpu.memref_squeeze %dma_start3A_121 : memref<1x128xi32, #tpu.memory_space<vmem>> -> memref<128xi32, #tpu.memory_space<vmem>>
          %dma_start3A_123 = arith.constant 0 : i32
          %dma_start3A_124 = arith.constant 0 : i32
          %dma_start3A_125 = tpu.memref_slice %arg4[%dma_start3A_115, %dma_start3A_123, %dma_start3A_124] : memref<4x10000x128xf32, #tpu.memory_space<hbm>> -> memref<1x10000x128xf32, #tpu.memory_space<hbm>>
          %dma_start3A_126 = tpu.memref_squeeze %dma_start3A_125 : memref<1x10000x128xf32, #tpu.memory_space<hbm>> -> memref<10000x128xf32, #tpu.memory_space<hbm>>
          %dma_start3A_127 = arith.constant 0 : i32
          %dma_start3A_128 = arith.constant 0 : i32
          %dma_start3A_129 = tpu.memref_slice %dma_start3A_126[%dma_start3A_127, %dma_start3A_128] : memref<10000x128xf32, #tpu.memory_space<hbm>> -> memref<10000x128xf32, #tpu.memory_space<hbm>>
          tpu.enqueue_indirect_dma source(%dma_start3A_129 : memref<10000x128xf32, #tpu.memory_space<hbm>>) target(%dma_start3A_119 : memref<128x128xf32, #tpu.memory_space<vmem>>) offsets(%dma_start3A_122 : memref<128xi32, #tpu.memory_space<vmem>>) semaphore(%arg10 : memref<!tpu.dma_semaphore, #tpu.memory_space<semaphore_mem>>)
        } else {
        }
        "tpu.region"() ({
          %run_scoped3A_112 = tpu.sem_alloc : memref<!tpu.dma_semaphore, #tpu.memory_space<semaphore_mem>>
          %dma_start3A_113 = arith.constant 0 : i32
          %dma_start3A_114 = arith.constant 0 : i32
          %dma_start3A_115 = tpu.memref_slice %arg8[%rem3A_82, %dma_start3A_113, %dma_start3A_114] : memref<2x128x128xf32, #tpu.memory_space<vmem>> -> memref<1x128x128xf32, #tpu.memory_space<vmem>>
          %dma_start3A_116 = tpu.memref_squeeze %dma_start3A_115 : memref<1x128x128xf32, #tpu.memory_space<vmem>> -> memref<128x128xf32, #tpu.memory_space<vmem>>
          %dma_start3A_117 = arith.constant 0 : i32
          %dma_start3A_118 = tpu.memref_slice %arg7[%scan3A_81, %dma_start3A_117] : memref<40x128xi32, #tpu.memory_space<vmem>> -> memref<1x128xi32, #tpu.memory_space<vmem>>
          %dma_start3A_119 = tpu.memref_squeeze %dma_start3A_118 : memref<1x128xi32, #tpu.memory_space<vmem>> -> memref<128xi32, #tpu.memory_space<vmem>>
          %dma_start3A_120 = arith.constant 0 : i32
          %dma_start3A_121 = arith.constant 0 : i32
          %dma_start3A_122 = tpu.memref_slice %arg9[%dma_start3A_120, %dma_start3A_121] : memref<10112x128xf32, #tpu.memory_space<vmem_shared>> -> memref<10112x128xf32, #tpu.memory_space<vmem_shared>>
          tpu.enqueue_indirect_dma source(%dma_start3A_116 : memref<128x128xf32, #tpu.memory_space<vmem>>) target(%dma_start3A_122 : memref<10112x128xf32, #tpu.memory_space<vmem_shared>>) offsets(%dma_start3A_119 : memref<128xi32, #tpu.memory_space<vmem>>) semaphore(%run_scoped3A_112 : memref<!tpu.dma_semaphore, #tpu.memory_space<semaphore_mem>>) {add = true}
          %dma_wait3A_123 = arith.constant 0 : i32
          %dma_wait3A_124 = arith.constant 0 : i32
          %dma_wait3A_125 = tpu.memref_slice %arg8[%rem3A_82, %dma_wait3A_123, %dma_wait3A_124] : memref<2x128x128xf32, #tpu.memory_space<vmem>> -> memref<1x128x128xf32, #tpu.memory_space<vmem>>
          %dma_wait3A_126 = tpu.memref_squeeze %dma_wait3A_125 : memref<1x128x128xf32, #tpu.memory_space<vmem>> -> memref<128x128xf32, #tpu.memory_space<vmem>>
          %dma_wait3A_127 = arith.constant 0 : i32
          %dma_wait3A_128 = tpu.memref_slice %arg7[%scan3A_81, %dma_wait3A_127] : memref<40x128xi32, #tpu.memory_space<vmem>> -> memref<1x128xi32, #tpu.memory_space<vmem>>
          %dma_wait3A_129 = tpu.memref_squeeze %dma_wait3A_128 : memref<1x128xi32, #tpu.memory_space<vmem>> -> memref<128xi32, #tpu.memory_space<vmem>>
          %dma_wait3A_130 = arith.constant 0 : i32
          %dma_wait3A_131 = arith.constant 0 : i32
          %dma_wait3A_132 = tpu.memref_slice %arg9[%dma_wait3A_130, %dma_wait3A_131] : memref<10112x128xf32, #tpu.memory_space<vmem_shared>> -> memref<10112x128xf32, #tpu.memory_space<vmem_shared>>
          tpu.wait_indirect_dma semaphore(%run_scoped3A_112 : memref<!tpu.dma_semaphore, #tpu.memory_space<semaphore_mem>>) src(%dma_wait3A_126 : memref<128x128xf32, #tpu.memory_space<vmem>>) dst(%dma_wait3A_132 : memref<10112x128xf32, #tpu.memory_space<vmem_shared>>)
          tpu.yield
        }) : () -> ()
      }
      %scan3A_48 = arith.constant 40 : i32
      %mul3A_49 = arith.constant 80 : i32
      %mul3A_50 = arith.muli %arg1, %mul3A_49 : i32
      %add3A_51 = arith.constant 40 : i32
      %add3A_52 = arith.addi %mul3A_50, %add3A_51 : i32
      "tpu.region"() ({
        %run_scoped3A_81 = tpu.sem_alloc : memref<!tpu.dma_semaphore, #tpu.memory_space<semaphore_mem>>
        %dma_start3A_82 = arith.constant 0 : i32
        %dma_start3A_83 = tpu.memref_slice %arg2[%add3A_52, %dma_start3A_82] : memref<1280x128xi32, #tpu.memory_space<hbm>> -> memref<40x128xi32, #tpu.memory_space<hbm>>
        %dma_start3A_84 = arith.constant 0 : i32
        %dma_start3A_85 = tpu.memref_slice %arg2[%add3A_52, %dma_start3A_84] : memref<1280x128xi32, #tpu.memory_space<hbm>> -> memref<40x128xi32, #tpu.memory_space<hbm>>
        tpu.enqueue_dma source(%dma_start3A_85 : memref<40x128xi32, #tpu.memory_space<hbm>>) target(%arg6 : memref<40x128xi32, #tpu.memory_space<vmem>>) target_semaphore(%run_scoped3A_81 : memref<!tpu.dma_semaphore, #tpu.memory_space<semaphore_mem>>)
        %dma_wait3A = arith.constant 0 : i32
        %dma_wait3A_86 = tpu.memref_slice %arg2[%add3A_52, %dma_wait3A] : memref<1280x128xi32, #tpu.memory_space<hbm>> -> memref<40x128xi32, #tpu.memory_space<hbm>>
        %dma_wait3A_87 = arith.constant 0 : i32
        %dma_wait3A_88 = tpu.memref_slice %arg2[%add3A_52, %dma_wait3A_87] : memref<1280x128xi32, #tpu.memory_space<hbm>> -> memref<40x128xi32, #tpu.memory_space<hbm>>
        tpu.wait_dma2 semaphore(%run_scoped3A_81 : memref<!tpu.dma_semaphore, #tpu.memory_space<semaphore_mem>>) src(%dma_wait3A_88 : memref<40x128xi32, #tpu.memory_space<hbm>>) dst(%arg6 : memref<40x128xi32, #tpu.memory_space<vmem>>)
        tpu.yield
      }) : () -> ()
      "tpu.region"() ({
        %run_scoped3A_81 = tpu.sem_alloc : memref<!tpu.dma_semaphore, #tpu.memory_space<semaphore_mem>>
        %dma_start3A_82 = arith.constant 0 : i32
        %dma_start3A_83 = tpu.memref_slice %arg3[%add3A_52, %dma_start3A_82] : memref<1280x128xi32, #tpu.memory_space<hbm>> -> memref<40x128xi32, #tpu.memory_space<hbm>>
        %dma_start3A_84 = arith.constant 0 : i32
        %dma_start3A_85 = tpu.memref_slice %arg3[%add3A_52, %dma_start3A_84] : memref<1280x128xi32, #tpu.memory_space<hbm>> -> memref<40x128xi32, #tpu.memory_space<hbm>>
        tpu.enqueue_dma source(%dma_start3A_85 : memref<40x128xi32, #tpu.memory_space<hbm>>) target(%arg7 : memref<40x128xi32, #tpu.memory_space<vmem>>) target_semaphore(%run_scoped3A_81 : memref<!tpu.dma_semaphore, #tpu.memory_space<semaphore_mem>>)
        %dma_wait3A = arith.constant 0 : i32
        %dma_wait3A_86 = tpu.memref_slice %arg3[%add3A_52, %dma_wait3A] : memref<1280x128xi32, #tpu.memory_space<hbm>> -> memref<40x128xi32, #tpu.memory_space<hbm>>
        %dma_wait3A_87 = arith.constant 0 : i32
        %dma_wait3A_88 = tpu.memref_slice %arg3[%add3A_52, %dma_wait3A_87] : memref<1280x128xi32, #tpu.memory_space<hbm>> -> memref<40x128xi32, #tpu.memory_space<hbm>>
        tpu.wait_dma2 semaphore(%run_scoped3A_81 : memref<!tpu.dma_semaphore, #tpu.memory_space<semaphore_mem>>) src(%dma_wait3A_88 : memref<40x128xi32, #tpu.memory_space<hbm>>) dst(%arg7 : memref<40x128xi32, #tpu.memory_space<vmem>>)
        tpu.yield
      }) : () -> ()
      %dma_start3A_53 = arith.constant 0 : i32
      %dma_start3A_54 = arith.constant 0 : i32
      %dma_start3A_55 = arith.constant 0 : i32
      %dma_start3A_56 = arith.constant 0 : i32
      %dma_start3A_57 = arith.constant 0 : i32
      %dma_start3A_58 = tpu.memref_slice %arg8[%dma_start3A_55, %dma_start3A_56, %dma_start3A_57] : memref<2x128x128xf32, #tpu.memory_space<vmem>> -> memref<1x128x128xf32, #tpu.memory_space<vmem>>
      %dma_start3A_59 = tpu.memref_squeeze %dma_start3A_58 : memref<1x128x128xf32, #tpu.memory_space<vmem>> -> memref<128x128xf32, #tpu.memory_space<vmem>>
      %dma_start3A_60 = arith.constant 0 : i32
      %dma_start3A_61 = tpu.memref_slice %arg6[%dma_start3A_54, %dma_start3A_60] : memref<40x128xi32, #tpu.memory_space<vmem>> -> memref<1x128xi32, #tpu.memory_space<vmem>>
      %dma_start3A_62 = tpu.memref_squeeze %dma_start3A_61 : memref<1x128xi32, #tpu.memory_space<vmem>> -> memref<128xi32, #tpu.memory_space<vmem>>
      %dma_start3A_63 = arith.constant 0 : i32
      %dma_start3A_64 = arith.constant 0 : i32
      %dma_start3A_65 = tpu.memref_slice %arg4[%dma_start3A_53, %dma_start3A_63, %dma_start3A_64] : memref<4x10000x128xf32, #tpu.memory_space<hbm>> -> memref<1x10000x128xf32, #tpu.memory_space<hbm>>
      %dma_start3A_66 = tpu.memref_squeeze %dma_start3A_65 : memref<1x10000x128xf32, #tpu.memory_space<hbm>> -> memref<10000x128xf32, #tpu.memory_space<hbm>>
      %dma_start3A_67 = arith.constant 0 : i32
      %dma_start3A_68 = arith.constant 0 : i32
      %dma_start3A_69 = tpu.memref_slice %dma_start3A_66[%dma_start3A_67, %dma_start3A_68] : memref<10000x128xf32, #tpu.memory_space<hbm>> -> memref<10000x128xf32, #tpu.memory_space<hbm>>
      tpu.enqueue_indirect_dma source(%dma_start3A_69 : memref<10000x128xf32, #tpu.memory_space<hbm>>) target(%dma_start3A_59 : memref<128x128xf32, #tpu.memory_space<vmem>>) offsets(%dma_start3A_62 : memref<128xi32, #tpu.memory_space<vmem>>) semaphore(%arg10 : memref<!tpu.dma_semaphore, #tpu.memory_space<semaphore_mem>>)
      %scan3A_70 = arith.constant 0 : i32
      %scan3A_71 = arith.constant 0 : i32
      %scan3A_72 = arith.constant 40 : i32
      %scan3A_73 = arith.addi %scan3A_71, %scan3A_72 : i32
      %scan3A_74 = arith.constant 1 : i32
      scf.for %scan3A_81 = %scan3A_71 to %scan3A_73 step %scan3A_74  : i32 {
        %rem3A = arith.constant 2 : i32
        %rem3A_82 = arith.remsi %scan3A_81, %rem3A : i32
        %dma_wait3A = arith.constant 0 : i32
        %dma_wait3A_83 = arith.constant 0 : i32
        %dma_wait3A_84 = arith.constant 0 : i32
        %dma_wait3A_85 = tpu.memref_slice %arg8[%rem3A_82, %dma_wait3A_83, %dma_wait3A_84] : memref<2x128x128xf32, #tpu.memory_space<vmem>> -> memref<1x128x128xf32, #tpu.memory_space<vmem>>
        %dma_wait3A_86 = tpu.memref_squeeze %dma_wait3A_85 : memref<1x128x128xf32, #tpu.memory_space<vmem>> -> memref<128x128xf32, #tpu.memory_space<vmem>>
        %dma_wait3A_87 = arith.constant 0 : i32
        %dma_wait3A_88 = arith.constant 0 : i32
        %dma_wait3A_89 = tpu.memref_slice %arg4[%dma_wait3A, %dma_wait3A_87, %dma_wait3A_88] : memref<4x10000x128xf32, #tpu.memory_space<hbm>> -> memref<1x10000x128xf32, #tpu.memory_space<hbm>>
        %dma_wait3A_90 = tpu.memref_squeeze %dma_wait3A_89 : memref<1x10000x128xf32, #tpu.memory_space<hbm>> -> memref<10000x128xf32, #tpu.memory_space<hbm>>
        %dma_wait3A_91 = arith.constant 0 : i32
        %dma_wait3A_92 = arith.constant 0 : i32
        %dma_wait3A_93 = tpu.memref_slice %dma_wait3A_90[%dma_wait3A_91, %dma_wait3A_92] : memref<10000x128xf32, #tpu.memory_space<hbm>> -> memref<128x128xf32, #tpu.memory_space<hbm>>
        %dma_wait3A_94 = arith.constant 0 : i32
        %dma_wait3A_95 = arith.constant 0 : i32
        %dma_wait3A_96 = tpu.memref_slice %arg8[%rem3A_82, %dma_wait3A_94, %dma_wait3A_95] : memref<2x128x128xf32, #tpu.memory_space<vmem>> -> memref<1x128x128xf32, #tpu.memory_space<vmem>>
        %dma_wait3A_97 = tpu.memref_squeeze %dma_wait3A_96 : memref<1x128x128xf32, #tpu.memory_space<vmem>> -> memref<128x128xf32, #tpu.memory_space<vmem>>
        %dma_wait3A_98 = arith.constant 0 : i32
        %dma_wait3A_99 = arith.constant 0 : i32
        %dma_wait3A_100 = tpu.memref_slice %arg4[%dma_wait3A, %dma_wait3A_98, %dma_wait3A_99] : memref<4x10000x128xf32, #tpu.memory_space<hbm>> -> memref<1x10000x128xf32, #tpu.memory_space<hbm>>
        %dma_wait3A_101 = tpu.memref_squeeze %dma_wait3A_100 : memref<1x10000x128xf32, #tpu.memory_space<hbm>> -> memref<10000x128xf32, #tpu.memory_space<hbm>>
        %dma_wait3A_102 = arith.constant 0 : i32
        %dma_wait3A_103 = arith.constant 0 : i32
        %dma_wait3A_104 = tpu.memref_slice %dma_wait3A_101[%dma_wait3A_102, %dma_wait3A_103] : memref<10000x128xf32, #tpu.memory_space<hbm>> -> memref<128x128xf32, #tpu.memory_space<hbm>>
        tpu.wait_dma2 semaphore(%arg10 : memref<!tpu.dma_semaphore, #tpu.memory_space<semaphore_mem>>) src(%dma_wait3A_104 : memref<128x128xf32, #tpu.memory_space<hbm>>) dst(%dma_wait3A_97 : memref<128x128xf32, #tpu.memory_space<vmem>>)
        %add3A_105 = arith.constant 1 : i32
        %add3A_106 = arith.addi %scan3A_81, %add3A_105 : i32
        %lt3A_107 = arith.constant 40 : i32
        %lt3A_108 = arith.cmpi slt, %add3A_106, %lt3A_107 : i32
        %convert_element_type3A_109 = arith.extui %lt3A_108 : i1 to i32
        %cond3A_110 = arith.constant 0 : i32
        %cond3A_111 = arith.cmpi ne, %convert_element_type3A_109, %cond3A_110 : i32
        scf.if %cond3A_111 {
          %add3A_112 = arith.constant 1 : i32
          %add3A_113 = arith.addi %scan3A_81, %add3A_112 : i32
          %sub3A = arith.constant 1 : i32
          %sub3A_114 = arith.subi %sub3A, %rem3A_82 : i32
          %dma_start3A_115 = arith.constant 0 : i32
          %dma_start3A_116 = arith.constant 0 : i32
          %dma_start3A_117 = arith.constant 0 : i32
          %dma_start3A_118 = tpu.memref_slice %arg8[%sub3A_114, %dma_start3A_116, %dma_start3A_117] : memref<2x128x128xf32, #tpu.memory_space<vmem>> -> memref<1x128x128xf32, #tpu.memory_space<vmem>>
          %dma_start3A_119 = tpu.memref_squeeze %dma_start3A_118 : memref<1x128x128xf32, #tpu.memory_space<vmem>> -> memref<128x128xf32, #tpu.memory_space<vmem>>
          %dma_start3A_120 = arith.constant 0 : i32
          %dma_start3A_121 = tpu.memref_slice %arg6[%add3A_113, %dma_start3A_120] : memref<40x128xi32, #tpu.memory_space<vmem>> -> memref<1x128xi32, #tpu.memory_space<vmem>>
          %dma_start3A_122 = tpu.memref_squeeze %dma_start3A_121 : memref<1x128xi32, #tpu.memory_space<vmem>> -> memref<128xi32, #tpu.memory_space<vmem>>
          %dma_start3A_123 = arith.constant 0 : i32
          %dma_start3A_124 = arith.constant 0 : i32
          %dma_start3A_125 = tpu.memref_slice %arg4[%dma_start3A_115, %dma_start3A_123, %dma_start3A_124] : memref<4x10000x128xf32, #tpu.memory_space<hbm>> -> memref<1x10000x128xf32, #tpu.memory_space<hbm>>
          %dma_start3A_126 = tpu.memref_squeeze %dma_start3A_125 : memref<1x10000x128xf32, #tpu.memory_space<hbm>> -> memref<10000x128xf32, #tpu.memory_space<hbm>>
          %dma_start3A_127 = arith.constant 0 : i32
          %dma_start3A_128 = arith.constant 0 : i32
          %dma_start3A_129 = tpu.memref_slice %dma_start3A_126[%dma_start3A_127, %dma_start3A_128] : memref<10000x128xf32, #tpu.memory_space<hbm>> -> memref<10000x128xf32, #tpu.memory_space<hbm>>
          tpu.enqueue_indirect_dma source(%dma_start3A_129 : memref<10000x128xf32, #tpu.memory_space<hbm>>) target(%dma_start3A_119 : memref<128x128xf32, #tpu.memory_space<vmem>>) offsets(%dma_start3A_122 : memref<128xi32, #tpu.memory_space<vmem>>) semaphore(%arg10 : memref<!tpu.dma_semaphore, #tpu.memory_space<semaphore_mem>>)
        } else {
        }
        "tpu.region"() ({
          %run_scoped3A_112 = tpu.sem_alloc : memref<!tpu.dma_semaphore, #tpu.memory_space<semaphore_mem>>
          %dma_start3A_113 = arith.constant 0 : i32
          %dma_start3A_114 = arith.constant 0 : i32
          %dma_start3A_115 = tpu.memref_slice %arg8[%rem3A_82, %dma_start3A_113, %dma_start3A_114] : memref<2x128x128xf32, #tpu.memory_space<vmem>> -> memref<1x128x128xf32, #tpu.memory_space<vmem>>
          %dma_start3A_116 = tpu.memref_squeeze %dma_start3A_115 : memref<1x128x128xf32, #tpu.memory_space<vmem>> -> memref<128x128xf32, #tpu.memory_space<vmem>>
          %dma_start3A_117 = arith.constant 0 : i32
          %dma_start3A_118 = tpu.memref_slice %arg7[%scan3A_81, %dma_start3A_117] : memref<40x128xi32, #tpu.memory_space<vmem>> -> memref<1x128xi32, #tpu.memory_space<vmem>>
          %dma_start3A_119 = tpu.memref_squeeze %dma_start3A_118 : memref<1x128xi32, #tpu.memory_space<vmem>> -> memref<128xi32, #tpu.memory_space<vmem>>
          %dma_start3A_120 = arith.constant 0 : i32
          %dma_start3A_121 = arith.constant 0 : i32
          %dma_start3A_122 = tpu.memref_slice %arg9[%dma_start3A_120, %dma_start3A_121] : memref<10112x128xf32, #tpu.memory_space<vmem_shared>> -> memref<10112x128xf32, #tpu.memory_space<vmem_shared>>
          tpu.enqueue_indirect_dma source(%dma_start3A_116 : memref<128x128xf32, #tpu.memory_space<vmem>>) target(%dma_start3A_122 : memref<10112x128xf32, #tpu.memory_space<vmem_shared>>) offsets(%dma_start3A_119 : memref<128xi32, #tpu.memory_space<vmem>>) semaphore(%run_scoped3A_112 : memref<!tpu.dma_semaphore, #tpu.memory_space<semaphore_mem>>) {add = true}
          %dma_wait3A_123 = arith.constant 0 : i32
          %dma_wait3A_124 = arith.constant 0 : i32
          %dma_wait3A_125 = tpu.memref_slice %arg8[%rem3A_82, %dma_wait3A_123, %dma_wait3A_124] : memref<2x128x128xf32, #tpu.memory_space<vmem>> -> memref<1x128x128xf32, #tpu.memory_space<vmem>>
          %dma_wait3A_126 = tpu.memref_squeeze %dma_wait3A_125 : memref<1x128x128xf32, #tpu.memory_space<vmem>> -> memref<128x128xf32, #tpu.memory_space<vmem>>
          %dma_wait3A_127 = arith.constant 0 : i32
          %dma_wait3A_128 = tpu.memref_slice %arg7[%scan3A_81, %dma_wait3A_127] : memref<40x128xi32, #tpu.memory_space<vmem>> -> memref<1x128xi32, #tpu.memory_space<vmem>>
          %dma_wait3A_129 = tpu.memref_squeeze %dma_wait3A_128 : memref<1x128xi32, #tpu.memory_space<vmem>> -> memref<128xi32, #tpu.memory_space<vmem>>
          %dma_wait3A_130 = arith.constant 0 : i32
          %dma_wait3A_131 = arith.constant 0 : i32
          %dma_wait3A_132 = tpu.memref_slice %arg9[%dma_wait3A_130, %dma_wait3A_131] : memref<10112x128xf32, #tpu.memory_space<vmem_shared>> -> memref<10112x128xf32, #tpu.memory_space<vmem_shared>>
          tpu.wait_indirect_dma semaphore(%run_scoped3A_112 : memref<!tpu.dma_semaphore, #tpu.memory_space<semaphore_mem>>) src(%dma_wait3A_126 : memref<128x128xf32, #tpu.memory_space<vmem>>) dst(%dma_wait3A_132 : memref<10112x128xf32, #tpu.memory_space<vmem_shared>>)
          tpu.yield
        }) : () -> ()
      }
      %scan3A_75 = arith.constant 40 : i32
      %barrier3A_76 = arith.constant 0 : index
      tpu.barrier barrier_id(%barrier3A_76)
      %mul3A_77 = arith.constant 632 : i32
      %mul3A_78 = arith.muli %arg1, %mul3A_77 : i32
      %mul3A_79 = arith.constant 632 : i32
      %mul3A_80 = arith.muli %arg1, %mul3A_79 : i32
      %run_scoped3A = arith.constant 0 : i32
      "tpu.region"() ({
        %run_scoped3A_81 = tpu.sem_alloc : memref<!tpu.dma_semaphore, #tpu.memory_space<semaphore_mem>>
        %dma_start3A_82 = arith.constant 0 : i32
        %dma_start3A_83 = arith.constant 0 : i32
        %dma_start3A_84 = tpu.memref_slice %arg5[%run_scoped3A, %dma_start3A_82, %dma_start3A_83] : memref<4x10112x128xf32, #tpu.memory_space<hbm>> -> memref<1x10112x128xf32, #tpu.memory_space<hbm>>
        %dma_start3A_85 = tpu.memref_squeeze %dma_start3A_84 : memref<1x10112x128xf32, #tpu.memory_space<hbm>> -> memref<10112x128xf32, #tpu.memory_space<hbm>>
        %dma_start3A_86 = arith.constant 0 : i32
        %dma_start3A_87 = tpu.memref_slice %dma_start3A_85[%mul3A_80, %dma_start3A_86] : memref<10112x128xf32, #tpu.memory_space<hbm>> -> memref<632x128xf32, #tpu.memory_space<hbm>>
        %dma_start3A_88 = arith.constant 0 : i32
        %dma_start3A_89 = tpu.memref_slice %arg9[%mul3A_78, %dma_start3A_88] : memref<10112x128xf32, #tpu.memory_space<vmem_shared>> -> memref<632x128xf32, #tpu.memory_space<vmem_shared>>
        tpu.enqueue_dma source(%dma_start3A_89 : memref<632x128xf32, #tpu.memory_space<vmem_shared>>) target(%dma_start3A_87 : memref<632x128xf32, #tpu.memory_space<hbm>>) target_semaphore(%run_scoped3A_81 : memref<!tpu.dma_semaphore, #tpu.memory_space<semaphore_mem>>)
        %dma_wait3A = arith.constant 0 : i32
        %dma_wait3A_90 = arith.constant 0 : i32
        %dma_wait3A_91 = tpu.memref_slice %arg5[%run_scoped3A, %dma_wait3A, %dma_wait3A_90] : memref<4x10112x128xf32, #tpu.memory_space<hbm>> -> memref<1x10112x128xf32, #tpu.memory_space<hbm>>
        %dma_wait3A_92 = tpu.memref_squeeze %dma_wait3A_91 : memref<1x10112x128xf32, #tpu.memory_space<hbm>> -> memref<10112x128xf32, #tpu.memory_space<hbm>>
        %dma_wait3A_93 = arith.constant 0 : i32
        %dma_wait3A_94 = tpu.memref_slice %dma_wait3A_92[%mul3A_80, %dma_wait3A_93] : memref<10112x128xf32, #tpu.memory_space<hbm>> -> memref<632x128xf32, #tpu.memory_space<hbm>>
        %dma_wait3A_95 = arith.constant 0 : i32
        %dma_wait3A_96 = tpu.memref_slice %arg9[%mul3A_78, %dma_wait3A_95] : memref<10112x128xf32, #tpu.memory_space<vmem_shared>> -> memref<632x128xf32, #tpu.memory_space<vmem_shared>>
        tpu.wait_dma2 semaphore(%run_scoped3A_81 : memref<!tpu.dma_semaphore, #tpu.memory_space<semaphore_mem>>) src(%dma_wait3A_96 : memref<632x128xf32, #tpu.memory_space<vmem_shared>>) dst(%dma_wait3A_94 : memref<632x128xf32, #tpu.memory_space<hbm>>)
        tpu.yield
      }) : () -> ()
    } else {
    }
    %eq3A_2 = arith.constant 1 : i32
    %eq3A_3 = arith.cmpi eq, %arg0, %eq3A_2 : i32
    %convert_element_type3A_4 = arith.extui %eq3A_3 : i1 to i32
    %cond3A_5 = arith.constant 0 : i32
    %cond3A_6 = arith.cmpi ne, %convert_element_type3A_4, %cond3A_5 : i32
    scf.if %cond3A_6 {
      %lt3A = arith.constant 15 : i32
      %lt3A_17 = arith.cmpi slt, %arg1, %lt3A : i32
      %convert_element_type3A_18 = arith.extui %lt3A_17 : i1 to i32
      %cond3A_19 = arith.constant 0 : i32
      %cond3A_20 = arith.cmpi ne, %convert_element_type3A_18, %cond3A_19 : i32
      scf.if %cond3A_20 {
        %mul3A_81 = arith.constant 632 : i32
        %mul3A_82 = arith.muli %arg1, %mul3A_81 : i32
        %mul3A_83 = arith.constant 632 : i32
        %mul3A_84 = arith.muli %arg1, %mul3A_83 : i32
        %run_scoped3A_85 = arith.constant 1 : i32
        "tpu.region"() ({
          %run_scoped3A_86 = tpu.sem_alloc : memref<!tpu.dma_semaphore, #tpu.memory_space<semaphore_mem>>
          %dma_start3A_87 = arith.constant 0 : i32
          %dma_start3A_88 = tpu.memref_slice %arg9[%mul3A_84, %dma_start3A_87] : memref<10112x128xf32, #tpu.memory_space<vmem_shared>> -> memref<632x128xf32, #tpu.memory_space<vmem_shared>>
          %dma_start3A_89 = arith.constant 0 : i32
          %dma_start3A_90 = arith.constant 0 : i32
          %dma_start3A_91 = tpu.memref_slice %arg4[%run_scoped3A_85, %dma_start3A_89, %dma_start3A_90] : memref<4x10000x128xf32, #tpu.memory_space<hbm>> -> memref<1x10000x128xf32, #tpu.memory_space<hbm>>
          %dma_start3A_92 = tpu.memref_squeeze %dma_start3A_91 : memref<1x10000x128xf32, #tpu.memory_space<hbm>> -> memref<10000x128xf32, #tpu.memory_space<hbm>>
          %dma_start3A_93 = arith.constant 0 : i32
          %dma_start3A_94 = tpu.memref_slice %dma_start3A_92[%mul3A_82, %dma_start3A_93] : memref<10000x128xf32, #tpu.memory_space<hbm>> -> memref<632x128xf32, #tpu.memory_space<hbm>>
          tpu.enqueue_dma source(%dma_start3A_94 : memref<632x128xf32, #tpu.memory_space<hbm>>) target(%dma_start3A_88 : memref<632x128xf32, #tpu.memory_space<vmem_shared>>) target_semaphore(%run_scoped3A_86 : memref<!tpu.dma_semaphore, #tpu.memory_space<semaphore_mem>>)
          %dma_wait3A = arith.constant 0 : i32
          %dma_wait3A_95 = tpu.memref_slice %arg9[%mul3A_84, %dma_wait3A] : memref<10112x128xf32, #tpu.memory_space<vmem_shared>> -> memref<632x128xf32, #tpu.memory_space<vmem_shared>>
          %dma_wait3A_96 = arith.constant 0 : i32
          %dma_wait3A_97 = arith.constant 0 : i32
          %dma_wait3A_98 = tpu.memref_slice %arg4[%run_scoped3A_85, %dma_wait3A_96, %dma_wait3A_97] : memref<4x10000x128xf32, #tpu.memory_space<hbm>> -> memref<1x10000x128xf32, #tpu.memory_space<hbm>>
          %dma_wait3A_99 = tpu.memref_squeeze %dma_wait3A_98 : memref<1x10000x128xf32, #tpu.memory_space<hbm>> -> memref<10000x128xf32, #tpu.memory_space<hbm>>
          %dma_wait3A_100 = arith.constant 0 : i32
          %dma_wait3A_101 = tpu.memref_slice %dma_wait3A_99[%mul3A_82, %dma_wait3A_100] : memref<10000x128xf32, #tpu.memory_space<hbm>> -> memref<632x128xf32, #tpu.memory_space<hbm>>
          tpu.wait_dma2 semaphore(%run_scoped3A_86 : memref<!tpu.dma_semaphore, #tpu.memory_space<semaphore_mem>>) src(%dma_wait3A_101 : memref<632x128xf32, #tpu.memory_space<hbm>>) dst(%dma_wait3A_95 : memref<632x128xf32, #tpu.memory_space<vmem_shared>>)
          tpu.yield
        }) : () -> ()
      } else {
      }
      %eq3A_21 = arith.constant 15 : i32
      %eq3A_22 = arith.cmpi eq, %arg1, %eq3A_21 : i32
      %convert_element_type3A_23 = arith.extui %eq3A_22 : i1 to i32
      %cond3A_24 = arith.constant 0 : i32
      %cond3A_25 = arith.cmpi ne, %convert_element_type3A_23, %cond3A_24 : i32
      scf.if %cond3A_25 {
        %run_scoped3A_81 = arith.constant 1 : i32
        "tpu.region"() ({
          %run_scoped3A_82 = tpu.sem_alloc : memref<!tpu.dma_semaphore, #tpu.memory_space<semaphore_mem>>
          %dma_start3A_83 = arith.constant 9480 : i32
          %dma_start3A_84 = arith.constant 0 : i32
          %dma_start3A_85 = tpu.memref_slice %arg9[%dma_start3A_83, %dma_start3A_84] : memref<10112x128xf32, #tpu.memory_space<vmem_shared>> -> memref<520x128xf32, #tpu.memory_space<vmem_shared>>
          %dma_start3A_86 = arith.constant 0 : i32
          %dma_start3A_87 = arith.constant 0 : i32
          %dma_start3A_88 = tpu.memref_slice %arg4[%run_scoped3A_81, %dma_start3A_86, %dma_start3A_87] : memref<4x10000x128xf32, #tpu.memory_space<hbm>> -> memref<1x10000x128xf32, #tpu.memory_space<hbm>>
          %dma_start3A_89 = tpu.memref_squeeze %dma_start3A_88 : memref<1x10000x128xf32, #tpu.memory_space<hbm>> -> memref<10000x128xf32, #tpu.memory_space<hbm>>
          %dma_start3A_90 = arith.constant 9480 : i32
          %dma_start3A_91 = arith.constant 0 : i32
          %dma_start3A_92 = tpu.memref_slice %dma_start3A_89[%dma_start3A_90, %dma_start3A_91] : memref<10000x128xf32, #tpu.memory_space<hbm>> -> memref<520x128xf32, #tpu.memory_space<hbm>>
          tpu.enqueue_dma source(%dma_start3A_92 : memref<520x128xf32, #tpu.memory_space<hbm>>) target(%dma_start3A_85 : memref<520x128xf32, #tpu.memory_space<vmem_shared>>) target_semaphore(%run_scoped3A_82 : memref<!tpu.dma_semaphore, #tpu.memory_space<semaphore_mem>>)
          %dma_wait3A = arith.constant 9480 : i32
          %dma_wait3A_93 = arith.constant 0 : i32
          %dma_wait3A_94 = tpu.memref_slice %arg9[%dma_wait3A, %dma_wait3A_93] : memref<10112x128xf32, #tpu.memory_space<vmem_shared>> -> memref<520x128xf32, #tpu.memory_space<vmem_shared>>
          %dma_wait3A_95 = arith.constant 0 : i32
          %dma_wait3A_96 = arith.constant 0 : i32
          %dma_wait3A_97 = tpu.memref_slice %arg4[%run_scoped3A_81, %dma_wait3A_95, %dma_wait3A_96] : memref<4x10000x128xf32, #tpu.memory_space<hbm>> -> memref<1x10000x128xf32, #tpu.memory_space<hbm>>
          %dma_wait3A_98 = tpu.memref_squeeze %dma_wait3A_97 : memref<1x10000x128xf32, #tpu.memory_space<hbm>> -> memref<10000x128xf32, #tpu.memory_space<hbm>>
          %dma_wait3A_99 = arith.constant 9480 : i32
          %dma_wait3A_100 = arith.constant 0 : i32
          %dma_wait3A_101 = tpu.memref_slice %dma_wait3A_98[%dma_wait3A_99, %dma_wait3A_100] : memref<10000x128xf32, #tpu.memory_space<hbm>> -> memref<520x128xf32, #tpu.memory_space<hbm>>
          tpu.wait_dma2 semaphore(%run_scoped3A_82 : memref<!tpu.dma_semaphore, #tpu.memory_space<semaphore_mem>>) src(%dma_wait3A_101 : memref<520x128xf32, #tpu.memory_space<hbm>>) dst(%dma_wait3A_94 : memref<520x128xf32, #tpu.memory_space<vmem_shared>>)
          tpu.yield
        }) : () -> ()
      } else {
      }
      %barrier3A = arith.constant 0 : index
      tpu.barrier barrier_id(%barrier3A)
      %mul3A = arith.constant 80 : i32
      %mul3A_26 = arith.muli %arg1, %mul3A : i32
      %add3A = arith.constant 0 : i32
      %add3A_27 = arith.addi %mul3A_26, %add3A : i32
      "tpu.region"() ({
        %run_scoped3A_81 = tpu.sem_alloc : memref<!tpu.dma_semaphore, #tpu.memory_space<semaphore_mem>>
        %dma_start3A_82 = arith.constant 0 : i32
        %dma_start3A_83 = tpu.memref_slice %arg2[%add3A_27, %dma_start3A_82] : memref<1280x128xi32, #tpu.memory_space<hbm>> -> memref<40x128xi32, #tpu.memory_space<hbm>>
        %dma_start3A_84 = arith.constant 0 : i32
        %dma_start3A_85 = tpu.memref_slice %arg2[%add3A_27, %dma_start3A_84] : memref<1280x128xi32, #tpu.memory_space<hbm>> -> memref<40x128xi32, #tpu.memory_space<hbm>>
        tpu.enqueue_dma source(%dma_start3A_85 : memref<40x128xi32, #tpu.memory_space<hbm>>) target(%arg6 : memref<40x128xi32, #tpu.memory_space<vmem>>) target_semaphore(%run_scoped3A_81 : memref<!tpu.dma_semaphore, #tpu.memory_space<semaphore_mem>>)
        %dma_wait3A = arith.constant 0 : i32
        %dma_wait3A_86 = tpu.memref_slice %arg2[%add3A_27, %dma_wait3A] : memref<1280x128xi32, #tpu.memory_space<hbm>> -> memref<40x128xi32, #tpu.memory_space<hbm>>
        %dma_wait3A_87 = arith.constant 0 : i32
        %dma_wait3A_88 = tpu.memref_slice %arg2[%add3A_27, %dma_wait3A_87] : memref<1280x128xi32, #tpu.memory_space<hbm>> -> memref<40x128xi32, #tpu.memory_space<hbm>>
        tpu.wait_dma2 semaphore(%run_scoped3A_81 : memref<!tpu.dma_semaphore, #tpu.memory_space<semaphore_mem>>) src(%dma_wait3A_88 : memref<40x128xi32, #tpu.memory_space<hbm>>) dst(%arg6 : memref<40x128xi32, #tpu.memory_space<vmem>>)
        tpu.yield
      }) : () -> ()
      "tpu.region"() ({
        %run_scoped3A_81 = tpu.sem_alloc : memref<!tpu.dma_semaphore, #tpu.memory_space<semaphore_mem>>
        %dma_start3A_82 = arith.constant 0 : i32
        %dma_start3A_83 = tpu.memref_slice %arg3[%add3A_27, %dma_start3A_82] : memref<1280x128xi32, #tpu.memory_space<hbm>> -> memref<40x128xi32, #tpu.memory_space<hbm>>
        %dma_start3A_84 = arith.constant 0 : i32
        %dma_start3A_85 = tpu.memref_slice %arg3[%add3A_27, %dma_start3A_84] : memref<1280x128xi32, #tpu.memory_space<hbm>> -> memref<40x128xi32, #tpu.memory_space<hbm>>
        tpu.enqueue_dma source(%dma_start3A_85 : memref<40x128xi32, #tpu.memory_space<hbm>>) target(%arg7 : memref<40x128xi32, #tpu.memory_space<vmem>>) target_semaphore(%run_scoped3A_81 : memref<!tpu.dma_semaphore, #tpu.memory_space<semaphore_mem>>)
        %dma_wait3A = arith.constant 0 : i32
        %dma_wait3A_86 = tpu.memref_slice %arg3[%add3A_27, %dma_wait3A] : memref<1280x128xi32, #tpu.memory_space<hbm>> -> memref<40x128xi32, #tpu.memory_space<hbm>>
        %dma_wait3A_87 = arith.constant 0 : i32
        %dma_wait3A_88 = tpu.memref_slice %arg3[%add3A_27, %dma_wait3A_87] : memref<1280x128xi32, #tpu.memory_space<hbm>> -> memref<40x128xi32, #tpu.memory_space<hbm>>
        tpu.wait_dma2 semaphore(%run_scoped3A_81 : memref<!tpu.dma_semaphore, #tpu.memory_space<semaphore_mem>>) src(%dma_wait3A_88 : memref<40x128xi32, #tpu.memory_space<hbm>>) dst(%arg7 : memref<40x128xi32, #tpu.memory_space<vmem>>)
        tpu.yield
      }) : () -> ()
      %dma_start3A = arith.constant 1 : i32
      %dma_start3A_28 = arith.constant 0 : i32
      %dma_start3A_29 = arith.constant 0 : i32
      %dma_start3A_30 = arith.constant 0 : i32
      %dma_start3A_31 = arith.constant 0 : i32
      %dma_start3A_32 = tpu.memref_slice %arg8[%dma_start3A_29, %dma_start3A_30, %dma_start3A_31] : memref<2x128x128xf32, #tpu.memory_space<vmem>> -> memref<1x128x128xf32, #tpu.memory_space<vmem>>
      %dma_start3A_33 = tpu.memref_squeeze %dma_start3A_32 : memref<1x128x128xf32, #tpu.memory_space<vmem>> -> memref<128x128xf32, #tpu.memory_space<vmem>>
      %dma_start3A_34 = arith.constant 0 : i32
      %dma_start3A_35 = tpu.memref_slice %arg6[%dma_start3A_28, %dma_start3A_34] : memref<40x128xi32, #tpu.memory_space<vmem>> -> memref<1x128xi32, #tpu.memory_space<vmem>>
      %dma_start3A_36 = tpu.memref_squeeze %dma_start3A_35 : memref<1x128xi32, #tpu.memory_space<vmem>> -> memref<128xi32, #tpu.memory_space<vmem>>
      %dma_start3A_37 = arith.constant 0 : i32
      %dma_start3A_38 = arith.constant 0 : i32
      %dma_start3A_39 = tpu.memref_slice %arg4[%dma_start3A, %dma_start3A_37, %dma_start3A_38] : memref<4x10000x128xf32, #tpu.memory_space<hbm>> -> memref<1x10000x128xf32, #tpu.memory_space<hbm>>
      %dma_start3A_40 = tpu.memref_squeeze %dma_start3A_39 : memref<1x10000x128xf32, #tpu.memory_space<hbm>> -> memref<10000x128xf32, #tpu.memory_space<hbm>>
      %dma_start3A_41 = arith.constant 0 : i32
      %dma_start3A_42 = arith.constant 0 : i32
      %dma_start3A_43 = tpu.memref_slice %dma_start3A_40[%dma_start3A_41, %dma_start3A_42] : memref<10000x128xf32, #tpu.memory_space<hbm>> -> memref<10000x128xf32, #tpu.memory_space<hbm>>
      tpu.enqueue_indirect_dma source(%dma_start3A_43 : memref<10000x128xf32, #tpu.memory_space<hbm>>) target(%dma_start3A_33 : memref<128x128xf32, #tpu.memory_space<vmem>>) offsets(%dma_start3A_36 : memref<128xi32, #tpu.memory_space<vmem>>) semaphore(%arg10 : memref<!tpu.dma_semaphore, #tpu.memory_space<semaphore_mem>>)
      %scan3A = arith.constant 0 : i32
      %scan3A_44 = arith.constant 0 : i32
      %scan3A_45 = arith.constant 40 : i32
      %scan3A_46 = arith.addi %scan3A_44, %scan3A_45 : i32
      %scan3A_47 = arith.constant 1 : i32
      scf.for %scan3A_81 = %scan3A_44 to %scan3A_46 step %scan3A_47  : i32 {
        %rem3A = arith.constant 2 : i32
        %rem3A_82 = arith.remsi %scan3A_81, %rem3A : i32
        %dma_wait3A = arith.constant 1 : i32
        %dma_wait3A_83 = arith.constant 0 : i32
        %dma_wait3A_84 = arith.constant 0 : i32
        %dma_wait3A_85 = tpu.memref_slice %arg8[%rem3A_82, %dma_wait3A_83, %dma_wait3A_84] : memref<2x128x128xf32, #tpu.memory_space<vmem>> -> memref<1x128x128xf32, #tpu.memory_space<vmem>>
        %dma_wait3A_86 = tpu.memref_squeeze %dma_wait3A_85 : memref<1x128x128xf32, #tpu.memory_space<vmem>> -> memref<128x128xf32, #tpu.memory_space<vmem>>
        %dma_wait3A_87 = arith.constant 0 : i32
        %dma_wait3A_88 = arith.constant 0 : i32
        %dma_wait3A_89 = tpu.memref_slice %arg4[%dma_wait3A, %dma_wait3A_87, %dma_wait3A_88] : memref<4x10000x128xf32, #tpu.memory_space<hbm>> -> memref<1x10000x128xf32, #tpu.memory_space<hbm>>
        %dma_wait3A_90 = tpu.memref_squeeze %dma_wait3A_89 : memref<1x10000x128xf32, #tpu.memory_space<hbm>> -> memref<10000x128xf32, #tpu.memory_space<hbm>>
        %dma_wait3A_91 = arith.constant 0 : i32
        %dma_wait3A_92 = arith.constant 0 : i32
        %dma_wait3A_93 = tpu.memref_slice %dma_wait3A_90[%dma_wait3A_91, %dma_wait3A_92] : memref<10000x128xf32, #tpu.memory_space<hbm>> -> memref<128x128xf32, #tpu.memory_space<hbm>>
        %dma_wait3A_94 = arith.constant 0 : i32
        %dma_wait3A_95 = arith.constant 0 : i32
        %dma_wait3A_96 = tpu.memref_slice %arg8[%rem3A_82, %dma_wait3A_94, %dma_wait3A_95] : memref<2x128x128xf32, #tpu.memory_space<vmem>> -> memref<1x128x128xf32, #tpu.memory_space<vmem>>
        %dma_wait3A_97 = tpu.memref_squeeze %dma_wait3A_96 : memref<1x128x128xf32, #tpu.memory_space<vmem>> -> memref<128x128xf32, #tpu.memory_space<vmem>>
        %dma_wait3A_98 = arith.constant 0 : i32
        %dma_wait3A_99 = arith.constant 0 : i32
        %dma_wait3A_100 = tpu.memref_slice %arg4[%dma_wait3A, %dma_wait3A_98, %dma_wait3A_99] : memref<4x10000x128xf32, #tpu.memory_space<hbm>> -> memref<1x10000x128xf32, #tpu.memory_space<hbm>>
        %dma_wait3A_101 = tpu.memref_squeeze %dma_wait3A_100 : memref<1x10000x128xf32, #tpu.memory_space<hbm>> -> memref<10000x128xf32, #tpu.memory_space<hbm>>
        %dma_wait3A_102 = arith.constant 0 : i32
        %dma_wait3A_103 = arith.constant 0 : i32
        %dma_wait3A_104 = tpu.memref_slice %dma_wait3A_101[%dma_wait3A_102, %dma_wait3A_103] : memref<10000x128xf32, #tpu.memory_space<hbm>> -> memref<128x128xf32, #tpu.memory_space<hbm>>
        tpu.wait_dma2 semaphore(%arg10 : memref<!tpu.dma_semaphore, #tpu.memory_space<semaphore_mem>>) src(%dma_wait3A_104 : memref<128x128xf32, #tpu.memory_space<hbm>>) dst(%dma_wait3A_97 : memref<128x128xf32, #tpu.memory_space<vmem>>)
        %add3A_105 = arith.constant 1 : i32
        %add3A_106 = arith.addi %scan3A_81, %add3A_105 : i32
        %lt3A_107 = arith.constant 40 : i32
        %lt3A_108 = arith.cmpi slt, %add3A_106, %lt3A_107 : i32
        %convert_element_type3A_109 = arith.extui %lt3A_108 : i1 to i32
        %cond3A_110 = arith.constant 0 : i32
        %cond3A_111 = arith.cmpi ne, %convert_element_type3A_109, %cond3A_110 : i32
        scf.if %cond3A_111 {
          %add3A_112 = arith.constant 1 : i32
          %add3A_113 = arith.addi %scan3A_81, %add3A_112 : i32
          %sub3A = arith.constant 1 : i32
          %sub3A_114 = arith.subi %sub3A, %rem3A_82 : i32
          %dma_start3A_115 = arith.constant 1 : i32
          %dma_start3A_116 = arith.constant 0 : i32
          %dma_start3A_117 = arith.constant 0 : i32
          %dma_start3A_118 = tpu.memref_slice %arg8[%sub3A_114, %dma_start3A_116, %dma_start3A_117] : memref<2x128x128xf32, #tpu.memory_space<vmem>> -> memref<1x128x128xf32, #tpu.memory_space<vmem>>
          %dma_start3A_119 = tpu.memref_squeeze %dma_start3A_118 : memref<1x128x128xf32, #tpu.memory_space<vmem>> -> memref<128x128xf32, #tpu.memory_space<vmem>>
          %dma_start3A_120 = arith.constant 0 : i32
          %dma_start3A_121 = tpu.memref_slice %arg6[%add3A_113, %dma_start3A_120] : memref<40x128xi32, #tpu.memory_space<vmem>> -> memref<1x128xi32, #tpu.memory_space<vmem>>
          %dma_start3A_122 = tpu.memref_squeeze %dma_start3A_121 : memref<1x128xi32, #tpu.memory_space<vmem>> -> memref<128xi32, #tpu.memory_space<vmem>>
          %dma_start3A_123 = arith.constant 0 : i32
          %dma_start3A_124 = arith.constant 0 : i32
          %dma_start3A_125 = tpu.memref_slice %arg4[%dma_start3A_115, %dma_start3A_123, %dma_start3A_124] : memref<4x10000x128xf32, #tpu.memory_space<hbm>> -> memref<1x10000x128xf32, #tpu.memory_space<hbm>>
          %dma_start3A_126 = tpu.memref_squeeze %dma_start3A_125 : memref<1x10000x128xf32, #tpu.memory_space<hbm>> -> memref<10000x128xf32, #tpu.memory_space<hbm>>
          %dma_start3A_127 = arith.constant 0 : i32
          %dma_start3A_128 = arith.constant 0 : i32
          %dma_start3A_129 = tpu.memref_slice %dma_start3A_126[%dma_start3A_127, %dma_start3A_128] : memref<10000x128xf32, #tpu.memory_space<hbm>> -> memref<10000x128xf32, #tpu.memory_space<hbm>>
          tpu.enqueue_indirect_dma source(%dma_start3A_129 : memref<10000x128xf32, #tpu.memory_space<hbm>>) target(%dma_start3A_119 : memref<128x128xf32, #tpu.memory_space<vmem>>) offsets(%dma_start3A_122 : memref<128xi32, #tpu.memory_space<vmem>>) semaphore(%arg10 : memref<!tpu.dma_semaphore, #tpu.memory_space<semaphore_mem>>)
        } else {
        }
        "tpu.region"() ({
          %run_scoped3A_112 = tpu.sem_alloc : memref<!tpu.dma_semaphore, #tpu.memory_space<semaphore_mem>>
          %dma_start3A_113 = arith.constant 0 : i32
          %dma_start3A_114 = arith.constant 0 : i32
          %dma_start3A_115 = tpu.memref_slice %arg8[%rem3A_82, %dma_start3A_113, %dma_start3A_114] : memref<2x128x128xf32, #tpu.memory_space<vmem>> -> memref<1x128x128xf32, #tpu.memory_space<vmem>>
          %dma_start3A_116 = tpu.memref_squeeze %dma_start3A_115 : memref<1x128x128xf32, #tpu.memory_space<vmem>> -> memref<128x128xf32, #tpu.memory_space<vmem>>
          %dma_start3A_117 = arith.constant 0 : i32
          %dma_start3A_118 = tpu.memref_slice %arg7[%scan3A_81, %dma_start3A_117] : memref<40x128xi32, #tpu.memory_space<vmem>> -> memref<1x128xi32, #tpu.memory_space<vmem>>
          %dma_start3A_119 = tpu.memref_squeeze %dma_start3A_118 : memref<1x128xi32, #tpu.memory_space<vmem>> -> memref<128xi32, #tpu.memory_space<vmem>>
          %dma_start3A_120 = arith.constant 0 : i32
          %dma_start3A_121 = arith.constant 0 : i32
          %dma_start3A_122 = tpu.memref_slice %arg9[%dma_start3A_120, %dma_start3A_121] : memref<10112x128xf32, #tpu.memory_space<vmem_shared>> -> memref<10112x128xf32, #tpu.memory_space<vmem_shared>>
          tpu.enqueue_indirect_dma source(%dma_start3A_116 : memref<128x128xf32, #tpu.memory_space<vmem>>) target(%dma_start3A_122 : memref<10112x128xf32, #tpu.memory_space<vmem_shared>>) offsets(%dma_start3A_119 : memref<128xi32, #tpu.memory_space<vmem>>) semaphore(%run_scoped3A_112 : memref<!tpu.dma_semaphore, #tpu.memory_space<semaphore_mem>>) {add = true}
          %dma_wait3A_123 = arith.constant 0 : i32
          %dma_wait3A_124 = arith.constant 0 : i32
          %dma_wait3A_125 = tpu.memref_slice %arg8[%rem3A_82, %dma_wait3A_123, %dma_wait3A_124] : memref<2x128x128xf32, #tpu.memory_space<vmem>> -> memref<1x128x128xf32, #tpu.memory_space<vmem>>
          %dma_wait3A_126 = tpu.memref_squeeze %dma_wait3A_125 : memref<1x128x128xf32, #tpu.memory_space<vmem>> -> memref<128x128xf32, #tpu.memory_space<vmem>>
          %dma_wait3A_127 = arith.constant 0 : i32
          %dma_wait3A_128 = tpu.memref_slice %arg7[%scan3A_81, %dma_wait3A_127] : memref<40x128xi32, #tpu.memory_space<vmem>> -> memref<1x128xi32, #tpu.memory_space<vmem>>
          %dma_wait3A_129 = tpu.memref_squeeze %dma_wait3A_128 : memref<1x128xi32, #tpu.memory_space<vmem>> -> memref<128xi32, #tpu.memory_space<vmem>>
          %dma_wait3A_130 = arith.constant 0 : i32
          %dma_wait3A_131 = arith.constant 0 : i32
          %dma_wait3A_132 = tpu.memref_slice %arg9[%dma_wait3A_130, %dma_wait3A_131] : memref<10112x128xf32, #tpu.memory_space<vmem_shared>> -> memref<10112x128xf32, #tpu.memory_space<vmem_shared>>
          tpu.wait_indirect_dma semaphore(%run_scoped3A_112 : memref<!tpu.dma_semaphore, #tpu.memory_space<semaphore_mem>>) src(%dma_wait3A_126 : memref<128x128xf32, #tpu.memory_space<vmem>>) dst(%dma_wait3A_132 : memref<10112x128xf32, #tpu.memory_space<vmem_shared>>)
          tpu.yield
        }) : () -> ()
      }
      %scan3A_48 = arith.constant 40 : i32
      %mul3A_49 = arith.constant 80 : i32
      %mul3A_50 = arith.muli %arg1, %mul3A_49 : i32
      %add3A_51 = arith.constant 40 : i32
      %add3A_52 = arith.addi %mul3A_50, %add3A_51 : i32
      "tpu.region"() ({
        %run_scoped3A_81 = tpu.sem_alloc : memref<!tpu.dma_semaphore, #tpu.memory_space<semaphore_mem>>
        %dma_start3A_82 = arith.constant 0 : i32
        %dma_start3A_83 = tpu.memref_slice %arg2[%add3A_52, %dma_start3A_82] : memref<1280x128xi32, #tpu.memory_space<hbm>> -> memref<40x128xi32, #tpu.memory_space<hbm>>
        %dma_start3A_84 = arith.constant 0 : i32
        %dma_start3A_85 = tpu.memref_slice %arg2[%add3A_52, %dma_start3A_84] : memref<1280x128xi32, #tpu.memory_space<hbm>> -> memref<40x128xi32, #tpu.memory_space<hbm>>
        tpu.enqueue_dma source(%dma_start3A_85 : memref<40x128xi32, #tpu.memory_space<hbm>>) target(%arg6 : memref<40x128xi32, #tpu.memory_space<vmem>>) target_semaphore(%run_scoped3A_81 : memref<!tpu.dma_semaphore, #tpu.memory_space<semaphore_mem>>)
        %dma_wait3A = arith.constant 0 : i32
        %dma_wait3A_86 = tpu.memref_slice %arg2[%add3A_52, %dma_wait3A] : memref<1280x128xi32, #tpu.memory_space<hbm>> -> memref<40x128xi32, #tpu.memory_space<hbm>>
        %dma_wait3A_87 = arith.constant 0 : i32
        %dma_wait3A_88 = tpu.memref_slice %arg2[%add3A_52, %dma_wait3A_87] : memref<1280x128xi32, #tpu.memory_space<hbm>> -> memref<40x128xi32, #tpu.memory_space<hbm>>
        tpu.wait_dma2 semaphore(%run_scoped3A_81 : memref<!tpu.dma_semaphore, #tpu.memory_space<semaphore_mem>>) src(%dma_wait3A_88 : memref<40x128xi32, #tpu.memory_space<hbm>>) dst(%arg6 : memref<40x128xi32, #tpu.memory_space<vmem>>)
        tpu.yield
      }) : () -> ()
      "tpu.region"() ({
        %run_scoped3A_81 = tpu.sem_alloc : memref<!tpu.dma_semaphore, #tpu.memory_space<semaphore_mem>>
        %dma_start3A_82 = arith.constant 0 : i32
        %dma_start3A_83 = tpu.memref_slice %arg3[%add3A_52, %dma_start3A_82] : memref<1280x128xi32, #tpu.memory_space<hbm>> -> memref<40x128xi32, #tpu.memory_space<hbm>>
        %dma_start3A_84 = arith.constant 0 : i32
        %dma_start3A_85 = tpu.memref_slice %arg3[%add3A_52, %dma_start3A_84] : memref<1280x128xi32, #tpu.memory_space<hbm>> -> memref<40x128xi32, #tpu.memory_space<hbm>>
        tpu.enqueue_dma source(%dma_start3A_85 : memref<40x128xi32, #tpu.memory_space<hbm>>) target(%arg7 : memref<40x128xi32, #tpu.memory_space<vmem>>) target_semaphore(%run_scoped3A_81 : memref<!tpu.dma_semaphore, #tpu.memory_space<semaphore_mem>>)
        %dma_wait3A = arith.constant 0 : i32
        %dma_wait3A_86 = tpu.memref_slice %arg3[%add3A_52, %dma_wait3A] : memref<1280x128xi32, #tpu.memory_space<hbm>> -> memref<40x128xi32, #tpu.memory_space<hbm>>
        %dma_wait3A_87 = arith.constant 0 : i32
        %dma_wait3A_88 = tpu.memref_slice %arg3[%add3A_52, %dma_wait3A_87] : memref<1280x128xi32, #tpu.memory_space<hbm>> -> memref<40x128xi32, #tpu.memory_space<hbm>>
        tpu.wait_dma2 semaphore(%run_scoped3A_81 : memref<!tpu.dma_semaphore, #tpu.memory_space<semaphore_mem>>) src(%dma_wait3A_88 : memref<40x128xi32, #tpu.memory_space<hbm>>) dst(%arg7 : memref<40x128xi32, #tpu.memory_space<vmem>>)
        tpu.yield
      }) : () -> ()
      %dma_start3A_53 = arith.constant 1 : i32
      %dma_start3A_54 = arith.constant 0 : i32
      %dma_start3A_55 = arith.constant 0 : i32
      %dma_start3A_56 = arith.constant 0 : i32
      %dma_start3A_57 = arith.constant 0 : i32
      %dma_start3A_58 = tpu.memref_slice %arg8[%dma_start3A_55, %dma_start3A_56, %dma_start3A_57] : memref<2x128x128xf32, #tpu.memory_space<vmem>> -> memref<1x128x128xf32, #tpu.memory_space<vmem>>
      %dma_start3A_59 = tpu.memref_squeeze %dma_start3A_58 : memref<1x128x128xf32, #tpu.memory_space<vmem>> -> memref<128x128xf32, #tpu.memory_space<vmem>>
      %dma_start3A_60 = arith.constant 0 : i32
      %dma_start3A_61 = tpu.memref_slice %arg6[%dma_start3A_54, %dma_start3A_60] : memref<40x128xi32, #tpu.memory_space<vmem>> -> memref<1x128xi32, #tpu.memory_space<vmem>>
      %dma_start3A_62 = tpu.memref_squeeze %dma_start3A_61 : memref<1x128xi32, #tpu.memory_space<vmem>> -> memref<128xi32, #tpu.memory_space<vmem>>
      %dma_start3A_63 = arith.constant 0 : i32
      %dma_start3A_64 = arith.constant 0 : i32
      %dma_start3A_65 = tpu.memref_slice %arg4[%dma_start3A_53, %dma_start3A_63, %dma_start3A_64] : memref<4x10000x128xf32, #tpu.memory_space<hbm>> -> memref<1x10000x128xf32, #tpu.memory_space<hbm>>
      %dma_start3A_66 = tpu.memref_squeeze %dma_start3A_65 : memref<1x10000x128xf32, #tpu.memory_space<hbm>> -> memref<10000x128xf32, #tpu.memory_space<hbm>>
      %dma_start3A_67 = arith.constant 0 : i32
      %dma_start3A_68 = arith.constant 0 : i32
      %dma_start3A_69 = tpu.memref_slice %dma_start3A_66[%dma_start3A_67, %dma_start3A_68] : memref<10000x128xf32, #tpu.memory_space<hbm>> -> memref<10000x128xf32, #tpu.memory_space<hbm>>
      tpu.enqueue_indirect_dma source(%dma_start3A_69 : memref<10000x128xf32, #tpu.memory_space<hbm>>) target(%dma_start3A_59 : memref<128x128xf32, #tpu.memory_space<vmem>>) offsets(%dma_start3A_62 : memref<128xi32, #tpu.memory_space<vmem>>) semaphore(%arg10 : memref<!tpu.dma_semaphore, #tpu.memory_space<semaphore_mem>>)
      %scan3A_70 = arith.constant 0 : i32
      %scan3A_71 = arith.constant 0 : i32
      %scan3A_72 = arith.constant 40 : i32
      %scan3A_73 = arith.addi %scan3A_71, %scan3A_72 : i32
      %scan3A_74 = arith.constant 1 : i32
      scf.for %scan3A_81 = %scan3A_71 to %scan3A_73 step %scan3A_74  : i32 {
        %rem3A = arith.constant 2 : i32
        %rem3A_82 = arith.remsi %scan3A_81, %rem3A : i32
        %dma_wait3A = arith.constant 1 : i32
        %dma_wait3A_83 = arith.constant 0 : i32
        %dma_wait3A_84 = arith.constant 0 : i32
        %dma_wait3A_85 = tpu.memref_slice %arg8[%rem3A_82, %dma_wait3A_83, %dma_wait3A_84] : memref<2x128x128xf32, #tpu.memory_space<vmem>> -> memref<1x128x128xf32, #tpu.memory_space<vmem>>
        %dma_wait3A_86 = tpu.memref_squeeze %dma_wait3A_85 : memref<1x128x128xf32, #tpu.memory_space<vmem>> -> memref<128x128xf32, #tpu.memory_space<vmem>>
        %dma_wait3A_87 = arith.constant 0 : i32
        %dma_wait3A_88 = arith.constant 0 : i32
        %dma_wait3A_89 = tpu.memref_slice %arg4[%dma_wait3A, %dma_wait3A_87, %dma_wait3A_88] : memref<4x10000x128xf32, #tpu.memory_space<hbm>> -> memref<1x10000x128xf32, #tpu.memory_space<hbm>>
        %dma_wait3A_90 = tpu.memref_squeeze %dma_wait3A_89 : memref<1x10000x128xf32, #tpu.memory_space<hbm>> -> memref<10000x128xf32, #tpu.memory_space<hbm>>
        %dma_wait3A_91 = arith.constant 0 : i32
        %dma_wait3A_92 = arith.constant 0 : i32
        %dma_wait3A_93 = tpu.memref_slice %dma_wait3A_90[%dma_wait3A_91, %dma_wait3A_92] : memref<10000x128xf32, #tpu.memory_space<hbm>> -> memref<128x128xf32, #tpu.memory_space<hbm>>
        %dma_wait3A_94 = arith.constant 0 : i32
        %dma_wait3A_95 = arith.constant 0 : i32
        %dma_wait3A_96 = tpu.memref_slice %arg8[%rem3A_82, %dma_wait3A_94, %dma_wait3A_95] : memref<2x128x128xf32, #tpu.memory_space<vmem>> -> memref<1x128x128xf32, #tpu.memory_space<vmem>>
        %dma_wait3A_97 = tpu.memref_squeeze %dma_wait3A_96 : memref<1x128x128xf32, #tpu.memory_space<vmem>> -> memref<128x128xf32, #tpu.memory_space<vmem>>
        %dma_wait3A_98 = arith.constant 0 : i32
        %dma_wait3A_99 = arith.constant 0 : i32
        %dma_wait3A_100 = tpu.memref_slice %arg4[%dma_wait3A, %dma_wait3A_98, %dma_wait3A_99] : memref<4x10000x128xf32, #tpu.memory_space<hbm>> -> memref<1x10000x128xf32, #tpu.memory_space<hbm>>
        %dma_wait3A_101 = tpu.memref_squeeze %dma_wait3A_100 : memref<1x10000x128xf32, #tpu.memory_space<hbm>> -> memref<10000x128xf32, #tpu.memory_space<hbm>>
        %dma_wait3A_102 = arith.constant 0 : i32
        %dma_wait3A_103 = arith.constant 0 : i32
        %dma_wait3A_104 = tpu.memref_slice %dma_wait3A_101[%dma_wait3A_102, %dma_wait3A_103] : memref<10000x128xf32, #tpu.memory_space<hbm>> -> memref<128x128xf32, #tpu.memory_space<hbm>>
        tpu.wait_dma2 semaphore(%arg10 : memref<!tpu.dma_semaphore, #tpu.memory_space<semaphore_mem>>) src(%dma_wait3A_104 : memref<128x128xf32, #tpu.memory_space<hbm>>) dst(%dma_wait3A_97 : memref<128x128xf32, #tpu.memory_space<vmem>>)
        %add3A_105 = arith.constant 1 : i32
        %add3A_106 = arith.addi %scan3A_81, %add3A_105 : i32
        %lt3A_107 = arith.constant 40 : i32
        %lt3A_108 = arith.cmpi slt, %add3A_106, %lt3A_107 : i32
        %convert_element_type3A_109 = arith.extui %lt3A_108 : i1 to i32
        %cond3A_110 = arith.constant 0 : i32
        %cond3A_111 = arith.cmpi ne, %convert_element_type3A_109, %cond3A_110 : i32
        scf.if %cond3A_111 {
          %add3A_112 = arith.constant 1 : i32
          %add3A_113 = arith.addi %scan3A_81, %add3A_112 : i32
          %sub3A = arith.constant 1 : i32
          %sub3A_114 = arith.subi %sub3A, %rem3A_82 : i32
          %dma_start3A_115 = arith.constant 1 : i32
          %dma_start3A_116 = arith.constant 0 : i32
          %dma_start3A_117 = arith.constant 0 : i32
          %dma_start3A_118 = tpu.memref_slice %arg8[%sub3A_114, %dma_start3A_116, %dma_start3A_117] : memref<2x128x128xf32, #tpu.memory_space<vmem>> -> memref<1x128x128xf32, #tpu.memory_space<vmem>>
          %dma_start3A_119 = tpu.memref_squeeze %dma_start3A_118 : memref<1x128x128xf32, #tpu.memory_space<vmem>> -> memref<128x128xf32, #tpu.memory_space<vmem>>
          %dma_start3A_120 = arith.constant 0 : i32
          %dma_start3A_121 = tpu.memref_slice %arg6[%add3A_113, %dma_start3A_120] : memref<40x128xi32, #tpu.memory_space<vmem>> -> memref<1x128xi32, #tpu.memory_space<vmem>>
          %dma_start3A_122 = tpu.memref_squeeze %dma_start3A_121 : memref<1x128xi32, #tpu.memory_space<vmem>> -> memref<128xi32, #tpu.memory_space<vmem>>
          %dma_start3A_123 = arith.constant 0 : i32
          %dma_start3A_124 = arith.constant 0 : i32
          %dma_start3A_125 = tpu.memref_slice %arg4[%dma_start3A_115, %dma_start3A_123, %dma_start3A_124] : memref<4x10000x128xf32, #tpu.memory_space<hbm>> -> memref<1x10000x128xf32, #tpu.memory_space<hbm>>
          %dma_start3A_126 = tpu.memref_squeeze %dma_start3A_125 : memref<1x10000x128xf32, #tpu.memory_space<hbm>> -> memref<10000x128xf32, #tpu.memory_space<hbm>>
          %dma_start3A_127 = arith.constant 0 : i32
          %dma_start3A_128 = arith.constant 0 : i32
          %dma_start3A_129 = tpu.memref_slice %dma_start3A_126[%dma_start3A_127, %dma_start3A_128] : memref<10000x128xf32, #tpu.memory_space<hbm>> -> memref<10000x128xf32, #tpu.memory_space<hbm>>
          tpu.enqueue_indirect_dma source(%dma_start3A_129 : memref<10000x128xf32, #tpu.memory_space<hbm>>) target(%dma_start3A_119 : memref<128x128xf32, #tpu.memory_space<vmem>>) offsets(%dma_start3A_122 : memref<128xi32, #tpu.memory_space<vmem>>) semaphore(%arg10 : memref<!tpu.dma_semaphore, #tpu.memory_space<semaphore_mem>>)
        } else {
        }
        "tpu.region"() ({
          %run_scoped3A_112 = tpu.sem_alloc : memref<!tpu.dma_semaphore, #tpu.memory_space<semaphore_mem>>
          %dma_start3A_113 = arith.constant 0 : i32
          %dma_start3A_114 = arith.constant 0 : i32
          %dma_start3A_115 = tpu.memref_slice %arg8[%rem3A_82, %dma_start3A_113, %dma_start3A_114] : memref<2x128x128xf32, #tpu.memory_space<vmem>> -> memref<1x128x128xf32, #tpu.memory_space<vmem>>
          %dma_start3A_116 = tpu.memref_squeeze %dma_start3A_115 : memref<1x128x128xf32, #tpu.memory_space<vmem>> -> memref<128x128xf32, #tpu.memory_space<vmem>>
          %dma_start3A_117 = arith.constant 0 : i32
          %dma_start3A_118 = tpu.memref_slice %arg7[%scan3A_81, %dma_start3A_117] : memref<40x128xi32, #tpu.memory_space<vmem>> -> memref<1x128xi32, #tpu.memory_space<vmem>>
          %dma_start3A_119 = tpu.memref_squeeze %dma_start3A_118 : memref<1x128xi32, #tpu.memory_space<vmem>> -> memref<128xi32, #tpu.memory_space<vmem>>
          %dma_start3A_120 = arith.constant 0 : i32
          %dma_start3A_121 = arith.constant 0 : i32
          %dma_start3A_122 = tpu.memref_slice %arg9[%dma_start3A_120, %dma_start3A_121] : memref<10112x128xf32, #tpu.memory_space<vmem_shared>> -> memref<10112x128xf32, #tpu.memory_space<vmem_shared>>
          tpu.enqueue_indirect_dma source(%dma_start3A_116 : memref<128x128xf32, #tpu.memory_space<vmem>>) target(%dma_start3A_122 : memref<10112x128xf32, #tpu.memory_space<vmem_shared>>) offsets(%dma_start3A_119 : memref<128xi32, #tpu.memory_space<vmem>>) semaphore(%run_scoped3A_112 : memref<!tpu.dma_semaphore, #tpu.memory_space<semaphore_mem>>) {add = true}
          %dma_wait3A_123 = arith.constant 0 : i32
          %dma_wait3A_124 = arith.constant 0 : i32
          %dma_wait3A_125 = tpu.memref_slice %arg8[%rem3A_82, %dma_wait3A_123, %dma_wait3A_124] : memref<2x128x128xf32, #tpu.memory_space<vmem>> -> memref<1x128x128xf32, #tpu.memory_space<vmem>>
          %dma_wait3A_126 = tpu.memref_squeeze %dma_wait3A_125 : memref<1x128x128xf32, #tpu.memory_space<vmem>> -> memref<128x128xf32, #tpu.memory_space<vmem>>
          %dma_wait3A_127 = arith.constant 0 : i32
          %dma_wait3A_128 = tpu.memref_slice %arg7[%scan3A_81, %dma_wait3A_127] : memref<40x128xi32, #tpu.memory_space<vmem>> -> memref<1x128xi32, #tpu.memory_space<vmem>>
          %dma_wait3A_129 = tpu.memref_squeeze %dma_wait3A_128 : memref<1x128xi32, #tpu.memory_space<vmem>> -> memref<128xi32, #tpu.memory_space<vmem>>
          %dma_wait3A_130 = arith.constant 0 : i32
          %dma_wait3A_131 = arith.constant 0 : i32
          %dma_wait3A_132 = tpu.memref_slice %arg9[%dma_wait3A_130, %dma_wait3A_131] : memref<10112x128xf32, #tpu.memory_space<vmem_shared>> -> memref<10112x128xf32, #tpu.memory_space<vmem_shared>>
          tpu.wait_indirect_dma semaphore(%run_scoped3A_112 : memref<!tpu.dma_semaphore, #tpu.memory_space<semaphore_mem>>) src(%dma_wait3A_126 : memref<128x128xf32, #tpu.memory_space<vmem>>) dst(%dma_wait3A_132 : memref<10112x128xf32, #tpu.memory_space<vmem_shared>>)
          tpu.yield
        }) : () -> ()
      }
      %scan3A_75 = arith.constant 40 : i32
      %barrier3A_76 = arith.constant 0 : index
      tpu.barrier barrier_id(%barrier3A_76)
      %mul3A_77 = arith.constant 632 : i32
      %mul3A_78 = arith.muli %arg1, %mul3A_77 : i32
      %mul3A_79 = arith.constant 632 : i32
      %mul3A_80 = arith.muli %arg1, %mul3A_79 : i32
      %run_scoped3A = arith.constant 1 : i32
      "tpu.region"() ({
        %run_scoped3A_81 = tpu.sem_alloc : memref<!tpu.dma_semaphore, #tpu.memory_space<semaphore_mem>>
        %dma_start3A_82 = arith.constant 0 : i32
        %dma_start3A_83 = arith.constant 0 : i32
        %dma_start3A_84 = tpu.memref_slice %arg5[%run_scoped3A, %dma_start3A_82, %dma_start3A_83] : memref<4x10112x128xf32, #tpu.memory_space<hbm>> -> memref<1x10112x128xf32, #tpu.memory_space<hbm>>
        %dma_start3A_85 = tpu.memref_squeeze %dma_start3A_84 : memref<1x10112x128xf32, #tpu.memory_space<hbm>> -> memref<10112x128xf32, #tpu.memory_space<hbm>>
        %dma_start3A_86 = arith.constant 0 : i32
        %dma_start3A_87 = tpu.memref_slice %dma_start3A_85[%mul3A_80, %dma_start3A_86] : memref<10112x128xf32, #tpu.memory_space<hbm>> -> memref<632x128xf32, #tpu.memory_space<hbm>>
        %dma_start3A_88 = arith.constant 0 : i32
        %dma_start3A_89 = tpu.memref_slice %arg9[%mul3A_78, %dma_start3A_88] : memref<10112x128xf32, #tpu.memory_space<vmem_shared>> -> memref<632x128xf32, #tpu.memory_space<vmem_shared>>
        tpu.enqueue_dma source(%dma_start3A_89 : memref<632x128xf32, #tpu.memory_space<vmem_shared>>) target(%dma_start3A_87 : memref<632x128xf32, #tpu.memory_space<hbm>>) target_semaphore(%run_scoped3A_81 : memref<!tpu.dma_semaphore, #tpu.memory_space<semaphore_mem>>)
        %dma_wait3A = arith.constant 0 : i32
        %dma_wait3A_90 = arith.constant 0 : i32
        %dma_wait3A_91 = tpu.memref_slice %arg5[%run_scoped3A, %dma_wait3A, %dma_wait3A_90] : memref<4x10112x128xf32, #tpu.memory_space<hbm>> -> memref<1x10112x128xf32, #tpu.memory_space<hbm>>
        %dma_wait3A_92 = tpu.memref_squeeze %dma_wait3A_91 : memref<1x10112x128xf32, #tpu.memory_space<hbm>> -> memref<10112x128xf32, #tpu.memory_space<hbm>>
        %dma_wait3A_93 = arith.constant 0 : i32
        %dma_wait3A_94 = tpu.memref_slice %dma_wait3A_92[%mul3A_80, %dma_wait3A_93] : memref<10112x128xf32, #tpu.memory_space<hbm>> -> memref<632x128xf32, #tpu.memory_space<hbm>>
        %dma_wait3A_95 = arith.constant 0 : i32
        %dma_wait3A_96 = tpu.memref_slice %arg9[%mul3A_78, %dma_wait3A_95] : memref<10112x128xf32, #tpu.memory_space<vmem_shared>> -> memref<632x128xf32, #tpu.memory_space<vmem_shared>>
        tpu.wait_dma2 semaphore(%run_scoped3A_81 : memref<!tpu.dma_semaphore, #tpu.memory_space<semaphore_mem>>) src(%dma_wait3A_96 : memref<632x128xf32, #tpu.memory_space<vmem_shared>>) dst(%dma_wait3A_94 : memref<632x128xf32, #tpu.memory_space<hbm>>)
        tpu.yield
      }) : () -> ()
    } else {
    }
    %eq3A_7 = arith.constant 0 : i32
    %eq3A_8 = arith.cmpi eq, %arg0, %eq3A_7 : i32
    %convert_element_type3A_9 = arith.extui %eq3A_8 : i1 to i32
    %cond3A_10 = arith.constant 0 : i32
    %cond3A_11 = arith.cmpi ne, %convert_element_type3A_9, %cond3A_10 : i32
    scf.if %cond3A_11 {
      %lt3A = arith.constant 15 : i32
      %lt3A_17 = arith.cmpi slt, %arg1, %lt3A : i32
      %convert_element_type3A_18 = arith.extui %lt3A_17 : i1 to i32
      %cond3A_19 = arith.constant 0 : i32
      %cond3A_20 = arith.cmpi ne, %convert_element_type3A_18, %cond3A_19 : i32
      scf.if %cond3A_20 {
        %mul3A_81 = arith.constant 632 : i32
        %mul3A_82 = arith.muli %arg1, %mul3A_81 : i32
        %mul3A_83 = arith.constant 632 : i32
        %mul3A_84 = arith.muli %arg1, %mul3A_83 : i32
        %run_scoped3A_85 = arith.constant 2 : i32
        "tpu.region"() ({
          %run_scoped3A_86 = tpu.sem_alloc : memref<!tpu.dma_semaphore, #tpu.memory_space<semaphore_mem>>
          %dma_start3A_87 = arith.constant 0 : i32
          %dma_start3A_88 = tpu.memref_slice %arg9[%mul3A_84, %dma_start3A_87] : memref<10112x128xf32, #tpu.memory_space<vmem_shared>> -> memref<632x128xf32, #tpu.memory_space<vmem_shared>>
          %dma_start3A_89 = arith.constant 0 : i32
          %dma_start3A_90 = arith.constant 0 : i32
          %dma_start3A_91 = tpu.memref_slice %arg4[%run_scoped3A_85, %dma_start3A_89, %dma_start3A_90] : memref<4x10000x128xf32, #tpu.memory_space<hbm>> -> memref<1x10000x128xf32, #tpu.memory_space<hbm>>
          %dma_start3A_92 = tpu.memref_squeeze %dma_start3A_91 : memref<1x10000x128xf32, #tpu.memory_space<hbm>> -> memref<10000x128xf32, #tpu.memory_space<hbm>>
          %dma_start3A_93 = arith.constant 0 : i32
          %dma_start3A_94 = tpu.memref_slice %dma_start3A_92[%mul3A_82, %dma_start3A_93] : memref<10000x128xf32, #tpu.memory_space<hbm>> -> memref<632x128xf32, #tpu.memory_space<hbm>>
          tpu.enqueue_dma source(%dma_start3A_94 : memref<632x128xf32, #tpu.memory_space<hbm>>) target(%dma_start3A_88 : memref<632x128xf32, #tpu.memory_space<vmem_shared>>) target_semaphore(%run_scoped3A_86 : memref<!tpu.dma_semaphore, #tpu.memory_space<semaphore_mem>>)
          %dma_wait3A = arith.constant 0 : i32
          %dma_wait3A_95 = tpu.memref_slice %arg9[%mul3A_84, %dma_wait3A] : memref<10112x128xf32, #tpu.memory_space<vmem_shared>> -> memref<632x128xf32, #tpu.memory_space<vmem_shared>>
          %dma_wait3A_96 = arith.constant 0 : i32
          %dma_wait3A_97 = arith.constant 0 : i32
          %dma_wait3A_98 = tpu.memref_slice %arg4[%run_scoped3A_85, %dma_wait3A_96, %dma_wait3A_97] : memref<4x10000x128xf32, #tpu.memory_space<hbm>> -> memref<1x10000x128xf32, #tpu.memory_space<hbm>>
          %dma_wait3A_99 = tpu.memref_squeeze %dma_wait3A_98 : memref<1x10000x128xf32, #tpu.memory_space<hbm>> -> memref<10000x128xf32, #tpu.memory_space<hbm>>
          %dma_wait3A_100 = arith.constant 0 : i32
          %dma_wait3A_101 = tpu.memref_slice %dma_wait3A_99[%mul3A_82, %dma_wait3A_100] : memref<10000x128xf32, #tpu.memory_space<hbm>> -> memref<632x128xf32, #tpu.memory_space<hbm>>
          tpu.wait_dma2 semaphore(%run_scoped3A_86 : memref<!tpu.dma_semaphore, #tpu.memory_space<semaphore_mem>>) src(%dma_wait3A_101 : memref<632x128xf32, #tpu.memory_space<hbm>>) dst(%dma_wait3A_95 : memref<632x128xf32, #tpu.memory_space<vmem_shared>>)
          tpu.yield
        }) : () -> ()
      } else {
      }
      %eq3A_21 = arith.constant 15 : i32
      %eq3A_22 = arith.cmpi eq, %arg1, %eq3A_21 : i32
      %convert_element_type3A_23 = arith.extui %eq3A_22 : i1 to i32
      %cond3A_24 = arith.constant 0 : i32
      %cond3A_25 = arith.cmpi ne, %convert_element_type3A_23, %cond3A_24 : i32
      scf.if %cond3A_25 {
        %run_scoped3A_81 = arith.constant 2 : i32
        "tpu.region"() ({
          %run_scoped3A_82 = tpu.sem_alloc : memref<!tpu.dma_semaphore, #tpu.memory_space<semaphore_mem>>
          %dma_start3A_83 = arith.constant 9480 : i32
          %dma_start3A_84 = arith.constant 0 : i32
          %dma_start3A_85 = tpu.memref_slice %arg9[%dma_start3A_83, %dma_start3A_84] : memref<10112x128xf32, #tpu.memory_space<vmem_shared>> -> memref<520x128xf32, #tpu.memory_space<vmem_shared>>
          %dma_start3A_86 = arith.constant 0 : i32
          %dma_start3A_87 = arith.constant 0 : i32
          %dma_start3A_88 = tpu.memref_slice %arg4[%run_scoped3A_81, %dma_start3A_86, %dma_start3A_87] : memref<4x10000x128xf32, #tpu.memory_space<hbm>> -> memref<1x10000x128xf32, #tpu.memory_space<hbm>>
          %dma_start3A_89 = tpu.memref_squeeze %dma_start3A_88 : memref<1x10000x128xf32, #tpu.memory_space<hbm>> -> memref<10000x128xf32, #tpu.memory_space<hbm>>
          %dma_start3A_90 = arith.constant 9480 : i32
          %dma_start3A_91 = arith.constant 0 : i32
          %dma_start3A_92 = tpu.memref_slice %dma_start3A_89[%dma_start3A_90, %dma_start3A_91] : memref<10000x128xf32, #tpu.memory_space<hbm>> -> memref<520x128xf32, #tpu.memory_space<hbm>>
          tpu.enqueue_dma source(%dma_start3A_92 : memref<520x128xf32, #tpu.memory_space<hbm>>) target(%dma_start3A_85 : memref<520x128xf32, #tpu.memory_space<vmem_shared>>) target_semaphore(%run_scoped3A_82 : memref<!tpu.dma_semaphore, #tpu.memory_space<semaphore_mem>>)
          %dma_wait3A = arith.constant 9480 : i32
          %dma_wait3A_93 = arith.constant 0 : i32
          %dma_wait3A_94 = tpu.memref_slice %arg9[%dma_wait3A, %dma_wait3A_93] : memref<10112x128xf32, #tpu.memory_space<vmem_shared>> -> memref<520x128xf32, #tpu.memory_space<vmem_shared>>
          %dma_wait3A_95 = arith.constant 0 : i32
          %dma_wait3A_96 = arith.constant 0 : i32
          %dma_wait3A_97 = tpu.memref_slice %arg4[%run_scoped3A_81, %dma_wait3A_95, %dma_wait3A_96] : memref<4x10000x128xf32, #tpu.memory_space<hbm>> -> memref<1x10000x128xf32, #tpu.memory_space<hbm>>
          %dma_wait3A_98 = tpu.memref_squeeze %dma_wait3A_97 : memref<1x10000x128xf32, #tpu.memory_space<hbm>> -> memref<10000x128xf32, #tpu.memory_space<hbm>>
          %dma_wait3A_99 = arith.constant 9480 : i32
          %dma_wait3A_100 = arith.constant 0 : i32
          %dma_wait3A_101 = tpu.memref_slice %dma_wait3A_98[%dma_wait3A_99, %dma_wait3A_100] : memref<10000x128xf32, #tpu.memory_space<hbm>> -> memref<520x128xf32, #tpu.memory_space<hbm>>
          tpu.wait_dma2 semaphore(%run_scoped3A_82 : memref<!tpu.dma_semaphore, #tpu.memory_space<semaphore_mem>>) src(%dma_wait3A_101 : memref<520x128xf32, #tpu.memory_space<hbm>>) dst(%dma_wait3A_94 : memref<520x128xf32, #tpu.memory_space<vmem_shared>>)
          tpu.yield
        }) : () -> ()
      } else {
      }
      %barrier3A = arith.constant 0 : index
      tpu.barrier barrier_id(%barrier3A)
      %mul3A = arith.constant 80 : i32
      %mul3A_26 = arith.muli %arg1, %mul3A : i32
      %add3A = arith.constant 0 : i32
      %add3A_27 = arith.addi %mul3A_26, %add3A : i32
      "tpu.region"() ({
        %run_scoped3A_81 = tpu.sem_alloc : memref<!tpu.dma_semaphore, #tpu.memory_space<semaphore_mem>>
        %dma_start3A_82 = arith.constant 0 : i32
        %dma_start3A_83 = tpu.memref_slice %arg2[%add3A_27, %dma_start3A_82] : memref<1280x128xi32, #tpu.memory_space<hbm>> -> memref<40x128xi32, #tpu.memory_space<hbm>>
        %dma_start3A_84 = arith.constant 0 : i32
        %dma_start3A_85 = tpu.memref_slice %arg2[%add3A_27, %dma_start3A_84] : memref<1280x128xi32, #tpu.memory_space<hbm>> -> memref<40x128xi32, #tpu.memory_space<hbm>>
        tpu.enqueue_dma source(%dma_start3A_85 : memref<40x128xi32, #tpu.memory_space<hbm>>) target(%arg6 : memref<40x128xi32, #tpu.memory_space<vmem>>) target_semaphore(%run_scoped3A_81 : memref<!tpu.dma_semaphore, #tpu.memory_space<semaphore_mem>>)
        %dma_wait3A = arith.constant 0 : i32
        %dma_wait3A_86 = tpu.memref_slice %arg2[%add3A_27, %dma_wait3A] : memref<1280x128xi32, #tpu.memory_space<hbm>> -> memref<40x128xi32, #tpu.memory_space<hbm>>
        %dma_wait3A_87 = arith.constant 0 : i32
        %dma_wait3A_88 = tpu.memref_slice %arg2[%add3A_27, %dma_wait3A_87] : memref<1280x128xi32, #tpu.memory_space<hbm>> -> memref<40x128xi32, #tpu.memory_space<hbm>>
        tpu.wait_dma2 semaphore(%run_scoped3A_81 : memref<!tpu.dma_semaphore, #tpu.memory_space<semaphore_mem>>) src(%dma_wait3A_88 : memref<40x128xi32, #tpu.memory_space<hbm>>) dst(%arg6 : memref<40x128xi32, #tpu.memory_space<vmem>>)
        tpu.yield
      }) : () -> ()
      "tpu.region"() ({
        %run_scoped3A_81 = tpu.sem_alloc : memref<!tpu.dma_semaphore, #tpu.memory_space<semaphore_mem>>
        %dma_start3A_82 = arith.constant 0 : i32
        %dma_start3A_83 = tpu.memref_slice %arg3[%add3A_27, %dma_start3A_82] : memref<1280x128xi32, #tpu.memory_space<hbm>> -> memref<40x128xi32, #tpu.memory_space<hbm>>
        %dma_start3A_84 = arith.constant 0 : i32
        %dma_start3A_85 = tpu.memref_slice %arg3[%add3A_27, %dma_start3A_84] : memref<1280x128xi32, #tpu.memory_space<hbm>> -> memref<40x128xi32, #tpu.memory_space<hbm>>
        tpu.enqueue_dma source(%dma_start3A_85 : memref<40x128xi32, #tpu.memory_space<hbm>>) target(%arg7 : memref<40x128xi32, #tpu.memory_space<vmem>>) target_semaphore(%run_scoped3A_81 : memref<!tpu.dma_semaphore, #tpu.memory_space<semaphore_mem>>)
        %dma_wait3A = arith.constant 0 : i32
        %dma_wait3A_86 = tpu.memref_slice %arg3[%add3A_27, %dma_wait3A] : memref<1280x128xi32, #tpu.memory_space<hbm>> -> memref<40x128xi32, #tpu.memory_space<hbm>>
        %dma_wait3A_87 = arith.constant 0 : i32
        %dma_wait3A_88 = tpu.memref_slice %arg3[%add3A_27, %dma_wait3A_87] : memref<1280x128xi32, #tpu.memory_space<hbm>> -> memref<40x128xi32, #tpu.memory_space<hbm>>
        tpu.wait_dma2 semaphore(%run_scoped3A_81 : memref<!tpu.dma_semaphore, #tpu.memory_space<semaphore_mem>>) src(%dma_wait3A_88 : memref<40x128xi32, #tpu.memory_space<hbm>>) dst(%arg7 : memref<40x128xi32, #tpu.memory_space<vmem>>)
        tpu.yield
      }) : () -> ()
      %dma_start3A = arith.constant 2 : i32
      %dma_start3A_28 = arith.constant 0 : i32
      %dma_start3A_29 = arith.constant 0 : i32
      %dma_start3A_30 = arith.constant 0 : i32
      %dma_start3A_31 = arith.constant 0 : i32
      %dma_start3A_32 = tpu.memref_slice %arg8[%dma_start3A_29, %dma_start3A_30, %dma_start3A_31] : memref<2x128x128xf32, #tpu.memory_space<vmem>> -> memref<1x128x128xf32, #tpu.memory_space<vmem>>
      %dma_start3A_33 = tpu.memref_squeeze %dma_start3A_32 : memref<1x128x128xf32, #tpu.memory_space<vmem>> -> memref<128x128xf32, #tpu.memory_space<vmem>>
      %dma_start3A_34 = arith.constant 0 : i32
      %dma_start3A_35 = tpu.memref_slice %arg6[%dma_start3A_28, %dma_start3A_34] : memref<40x128xi32, #tpu.memory_space<vmem>> -> memref<1x128xi32, #tpu.memory_space<vmem>>
      %dma_start3A_36 = tpu.memref_squeeze %dma_start3A_35 : memref<1x128xi32, #tpu.memory_space<vmem>> -> memref<128xi32, #tpu.memory_space<vmem>>
      %dma_start3A_37 = arith.constant 0 : i32
      %dma_start3A_38 = arith.constant 0 : i32
      %dma_start3A_39 = tpu.memref_slice %arg4[%dma_start3A, %dma_start3A_37, %dma_start3A_38] : memref<4x10000x128xf32, #tpu.memory_space<hbm>> -> memref<1x10000x128xf32, #tpu.memory_space<hbm>>
      %dma_start3A_40 = tpu.memref_squeeze %dma_start3A_39 : memref<1x10000x128xf32, #tpu.memory_space<hbm>> -> memref<10000x128xf32, #tpu.memory_space<hbm>>
      %dma_start3A_41 = arith.constant 0 : i32
      %dma_start3A_42 = arith.constant 0 : i32
      %dma_start3A_43 = tpu.memref_slice %dma_start3A_40[%dma_start3A_41, %dma_start3A_42] : memref<10000x128xf32, #tpu.memory_space<hbm>> -> memref<10000x128xf32, #tpu.memory_space<hbm>>
      tpu.enqueue_indirect_dma source(%dma_start3A_43 : memref<10000x128xf32, #tpu.memory_space<hbm>>) target(%dma_start3A_33 : memref<128x128xf32, #tpu.memory_space<vmem>>) offsets(%dma_start3A_36 : memref<128xi32, #tpu.memory_space<vmem>>) semaphore(%arg10 : memref<!tpu.dma_semaphore, #tpu.memory_space<semaphore_mem>>)
      %scan3A = arith.constant 0 : i32
      %scan3A_44 = arith.constant 0 : i32
      %scan3A_45 = arith.constant 40 : i32
      %scan3A_46 = arith.addi %scan3A_44, %scan3A_45 : i32
      %scan3A_47 = arith.constant 1 : i32
      scf.for %scan3A_81 = %scan3A_44 to %scan3A_46 step %scan3A_47  : i32 {
        %rem3A = arith.constant 2 : i32
        %rem3A_82 = arith.remsi %scan3A_81, %rem3A : i32
        %dma_wait3A = arith.constant 2 : i32
        %dma_wait3A_83 = arith.constant 0 : i32
        %dma_wait3A_84 = arith.constant 0 : i32
        %dma_wait3A_85 = tpu.memref_slice %arg8[%rem3A_82, %dma_wait3A_83, %dma_wait3A_84] : memref<2x128x128xf32, #tpu.memory_space<vmem>> -> memref<1x128x128xf32, #tpu.memory_space<vmem>>
        %dma_wait3A_86 = tpu.memref_squeeze %dma_wait3A_85 : memref<1x128x128xf32, #tpu.memory_space<vmem>> -> memref<128x128xf32, #tpu.memory_space<vmem>>
        %dma_wait3A_87 = arith.constant 0 : i32
        %dma_wait3A_88 = arith.constant 0 : i32
        %dma_wait3A_89 = tpu.memref_slice %arg4[%dma_wait3A, %dma_wait3A_87, %dma_wait3A_88] : memref<4x10000x128xf32, #tpu.memory_space<hbm>> -> memref<1x10000x128xf32, #tpu.memory_space<hbm>>
        %dma_wait3A_90 = tpu.memref_squeeze %dma_wait3A_89 : memref<1x10000x128xf32, #tpu.memory_space<hbm>> -> memref<10000x128xf32, #tpu.memory_space<hbm>>
        %dma_wait3A_91 = arith.constant 0 : i32
        %dma_wait3A_92 = arith.constant 0 : i32
        %dma_wait3A_93 = tpu.memref_slice %dma_wait3A_90[%dma_wait3A_91, %dma_wait3A_92] : memref<10000x128xf32, #tpu.memory_space<hbm>> -> memref<128x128xf32, #tpu.memory_space<hbm>>
        %dma_wait3A_94 = arith.constant 0 : i32
        %dma_wait3A_95 = arith.constant 0 : i32
        %dma_wait3A_96 = tpu.memref_slice %arg8[%rem3A_82, %dma_wait3A_94, %dma_wait3A_95] : memref<2x128x128xf32, #tpu.memory_space<vmem>> -> memref<1x128x128xf32, #tpu.memory_space<vmem>>
        %dma_wait3A_97 = tpu.memref_squeeze %dma_wait3A_96 : memref<1x128x128xf32, #tpu.memory_space<vmem>> -> memref<128x128xf32, #tpu.memory_space<vmem>>
        %dma_wait3A_98 = arith.constant 0 : i32
        %dma_wait3A_99 = arith.constant 0 : i32
        %dma_wait3A_100 = tpu.memref_slice %arg4[%dma_wait3A, %dma_wait3A_98, %dma_wait3A_99] : memref<4x10000x128xf32, #tpu.memory_space<hbm>> -> memref<1x10000x128xf32, #tpu.memory_space<hbm>>
        %dma_wait3A_101 = tpu.memref_squeeze %dma_wait3A_100 : memref<1x10000x128xf32, #tpu.memory_space<hbm>> -> memref<10000x128xf32, #tpu.memory_space<hbm>>
        %dma_wait3A_102 = arith.constant 0 : i32
        %dma_wait3A_103 = arith.constant 0 : i32
        %dma_wait3A_104 = tpu.memref_slice %dma_wait3A_101[%dma_wait3A_102, %dma_wait3A_103] : memref<10000x128xf32, #tpu.memory_space<hbm>> -> memref<128x128xf32, #tpu.memory_space<hbm>>
        tpu.wait_dma2 semaphore(%arg10 : memref<!tpu.dma_semaphore, #tpu.memory_space<semaphore_mem>>) src(%dma_wait3A_104 : memref<128x128xf32, #tpu.memory_space<hbm>>) dst(%dma_wait3A_97 : memref<128x128xf32, #tpu.memory_space<vmem>>)
        %add3A_105 = arith.constant 1 : i32
        %add3A_106 = arith.addi %scan3A_81, %add3A_105 : i32
        %lt3A_107 = arith.constant 40 : i32
        %lt3A_108 = arith.cmpi slt, %add3A_106, %lt3A_107 : i32
        %convert_element_type3A_109 = arith.extui %lt3A_108 : i1 to i32
        %cond3A_110 = arith.constant 0 : i32
        %cond3A_111 = arith.cmpi ne, %convert_element_type3A_109, %cond3A_110 : i32
        scf.if %cond3A_111 {
          %add3A_112 = arith.constant 1 : i32
          %add3A_113 = arith.addi %scan3A_81, %add3A_112 : i32
          %sub3A = arith.constant 1 : i32
          %sub3A_114 = arith.subi %sub3A, %rem3A_82 : i32
          %dma_start3A_115 = arith.constant 2 : i32
          %dma_start3A_116 = arith.constant 0 : i32
          %dma_start3A_117 = arith.constant 0 : i32
          %dma_start3A_118 = tpu.memref_slice %arg8[%sub3A_114, %dma_start3A_116, %dma_start3A_117] : memref<2x128x128xf32, #tpu.memory_space<vmem>> -> memref<1x128x128xf32, #tpu.memory_space<vmem>>
          %dma_start3A_119 = tpu.memref_squeeze %dma_start3A_118 : memref<1x128x128xf32, #tpu.memory_space<vmem>> -> memref<128x128xf32, #tpu.memory_space<vmem>>
          %dma_start3A_120 = arith.constant 0 : i32
          %dma_start3A_121 = tpu.memref_slice %arg6[%add3A_113, %dma_start3A_120] : memref<40x128xi32, #tpu.memory_space<vmem>> -> memref<1x128xi32, #tpu.memory_space<vmem>>
          %dma_start3A_122 = tpu.memref_squeeze %dma_start3A_121 : memref<1x128xi32, #tpu.memory_space<vmem>> -> memref<128xi32, #tpu.memory_space<vmem>>
          %dma_start3A_123 = arith.constant 0 : i32
          %dma_start3A_124 = arith.constant 0 : i32
          %dma_start3A_125 = tpu.memref_slice %arg4[%dma_start3A_115, %dma_start3A_123, %dma_start3A_124] : memref<4x10000x128xf32, #tpu.memory_space<hbm>> -> memref<1x10000x128xf32, #tpu.memory_space<hbm>>
          %dma_start3A_126 = tpu.memref_squeeze %dma_start3A_125 : memref<1x10000x128xf32, #tpu.memory_space<hbm>> -> memref<10000x128xf32, #tpu.memory_space<hbm>>
          %dma_start3A_127 = arith.constant 0 : i32
          %dma_start3A_128 = arith.constant 0 : i32
          %dma_start3A_129 = tpu.memref_slice %dma_start3A_126[%dma_start3A_127, %dma_start3A_128] : memref<10000x128xf32, #tpu.memory_space<hbm>> -> memref<10000x128xf32, #tpu.memory_space<hbm>>
          tpu.enqueue_indirect_dma source(%dma_start3A_129 : memref<10000x128xf32, #tpu.memory_space<hbm>>) target(%dma_start3A_119 : memref<128x128xf32, #tpu.memory_space<vmem>>) offsets(%dma_start3A_122 : memref<128xi32, #tpu.memory_space<vmem>>) semaphore(%arg10 : memref<!tpu.dma_semaphore, #tpu.memory_space<semaphore_mem>>)
        } else {
        }
        "tpu.region"() ({
          %run_scoped3A_112 = tpu.sem_alloc : memref<!tpu.dma_semaphore, #tpu.memory_space<semaphore_mem>>
          %dma_start3A_113 = arith.constant 0 : i32
          %dma_start3A_114 = arith.constant 0 : i32
          %dma_start3A_115 = tpu.memref_slice %arg8[%rem3A_82, %dma_start3A_113, %dma_start3A_114] : memref<2x128x128xf32, #tpu.memory_space<vmem>> -> memref<1x128x128xf32, #tpu.memory_space<vmem>>
          %dma_start3A_116 = tpu.memref_squeeze %dma_start3A_115 : memref<1x128x128xf32, #tpu.memory_space<vmem>> -> memref<128x128xf32, #tpu.memory_space<vmem>>
          %dma_start3A_117 = arith.constant 0 : i32
          %dma_start3A_118 = tpu.memref_slice %arg7[%scan3A_81, %dma_start3A_117] : memref<40x128xi32, #tpu.memory_space<vmem>> -> memref<1x128xi32, #tpu.memory_space<vmem>>
          %dma_start3A_119 = tpu.memref_squeeze %dma_start3A_118 : memref<1x128xi32, #tpu.memory_space<vmem>> -> memref<128xi32, #tpu.memory_space<vmem>>
          %dma_start3A_120 = arith.constant 0 : i32
          %dma_start3A_121 = arith.constant 0 : i32
          %dma_start3A_122 = tpu.memref_slice %arg9[%dma_start3A_120, %dma_start3A_121] : memref<10112x128xf32, #tpu.memory_space<vmem_shared>> -> memref<10112x128xf32, #tpu.memory_space<vmem_shared>>
          tpu.enqueue_indirect_dma source(%dma_start3A_116 : memref<128x128xf32, #tpu.memory_space<vmem>>) target(%dma_start3A_122 : memref<10112x128xf32, #tpu.memory_space<vmem_shared>>) offsets(%dma_start3A_119 : memref<128xi32, #tpu.memory_space<vmem>>) semaphore(%run_scoped3A_112 : memref<!tpu.dma_semaphore, #tpu.memory_space<semaphore_mem>>) {add = true}
          %dma_wait3A_123 = arith.constant 0 : i32
          %dma_wait3A_124 = arith.constant 0 : i32
          %dma_wait3A_125 = tpu.memref_slice %arg8[%rem3A_82, %dma_wait3A_123, %dma_wait3A_124] : memref<2x128x128xf32, #tpu.memory_space<vmem>> -> memref<1x128x128xf32, #tpu.memory_space<vmem>>
          %dma_wait3A_126 = tpu.memref_squeeze %dma_wait3A_125 : memref<1x128x128xf32, #tpu.memory_space<vmem>> -> memref<128x128xf32, #tpu.memory_space<vmem>>
          %dma_wait3A_127 = arith.constant 0 : i32
          %dma_wait3A_128 = tpu.memref_slice %arg7[%scan3A_81, %dma_wait3A_127] : memref<40x128xi32, #tpu.memory_space<vmem>> -> memref<1x128xi32, #tpu.memory_space<vmem>>
          %dma_wait3A_129 = tpu.memref_squeeze %dma_wait3A_128 : memref<1x128xi32, #tpu.memory_space<vmem>> -> memref<128xi32, #tpu.memory_space<vmem>>
          %dma_wait3A_130 = arith.constant 0 : i32
          %dma_wait3A_131 = arith.constant 0 : i32
          %dma_wait3A_132 = tpu.memref_slice %arg9[%dma_wait3A_130, %dma_wait3A_131] : memref<10112x128xf32, #tpu.memory_space<vmem_shared>> -> memref<10112x128xf32, #tpu.memory_space<vmem_shared>>
          tpu.wait_indirect_dma semaphore(%run_scoped3A_112 : memref<!tpu.dma_semaphore, #tpu.memory_space<semaphore_mem>>) src(%dma_wait3A_126 : memref<128x128xf32, #tpu.memory_space<vmem>>) dst(%dma_wait3A_132 : memref<10112x128xf32, #tpu.memory_space<vmem_shared>>)
          tpu.yield
        }) : () -> ()
      }
      %scan3A_48 = arith.constant 40 : i32
      %mul3A_49 = arith.constant 80 : i32
      %mul3A_50 = arith.muli %arg1, %mul3A_49 : i32
      %add3A_51 = arith.constant 40 : i32
      %add3A_52 = arith.addi %mul3A_50, %add3A_51 : i32
      "tpu.region"() ({
        %run_scoped3A_81 = tpu.sem_alloc : memref<!tpu.dma_semaphore, #tpu.memory_space<semaphore_mem>>
        %dma_start3A_82 = arith.constant 0 : i32
        %dma_start3A_83 = tpu.memref_slice %arg2[%add3A_52, %dma_start3A_82] : memref<1280x128xi32, #tpu.memory_space<hbm>> -> memref<40x128xi32, #tpu.memory_space<hbm>>
        %dma_start3A_84 = arith.constant 0 : i32
        %dma_start3A_85 = tpu.memref_slice %arg2[%add3A_52, %dma_start3A_84] : memref<1280x128xi32, #tpu.memory_space<hbm>> -> memref<40x128xi32, #tpu.memory_space<hbm>>
        tpu.enqueue_dma source(%dma_start3A_85 : memref<40x128xi32, #tpu.memory_space<hbm>>) target(%arg6 : memref<40x128xi32, #tpu.memory_space<vmem>>) target_semaphore(%run_scoped3A_81 : memref<!tpu.dma_semaphore, #tpu.memory_space<semaphore_mem>>)
        %dma_wait3A = arith.constant 0 : i32
        %dma_wait3A_86 = tpu.memref_slice %arg2[%add3A_52, %dma_wait3A] : memref<1280x128xi32, #tpu.memory_space<hbm>> -> memref<40x128xi32, #tpu.memory_space<hbm>>
        %dma_wait3A_87 = arith.constant 0 : i32
        %dma_wait3A_88 = tpu.memref_slice %arg2[%add3A_52, %dma_wait3A_87] : memref<1280x128xi32, #tpu.memory_space<hbm>> -> memref<40x128xi32, #tpu.memory_space<hbm>>
        tpu.wait_dma2 semaphore(%run_scoped3A_81 : memref<!tpu.dma_semaphore, #tpu.memory_space<semaphore_mem>>) src(%dma_wait3A_88 : memref<40x128xi32, #tpu.memory_space<hbm>>) dst(%arg6 : memref<40x128xi32, #tpu.memory_space<vmem>>)
        tpu.yield
      }) : () -> ()
      "tpu.region"() ({
        %run_scoped3A_81 = tpu.sem_alloc : memref<!tpu.dma_semaphore, #tpu.memory_space<semaphore_mem>>
        %dma_start3A_82 = arith.constant 0 : i32
        %dma_start3A_83 = tpu.memref_slice %arg3[%add3A_52, %dma_start3A_82] : memref<1280x128xi32, #tpu.memory_space<hbm>> -> memref<40x128xi32, #tpu.memory_space<hbm>>
        %dma_start3A_84 = arith.constant 0 : i32
        %dma_start3A_85 = tpu.memref_slice %arg3[%add3A_52, %dma_start3A_84] : memref<1280x128xi32, #tpu.memory_space<hbm>> -> memref<40x128xi32, #tpu.memory_space<hbm>>
        tpu.enqueue_dma source(%dma_start3A_85 : memref<40x128xi32, #tpu.memory_space<hbm>>) target(%arg7 : memref<40x128xi32, #tpu.memory_space<vmem>>) target_semaphore(%run_scoped3A_81 : memref<!tpu.dma_semaphore, #tpu.memory_space<semaphore_mem>>)
        %dma_wait3A = arith.constant 0 : i32
        %dma_wait3A_86 = tpu.memref_slice %arg3[%add3A_52, %dma_wait3A] : memref<1280x128xi32, #tpu.memory_space<hbm>> -> memref<40x128xi32, #tpu.memory_space<hbm>>
        %dma_wait3A_87 = arith.constant 0 : i32
        %dma_wait3A_88 = tpu.memref_slice %arg3[%add3A_52, %dma_wait3A_87] : memref<1280x128xi32, #tpu.memory_space<hbm>> -> memref<40x128xi32, #tpu.memory_space<hbm>>
        tpu.wait_dma2 semaphore(%run_scoped3A_81 : memref<!tpu.dma_semaphore, #tpu.memory_space<semaphore_mem>>) src(%dma_wait3A_88 : memref<40x128xi32, #tpu.memory_space<hbm>>) dst(%arg7 : memref<40x128xi32, #tpu.memory_space<vmem>>)
        tpu.yield
      }) : () -> ()
      %dma_start3A_53 = arith.constant 2 : i32
      %dma_start3A_54 = arith.constant 0 : i32
      %dma_start3A_55 = arith.constant 0 : i32
      %dma_start3A_56 = arith.constant 0 : i32
      %dma_start3A_57 = arith.constant 0 : i32
      %dma_start3A_58 = tpu.memref_slice %arg8[%dma_start3A_55, %dma_start3A_56, %dma_start3A_57] : memref<2x128x128xf32, #tpu.memory_space<vmem>> -> memref<1x128x128xf32, #tpu.memory_space<vmem>>
      %dma_start3A_59 = tpu.memref_squeeze %dma_start3A_58 : memref<1x128x128xf32, #tpu.memory_space<vmem>> -> memref<128x128xf32, #tpu.memory_space<vmem>>
      %dma_start3A_60 = arith.constant 0 : i32
      %dma_start3A_61 = tpu.memref_slice %arg6[%dma_start3A_54, %dma_start3A_60] : memref<40x128xi32, #tpu.memory_space<vmem>> -> memref<1x128xi32, #tpu.memory_space<vmem>>
      %dma_start3A_62 = tpu.memref_squeeze %dma_start3A_61 : memref<1x128xi32, #tpu.memory_space<vmem>> -> memref<128xi32, #tpu.memory_space<vmem>>
      %dma_start3A_63 = arith.constant 0 : i32
      %dma_start3A_64 = arith.constant 0 : i32
      %dma_start3A_65 = tpu.memref_slice %arg4[%dma_start3A_53, %dma_start3A_63, %dma_start3A_64] : memref<4x10000x128xf32, #tpu.memory_space<hbm>> -> memref<1x10000x128xf32, #tpu.memory_space<hbm>>
      %dma_start3A_66 = tpu.memref_squeeze %dma_start3A_65 : memref<1x10000x128xf32, #tpu.memory_space<hbm>> -> memref<10000x128xf32, #tpu.memory_space<hbm>>
      %dma_start3A_67 = arith.constant 0 : i32
      %dma_start3A_68 = arith.constant 0 : i32
      %dma_start3A_69 = tpu.memref_slice %dma_start3A_66[%dma_start3A_67, %dma_start3A_68] : memref<10000x128xf32, #tpu.memory_space<hbm>> -> memref<10000x128xf32, #tpu.memory_space<hbm>>
      tpu.enqueue_indirect_dma source(%dma_start3A_69 : memref<10000x128xf32, #tpu.memory_space<hbm>>) target(%dma_start3A_59 : memref<128x128xf32, #tpu.memory_space<vmem>>) offsets(%dma_start3A_62 : memref<128xi32, #tpu.memory_space<vmem>>) semaphore(%arg10 : memref<!tpu.dma_semaphore, #tpu.memory_space<semaphore_mem>>)
      %scan3A_70 = arith.constant 0 : i32
      %scan3A_71 = arith.constant 0 : i32
      %scan3A_72 = arith.constant 40 : i32
      %scan3A_73 = arith.addi %scan3A_71, %scan3A_72 : i32
      %scan3A_74 = arith.constant 1 : i32
      scf.for %scan3A_81 = %scan3A_71 to %scan3A_73 step %scan3A_74  : i32 {
        %rem3A = arith.constant 2 : i32
        %rem3A_82 = arith.remsi %scan3A_81, %rem3A : i32
        %dma_wait3A = arith.constant 2 : i32
        %dma_wait3A_83 = arith.constant 0 : i32
        %dma_wait3A_84 = arith.constant 0 : i32
        %dma_wait3A_85 = tpu.memref_slice %arg8[%rem3A_82, %dma_wait3A_83, %dma_wait3A_84] : memref<2x128x128xf32, #tpu.memory_space<vmem>> -> memref<1x128x128xf32, #tpu.memory_space<vmem>>
        %dma_wait3A_86 = tpu.memref_squeeze %dma_wait3A_85 : memref<1x128x128xf32, #tpu.memory_space<vmem>> -> memref<128x128xf32, #tpu.memory_space<vmem>>
        %dma_wait3A_87 = arith.constant 0 : i32
        %dma_wait3A_88 = arith.constant 0 : i32
        %dma_wait3A_89 = tpu.memref_slice %arg4[%dma_wait3A, %dma_wait3A_87, %dma_wait3A_88] : memref<4x10000x128xf32, #tpu.memory_space<hbm>> -> memref<1x10000x128xf32, #tpu.memory_space<hbm>>
        %dma_wait3A_90 = tpu.memref_squeeze %dma_wait3A_89 : memref<1x10000x128xf32, #tpu.memory_space<hbm>> -> memref<10000x128xf32, #tpu.memory_space<hbm>>
        %dma_wait3A_91 = arith.constant 0 : i32
        %dma_wait3A_92 = arith.constant 0 : i32
        %dma_wait3A_93 = tpu.memref_slice %dma_wait3A_90[%dma_wait3A_91, %dma_wait3A_92] : memref<10000x128xf32, #tpu.memory_space<hbm>> -> memref<128x128xf32, #tpu.memory_space<hbm>>
        %dma_wait3A_94 = arith.constant 0 : i32
        %dma_wait3A_95 = arith.constant 0 : i32
        %dma_wait3A_96 = tpu.memref_slice %arg8[%rem3A_82, %dma_wait3A_94, %dma_wait3A_95] : memref<2x128x128xf32, #tpu.memory_space<vmem>> -> memref<1x128x128xf32, #tpu.memory_space<vmem>>
        %dma_wait3A_97 = tpu.memref_squeeze %dma_wait3A_96 : memref<1x128x128xf32, #tpu.memory_space<vmem>> -> memref<128x128xf32, #tpu.memory_space<vmem>>
        %dma_wait3A_98 = arith.constant 0 : i32
        %dma_wait3A_99 = arith.constant 0 : i32
        %dma_wait3A_100 = tpu.memref_slice %arg4[%dma_wait3A, %dma_wait3A_98, %dma_wait3A_99] : memref<4x10000x128xf32, #tpu.memory_space<hbm>> -> memref<1x10000x128xf32, #tpu.memory_space<hbm>>
        %dma_wait3A_101 = tpu.memref_squeeze %dma_wait3A_100 : memref<1x10000x128xf32, #tpu.memory_space<hbm>> -> memref<10000x128xf32, #tpu.memory_space<hbm>>
        %dma_wait3A_102 = arith.constant 0 : i32
        %dma_wait3A_103 = arith.constant 0 : i32
        %dma_wait3A_104 = tpu.memref_slice %dma_wait3A_101[%dma_wait3A_102, %dma_wait3A_103] : memref<10000x128xf32, #tpu.memory_space<hbm>> -> memref<128x128xf32, #tpu.memory_space<hbm>>
        tpu.wait_dma2 semaphore(%arg10 : memref<!tpu.dma_semaphore, #tpu.memory_space<semaphore_mem>>) src(%dma_wait3A_104 : memref<128x128xf32, #tpu.memory_space<hbm>>) dst(%dma_wait3A_97 : memref<128x128xf32, #tpu.memory_space<vmem>>)
        %add3A_105 = arith.constant 1 : i32
        %add3A_106 = arith.addi %scan3A_81, %add3A_105 : i32
        %lt3A_107 = arith.constant 40 : i32
        %lt3A_108 = arith.cmpi slt, %add3A_106, %lt3A_107 : i32
        %convert_element_type3A_109 = arith.extui %lt3A_108 : i1 to i32
        %cond3A_110 = arith.constant 0 : i32
        %cond3A_111 = arith.cmpi ne, %convert_element_type3A_109, %cond3A_110 : i32
        scf.if %cond3A_111 {
          %add3A_112 = arith.constant 1 : i32
          %add3A_113 = arith.addi %scan3A_81, %add3A_112 : i32
          %sub3A = arith.constant 1 : i32
          %sub3A_114 = arith.subi %sub3A, %rem3A_82 : i32
          %dma_start3A_115 = arith.constant 2 : i32
          %dma_start3A_116 = arith.constant 0 : i32
          %dma_start3A_117 = arith.constant 0 : i32
          %dma_start3A_118 = tpu.memref_slice %arg8[%sub3A_114, %dma_start3A_116, %dma_start3A_117] : memref<2x128x128xf32, #tpu.memory_space<vmem>> -> memref<1x128x128xf32, #tpu.memory_space<vmem>>
          %dma_start3A_119 = tpu.memref_squeeze %dma_start3A_118 : memref<1x128x128xf32, #tpu.memory_space<vmem>> -> memref<128x128xf32, #tpu.memory_space<vmem>>
          %dma_start3A_120 = arith.constant 0 : i32
          %dma_start3A_121 = tpu.memref_slice %arg6[%add3A_113, %dma_start3A_120] : memref<40x128xi32, #tpu.memory_space<vmem>> -> memref<1x128xi32, #tpu.memory_space<vmem>>
          %dma_start3A_122 = tpu.memref_squeeze %dma_start3A_121 : memref<1x128xi32, #tpu.memory_space<vmem>> -> memref<128xi32, #tpu.memory_space<vmem>>
          %dma_start3A_123 = arith.constant 0 : i32
          %dma_start3A_124 = arith.constant 0 : i32
          %dma_start3A_125 = tpu.memref_slice %arg4[%dma_start3A_115, %dma_start3A_123, %dma_start3A_124] : memref<4x10000x128xf32, #tpu.memory_space<hbm>> -> memref<1x10000x128xf32, #tpu.memory_space<hbm>>
          %dma_start3A_126 = tpu.memref_squeeze %dma_start3A_125 : memref<1x10000x128xf32, #tpu.memory_space<hbm>> -> memref<10000x128xf32, #tpu.memory_space<hbm>>
          %dma_start3A_127 = arith.constant 0 : i32
          %dma_start3A_128 = arith.constant 0 : i32
          %dma_start3A_129 = tpu.memref_slice %dma_start3A_126[%dma_start3A_127, %dma_start3A_128] : memref<10000x128xf32, #tpu.memory_space<hbm>> -> memref<10000x128xf32, #tpu.memory_space<hbm>>
          tpu.enqueue_indirect_dma source(%dma_start3A_129 : memref<10000x128xf32, #tpu.memory_space<hbm>>) target(%dma_start3A_119 : memref<128x128xf32, #tpu.memory_space<vmem>>) offsets(%dma_start3A_122 : memref<128xi32, #tpu.memory_space<vmem>>) semaphore(%arg10 : memref<!tpu.dma_semaphore, #tpu.memory_space<semaphore_mem>>)
        } else {
        }
        "tpu.region"() ({
          %run_scoped3A_112 = tpu.sem_alloc : memref<!tpu.dma_semaphore, #tpu.memory_space<semaphore_mem>>
          %dma_start3A_113 = arith.constant 0 : i32
          %dma_start3A_114 = arith.constant 0 : i32
          %dma_start3A_115 = tpu.memref_slice %arg8[%rem3A_82, %dma_start3A_113, %dma_start3A_114] : memref<2x128x128xf32, #tpu.memory_space<vmem>> -> memref<1x128x128xf32, #tpu.memory_space<vmem>>
          %dma_start3A_116 = tpu.memref_squeeze %dma_start3A_115 : memref<1x128x128xf32, #tpu.memory_space<vmem>> -> memref<128x128xf32, #tpu.memory_space<vmem>>
          %dma_start3A_117 = arith.constant 0 : i32
          %dma_start3A_118 = tpu.memref_slice %arg7[%scan3A_81, %dma_start3A_117] : memref<40x128xi32, #tpu.memory_space<vmem>> -> memref<1x128xi32, #tpu.memory_space<vmem>>
          %dma_start3A_119 = tpu.memref_squeeze %dma_start3A_118 : memref<1x128xi32, #tpu.memory_space<vmem>> -> memref<128xi32, #tpu.memory_space<vmem>>
          %dma_start3A_120 = arith.constant 0 : i32
          %dma_start3A_121 = arith.constant 0 : i32
          %dma_start3A_122 = tpu.memref_slice %arg9[%dma_start3A_120, %dma_start3A_121] : memref<10112x128xf32, #tpu.memory_space<vmem_shared>> -> memref<10112x128xf32, #tpu.memory_space<vmem_shared>>
          tpu.enqueue_indirect_dma source(%dma_start3A_116 : memref<128x128xf32, #tpu.memory_space<vmem>>) target(%dma_start3A_122 : memref<10112x128xf32, #tpu.memory_space<vmem_shared>>) offsets(%dma_start3A_119 : memref<128xi32, #tpu.memory_space<vmem>>) semaphore(%run_scoped3A_112 : memref<!tpu.dma_semaphore, #tpu.memory_space<semaphore_mem>>) {add = true}
          %dma_wait3A_123 = arith.constant 0 : i32
          %dma_wait3A_124 = arith.constant 0 : i32
          %dma_wait3A_125 = tpu.memref_slice %arg8[%rem3A_82, %dma_wait3A_123, %dma_wait3A_124] : memref<2x128x128xf32, #tpu.memory_space<vmem>> -> memref<1x128x128xf32, #tpu.memory_space<vmem>>
          %dma_wait3A_126 = tpu.memref_squeeze %dma_wait3A_125 : memref<1x128x128xf32, #tpu.memory_space<vmem>> -> memref<128x128xf32, #tpu.memory_space<vmem>>
          %dma_wait3A_127 = arith.constant 0 : i32
          %dma_wait3A_128 = tpu.memref_slice %arg7[%scan3A_81, %dma_wait3A_127] : memref<40x128xi32, #tpu.memory_space<vmem>> -> memref<1x128xi32, #tpu.memory_space<vmem>>
          %dma_wait3A_129 = tpu.memref_squeeze %dma_wait3A_128 : memref<1x128xi32, #tpu.memory_space<vmem>> -> memref<128xi32, #tpu.memory_space<vmem>>
          %dma_wait3A_130 = arith.constant 0 : i32
          %dma_wait3A_131 = arith.constant 0 : i32
          %dma_wait3A_132 = tpu.memref_slice %arg9[%dma_wait3A_130, %dma_wait3A_131] : memref<10112x128xf32, #tpu.memory_space<vmem_shared>> -> memref<10112x128xf32, #tpu.memory_space<vmem_shared>>
          tpu.wait_indirect_dma semaphore(%run_scoped3A_112 : memref<!tpu.dma_semaphore, #tpu.memory_space<semaphore_mem>>) src(%dma_wait3A_126 : memref<128x128xf32, #tpu.memory_space<vmem>>) dst(%dma_wait3A_132 : memref<10112x128xf32, #tpu.memory_space<vmem_shared>>)
          tpu.yield
        }) : () -> ()
      }
      %scan3A_75 = arith.constant 40 : i32
      %barrier3A_76 = arith.constant 0 : index
      tpu.barrier barrier_id(%barrier3A_76)
      %mul3A_77 = arith.constant 632 : i32
      %mul3A_78 = arith.muli %arg1, %mul3A_77 : i32
      %mul3A_79 = arith.constant 632 : i32
      %mul3A_80 = arith.muli %arg1, %mul3A_79 : i32
      %run_scoped3A = arith.constant 2 : i32
      "tpu.region"() ({
        %run_scoped3A_81 = tpu.sem_alloc : memref<!tpu.dma_semaphore, #tpu.memory_space<semaphore_mem>>
        %dma_start3A_82 = arith.constant 0 : i32
        %dma_start3A_83 = arith.constant 0 : i32
        %dma_start3A_84 = tpu.memref_slice %arg5[%run_scoped3A, %dma_start3A_82, %dma_start3A_83] : memref<4x10112x128xf32, #tpu.memory_space<hbm>> -> memref<1x10112x128xf32, #tpu.memory_space<hbm>>
        %dma_start3A_85 = tpu.memref_squeeze %dma_start3A_84 : memref<1x10112x128xf32, #tpu.memory_space<hbm>> -> memref<10112x128xf32, #tpu.memory_space<hbm>>
        %dma_start3A_86 = arith.constant 0 : i32
        %dma_start3A_87 = tpu.memref_slice %dma_start3A_85[%mul3A_80, %dma_start3A_86] : memref<10112x128xf32, #tpu.memory_space<hbm>> -> memref<632x128xf32, #tpu.memory_space<hbm>>
        %dma_start3A_88 = arith.constant 0 : i32
        %dma_start3A_89 = tpu.memref_slice %arg9[%mul3A_78, %dma_start3A_88] : memref<10112x128xf32, #tpu.memory_space<vmem_shared>> -> memref<632x128xf32, #tpu.memory_space<vmem_shared>>
        tpu.enqueue_dma source(%dma_start3A_89 : memref<632x128xf32, #tpu.memory_space<vmem_shared>>) target(%dma_start3A_87 : memref<632x128xf32, #tpu.memory_space<hbm>>) target_semaphore(%run_scoped3A_81 : memref<!tpu.dma_semaphore, #tpu.memory_space<semaphore_mem>>)
        %dma_wait3A = arith.constant 0 : i32
        %dma_wait3A_90 = arith.constant 0 : i32
        %dma_wait3A_91 = tpu.memref_slice %arg5[%run_scoped3A, %dma_wait3A, %dma_wait3A_90] : memref<4x10112x128xf32, #tpu.memory_space<hbm>> -> memref<1x10112x128xf32, #tpu.memory_space<hbm>>
        %dma_wait3A_92 = tpu.memref_squeeze %dma_wait3A_91 : memref<1x10112x128xf32, #tpu.memory_space<hbm>> -> memref<10112x128xf32, #tpu.memory_space<hbm>>
        %dma_wait3A_93 = arith.constant 0 : i32
        %dma_wait3A_94 = tpu.memref_slice %dma_wait3A_92[%mul3A_80, %dma_wait3A_93] : memref<10112x128xf32, #tpu.memory_space<hbm>> -> memref<632x128xf32, #tpu.memory_space<hbm>>
        %dma_wait3A_95 = arith.constant 0 : i32
        %dma_wait3A_96 = tpu.memref_slice %arg9[%mul3A_78, %dma_wait3A_95] : memref<10112x128xf32, #tpu.memory_space<vmem_shared>> -> memref<632x128xf32, #tpu.memory_space<vmem_shared>>
        tpu.wait_dma2 semaphore(%run_scoped3A_81 : memref<!tpu.dma_semaphore, #tpu.memory_space<semaphore_mem>>) src(%dma_wait3A_96 : memref<632x128xf32, #tpu.memory_space<vmem_shared>>) dst(%dma_wait3A_94 : memref<632x128xf32, #tpu.memory_space<hbm>>)
        tpu.yield
      }) : () -> ()
    } else {
    }
    %eq3A_12 = arith.constant 1 : i32
    %eq3A_13 = arith.cmpi eq, %arg0, %eq3A_12 : i32
    %convert_element_type3A_14 = arith.extui %eq3A_13 : i1 to i32
    %cond3A_15 = arith.constant 0 : i32
    %cond3A_16 = arith.cmpi ne, %convert_element_type3A_14, %cond3A_15 : i32
    scf.if %cond3A_16 {
      %lt3A = arith.constant 15 : i32
      %lt3A_17 = arith.cmpi slt, %arg1, %lt3A : i32
      %convert_element_type3A_18 = arith.extui %lt3A_17 : i1 to i32
      %cond3A_19 = arith.constant 0 : i32
      %cond3A_20 = arith.cmpi ne, %convert_element_type3A_18, %cond3A_19 : i32
      scf.if %cond3A_20 {
        %mul3A_81 = arith.constant 632 : i32
        %mul3A_82 = arith.muli %arg1, %mul3A_81 : i32
        %mul3A_83 = arith.constant 632 : i32
        %mul3A_84 = arith.muli %arg1, %mul3A_83 : i32
        %run_scoped3A_85 = arith.constant 3 : i32
        "tpu.region"() ({
          %run_scoped3A_86 = tpu.sem_alloc : memref<!tpu.dma_semaphore, #tpu.memory_space<semaphore_mem>>
          %dma_start3A_87 = arith.constant 0 : i32
          %dma_start3A_88 = tpu.memref_slice %arg9[%mul3A_84, %dma_start3A_87] : memref<10112x128xf32, #tpu.memory_space<vmem_shared>> -> memref<632x128xf32, #tpu.memory_space<vmem_shared>>
          %dma_start3A_89 = arith.constant 0 : i32
          %dma_start3A_90 = arith.constant 0 : i32
          %dma_start3A_91 = tpu.memref_slice %arg4[%run_scoped3A_85, %dma_start3A_89, %dma_start3A_90] : memref<4x10000x128xf32, #tpu.memory_space<hbm>> -> memref<1x10000x128xf32, #tpu.memory_space<hbm>>
          %dma_start3A_92 = tpu.memref_squeeze %dma_start3A_91 : memref<1x10000x128xf32, #tpu.memory_space<hbm>> -> memref<10000x128xf32, #tpu.memory_space<hbm>>
          %dma_start3A_93 = arith.constant 0 : i32
          %dma_start3A_94 = tpu.memref_slice %dma_start3A_92[%mul3A_82, %dma_start3A_93] : memref<10000x128xf32, #tpu.memory_space<hbm>> -> memref<632x128xf32, #tpu.memory_space<hbm>>
          tpu.enqueue_dma source(%dma_start3A_94 : memref<632x128xf32, #tpu.memory_space<hbm>>) target(%dma_start3A_88 : memref<632x128xf32, #tpu.memory_space<vmem_shared>>) target_semaphore(%run_scoped3A_86 : memref<!tpu.dma_semaphore, #tpu.memory_space<semaphore_mem>>)
          %dma_wait3A = arith.constant 0 : i32
          %dma_wait3A_95 = tpu.memref_slice %arg9[%mul3A_84, %dma_wait3A] : memref<10112x128xf32, #tpu.memory_space<vmem_shared>> -> memref<632x128xf32, #tpu.memory_space<vmem_shared>>
          %dma_wait3A_96 = arith.constant 0 : i32
          %dma_wait3A_97 = arith.constant 0 : i32
          %dma_wait3A_98 = tpu.memref_slice %arg4[%run_scoped3A_85, %dma_wait3A_96, %dma_wait3A_97] : memref<4x10000x128xf32, #tpu.memory_space<hbm>> -> memref<1x10000x128xf32, #tpu.memory_space<hbm>>
          %dma_wait3A_99 = tpu.memref_squeeze %dma_wait3A_98 : memref<1x10000x128xf32, #tpu.memory_space<hbm>> -> memref<10000x128xf32, #tpu.memory_space<hbm>>
          %dma_wait3A_100 = arith.constant 0 : i32
          %dma_wait3A_101 = tpu.memref_slice %dma_wait3A_99[%mul3A_82, %dma_wait3A_100] : memref<10000x128xf32, #tpu.memory_space<hbm>> -> memref<632x128xf32, #tpu.memory_space<hbm>>
          tpu.wait_dma2 semaphore(%run_scoped3A_86 : memref<!tpu.dma_semaphore, #tpu.memory_space<semaphore_mem>>) src(%dma_wait3A_101 : memref<632x128xf32, #tpu.memory_space<hbm>>) dst(%dma_wait3A_95 : memref<632x128xf32, #tpu.memory_space<vmem_shared>>)
          tpu.yield
        }) : () -> ()
      } else {
      }
      %eq3A_21 = arith.constant 15 : i32
      %eq3A_22 = arith.cmpi eq, %arg1, %eq3A_21 : i32
      %convert_element_type3A_23 = arith.extui %eq3A_22 : i1 to i32
      %cond3A_24 = arith.constant 0 : i32
      %cond3A_25 = arith.cmpi ne, %convert_element_type3A_23, %cond3A_24 : i32
      scf.if %cond3A_25 {
        %run_scoped3A_81 = arith.constant 3 : i32
        "tpu.region"() ({
          %run_scoped3A_82 = tpu.sem_alloc : memref<!tpu.dma_semaphore, #tpu.memory_space<semaphore_mem>>
          %dma_start3A_83 = arith.constant 9480 : i32
          %dma_start3A_84 = arith.constant 0 : i32
          %dma_start3A_85 = tpu.memref_slice %arg9[%dma_start3A_83, %dma_start3A_84] : memref<10112x128xf32, #tpu.memory_space<vmem_shared>> -> memref<520x128xf32, #tpu.memory_space<vmem_shared>>
          %dma_start3A_86 = arith.constant 0 : i32
          %dma_start3A_87 = arith.constant 0 : i32
          %dma_start3A_88 = tpu.memref_slice %arg4[%run_scoped3A_81, %dma_start3A_86, %dma_start3A_87] : memref<4x10000x128xf32, #tpu.memory_space<hbm>> -> memref<1x10000x128xf32, #tpu.memory_space<hbm>>
          %dma_start3A_89 = tpu.memref_squeeze %dma_start3A_88 : memref<1x10000x128xf32, #tpu.memory_space<hbm>> -> memref<10000x128xf32, #tpu.memory_space<hbm>>
          %dma_start3A_90 = arith.constant 9480 : i32
          %dma_start3A_91 = arith.constant 0 : i32
          %dma_start3A_92 = tpu.memref_slice %dma_start3A_89[%dma_start3A_90, %dma_start3A_91] : memref<10000x128xf32, #tpu.memory_space<hbm>> -> memref<520x128xf32, #tpu.memory_space<hbm>>
          tpu.enqueue_dma source(%dma_start3A_92 : memref<520x128xf32, #tpu.memory_space<hbm>>) target(%dma_start3A_85 : memref<520x128xf32, #tpu.memory_space<vmem_shared>>) target_semaphore(%run_scoped3A_82 : memref<!tpu.dma_semaphore, #tpu.memory_space<semaphore_mem>>)
          %dma_wait3A = arith.constant 9480 : i32
          %dma_wait3A_93 = arith.constant 0 : i32
          %dma_wait3A_94 = tpu.memref_slice %arg9[%dma_wait3A, %dma_wait3A_93] : memref<10112x128xf32, #tpu.memory_space<vmem_shared>> -> memref<520x128xf32, #tpu.memory_space<vmem_shared>>
          %dma_wait3A_95 = arith.constant 0 : i32
          %dma_wait3A_96 = arith.constant 0 : i32
          %dma_wait3A_97 = tpu.memref_slice %arg4[%run_scoped3A_81, %dma_wait3A_95, %dma_wait3A_96] : memref<4x10000x128xf32, #tpu.memory_space<hbm>> -> memref<1x10000x128xf32, #tpu.memory_space<hbm>>
          %dma_wait3A_98 = tpu.memref_squeeze %dma_wait3A_97 : memref<1x10000x128xf32, #tpu.memory_space<hbm>> -> memref<10000x128xf32, #tpu.memory_space<hbm>>
          %dma_wait3A_99 = arith.constant 9480 : i32
          %dma_wait3A_100 = arith.constant 0 : i32
          %dma_wait3A_101 = tpu.memref_slice %dma_wait3A_98[%dma_wait3A_99, %dma_wait3A_100] : memref<10000x128xf32, #tpu.memory_space<hbm>> -> memref<520x128xf32, #tpu.memory_space<hbm>>
          tpu.wait_dma2 semaphore(%run_scoped3A_82 : memref<!tpu.dma_semaphore, #tpu.memory_space<semaphore_mem>>) src(%dma_wait3A_101 : memref<520x128xf32, #tpu.memory_space<hbm>>) dst(%dma_wait3A_94 : memref<520x128xf32, #tpu.memory_space<vmem_shared>>)
          tpu.yield
        }) : () -> ()
      } else {
      }
      %barrier3A = arith.constant 0 : index
      tpu.barrier barrier_id(%barrier3A)
      %mul3A = arith.constant 80 : i32
      %mul3A_26 = arith.muli %arg1, %mul3A : i32
      %add3A = arith.constant 0 : i32
      %add3A_27 = arith.addi %mul3A_26, %add3A : i32
      "tpu.region"() ({
        %run_scoped3A_81 = tpu.sem_alloc : memref<!tpu.dma_semaphore, #tpu.memory_space<semaphore_mem>>
        %dma_start3A_82 = arith.constant 0 : i32
        %dma_start3A_83 = tpu.memref_slice %arg2[%add3A_27, %dma_start3A_82] : memref<1280x128xi32, #tpu.memory_space<hbm>> -> memref<40x128xi32, #tpu.memory_space<hbm>>
        %dma_start3A_84 = arith.constant 0 : i32
        %dma_start3A_85 = tpu.memref_slice %arg2[%add3A_27, %dma_start3A_84] : memref<1280x128xi32, #tpu.memory_space<hbm>> -> memref<40x128xi32, #tpu.memory_space<hbm>>
        tpu.enqueue_dma source(%dma_start3A_85 : memref<40x128xi32, #tpu.memory_space<hbm>>) target(%arg6 : memref<40x128xi32, #tpu.memory_space<vmem>>) target_semaphore(%run_scoped3A_81 : memref<!tpu.dma_semaphore, #tpu.memory_space<semaphore_mem>>)
        %dma_wait3A = arith.constant 0 : i32
        %dma_wait3A_86 = tpu.memref_slice %arg2[%add3A_27, %dma_wait3A] : memref<1280x128xi32, #tpu.memory_space<hbm>> -> memref<40x128xi32, #tpu.memory_space<hbm>>
        %dma_wait3A_87 = arith.constant 0 : i32
        %dma_wait3A_88 = tpu.memref_slice %arg2[%add3A_27, %dma_wait3A_87] : memref<1280x128xi32, #tpu.memory_space<hbm>> -> memref<40x128xi32, #tpu.memory_space<hbm>>
        tpu.wait_dma2 semaphore(%run_scoped3A_81 : memref<!tpu.dma_semaphore, #tpu.memory_space<semaphore_mem>>) src(%dma_wait3A_88 : memref<40x128xi32, #tpu.memory_space<hbm>>) dst(%arg6 : memref<40x128xi32, #tpu.memory_space<vmem>>)
        tpu.yield
      }) : () -> ()
      "tpu.region"() ({
        %run_scoped3A_81 = tpu.sem_alloc : memref<!tpu.dma_semaphore, #tpu.memory_space<semaphore_mem>>
        %dma_start3A_82 = arith.constant 0 : i32
        %dma_start3A_83 = tpu.memref_slice %arg3[%add3A_27, %dma_start3A_82] : memref<1280x128xi32, #tpu.memory_space<hbm>> -> memref<40x128xi32, #tpu.memory_space<hbm>>
        %dma_start3A_84 = arith.constant 0 : i32
        %dma_start3A_85 = tpu.memref_slice %arg3[%add3A_27, %dma_start3A_84] : memref<1280x128xi32, #tpu.memory_space<hbm>> -> memref<40x128xi32, #tpu.memory_space<hbm>>
        tpu.enqueue_dma source(%dma_start3A_85 : memref<40x128xi32, #tpu.memory_space<hbm>>) target(%arg7 : memref<40x128xi32, #tpu.memory_space<vmem>>) target_semaphore(%run_scoped3A_81 : memref<!tpu.dma_semaphore, #tpu.memory_space<semaphore_mem>>)
        %dma_wait3A = arith.constant 0 : i32
        %dma_wait3A_86 = tpu.memref_slice %arg3[%add3A_27, %dma_wait3A] : memref<1280x128xi32, #tpu.memory_space<hbm>> -> memref<40x128xi32, #tpu.memory_space<hbm>>
        %dma_wait3A_87 = arith.constant 0 : i32
        %dma_wait3A_88 = tpu.memref_slice %arg3[%add3A_27, %dma_wait3A_87] : memref<1280x128xi32, #tpu.memory_space<hbm>> -> memref<40x128xi32, #tpu.memory_space<hbm>>
        tpu.wait_dma2 semaphore(%run_scoped3A_81 : memref<!tpu.dma_semaphore, #tpu.memory_space<semaphore_mem>>) src(%dma_wait3A_88 : memref<40x128xi32, #tpu.memory_space<hbm>>) dst(%arg7 : memref<40x128xi32, #tpu.memory_space<vmem>>)
        tpu.yield
      }) : () -> ()
      %dma_start3A = arith.constant 3 : i32
      %dma_start3A_28 = arith.constant 0 : i32
      %dma_start3A_29 = arith.constant 0 : i32
      %dma_start3A_30 = arith.constant 0 : i32
      %dma_start3A_31 = arith.constant 0 : i32
      %dma_start3A_32 = tpu.memref_slice %arg8[%dma_start3A_29, %dma_start3A_30, %dma_start3A_31] : memref<2x128x128xf32, #tpu.memory_space<vmem>> -> memref<1x128x128xf32, #tpu.memory_space<vmem>>
      %dma_start3A_33 = tpu.memref_squeeze %dma_start3A_32 : memref<1x128x128xf32, #tpu.memory_space<vmem>> -> memref<128x128xf32, #tpu.memory_space<vmem>>
      %dma_start3A_34 = arith.constant 0 : i32
      %dma_start3A_35 = tpu.memref_slice %arg6[%dma_start3A_28, %dma_start3A_34] : memref<40x128xi32, #tpu.memory_space<vmem>> -> memref<1x128xi32, #tpu.memory_space<vmem>>
      %dma_start3A_36 = tpu.memref_squeeze %dma_start3A_35 : memref<1x128xi32, #tpu.memory_space<vmem>> -> memref<128xi32, #tpu.memory_space<vmem>>
      %dma_start3A_37 = arith.constant 0 : i32
      %dma_start3A_38 = arith.constant 0 : i32
      %dma_start3A_39 = tpu.memref_slice %arg4[%dma_start3A, %dma_start3A_37, %dma_start3A_38] : memref<4x10000x128xf32, #tpu.memory_space<hbm>> -> memref<1x10000x128xf32, #tpu.memory_space<hbm>>
      %dma_start3A_40 = tpu.memref_squeeze %dma_start3A_39 : memref<1x10000x128xf32, #tpu.memory_space<hbm>> -> memref<10000x128xf32, #tpu.memory_space<hbm>>
      %dma_start3A_41 = arith.constant 0 : i32
      %dma_start3A_42 = arith.constant 0 : i32
      %dma_start3A_43 = tpu.memref_slice %dma_start3A_40[%dma_start3A_41, %dma_start3A_42] : memref<10000x128xf32, #tpu.memory_space<hbm>> -> memref<10000x128xf32, #tpu.memory_space<hbm>>
      tpu.enqueue_indirect_dma source(%dma_start3A_43 : memref<10000x128xf32, #tpu.memory_space<hbm>>) target(%dma_start3A_33 : memref<128x128xf32, #tpu.memory_space<vmem>>) offsets(%dma_start3A_36 : memref<128xi32, #tpu.memory_space<vmem>>) semaphore(%arg10 : memref<!tpu.dma_semaphore, #tpu.memory_space<semaphore_mem>>)
      %scan3A = arith.constant 0 : i32
      %scan3A_44 = arith.constant 0 : i32
      %scan3A_45 = arith.constant 40 : i32
      %scan3A_46 = arith.addi %scan3A_44, %scan3A_45 : i32
      %scan3A_47 = arith.constant 1 : i32
      scf.for %scan3A_81 = %scan3A_44 to %scan3A_46 step %scan3A_47  : i32 {
        %rem3A = arith.constant 2 : i32
        %rem3A_82 = arith.remsi %scan3A_81, %rem3A : i32
        %dma_wait3A = arith.constant 3 : i32
        %dma_wait3A_83 = arith.constant 0 : i32
        %dma_wait3A_84 = arith.constant 0 : i32
        %dma_wait3A_85 = tpu.memref_slice %arg8[%rem3A_82, %dma_wait3A_83, %dma_wait3A_84] : memref<2x128x128xf32, #tpu.memory_space<vmem>> -> memref<1x128x128xf32, #tpu.memory_space<vmem>>
        %dma_wait3A_86 = tpu.memref_squeeze %dma_wait3A_85 : memref<1x128x128xf32, #tpu.memory_space<vmem>> -> memref<128x128xf32, #tpu.memory_space<vmem>>
        %dma_wait3A_87 = arith.constant 0 : i32
        %dma_wait3A_88 = arith.constant 0 : i32
        %dma_wait3A_89 = tpu.memref_slice %arg4[%dma_wait3A, %dma_wait3A_87, %dma_wait3A_88] : memref<4x10000x128xf32, #tpu.memory_space<hbm>> -> memref<1x10000x128xf32, #tpu.memory_space<hbm>>
        %dma_wait3A_90 = tpu.memref_squeeze %dma_wait3A_89 : memref<1x10000x128xf32, #tpu.memory_space<hbm>> -> memref<10000x128xf32, #tpu.memory_space<hbm>>
        %dma_wait3A_91 = arith.constant 0 : i32
        %dma_wait3A_92 = arith.constant 0 : i32
        %dma_wait3A_93 = tpu.memref_slice %dma_wait3A_90[%dma_wait3A_91, %dma_wait3A_92] : memref<10000x128xf32, #tpu.memory_space<hbm>> -> memref<128x128xf32, #tpu.memory_space<hbm>>
        %dma_wait3A_94 = arith.constant 0 : i32
        %dma_wait3A_95 = arith.constant 0 : i32
        %dma_wait3A_96 = tpu.memref_slice %arg8[%rem3A_82, %dma_wait3A_94, %dma_wait3A_95] : memref<2x128x128xf32, #tpu.memory_space<vmem>> -> memref<1x128x128xf32, #tpu.memory_space<vmem>>
        %dma_wait3A_97 = tpu.memref_squeeze %dma_wait3A_96 : memref<1x128x128xf32, #tpu.memory_space<vmem>> -> memref<128x128xf32, #tpu.memory_space<vmem>>
        %dma_wait3A_98 = arith.constant 0 : i32
        %dma_wait3A_99 = arith.constant 0 : i32
        %dma_wait3A_100 = tpu.memref_slice %arg4[%dma_wait3A, %dma_wait3A_98, %dma_wait3A_99] : memref<4x10000x128xf32, #tpu.memory_space<hbm>> -> memref<1x10000x128xf32, #tpu.memory_space<hbm>>
        %dma_wait3A_101 = tpu.memref_squeeze %dma_wait3A_100 : memref<1x10000x128xf32, #tpu.memory_space<hbm>> -> memref<10000x128xf32, #tpu.memory_space<hbm>>
        %dma_wait3A_102 = arith.constant 0 : i32
        %dma_wait3A_103 = arith.constant 0 : i32
        %dma_wait3A_104 = tpu.memref_slice %dma_wait3A_101[%dma_wait3A_102, %dma_wait3A_103] : memref<10000x128xf32, #tpu.memory_space<hbm>> -> memref<128x128xf32, #tpu.memory_space<hbm>>
        tpu.wait_dma2 semaphore(%arg10 : memref<!tpu.dma_semaphore, #tpu.memory_space<semaphore_mem>>) src(%dma_wait3A_104 : memref<128x128xf32, #tpu.memory_space<hbm>>) dst(%dma_wait3A_97 : memref<128x128xf32, #tpu.memory_space<vmem>>)
        %add3A_105 = arith.constant 1 : i32
        %add3A_106 = arith.addi %scan3A_81, %add3A_105 : i32
        %lt3A_107 = arith.constant 40 : i32
        %lt3A_108 = arith.cmpi slt, %add3A_106, %lt3A_107 : i32
        %convert_element_type3A_109 = arith.extui %lt3A_108 : i1 to i32
        %cond3A_110 = arith.constant 0 : i32
        %cond3A_111 = arith.cmpi ne, %convert_element_type3A_109, %cond3A_110 : i32
        scf.if %cond3A_111 {
          %add3A_112 = arith.constant 1 : i32
          %add3A_113 = arith.addi %scan3A_81, %add3A_112 : i32
          %sub3A = arith.constant 1 : i32
          %sub3A_114 = arith.subi %sub3A, %rem3A_82 : i32
          %dma_start3A_115 = arith.constant 3 : i32
          %dma_start3A_116 = arith.constant 0 : i32
          %dma_start3A_117 = arith.constant 0 : i32
          %dma_start3A_118 = tpu.memref_slice %arg8[%sub3A_114, %dma_start3A_116, %dma_start3A_117] : memref<2x128x128xf32, #tpu.memory_space<vmem>> -> memref<1x128x128xf32, #tpu.memory_space<vmem>>
          %dma_start3A_119 = tpu.memref_squeeze %dma_start3A_118 : memref<1x128x128xf32, #tpu.memory_space<vmem>> -> memref<128x128xf32, #tpu.memory_space<vmem>>
          %dma_start3A_120 = arith.constant 0 : i32
          %dma_start3A_121 = tpu.memref_slice %arg6[%add3A_113, %dma_start3A_120] : memref<40x128xi32, #tpu.memory_space<vmem>> -> memref<1x128xi32, #tpu.memory_space<vmem>>
          %dma_start3A_122 = tpu.memref_squeeze %dma_start3A_121 : memref<1x128xi32, #tpu.memory_space<vmem>> -> memref<128xi32, #tpu.memory_space<vmem>>
          %dma_start3A_123 = arith.constant 0 : i32
          %dma_start3A_124 = arith.constant 0 : i32
          %dma_start3A_125 = tpu.memref_slice %arg4[%dma_start3A_115, %dma_start3A_123, %dma_start3A_124] : memref<4x10000x128xf32, #tpu.memory_space<hbm>> -> memref<1x10000x128xf32, #tpu.memory_space<hbm>>
          %dma_start3A_126 = tpu.memref_squeeze %dma_start3A_125 : memref<1x10000x128xf32, #tpu.memory_space<hbm>> -> memref<10000x128xf32, #tpu.memory_space<hbm>>
          %dma_start3A_127 = arith.constant 0 : i32
          %dma_start3A_128 = arith.constant 0 : i32
          %dma_start3A_129 = tpu.memref_slice %dma_start3A_126[%dma_start3A_127, %dma_start3A_128] : memref<10000x128xf32, #tpu.memory_space<hbm>> -> memref<10000x128xf32, #tpu.memory_space<hbm>>
          tpu.enqueue_indirect_dma source(%dma_start3A_129 : memref<10000x128xf32, #tpu.memory_space<hbm>>) target(%dma_start3A_119 : memref<128x128xf32, #tpu.memory_space<vmem>>) offsets(%dma_start3A_122 : memref<128xi32, #tpu.memory_space<vmem>>) semaphore(%arg10 : memref<!tpu.dma_semaphore, #tpu.memory_space<semaphore_mem>>)
        } else {
        }
        "tpu.region"() ({
          %run_scoped3A_112 = tpu.sem_alloc : memref<!tpu.dma_semaphore, #tpu.memory_space<semaphore_mem>>
          %dma_start3A_113 = arith.constant 0 : i32
          %dma_start3A_114 = arith.constant 0 : i32
          %dma_start3A_115 = tpu.memref_slice %arg8[%rem3A_82, %dma_start3A_113, %dma_start3A_114] : memref<2x128x128xf32, #tpu.memory_space<vmem>> -> memref<1x128x128xf32, #tpu.memory_space<vmem>>
          %dma_start3A_116 = tpu.memref_squeeze %dma_start3A_115 : memref<1x128x128xf32, #tpu.memory_space<vmem>> -> memref<128x128xf32, #tpu.memory_space<vmem>>
          %dma_start3A_117 = arith.constant 0 : i32
          %dma_start3A_118 = tpu.memref_slice %arg7[%scan3A_81, %dma_start3A_117] : memref<40x128xi32, #tpu.memory_space<vmem>> -> memref<1x128xi32, #tpu.memory_space<vmem>>
          %dma_start3A_119 = tpu.memref_squeeze %dma_start3A_118 : memref<1x128xi32, #tpu.memory_space<vmem>> -> memref<128xi32, #tpu.memory_space<vmem>>
          %dma_start3A_120 = arith.constant 0 : i32
          %dma_start3A_121 = arith.constant 0 : i32
          %dma_start3A_122 = tpu.memref_slice %arg9[%dma_start3A_120, %dma_start3A_121] : memref<10112x128xf32, #tpu.memory_space<vmem_shared>> -> memref<10112x128xf32, #tpu.memory_space<vmem_shared>>
          tpu.enqueue_indirect_dma source(%dma_start3A_116 : memref<128x128xf32, #tpu.memory_space<vmem>>) target(%dma_start3A_122 : memref<10112x128xf32, #tpu.memory_space<vmem_shared>>) offsets(%dma_start3A_119 : memref<128xi32, #tpu.memory_space<vmem>>) semaphore(%run_scoped3A_112 : memref<!tpu.dma_semaphore, #tpu.memory_space<semaphore_mem>>) {add = true}
          %dma_wait3A_123 = arith.constant 0 : i32
          %dma_wait3A_124 = arith.constant 0 : i32
          %dma_wait3A_125 = tpu.memref_slice %arg8[%rem3A_82, %dma_wait3A_123, %dma_wait3A_124] : memref<2x128x128xf32, #tpu.memory_space<vmem>> -> memref<1x128x128xf32, #tpu.memory_space<vmem>>
          %dma_wait3A_126 = tpu.memref_squeeze %dma_wait3A_125 : memref<1x128x128xf32, #tpu.memory_space<vmem>> -> memref<128x128xf32, #tpu.memory_space<vmem>>
          %dma_wait3A_127 = arith.constant 0 : i32
          %dma_wait3A_128 = tpu.memref_slice %arg7[%scan3A_81, %dma_wait3A_127] : memref<40x128xi32, #tpu.memory_space<vmem>> -> memref<1x128xi32, #tpu.memory_space<vmem>>
          %dma_wait3A_129 = tpu.memref_squeeze %dma_wait3A_128 : memref<1x128xi32, #tpu.memory_space<vmem>> -> memref<128xi32, #tpu.memory_space<vmem>>
          %dma_wait3A_130 = arith.constant 0 : i32
          %dma_wait3A_131 = arith.constant 0 : i32
          %dma_wait3A_132 = tpu.memref_slice %arg9[%dma_wait3A_130, %dma_wait3A_131] : memref<10112x128xf32, #tpu.memory_space<vmem_shared>> -> memref<10112x128xf32, #tpu.memory_space<vmem_shared>>
          tpu.wait_indirect_dma semaphore(%run_scoped3A_112 : memref<!tpu.dma_semaphore, #tpu.memory_space<semaphore_mem>>) src(%dma_wait3A_126 : memref<128x128xf32, #tpu.memory_space<vmem>>) dst(%dma_wait3A_132 : memref<10112x128xf32, #tpu.memory_space<vmem_shared>>)
          tpu.yield
        }) : () -> ()
      }
      %scan3A_48 = arith.constant 40 : i32
      %mul3A_49 = arith.constant 80 : i32
      %mul3A_50 = arith.muli %arg1, %mul3A_49 : i32
      %add3A_51 = arith.constant 40 : i32
      %add3A_52 = arith.addi %mul3A_50, %add3A_51 : i32
      "tpu.region"() ({
        %run_scoped3A_81 = tpu.sem_alloc : memref<!tpu.dma_semaphore, #tpu.memory_space<semaphore_mem>>
        %dma_start3A_82 = arith.constant 0 : i32
        %dma_start3A_83 = tpu.memref_slice %arg2[%add3A_52, %dma_start3A_82] : memref<1280x128xi32, #tpu.memory_space<hbm>> -> memref<40x128xi32, #tpu.memory_space<hbm>>
        %dma_start3A_84 = arith.constant 0 : i32
        %dma_start3A_85 = tpu.memref_slice %arg2[%add3A_52, %dma_start3A_84] : memref<1280x128xi32, #tpu.memory_space<hbm>> -> memref<40x128xi32, #tpu.memory_space<hbm>>
        tpu.enqueue_dma source(%dma_start3A_85 : memref<40x128xi32, #tpu.memory_space<hbm>>) target(%arg6 : memref<40x128xi32, #tpu.memory_space<vmem>>) target_semaphore(%run_scoped3A_81 : memref<!tpu.dma_semaphore, #tpu.memory_space<semaphore_mem>>)
        %dma_wait3A = arith.constant 0 : i32
        %dma_wait3A_86 = tpu.memref_slice %arg2[%add3A_52, %dma_wait3A] : memref<1280x128xi32, #tpu.memory_space<hbm>> -> memref<40x128xi32, #tpu.memory_space<hbm>>
        %dma_wait3A_87 = arith.constant 0 : i32
        %dma_wait3A_88 = tpu.memref_slice %arg2[%add3A_52, %dma_wait3A_87] : memref<1280x128xi32, #tpu.memory_space<hbm>> -> memref<40x128xi32, #tpu.memory_space<hbm>>
        tpu.wait_dma2 semaphore(%run_scoped3A_81 : memref<!tpu.dma_semaphore, #tpu.memory_space<semaphore_mem>>) src(%dma_wait3A_88 : memref<40x128xi32, #tpu.memory_space<hbm>>) dst(%arg6 : memref<40x128xi32, #tpu.memory_space<vmem>>)
        tpu.yield
      }) : () -> ()
      "tpu.region"() ({
        %run_scoped3A_81 = tpu.sem_alloc : memref<!tpu.dma_semaphore, #tpu.memory_space<semaphore_mem>>
        %dma_start3A_82 = arith.constant 0 : i32
        %dma_start3A_83 = tpu.memref_slice %arg3[%add3A_52, %dma_start3A_82] : memref<1280x128xi32, #tpu.memory_space<hbm>> -> memref<40x128xi32, #tpu.memory_space<hbm>>
        %dma_start3A_84 = arith.constant 0 : i32
        %dma_start3A_85 = tpu.memref_slice %arg3[%add3A_52, %dma_start3A_84] : memref<1280x128xi32, #tpu.memory_space<hbm>> -> memref<40x128xi32, #tpu.memory_space<hbm>>
        tpu.enqueue_dma source(%dma_start3A_85 : memref<40x128xi32, #tpu.memory_space<hbm>>) target(%arg7 : memref<40x128xi32, #tpu.memory_space<vmem>>) target_semaphore(%run_scoped3A_81 : memref<!tpu.dma_semaphore, #tpu.memory_space<semaphore_mem>>)
        %dma_wait3A = arith.constant 0 : i32
        %dma_wait3A_86 = tpu.memref_slice %arg3[%add3A_52, %dma_wait3A] : memref<1280x128xi32, #tpu.memory_space<hbm>> -> memref<40x128xi32, #tpu.memory_space<hbm>>
        %dma_wait3A_87 = arith.constant 0 : i32
        %dma_wait3A_88 = tpu.memref_slice %arg3[%add3A_52, %dma_wait3A_87] : memref<1280x128xi32, #tpu.memory_space<hbm>> -> memref<40x128xi32, #tpu.memory_space<hbm>>
        tpu.wait_dma2 semaphore(%run_scoped3A_81 : memref<!tpu.dma_semaphore, #tpu.memory_space<semaphore_mem>>) src(%dma_wait3A_88 : memref<40x128xi32, #tpu.memory_space<hbm>>) dst(%arg7 : memref<40x128xi32, #tpu.memory_space<vmem>>)
        tpu.yield
      }) : () -> ()
      %dma_start3A_53 = arith.constant 3 : i32
      %dma_start3A_54 = arith.constant 0 : i32
      %dma_start3A_55 = arith.constant 0 : i32
      %dma_start3A_56 = arith.constant 0 : i32
      %dma_start3A_57 = arith.constant 0 : i32
      %dma_start3A_58 = tpu.memref_slice %arg8[%dma_start3A_55, %dma_start3A_56, %dma_start3A_57] : memref<2x128x128xf32, #tpu.memory_space<vmem>> -> memref<1x128x128xf32, #tpu.memory_space<vmem>>
      %dma_start3A_59 = tpu.memref_squeeze %dma_start3A_58 : memref<1x128x128xf32, #tpu.memory_space<vmem>> -> memref<128x128xf32, #tpu.memory_space<vmem>>
      %dma_start3A_60 = arith.constant 0 : i32
      %dma_start3A_61 = tpu.memref_slice %arg6[%dma_start3A_54, %dma_start3A_60] : memref<40x128xi32, #tpu.memory_space<vmem>> -> memref<1x128xi32, #tpu.memory_space<vmem>>
      %dma_start3A_62 = tpu.memref_squeeze %dma_start3A_61 : memref<1x128xi32, #tpu.memory_space<vmem>> -> memref<128xi32, #tpu.memory_space<vmem>>
      %dma_start3A_63 = arith.constant 0 : i32
      %dma_start3A_64 = arith.constant 0 : i32
      %dma_start3A_65 = tpu.memref_slice %arg4[%dma_start3A_53, %dma_start3A_63, %dma_start3A_64] : memref<4x10000x128xf32, #tpu.memory_space<hbm>> -> memref<1x10000x128xf32, #tpu.memory_space<hbm>>
      %dma_start3A_66 = tpu.memref_squeeze %dma_start3A_65 : memref<1x10000x128xf32, #tpu.memory_space<hbm>> -> memref<10000x128xf32, #tpu.memory_space<hbm>>
      %dma_start3A_67 = arith.constant 0 : i32
      %dma_start3A_68 = arith.constant 0 : i32
      %dma_start3A_69 = tpu.memref_slice %dma_start3A_66[%dma_start3A_67, %dma_start3A_68] : memref<10000x128xf32, #tpu.memory_space<hbm>> -> memref<10000x128xf32, #tpu.memory_space<hbm>>
      tpu.enqueue_indirect_dma source(%dma_start3A_69 : memref<10000x128xf32, #tpu.memory_space<hbm>>) target(%dma_start3A_59 : memref<128x128xf32, #tpu.memory_space<vmem>>) offsets(%dma_start3A_62 : memref<128xi32, #tpu.memory_space<vmem>>) semaphore(%arg10 : memref<!tpu.dma_semaphore, #tpu.memory_space<semaphore_mem>>)
      %scan3A_70 = arith.constant 0 : i32
      %scan3A_71 = arith.constant 0 : i32
      %scan3A_72 = arith.constant 40 : i32
      %scan3A_73 = arith.addi %scan3A_71, %scan3A_72 : i32
      %scan3A_74 = arith.constant 1 : i32
      scf.for %scan3A_81 = %scan3A_71 to %scan3A_73 step %scan3A_74  : i32 {
        %rem3A = arith.constant 2 : i32
        %rem3A_82 = arith.remsi %scan3A_81, %rem3A : i32
        %dma_wait3A = arith.constant 3 : i32
        %dma_wait3A_83 = arith.constant 0 : i32
        %dma_wait3A_84 = arith.constant 0 : i32
        %dma_wait3A_85 = tpu.memref_slice %arg8[%rem3A_82, %dma_wait3A_83, %dma_wait3A_84] : memref<2x128x128xf32, #tpu.memory_space<vmem>> -> memref<1x128x128xf32, #tpu.memory_space<vmem>>
        %dma_wait3A_86 = tpu.memref_squeeze %dma_wait3A_85 : memref<1x128x128xf32, #tpu.memory_space<vmem>> -> memref<128x128xf32, #tpu.memory_space<vmem>>
        %dma_wait3A_87 = arith.constant 0 : i32
        %dma_wait3A_88 = arith.constant 0 : i32
        %dma_wait3A_89 = tpu.memref_slice %arg4[%dma_wait3A, %dma_wait3A_87, %dma_wait3A_88] : memref<4x10000x128xf32, #tpu.memory_space<hbm>> -> memref<1x10000x128xf32, #tpu.memory_space<hbm>>
        %dma_wait3A_90 = tpu.memref_squeeze %dma_wait3A_89 : memref<1x10000x128xf32, #tpu.memory_space<hbm>> -> memref<10000x128xf32, #tpu.memory_space<hbm>>
        %dma_wait3A_91 = arith.constant 0 : i32
        %dma_wait3A_92 = arith.constant 0 : i32
        %dma_wait3A_93 = tpu.memref_slice %dma_wait3A_90[%dma_wait3A_91, %dma_wait3A_92] : memref<10000x128xf32, #tpu.memory_space<hbm>> -> memref<128x128xf32, #tpu.memory_space<hbm>>
        %dma_wait3A_94 = arith.constant 0 : i32
        %dma_wait3A_95 = arith.constant 0 : i32
        %dma_wait3A_96 = tpu.memref_slice %arg8[%rem3A_82, %dma_wait3A_94, %dma_wait3A_95] : memref<2x128x128xf32, #tpu.memory_space<vmem>> -> memref<1x128x128xf32, #tpu.memory_space<vmem>>
        %dma_wait3A_97 = tpu.memref_squeeze %dma_wait3A_96 : memref<1x128x128xf32, #tpu.memory_space<vmem>> -> memref<128x128xf32, #tpu.memory_space<vmem>>
        %dma_wait3A_98 = arith.constant 0 : i32
        %dma_wait3A_99 = arith.constant 0 : i32
        %dma_wait3A_100 = tpu.memref_slice %arg4[%dma_wait3A, %dma_wait3A_98, %dma_wait3A_99] : memref<4x10000x128xf32, #tpu.memory_space<hbm>> -> memref<1x10000x128xf32, #tpu.memory_space<hbm>>
        %dma_wait3A_101 = tpu.memref_squeeze %dma_wait3A_100 : memref<1x10000x128xf32, #tpu.memory_space<hbm>> -> memref<10000x128xf32, #tpu.memory_space<hbm>>
        %dma_wait3A_102 = arith.constant 0 : i32
        %dma_wait3A_103 = arith.constant 0 : i32
        %dma_wait3A_104 = tpu.memref_slice %dma_wait3A_101[%dma_wait3A_102, %dma_wait3A_103] : memref<10000x128xf32, #tpu.memory_space<hbm>> -> memref<128x128xf32, #tpu.memory_space<hbm>>
        tpu.wait_dma2 semaphore(%arg10 : memref<!tpu.dma_semaphore, #tpu.memory_space<semaphore_mem>>) src(%dma_wait3A_104 : memref<128x128xf32, #tpu.memory_space<hbm>>) dst(%dma_wait3A_97 : memref<128x128xf32, #tpu.memory_space<vmem>>)
        %add3A_105 = arith.constant 1 : i32
        %add3A_106 = arith.addi %scan3A_81, %add3A_105 : i32
        %lt3A_107 = arith.constant 40 : i32
        %lt3A_108 = arith.cmpi slt, %add3A_106, %lt3A_107 : i32
        %convert_element_type3A_109 = arith.extui %lt3A_108 : i1 to i32
        %cond3A_110 = arith.constant 0 : i32
        %cond3A_111 = arith.cmpi ne, %convert_element_type3A_109, %cond3A_110 : i32
        scf.if %cond3A_111 {
          %add3A_112 = arith.constant 1 : i32
          %add3A_113 = arith.addi %scan3A_81, %add3A_112 : i32
          %sub3A = arith.constant 1 : i32
          %sub3A_114 = arith.subi %sub3A, %rem3A_82 : i32
          %dma_start3A_115 = arith.constant 3 : i32
          %dma_start3A_116 = arith.constant 0 : i32
          %dma_start3A_117 = arith.constant 0 : i32
          %dma_start3A_118 = tpu.memref_slice %arg8[%sub3A_114, %dma_start3A_116, %dma_start3A_117] : memref<2x128x128xf32, #tpu.memory_space<vmem>> -> memref<1x128x128xf32, #tpu.memory_space<vmem>>
          %dma_start3A_119 = tpu.memref_squeeze %dma_start3A_118 : memref<1x128x128xf32, #tpu.memory_space<vmem>> -> memref<128x128xf32, #tpu.memory_space<vmem>>
          %dma_start3A_120 = arith.constant 0 : i32
          %dma_start3A_121 = tpu.memref_slice %arg6[%add3A_113, %dma_start3A_120] : memref<40x128xi32, #tpu.memory_space<vmem>> -> memref<1x128xi32, #tpu.memory_space<vmem>>
          %dma_start3A_122 = tpu.memref_squeeze %dma_start3A_121 : memref<1x128xi32, #tpu.memory_space<vmem>> -> memref<128xi32, #tpu.memory_space<vmem>>
          %dma_start3A_123 = arith.constant 0 : i32
          %dma_start3A_124 = arith.constant 0 : i32
          %dma_start3A_125 = tpu.memref_slice %arg4[%dma_start3A_115, %dma_start3A_123, %dma_start3A_124] : memref<4x10000x128xf32, #tpu.memory_space<hbm>> -> memref<1x10000x128xf32, #tpu.memory_space<hbm>>
          %dma_start3A_126 = tpu.memref_squeeze %dma_start3A_125 : memref<1x10000x128xf32, #tpu.memory_space<hbm>> -> memref<10000x128xf32, #tpu.memory_space<hbm>>
          %dma_start3A_127 = arith.constant 0 : i32
          %dma_start3A_128 = arith.constant 0 : i32
          %dma_start3A_129 = tpu.memref_slice %dma_start3A_126[%dma_start3A_127, %dma_start3A_128] : memref<10000x128xf32, #tpu.memory_space<hbm>> -> memref<10000x128xf32, #tpu.memory_space<hbm>>
          tpu.enqueue_indirect_dma source(%dma_start3A_129 : memref<10000x128xf32, #tpu.memory_space<hbm>>) target(%dma_start3A_119 : memref<128x128xf32, #tpu.memory_space<vmem>>) offsets(%dma_start3A_122 : memref<128xi32, #tpu.memory_space<vmem>>) semaphore(%arg10 : memref<!tpu.dma_semaphore, #tpu.memory_space<semaphore_mem>>)
        } else {
        }
        "tpu.region"() ({
          %run_scoped3A_112 = tpu.sem_alloc : memref<!tpu.dma_semaphore, #tpu.memory_space<semaphore_mem>>
          %dma_start3A_113 = arith.constant 0 : i32
          %dma_start3A_114 = arith.constant 0 : i32
          %dma_start3A_115 = tpu.memref_slice %arg8[%rem3A_82, %dma_start3A_113, %dma_start3A_114] : memref<2x128x128xf32, #tpu.memory_space<vmem>> -> memref<1x128x128xf32, #tpu.memory_space<vmem>>
          %dma_start3A_116 = tpu.memref_squeeze %dma_start3A_115 : memref<1x128x128xf32, #tpu.memory_space<vmem>> -> memref<128x128xf32, #tpu.memory_space<vmem>>
          %dma_start3A_117 = arith.constant 0 : i32
          %dma_start3A_118 = tpu.memref_slice %arg7[%scan3A_81, %dma_start3A_117] : memref<40x128xi32, #tpu.memory_space<vmem>> -> memref<1x128xi32, #tpu.memory_space<vmem>>
          %dma_start3A_119 = tpu.memref_squeeze %dma_start3A_118 : memref<1x128xi32, #tpu.memory_space<vmem>> -> memref<128xi32, #tpu.memory_space<vmem>>
          %dma_start3A_120 = arith.constant 0 : i32
          %dma_start3A_121 = arith.constant 0 : i32
          %dma_start3A_122 = tpu.memref_slice %arg9[%dma_start3A_120, %dma_start3A_121] : memref<10112x128xf32, #tpu.memory_space<vmem_shared>> -> memref<10112x128xf32, #tpu.memory_space<vmem_shared>>
          tpu.enqueue_indirect_dma source(%dma_start3A_116 : memref<128x128xf32, #tpu.memory_space<vmem>>) target(%dma_start3A_122 : memref<10112x128xf32, #tpu.memory_space<vmem_shared>>) offsets(%dma_start3A_119 : memref<128xi32, #tpu.memory_space<vmem>>) semaphore(%run_scoped3A_112 : memref<!tpu.dma_semaphore, #tpu.memory_space<semaphore_mem>>) {add = true}
          %dma_wait3A_123 = arith.constant 0 : i32
          %dma_wait3A_124 = arith.constant 0 : i32
          %dma_wait3A_125 = tpu.memref_slice %arg8[%rem3A_82, %dma_wait3A_123, %dma_wait3A_124] : memref<2x128x128xf32, #tpu.memory_space<vmem>> -> memref<1x128x128xf32, #tpu.memory_space<vmem>>
          %dma_wait3A_126 = tpu.memref_squeeze %dma_wait3A_125 : memref<1x128x128xf32, #tpu.memory_space<vmem>> -> memref<128x128xf32, #tpu.memory_space<vmem>>
          %dma_wait3A_127 = arith.constant 0 : i32
          %dma_wait3A_128 = tpu.memref_slice %arg7[%scan3A_81, %dma_wait3A_127] : memref<40x128xi32, #tpu.memory_space<vmem>> -> memref<1x128xi32, #tpu.memory_space<vmem>>
          %dma_wait3A_129 = tpu.memref_squeeze %dma_wait3A_128 : memref<1x128xi32, #tpu.memory_space<vmem>> -> memref<128xi32, #tpu.memory_space<vmem>>
          %dma_wait3A_130 = arith.constant 0 : i32
          %dma_wait3A_131 = arith.constant 0 : i32
          %dma_wait3A_132 = tpu.memref_slice %arg9[%dma_wait3A_130, %dma_wait3A_131] : memref<10112x128xf32, #tpu.memory_space<vmem_shared>> -> memref<10112x128xf32, #tpu.memory_space<vmem_shared>>
          tpu.wait_indirect_dma semaphore(%run_scoped3A_112 : memref<!tpu.dma_semaphore, #tpu.memory_space<semaphore_mem>>) src(%dma_wait3A_126 : memref<128x128xf32, #tpu.memory_space<vmem>>) dst(%dma_wait3A_132 : memref<10112x128xf32, #tpu.memory_space<vmem_shared>>)
          tpu.yield
        }) : () -> ()
      }
      %scan3A_75 = arith.constant 40 : i32
      %barrier3A_76 = arith.constant 0 : index
      tpu.barrier barrier_id(%barrier3A_76)
      %mul3A_77 = arith.constant 632 : i32
      %mul3A_78 = arith.muli %arg1, %mul3A_77 : i32
      %mul3A_79 = arith.constant 632 : i32
      %mul3A_80 = arith.muli %arg1, %mul3A_79 : i32
      %run_scoped3A = arith.constant 3 : i32
      "tpu.region"() ({
        %run_scoped3A_81 = tpu.sem_alloc : memref<!tpu.dma_semaphore, #tpu.memory_space<semaphore_mem>>
        %dma_start3A_82 = arith.constant 0 : i32
        %dma_start3A_83 = arith.constant 0 : i32
        %dma_start3A_84 = tpu.memref_slice %arg5[%run_scoped3A, %dma_start3A_82, %dma_start3A_83] : memref<4x10112x128xf32, #tpu.memory_space<hbm>> -> memref<1x10112x128xf32, #tpu.memory_space<hbm>>
        %dma_start3A_85 = tpu.memref_squeeze %dma_start3A_84 : memref<1x10112x128xf32, #tpu.memory_space<hbm>> -> memref<10112x128xf32, #tpu.memory_space<hbm>>
        %dma_start3A_86 = arith.constant 0 : i32
        %dma_start3A_87 = tpu.memref_slice %dma_start3A_85[%mul3A_80, %dma_start3A_86] : memref<10112x128xf32, #tpu.memory_space<hbm>> -> memref<632x128xf32, #tpu.memory_space<hbm>>
        %dma_start3A_88 = arith.constant 0 : i32
        %dma_start3A_89 = tpu.memref_slice %arg9[%mul3A_78, %dma_start3A_88] : memref<10112x128xf32, #tpu.memory_space<vmem_shared>> -> memref<632x128xf32, #tpu.memory_space<vmem_shared>>
        tpu.enqueue_dma source(%dma_start3A_89 : memref<632x128xf32, #tpu.memory_space<vmem_shared>>) target(%dma_start3A_87 : memref<632x128xf32, #tpu.memory_space<hbm>>) target_semaphore(%run_scoped3A_81 : memref<!tpu.dma_semaphore, #tpu.memory_space<semaphore_mem>>)
        %dma_wait3A = arith.constant 0 : i32
        %dma_wait3A_90 = arith.constant 0 : i32
        %dma_wait3A_91 = tpu.memref_slice %arg5[%run_scoped3A, %dma_wait3A, %dma_wait3A_90] : memref<4x10112x128xf32, #tpu.memory_space<hbm>> -> memref<1x10112x128xf32, #tpu.memory_space<hbm>>
        %dma_wait3A_92 = tpu.memref_squeeze %dma_wait3A_91 : memref<1x10112x128xf32, #tpu.memory_space<hbm>> -> memref<10112x128xf32, #tpu.memory_space<hbm>>
        %dma_wait3A_93 = arith.constant 0 : i32
        %dma_wait3A_94 = tpu.memref_slice %dma_wait3A_92[%mul3A_80, %dma_wait3A_93] : memref<10112x128xf32, #tpu.memory_space<hbm>> -> memref<632x128xf32, #tpu.memory_space<hbm>>
        %dma_wait3A_95 = arith.constant 0 : i32
        %dma_wait3A_96 = tpu.memref_slice %arg9[%mul3A_78, %dma_wait3A_95] : memref<10112x128xf32, #tpu.memory_space<vmem_shared>> -> memref<632x128xf32, #tpu.memory_space<vmem_shared>>
        tpu.wait_dma2 semaphore(%run_scoped3A_81 : memref<!tpu.dma_semaphore, #tpu.memory_space<semaphore_mem>>) src(%dma_wait3A_96 : memref<632x128xf32, #tpu.memory_space<vmem_shared>>) dst(%dma_wait3A_94 : memref<632x128xf32, #tpu.memory_space<hbm>>)
        tpu.yield
      }) : () -> ()
    } else {
    }
    return
  }
}

module attributes {stable_mosaic.version = 14 : i64} {
  func.func @_scale_body(%arg0: i32, %arg1: memref<2000x1xf32, #tpu.memory_space<vmem>>, %arg2: memref<2000x256xf32, #tpu.memory_space<vmem>>, %arg3: memref<2x2000x128xf32, #tpu.memory_space<vmem>>) attributes {dimension_semantics = [#tpu.dimension_semantics<arbitrary>], iteration_bounds = array<i64: 5>, scalar_prefetch = 0 : i64, scratch_operands = 0 : i64, tpu.core_type = #tpu.core_type<tc>, window_params = [{transform_indices = @transform_0, window_bounds = array<i64: 2000, 1>}, {transform_indices = @transform_1, window_bounds = array<i64: 2000, 256>}, {transform_indices = @transform_2, window_bounds = array<i64: 2, 2000, 128>}]} {
    %get3A = arith.constant 0 : index
    %get3A_0 = arith.constant 0 : index
    %get3A_1 = vector.load %arg2[%get3A, %get3A_0] : memref<2000x256xf32, #tpu.memory_space<vmem>>, vector<2000x256xf32>
    %get3A_2 = arith.constant 0 : index
    %get3A_3 = arith.constant 0 : index
    %get3A_4 = vector.load %arg1[%get3A_2, %get3A_3] : memref<2000x1xf32, #tpu.memory_space<vmem>>, vector<2000x1xf32>
    %mul3A = vector.broadcast %get3A_4 : vector<2000x1xf32> to vector<2000x256xf32>
    %mul3A_5 = arith.mulf %get3A_1, %mul3A : vector<2000x256xf32>
    %slice3A = vector.extract_strided_slice %mul3A_5 {offsets = [0, 0], sizes = [2000, 128], strides = [1, 1]} : vector<2000x256xf32> to vector<2000x128xf32>
    %swap3A = arith.constant 0 : index
    %swap3A_6 = arith.constant 0 : index
    %swap3A_7 = arith.constant 0 : index
    %swap3A_8 = vector.load %arg3[%swap3A, %swap3A_6, %swap3A_7] : memref<2x2000x128xf32, #tpu.memory_space<vmem>>, vector<1x2000x128xf32>
    %swap3A_9 = vector.shape_cast %swap3A_8 : vector<1x2000x128xf32> to vector<2000x128xf32>
    %swap3A_10 = vector.shape_cast %slice3A : vector<2000x128xf32> to vector<1x2000x128xf32>
    tpu.vector_store %arg3[%swap3A, %swap3A_6, %swap3A_7], %swap3A_10 {strides = array<i32>} : memref<2x2000x128xf32, #tpu.memory_space<vmem>>, vector<1x2000x128xf32>,
    %slice3A_11 = vector.extract_strided_slice %mul3A_5 {offsets = [0, 128], sizes = [2000, 128], strides = [1, 1]} : vector<2000x256xf32> to vector<2000x128xf32>
    %swap3A_12 = arith.constant 1 : index
    %swap3A_13 = arith.constant 0 : index
    %swap3A_14 = arith.constant 0 : index
    %swap3A_15 = vector.load %arg3[%swap3A_12, %swap3A_13, %swap3A_14] : memref<2x2000x128xf32, #tpu.memory_space<vmem>>, vector<1x2000x128xf32>
    %swap3A_16 = vector.shape_cast %swap3A_15 : vector<1x2000x128xf32> to vector<2000x128xf32>
    %swap3A_17 = vector.shape_cast %slice3A_11 : vector<2000x128xf32> to vector<1x2000x128xf32>
    tpu.vector_store %arg3[%swap3A_12, %swap3A_13, %swap3A_14], %swap3A_17 {strides = array<i32>} : memref<2x2000x128xf32, #tpu.memory_space<vmem>>, vector<1x2000x128xf32>,
    return
  }
  func.func @transform_0(%arg0: i32) -> (i32, i32) {
    %c0_i32 = arith.constant 0 : i32
    %c0_i32_0 = arith.constant 0 : i32
    return %arg0, %c0_i32 : i32, i32
  }
  func.func @transform_1(%arg0: i32) -> (i32, i32) {
    %c0_i32 = arith.constant 0 : i32
    %c0_i32_0 = arith.constant 0 : i32
    return %arg0, %c0_i32 : i32, i32
  }
  func.func @transform_2(%arg0: i32) -> (i32, i32, i32) {
    %c0_i32 = arith.constant 0 : i32
    %c0_i32_0 = arith.constant 0 : i32
    %c0_i32_1 = arith.constant 0 : i32
    return %c0_i32, %arg0, %c0_i32_0 : i32, i32, i32
  }
}

module attributes {stable_mosaic.version = 14 : i64} {
  func.func @_layer1_body(%arg0: i32, %arg1: memref<2x2000x128xf32, #tpu.memory_space<vmem>>, %arg2: memref<2000x1xf32, #tpu.memory_space<vmem>>, %arg3: memref<256x512xf32, #tpu.memory_space<vmem>>, %arg4: memref<1x512xf32, #tpu.memory_space<vmem>>, %arg5: memref<4x2000x128xf32, #tpu.memory_space<vmem>>) attributes {dimension_semantics = [#tpu.dimension_semantics<arbitrary>], iteration_bounds = array<i64: 5>, scalar_prefetch = 0 : i64, scratch_operands = 0 : i64, tpu.core_type = #tpu.core_type<tc>, window_params = [{transform_indices = @transform_0, window_bounds = array<i64: 2, 2000, 128>}, {transform_indices = @transform_1, window_bounds = array<i64: 2000, 1>}, {pipeline_mode = #tpu.pipeline_mode<synchronous>, transform_indices = @transform_2, window_bounds = array<i64: 256, 512>}, {pipeline_mode = #tpu.pipeline_mode<synchronous>, transform_indices = @transform_3, window_bounds = array<i64: 1, 512>}, {transform_indices = @transform_4, window_bounds = array<i64: 4, 2000, 128>}]} {
    %get3A = arith.constant 0 : index
    %get3A_0 = arith.constant 0 : index
    %get3A_1 = vector.load %arg2[%get3A, %get3A_0] : memref<2000x1xf32, #tpu.memory_space<vmem>>, vector<2000x1xf32>
    %get3A_2 = arith.constant 0 : index
    %get3A_3 = arith.constant 0 : index
    %get3A_4 = vector.load %arg4[%get3A_2, %get3A_3] : memref<1x512xf32, #tpu.memory_space<vmem>>, vector<1x512xf32>
    %broadcast_in_dim3A = vector.shape_cast %get3A_4 : vector<1x512xf32> to vector<1x512xf32>
    %broadcast_in_dim3A_5 = vector.broadcast %broadcast_in_dim3A : vector<1x512xf32> to vector<2000x512xf32>
    %get3A_6 = arith.constant 0 : index
    %get3A_7 = arith.constant 0 : index
    %get3A_8 = arith.constant 0 : index
    %get3A_9 = vector.load %arg1[%get3A_6, %get3A_7, %get3A_8] : memref<2x2000x128xf32, #tpu.memory_space<vmem>>, vector<1x2000x128xf32>
    %get3A_10 = vector.shape_cast %get3A_9 : vector<1x2000x128xf32> to vector<2000x128xf32>
    %mul3A = vector.broadcast %get3A_1 : vector<2000x1xf32> to vector<2000x128xf32>
    %mul3A_11 = arith.mulf %get3A_10, %mul3A : vector<2000x128xf32>
    %get3A_12 = arith.constant 0 : index
    %get3A_13 = arith.constant 0 : index
    %get3A_14 = vector.load %arg3[%get3A_12, %get3A_13] : memref<256x512xf32, #tpu.memory_space<vmem>>, vector<128x512xf32>
    %dot_general3A = arith.constant dense<0.000000e+00> : vector<2000x512xf32>
    %dot_general3A_15 = tpu.matmul %mul3A_11, %get3A_14, %dot_general3A {dimension_numbers = #tpu.dot_dimension_numbers<[1], [0], [0], [1], [0, 0, 1, 1], [], []>, transpose_lhs_hint = false} : vector<2000x128xf32>, vector<128x512xf32>, vector<2000x512xf32> -> vector<2000x512xf32>
    %add3A = arith.addf %broadcast_in_dim3A_5, %dot_general3A_15 : vector<2000x512xf32>
    %get3A_16 = arith.constant 1 : index
    %get3A_17 = arith.constant 0 : index
    %get3A_18 = arith.constant 0 : index
    %get3A_19 = vector.load %arg1[%get3A_16, %get3A_17, %get3A_18] : memref<2x2000x128xf32, #tpu.memory_space<vmem>>, vector<1x2000x128xf32>
    %get3A_20 = vector.shape_cast %get3A_19 : vector<1x2000x128xf32> to vector<2000x128xf32>
    %mul3A_21 = vector.broadcast %get3A_1 : vector<2000x1xf32> to vector<2000x128xf32>
    %mul3A_22 = arith.mulf %get3A_20, %mul3A_21 : vector<2000x128xf32>
    %get3A_23 = arith.constant 128 : index
    %get3A_24 = arith.constant 0 : index
    %get3A_25 = vector.load %arg3[%get3A_23, %get3A_24] : memref<256x512xf32, #tpu.memory_space<vmem>>, vector<128x512xf32>
    %dot_general3A_26 = arith.constant dense<0.000000e+00> : vector<2000x512xf32>
    %dot_general3A_27 = tpu.matmul %mul3A_22, %get3A_25, %dot_general3A_26 {dimension_numbers = #tpu.dot_dimension_numbers<[1], [0], [0], [1], [0, 0, 1, 1], [], []>, transpose_lhs_hint = false} : vector<2000x128xf32>, vector<128x512xf32>, vector<2000x512xf32> -> vector<2000x512xf32>
    %add3A_28 = arith.addf %add3A, %dot_general3A_27 : vector<2000x512xf32>
    %max3A = arith.constant 0.000000e+00 : f32
    %max3A_29 = vector.broadcast %max3A : f32 to vector<2000x512xf32>
    %max3A_30 = arith.maximumf %add3A_28, %max3A_29 : vector<2000x512xf32>
    %mul3A_31 = vector.broadcast %get3A_1 : vector<2000x1xf32> to vector<2000x512xf32>
    %mul3A_32 = arith.mulf %max3A_30, %mul3A_31 : vector<2000x512xf32>
    %slice3A = vector.extract_strided_slice %mul3A_32 {offsets = [0, 0], sizes = [2000, 128], strides = [1, 1]} : vector<2000x512xf32> to vector<2000x128xf32>
    %swap3A = arith.constant 0 : index
    %swap3A_33 = arith.constant 0 : index
    %swap3A_34 = arith.constant 0 : index
    %swap3A_35 = vector.load %arg5[%swap3A, %swap3A_33, %swap3A_34] : memref<4x2000x128xf32, #tpu.memory_space<vmem>>, vector<1x2000x128xf32>
    %swap3A_36 = vector.shape_cast %swap3A_35 : vector<1x2000x128xf32> to vector<2000x128xf32>
    %swap3A_37 = vector.shape_cast %slice3A : vector<2000x128xf32> to vector<1x2000x128xf32>
    tpu.vector_store %arg5[%swap3A, %swap3A_33, %swap3A_34], %swap3A_37 {strides = array<i32>} : memref<4x2000x128xf32, #tpu.memory_space<vmem>>, vector<1x2000x128xf32>,
    %slice3A_38 = vector.extract_strided_slice %mul3A_32 {offsets = [0, 128], sizes = [2000, 128], strides = [1, 1]} : vector<2000x512xf32> to vector<2000x128xf32>
    %swap3A_39 = arith.constant 1 : index
    %swap3A_40 = arith.constant 0 : index
    %swap3A_41 = arith.constant 0 : index
    %swap3A_42 = vector.load %arg5[%swap3A_39, %swap3A_40, %swap3A_41] : memref<4x2000x128xf32, #tpu.memory_space<vmem>>, vector<1x2000x128xf32>
    %swap3A_43 = vector.shape_cast %swap3A_42 : vector<1x2000x128xf32> to vector<2000x128xf32>
    %swap3A_44 = vector.shape_cast %slice3A_38 : vector<2000x128xf32> to vector<1x2000x128xf32>
    tpu.vector_store %arg5[%swap3A_39, %swap3A_40, %swap3A_41], %swap3A_44 {strides = array<i32>} : memref<4x2000x128xf32, #tpu.memory_space<vmem>>, vector<1x2000x128xf32>,
    %slice3A_45 = vector.extract_strided_slice %mul3A_32 {offsets = [0, 256], sizes = [2000, 128], strides = [1, 1]} : vector<2000x512xf32> to vector<2000x128xf32>
    %swap3A_46 = arith.constant 2 : index
    %swap3A_47 = arith.constant 0 : index
    %swap3A_48 = arith.constant 0 : index
    %swap3A_49 = vector.load %arg5[%swap3A_46, %swap3A_47, %swap3A_48] : memref<4x2000x128xf32, #tpu.memory_space<vmem>>, vector<1x2000x128xf32>
    %swap3A_50 = vector.shape_cast %swap3A_49 : vector<1x2000x128xf32> to vector<2000x128xf32>
    %swap3A_51 = vector.shape_cast %slice3A_45 : vector<2000x128xf32> to vector<1x2000x128xf32>
    tpu.vector_store %arg5[%swap3A_46, %swap3A_47, %swap3A_48], %swap3A_51 {strides = array<i32>} : memref<4x2000x128xf32, #tpu.memory_space<vmem>>, vector<1x2000x128xf32>,
    %slice3A_52 = vector.extract_strided_slice %mul3A_32 {offsets = [0, 384], sizes = [2000, 128], strides = [1, 1]} : vector<2000x512xf32> to vector<2000x128xf32>
    %swap3A_53 = arith.constant 3 : index
    %swap3A_54 = arith.constant 0 : index
    %swap3A_55 = arith.constant 0 : index
    %swap3A_56 = vector.load %arg5[%swap3A_53, %swap3A_54, %swap3A_55] : memref<4x2000x128xf32, #tpu.memory_space<vmem>>, vector<1x2000x128xf32>
    %swap3A_57 = vector.shape_cast %swap3A_56 : vector<1x2000x128xf32> to vector<2000x128xf32>
    %swap3A_58 = vector.shape_cast %slice3A_52 : vector<2000x128xf32> to vector<1x2000x128xf32>
    tpu.vector_store %arg5[%swap3A_53, %swap3A_54, %swap3A_55], %swap3A_58 {strides = array<i32>} : memref<4x2000x128xf32, #tpu.memory_space<vmem>>, vector<1x2000x128xf32>,
    return
  }
  func.func @transform_0(%arg0: i32) -> (i32, i32, i32) {
    %c0_i32 = arith.constant 0 : i32
    %c0_i32_0 = arith.constant 0 : i32
    %c0_i32_1 = arith.constant 0 : i32
    return %c0_i32, %arg0, %c0_i32_0 : i32, i32, i32
  }
  func.func @transform_1(%arg0: i32) -> (i32, i32) {
    %c0_i32 = arith.constant 0 : i32
    %c0_i32_0 = arith.constant 0 : i32
    return %arg0, %c0_i32 : i32, i32
  }
  func.func @transform_2(%arg0: i32) -> (i32, i32) {
    %c0_i32 = arith.constant 0 : i32
    %c0_i32_0 = arith.constant 0 : i32
    %c0_i32_1 = arith.constant 0 : i32
    return %c0_i32, %c0_i32_0 : i32, i32
  }
  func.func @transform_3(%arg0: i32) -> (i32, i32) {
    %c0_i32 = arith.constant 0 : i32
    %c0_i32_0 = arith.constant 0 : i32
    %c0_i32_1 = arith.constant 0 : i32
    return %c0_i32, %c0_i32_0 : i32, i32
  }
  func.func @transform_4(%arg0: i32) -> (i32, i32, i32) {
    %c0_i32 = arith.constant 0 : i32
    %c0_i32_0 = arith.constant 0 : i32
    %c0_i32_1 = arith.constant 0 : i32
    return %c0_i32, %arg0, %c0_i32_0 : i32, i32, i32
  }
}

module attributes {stable_mosaic.version = 14 : i64} {
  func.func @_layer2_body(%arg0: i32, %arg1: memref<4x2000x128xf32, #tpu.memory_space<vmem>>, %arg2: memref<2000x1xf32, #tpu.memory_space<vmem>>, %arg3: memref<512x512xf32, #tpu.memory_space<vmem>>, %arg4: memref<1x512xf32, #tpu.memory_space<vmem>>, %arg5: memref<512x1xf32, #tpu.memory_space<vmem>>, %arg6: memref<1x1xf32, #tpu.memory_space<vmem>>, %arg7: memref<2000x1xf32, #tpu.memory_space<vmem>>) attributes {dimension_semantics = [#tpu.dimension_semantics<arbitrary>], iteration_bounds = array<i64: 5>, scalar_prefetch = 0 : i64, scratch_operands = 0 : i64, tpu.core_type = #tpu.core_type<tc>, window_params = [{transform_indices = @transform_0, window_bounds = array<i64: 4, 2000, 128>}, {transform_indices = @transform_1, window_bounds = array<i64: 2000, 1>}, {pipeline_mode = #tpu.pipeline_mode<synchronous>, transform_indices = @transform_2, window_bounds = array<i64: 512, 512>}, {pipeline_mode = #tpu.pipeline_mode<synchronous>, transform_indices = @transform_3, window_bounds = array<i64: 1, 512>}, {pipeline_mode = #tpu.pipeline_mode<synchronous>, transform_indices = @transform_4, window_bounds = array<i64: 512, 1>}, {pipeline_mode = #tpu.pipeline_mode<synchronous>, transform_indices = @transform_5, window_bounds = array<i64: 1, 1>}, {transform_indices = @transform_6, window_bounds = array<i64: 2000, 1>}]} {
    %get3A = arith.constant 0 : index
    %get3A_0 = arith.constant 0 : index
    %get3A_1 = vector.load %arg2[%get3A, %get3A_0] : memref<2000x1xf32, #tpu.memory_space<vmem>>, vector<2000x1xf32>
    %get3A_2 = arith.constant 0 : index
    %get3A_3 = arith.constant 0 : index
    %get3A_4 = vector.load %arg4[%get3A_2, %get3A_3] : memref<1x512xf32, #tpu.memory_space<vmem>>, vector<1x512xf32>
    %broadcast_in_dim3A = vector.shape_cast %get3A_4 : vector<1x512xf32> to vector<1x512xf32>
    %broadcast_in_dim3A_5 = vector.broadcast %broadcast_in_dim3A : vector<1x512xf32> to vector<2000x512xf32>
    %get3A_6 = arith.constant 0 : index
    %get3A_7 = arith.constant 0 : index
    %get3A_8 = arith.constant 0 : index
    %get3A_9 = vector.load %arg1[%get3A_6, %get3A_7, %get3A_8] : memref<4x2000x128xf32, #tpu.memory_space<vmem>>, vector<1x2000x128xf32>
    %get3A_10 = vector.shape_cast %get3A_9 : vector<1x2000x128xf32> to vector<2000x128xf32>
    %mul3A = vector.broadcast %get3A_1 : vector<2000x1xf32> to vector<2000x128xf32>
    %mul3A_11 = arith.mulf %get3A_10, %mul3A : vector<2000x128xf32>
    %get3A_12 = arith.constant 0 : index
    %get3A_13 = arith.constant 0 : index
    %get3A_14 = vector.load %arg3[%get3A_12, %get3A_13] : memref<512x512xf32, #tpu.memory_space<vmem>>, vector<128x512xf32>
    %dot_general3A = arith.constant dense<0.000000e+00> : vector<2000x512xf32>
    %dot_general3A_15 = tpu.matmul %mul3A_11, %get3A_14, %dot_general3A {dimension_numbers = #tpu.dot_dimension_numbers<[1], [0], [0], [1], [0, 0, 1, 1], [], []>, transpose_lhs_hint = false} : vector<2000x128xf32>, vector<128x512xf32>, vector<2000x512xf32> -> vector<2000x512xf32>
    %add3A = arith.addf %broadcast_in_dim3A_5, %dot_general3A_15 : vector<2000x512xf32>
    %get3A_16 = arith.constant 1 : index
    %get3A_17 = arith.constant 0 : index
    %get3A_18 = arith.constant 0 : index
    %get3A_19 = vector.load %arg1[%get3A_16, %get3A_17, %get3A_18] : memref<4x2000x128xf32, #tpu.memory_space<vmem>>, vector<1x2000x128xf32>
    %get3A_20 = vector.shape_cast %get3A_19 : vector<1x2000x128xf32> to vector<2000x128xf32>
    %mul3A_21 = vector.broadcast %get3A_1 : vector<2000x1xf32> to vector<2000x128xf32>
    %mul3A_22 = arith.mulf %get3A_20, %mul3A_21 : vector<2000x128xf32>
    %get3A_23 = arith.constant 128 : index
    %get3A_24 = arith.constant 0 : index
    %get3A_25 = vector.load %arg3[%get3A_23, %get3A_24] : memref<512x512xf32, #tpu.memory_space<vmem>>, vector<128x512xf32>
    %dot_general3A_26 = arith.constant dense<0.000000e+00> : vector<2000x512xf32>
    %dot_general3A_27 = tpu.matmul %mul3A_22, %get3A_25, %dot_general3A_26 {dimension_numbers = #tpu.dot_dimension_numbers<[1], [0], [0], [1], [0, 0, 1, 1], [], []>, transpose_lhs_hint = false} : vector<2000x128xf32>, vector<128x512xf32>, vector<2000x512xf32> -> vector<2000x512xf32>
    %add3A_28 = arith.addf %add3A, %dot_general3A_27 : vector<2000x512xf32>
    %get3A_29 = arith.constant 2 : index
    %get3A_30 = arith.constant 0 : index
    %get3A_31 = arith.constant 0 : index
    %get3A_32 = vector.load %arg1[%get3A_29, %get3A_30, %get3A_31] : memref<4x2000x128xf32, #tpu.memory_space<vmem>>, vector<1x2000x128xf32>
    %get3A_33 = vector.shape_cast %get3A_32 : vector<1x2000x128xf32> to vector<2000x128xf32>
    %mul3A_34 = vector.broadcast %get3A_1 : vector<2000x1xf32> to vector<2000x128xf32>
    %mul3A_35 = arith.mulf %get3A_33, %mul3A_34 : vector<2000x128xf32>
    %get3A_36 = arith.constant 256 : index
    %get3A_37 = arith.constant 0 : index
    %get3A_38 = vector.load %arg3[%get3A_36, %get3A_37] : memref<512x512xf32, #tpu.memory_space<vmem>>, vector<128x512xf32>
    %dot_general3A_39 = arith.constant dense<0.000000e+00> : vector<2000x512xf32>
    %dot_general3A_40 = tpu.matmul %mul3A_35, %get3A_38, %dot_general3A_39 {dimension_numbers = #tpu.dot_dimension_numbers<[1], [0], [0], [1], [0, 0, 1, 1], [], []>, transpose_lhs_hint = false} : vector<2000x128xf32>, vector<128x512xf32>, vector<2000x512xf32> -> vector<2000x512xf32>
    %add3A_41 = arith.addf %add3A_28, %dot_general3A_40 : vector<2000x512xf32>
    %get3A_42 = arith.constant 3 : index
    %get3A_43 = arith.constant 0 : index
    %get3A_44 = arith.constant 0 : index
    %get3A_45 = vector.load %arg1[%get3A_42, %get3A_43, %get3A_44] : memref<4x2000x128xf32, #tpu.memory_space<vmem>>, vector<1x2000x128xf32>
    %get3A_46 = vector.shape_cast %get3A_45 : vector<1x2000x128xf32> to vector<2000x128xf32>
    %mul3A_47 = vector.broadcast %get3A_1 : vector<2000x1xf32> to vector<2000x128xf32>
    %mul3A_48 = arith.mulf %get3A_46, %mul3A_47 : vector<2000x128xf32>
    %get3A_49 = arith.constant 384 : index
    %get3A_50 = arith.constant 0 : index
    %get3A_51 = vector.load %arg3[%get3A_49, %get3A_50] : memref<512x512xf32, #tpu.memory_space<vmem>>, vector<128x512xf32>
    %dot_general3A_52 = arith.constant dense<0.000000e+00> : vector<2000x512xf32>
    %dot_general3A_53 = tpu.matmul %mul3A_48, %get3A_51, %dot_general3A_52 {dimension_numbers = #tpu.dot_dimension_numbers<[1], [0], [0], [1], [0, 0, 1, 1], [], []>, transpose_lhs_hint = false} : vector<2000x128xf32>, vector<128x512xf32>, vector<2000x512xf32> -> vector<2000x512xf32>
    %add3A_54 = arith.addf %add3A_41, %dot_general3A_53 : vector<2000x512xf32>
    %max3A = arith.constant 0.000000e+00 : f32
    %max3A_55 = vector.broadcast %max3A : f32 to vector<2000x512xf32>
    %max3A_56 = arith.maximumf %add3A_54, %max3A_55 : vector<2000x512xf32>
    %get3A_57 = arith.constant 0 : index
    %get3A_58 = arith.constant 0 : index
    %get3A_59 = vector.load %arg5[%get3A_57, %get3A_58] : memref<512x1xf32, #tpu.memory_space<vmem>>, vector<512x1xf32>
    %dot_general3A_60 = arith.constant dense<0.000000e+00> : vector<2000x1xf32>
    %dot_general3A_61 = tpu.matmul %max3A_56, %get3A_59, %dot_general3A_60 {dimension_numbers = #tpu.dot_dimension_numbers<[1], [0], [0], [1], [0, 0, 1, 1], [], []>, transpose_lhs_hint = false} : vector<2000x512xf32>, vector<512x1xf32>, vector<2000x1xf32> -> vector<2000x1xf32>
    %get3A_62 = arith.constant 0 : index
    %get3A_63 = arith.constant 0 : index
    %get3A_64 = vector.load %arg6[%get3A_62, %get3A_63] : memref<1x1xf32, #tpu.memory_space<vmem>>, vector<1x1xf32>
    %add3A_65 = vector.broadcast %get3A_64 : vector<1x1xf32> to vector<2000x1xf32>
    %add3A_66 = arith.addf %dot_general3A_61, %add3A_65 : vector<2000x1xf32>
    %swap3A = arith.constant 0 : index
    %swap3A_67 = arith.constant 0 : index
    %swap3A_68 = vector.load %arg7[%swap3A, %swap3A_67] : memref<2000x1xf32, #tpu.memory_space<vmem>>, vector<2000x1xf32>
    tpu.vector_store %arg7[%swap3A, %swap3A_67], %add3A_66 {strides = array<i32>} : memref<2000x1xf32, #tpu.memory_space<vmem>>, vector<2000x1xf32>,
    return
  }
  func.func @transform_0(%arg0: i32) -> (i32, i32, i32) {
    %c0_i32 = arith.constant 0 : i32
    %c0_i32_0 = arith.constant 0 : i32
    %c0_i32_1 = arith.constant 0 : i32
    return %c0_i32, %arg0, %c0_i32_0 : i32, i32, i32
  }
  func.func @transform_1(%arg0: i32) -> (i32, i32) {
    %c0_i32 = arith.constant 0 : i32
    %c0_i32_0 = arith.constant 0 : i32
    return %arg0, %c0_i32 : i32, i32
  }
  func.func @transform_2(%arg0: i32) -> (i32, i32) {
    %c0_i32 = arith.constant 0 : i32
    %c0_i32_0 = arith.constant 0 : i32
    %c0_i32_1 = arith.constant 0 : i32
    return %c0_i32, %c0_i32_0 : i32, i32
  }
  func.func @transform_3(%arg0: i32) -> (i32, i32) {
    %c0_i32 = arith.constant 0 : i32
    %c0_i32_0 = arith.constant 0 : i32
    %c0_i32_1 = arith.constant 0 : i32
    return %c0_i32, %c0_i32_0 : i32, i32
  }
  func.func @transform_4(%arg0: i32) -> (i32, i32) {
    %c0_i32 = arith.constant 0 : i32
    %c0_i32_0 = arith.constant 0 : i32
    %c0_i32_1 = arith.constant 0 : i32
    return %c0_i32, %c0_i32_0 : i32, i32
  }
  func.func @transform_5(%arg0: i32) -> (i32, i32) {
    %c0_i32 = arith.constant 0 : i32
    %c0_i32_0 = arith.constant 0 : i32
    %c0_i32_1 = arith.constant 0 : i32
    return %c0_i32, %c0_i32_0 : i32, i32
  }
  func.func @transform_6(%arg0: i32) -> (i32, i32) {
    %c0_i32 = arith.constant 0 : i32
    %c0_i32_0 = arith.constant 0 : i32
    return %arg0, %c0_i32 : i32, i32
  }
}

</mosaic_0001>

<sc_bundles>
// kernel: kernel.11.cloned.1.call-start
scs
__scs_entry_jumppad:
0x0: {  	(pc) =	sbr.rel $0x88, $3  }
0x1: {  	(tag) =	ssettag $0x0;
	lr =	simm.s32 $0x1  }
0x2: {  	[smem:$0x3F99] =	sst lr;
	_ =	strace $0xD0000000  }
0x3: {  	_ = 	snop  }
0x4: {  	_ = 	snop  }
0x5: {  	_ = 	snop  }
0x6: {  	_ = 	snop  }
0x7: {  	_ = 	snop  }
__scs_overlays_trampoline_lowered:
0x8: {  	[smem:$0x3FA8] =	sst s0  }
0x9: {  	[smem:$0x3FA9] =	sst s1  }
0xa: {  	[smem:$0x3FAA] =	sst s2  }
0xb: {  	[smem:$0x3FAB] =	sst s3  }
0xc: {  	[smem:$0x3FAC] =	sst s4  }
0xd: {  	[smem:$0x3FAD] =	sst s5  }
0xe: {  	[smem:$0x3FAE] =	sst s6  }
0xf: {  	[smem:$0x3FAF] =	sst s7  }
0x10: {  	[smem:$0x3FB0] =	sst s8  }
0x11: {  	[smem:$0x3FB1] =	sst s9;
	s0 =	simm.s32 @!p0 $0x0  }
0x12: {  	s1 =	sld [smem:$0x3F97];
	s0 =	simm.s32 @p0 $0x1  }
0x13: {  	[smem:$0x3FB2] =	sst s0;
	s0 =	simm.s32 @!p1 $0x0  }
0x14: {  	s2 =	sld [smem:$0x3F96];
	s0 =	simm.s32 @p1 $0x1  }
0x15: {  	[smem:$0x3FB3] =	sst s0;
	s0 =	simm.s32 @!p2 $0x0  }
0x16: {  	s3 =	sld [smem:$0x3FDB];
	s0 =	simm.s32 @p2 $0x1  }
0x17: {  	s4 =	simm.s32 $0x1BF5;
	[smem:$0x3FB5] =	sst s0  }
0x18: {  	s0 =	sld [smem:$0x3F98];
	_ =	swait.ge [sflag:s4], $0x0  }
0x19: {  	s7 =	sld [smem:$0x3F99]  }
0x1a: {  	s8 =	sadd.s32 $0xFFFFE003, lr  }
0x1b: {  	s9 =	sadd.s32 $0xFFFFFEF7, lr;
	s5 =	simm.s32 $0xFFFFFFFF;
	p2 =	slt.u32 s8, $0xFFFFF086  }
0x1c: {  	p1 =	slt.u32 s9, $0xF7A;
	s5 =	simm.s32 @!p2 $0x0  }
0x1d: {  	s5 =	simm.s32 @p1 $0x1;
	p0 =	seq.s32 s7, s2  }
0x1e: {  	s7 =	smul.u32 @!p0 $0xF7A, s2;
	p2 =	seq.s32 @!p0 s5, $0x0  }
0x1f: {  	s9 =	smul.u32 $0xF7A, s1;
	s8 =	simm.s32 @!p0 $0x1BF5;
	p2 =	por !p2, p0  }
0x20: {  	[sflag:s8] =	ssyncset.s32 @!p0 $0xFFFFF086;
	s6 =	sadd.s32 @!p0 s3, s7;
	s7 =	simm.s32 @!p0 $0x108  }
0x21: {  	s3 =	sadd.s32 s3, s9;
	s6 =	sadd.s32 @!p0 $0x88, s6;
	s7 =	simm.s32 @p2 $0x1082  }
0x22: {  	[simem:s7], [sflag:s8] =	dma.local @!p0 [hbm:s6], $0xF7A  }
0x23: {  	s9 =	sor.u32 $0xD0000000, s2;
	s6 =	simm.s32 $0x108;
	_ =	swait.ge @!p0 [sflag:s8], $0x0  }
0x24: {  	s3 =	sadd.s32 $0x88, s3;
	s6 =	simm.s32 @!p1 $0x1082;
	[sflag:s4] =	ssyncset.s32 $0xFFFFF086  }
0x25: {  	[simem:s6], [sflag:s4] =	dma.local [hbm:s3], $0xF7A  }
0x26: {  	[smem:$0x3F99] =	sst s1;
	(tag) =	ssettag s2;
	_ =	strace s9  }
0x27: {  	s1 =	sld [smem:$0x3FA9]  }
0x28: {  	s2 =	sld [smem:$0x3FAA]  }
0x29: {  	s4 =	sld [smem:$0x3FAC]  }
0x2a: {  	p0 =	seq.s32 s5, $0x0;
	s5 =	sld [smem:$0x3FAD]  }
0x2b: {  	s6 =	sld [smem:$0x3FAE]  }
0x2c: {  	s7 =	sld [smem:$0x3FAF]  }
0x2d: {  	s3 =	simm.s32 $0x108;
	s8 =	sld [smem:$0x3FB0]  }
0x2e: {  	s3 =	simm.s32 @!p0 $0x1082;
	s9 =	sld [smem:$0x3FB1]  }
0x2f: {  	lr =	sadd.s32 s0, s3;
	s0 =	sld [smem:$0x3FA8]  }
0x30: {  	s3 =	sld [smem:$0x3FAB]  }
0x31: {  	[smem:$0x3FB4] =	sst s10  }
0x32: {  	s10 =	sld [smem:$0x3FB2];
	_ =	sdelay $0x3  }
0x33: {  	p0 =	seq.s32 s10, $0x1;
	s10 =	sld [smem:$0x3FB4];
	_ =	sdelay $0x3  }
0x34: {  	[smem:$0x3FB4] =	sst s10  }
0x35: {  	s10 =	sld [smem:$0x3FB3];
	_ =	sdelay $0x3  }
0x36: {  	p1 =	seq.s32 s10, $0x1;
	s10 =	sld [smem:$0x3FB4];
	_ =	sdelay $0x3  }
0x37: {  	[smem:$0x3FB4] =	sst s10  }
0x38: {  	s10 =	sld [smem:$0x3FB5]  }
0x39: {  	_ = 	snop;
	(pc) =	sbr.ind lr, $3  }
0x3a: {  	_ = 	snop  }
0x3b: {  	_ = 	snop  }
0x3c: {  	p2 =	seq.s32 s10, $0x1;
	s10 =	sld [smem:$0x3FB4]  }
0x3d: {  	_ =	shalt  }
0x3e: {  	_ =	shalt  }
0x3f: {  	_ =	shalt  }
0x40: {  	_ =	shalt  }
0x41: {  	_ =	shalt  }
0x42: {  	_ =	shalt  }
0x43: {  	_ =	shalt  }
0x44: {  	_ =	shalt  }
0x45: {  	_ =	shalt  }
0x46: {  	_ =	shalt  }
0x47: {  	_ =	shalt  }
0x48: {  	_ =	shalt  }
0x49: {  	_ =	shalt  }
0x4a: {  	_ =	shalt  }
0x4b: {  	_ =	shalt  }
0x4c: {  	_ =	shalt  }
0x4d: {  	_ =	shalt  }
0x4e: {  	_ =	shalt  }
0x4f: {  	_ =	shalt  }
0x50: {  	_ =	shalt  }
0x51: {  	_ =	shalt  }
0x52: {  	_ =	shalt  }
0x53: {  	_ =	shalt  }
0x54: {  	_ =	shalt  }
0x55: {  	_ =	shalt  }
0x56: {  	_ =	shalt  }
0x57: {  	_ =	shalt  }
0x58: {  	_ =	shalt  }
0x59: {  	_ =	shalt  }
0x5a: {  	_ =	shalt  }
0x5b: {  	_ =	shalt  }
0x5c: {  	_ =	shalt  }
0x5d: {  	_ =	shalt  }
0x5e: {  	_ =	shalt  }
0x5f: {  	_ =	shalt  }
0x60: {  	_ =	shalt  }
0x61: {  	_ =	shalt  }
0x62: {  	_ =	shalt  }
0x63: {  	_ =	shalt  }
0x64: {  	_ =	shalt  }
0x65: {  	_ =	shalt  }
0x66: {  	_ =	shalt  }
0x67: {  	_ =	shalt  }
0x68: {  	_ =	shalt  }
0x69: {  	_ =	shalt  }
0x6a: {  	_ =	shalt  }
0x6b: {  	_ =	shalt  }
0x6c: {  	_ =	shalt  }
0x6d: {  	_ =	shalt  }
0x6e: {  	_ =	shalt  }
0x6f: {  	_ =	shalt  }
0x70: {  	_ =	shalt  }
0x71: {  	_ =	shalt  }
0x72: {  	_ =	shalt  }
0x73: {  	_ =	shalt  }
0x74: {  	_ =	shalt  }
0x75: {  	_ =	shalt  }
0x76: {  	_ =	shalt  }
0x77: {  	_ =	shalt  }
0x78: {  	_ =	shalt  }
0x79: {  	_ =	shalt  }
0x7a: {  	_ =	shalt  }
0x7b: {  	_ =	shalt  }
0x7c: {  	_ =	shalt  }
0x7d: {  	_ =	shalt  }
0x7e: {  	_ =	shalt  }
0x7f: {  	_ =	shalt  }
0x80: {  	_ =	shalt  }
0x81: {  	_ =	shalt  }
0x82: {  	_ =	shalt  }
0x83: {  	_ =	shalt  }
0x84: {  	_ =	shalt  }
0x85: {  	_ =	shalt  }
0x86: {  	_ =	shalt  }
0x87: {  	_ =	shalt  }
.Lfunc_end0:
.L_simem_size_0:
called_computation.1_lowered:
.L_overlay_start_0:
0x88: {  	s2 =	sld [smem:$0x3FD9]  }
0x89: {  	s3 =	sld [smem:$0x3FFE];
	_ =	sdelay $0x1  }
0x8a: {  	s1 =	srdreg.scid  }
0x8b: {  	s0 =	sand.u32 $0x1, s1  }
0x8c: {  	s16 =	sshll.u32 s0, $0xA;
	s2 =	sadd.s32 s3, s2  }
0x8d: {  	s2 =	sadd.s32 s2, s16  }
0x8e: {  	[smem:$0x3FC0] =	sst s2  }
0x8f: {  	_ = 	snop  }
0x90: {  	(tm) =	ssettm $0x1  }
0x91: {  	s17 =	sld [smem:$0x3FFB];
	_ =	sdelay $0x3  }
0x92: {  	_ =	strace s17  }
0x93: {  	s2 =	sld [smem:$0x3FFC];
	_ =	sdelay $0x3  }
0x94: {  	_ =	strace s2  }
0x95: {  	s2 =	sld [smem:$0x3FFD];
	_ =	sdelay $0x3  }
0x96: {  	_ =	strace s2  }
0x97: {  	_ =	strace $0x8FFFFFFF  }
0x98: {  	s18 =	sld [smem:$0x3FDB];
	_ =	sdelay $0x1  }
0x99: {  	s19 =	simm.s32 $_scs_section_size  }
0x9a: {  	s4 =	simm.s32 $_size__tile_overlayer_lowered;
	s5 =	simm.s32 $_tile_overlayer_lowered  }
0x9b: {  	s22 =	simm.s32 $0x1BFF;
	s21 =	sshll.u32 s5, $0x1;
	s2 =	sadd.s32 s19, s18  }
0x9c: {  	s6 =	simm.s32 $0x0;
	s20 =	sshll.u32 s4, $0x1;
	s4 =	sadd.s32 s21, s2  }
0x9d: {  	[timem:s6], [sflag:s22] =	dma.local [hbm:s4], s20  }
0x9e: {  	_ =	swait.ge [sflag:s22], s20  }
0x9f: {  	s3 =	ssub.s32 $0x0, s20;
	[sflag:s22] =	ssyncset.done $0x0  }
0xa0: {  	[sflag:s22] =	ssyncadd.s32 s3;
	_ =	sdelay $0x1  }
0xa1: {  	s23 =	simm.s32 $0x1B8B  }
0xa2: {  	_ =	swait.ge [sflag:s23], $0x1  }
0xa3: {  	[sflag:s23] =	ssyncset.done $0x0  }
0xa4: {  	s25 =	simm.s32 $0x1B8E;
	s24 =	sld [smem:$0x3FFE];
	[sflag:s23] =	ssyncadd.s32 $0xFFFFFFFF  }
0xa5: {  	s26 =	simm.s32 $execute0_lowered;
	[smem:$0x3FD2] =	sst s25  }
0xa6: {  	s4 =	sshll.u32 s26, $0x1;
	_ =	strace $0x80000049;
	[dreg:$0x1] =	wrdreg $0xFFFFFFFF  }
0xa7: {  	s28 =	simm.s32 $_size_execute0_lowered;
	s2 =	sadd.s32 s2, s4;
	[dreg:$0x0] =	wrdreg $0x0  }
0xa8: {  	s4 =	sshll.u32 s28, $0x1;
	[dreg:$0x2] =	wrdreg s2  }
0xa9: {  	[dreg:$0x3] =	wrdreg s4  }
0xaa: {  	[dreg:$0x4] =	wrdreg $0xC0  }
0xab: {  	_ =	task [dreg:s6], $0x5FFFF  }
0xac: {  	[dreg:$0x1] =	wrdreg $0xFFFFFFFF  }
0xad: {  	[dreg:$0x0] =	wrdreg $0x60  }
0xae: {  	[dreg:$0x2] =	wrdreg s24  }
0xaf: {  	[dreg:$0x3] =	wrdreg $0xA8000  }
0xb0: {  	[dreg:$0x4] =	wrdreg $0x9  }
0xb1: {  	_ =	task.clear_ibuf [dreg:s6], $0x5FFFF;
	_ =	strace $0x90000049  }
0xb2: {  	s29 =	simm.s32 $0x9;
	_ =	strace $0x8000004B  }
0xb3: {  	_ =	swait.ge [sflag:s29], $0x1  }
0xb4: {  	[sflag:s29] =	ssyncadd.s32 $0xFFFFFFFF  }
0xb5: {  	_ =	strace $0x9000004B  }
0xb6: {  	_ =	sfence  }
0xb7: {  	s30 =	sld [smem:$0x0];
	_ =	sdelay $0x2  }
0xb8: {  	s31 =	sshll.u32 s1, $0xD;
	s1 =	sshrl.u32 s1, $0x2  }
0xb9: {  	s3 =	sand.u32 $0x4000, s31;
	s1 =	sadd.s32 s1, s30  }
0xba: {  	s0 =	sor.u32 s3, s0;
	s1 =	sshll.u32 s1, $0x11  }
0xbb: {  	s0 =	sor.u32 s1, s0  }
0xbc: {  	s0 =	sadd.s32 $0x8F2B, s0  }
0xbd: {  	[sflag:s0] =	ssyncadd.remote.s32 $0x1  }
0xbe: {  	_ =	sfence.sel $0xFFFF  }
0xbf: {  	[dreg:$0x0] =	wrdreg $0xFFFFFFFF;
	(pc) =	sbr.abs _section_cstart, $3  }
0xc0: {  	[dreg:$0x1] =	wrdreg $0xFFFFFFFF  }
0xc1: {  	_ =	task.clear_ibuf [dreg:s6], $0x2FFFF;
	_ =	strace $0x9FFFFFFF  }
0xc2: {  	(tm) =	ssettm $0x7FFFFFFF  }
0xc3: {  	_ =	shalt  }
tec
execute0_lowered:
.L_overlay_start_1:
0x0: {  	(tag) =	ssettag $0x1  }
0x1: {  	s14 =	rddreg [dreg:$0x0]  }
0x2: {  	s1 =	rddreg [dreg:$0x1]  }
0x3: {  	s3 =	simm.s32 $0x0;
	s2 =	stileid.u32;
	s4 =	srdreg.scid  }
0x4: {  	s20 =	simm.s32 $0x2;
	s21 =	simm.s32 $0x2800;
	s22 =	simm.s32 $0x1  }
0x5: {  	s23 =	simm.s32 $0x80;
	s26 =	simm.s32 $0x6800;
	s24 =	smul.u32 $0x2780, s2  }
0x6: {  	[smem:$0x7FF] =	sst s3;
	s10 =	sadd.s32 $0xC200, s14;
	s7 =	smul.u32 $0x4F000, s2  }
0x7: {  	s5 =	sand.u32 $0x1, s4;
	s11 =	sadd.s32 $0x7200, s14;
	s31 =	smul.u32 $0x2800, s2  }
0x8: {  	s4 =	sadd.s32 $0x11200, s14;
	s9 =	smul.u32 $0x500, s2;
	s16 =	sadd.s32 $0x128400, s1  }
0x9: {  	p1 =	seq.s32 s2, $0xF;
	s25 =	sadd.s32 $0x86C00, s14;
	_ =	strace $0x8000004A  }
0xa: {  	s6 =	ssub.s32 $0x2, s5;
	p0 =	seq.s32 s5, $0x1;
	s16 =	sshrl.u32 @p1 s16, $0x3  }
0xb: {  	s18 =	sshll.u32 @!p1 s2, $0x6;
	s12 =	sadd.s32 s24, s14;
	s8 =	sshrl.u32 s6, $0x1  }
0xc: {  	s30 =	sshrl.u32 s7, $0x2;
	s13 =	sshrl.u32 s31, $0x3;
	s7 =	sadd.s32 $0x36280, s14  }
0xd: {  	s18 =	sor.u32 @!p1 $0x1C02, s18;
	s15 =	ssub.s32 s6, s8;
	s5 =	sadd.s32 s30, s1  }
.Ltmp0:
0xe: {  	s6 =	sadd.s32 s4, s24;
	s8 =	sadd.s32 s10, s9;
	(pc) =	sbr.rel .LBB2_1-.Ltmp0, $4  }
0xf: {  	s13 =	sadd.s32 $0x280, s13;
	s9 =	sadd.s32 s11, s9;
	s12 =	sadd.s32 $0x5F400, s12  }
0x10: {  	s10 =	sadd.s32 s10, s13;
	s11 =	sadd.s32 s11, s13;
	s13 =	sadd.s32 $0x38300, s14  }
0x11: {  	s14 =	smax.u32 s15, $0x1;
	s19 =	sshrl.u32 @!p1 s5, $0x3;
	s15 =	sadd.s32 @p1 $0x25080, s13  }
0x12: {  	s17 =	sadd.s32 @!p1 s24, s13;
	s24 =	sadd.s32 s24, s25;
	s25 =	simm.s32 $0x2780  }
.LBB2_11:
0x13: {  	[sflag:s20] =	ssyncadd.s32 $0xFFFFC000  }
0x14: {  	_ =	swait.ge [sflag:s22], $0x4000  }
0x15: {  	[sflag:s22] =	ssyncset.done $0x0  }
0x16: {  	[sflag:s22] =	ssyncadd.s32 $0xFFFFC000  }
0x17: {  	[spmem:s1] =	stream.indirect.scatter.add.f32 [tilespmem:s26], [sflag:$0x2], $0x80, s25, s23, $0xb8;
	[tilespmem:$0x1E400] =	vst v63  }
0x18: {  	_ =	swait.ge [sflag:s20], $0x4000  }
0x19: {  	[sflag:s20] =	ssyncset.done $0x0  }
0x1a: {  	[sflag:s20] =	ssyncadd.s32 $0xFFFFC000  }
0x1b: {  	s28 =	smov.u32 s24;
	[bflag:$0x0] =	sbarrier.arrive $0xFFFF  }
.LBB2_12:
0x1c: {  	s3 =	sadd.s32 $0x1, s3  }
0x1d: {  	s0 =	sshll.u32 s2, $0x6;
	p2 =	sne.s32 s3, s14  }
.Ltmp1:
0x1e: {  	s29 =	sshrl.u32 s5, $0x3;
	s0 =	sor.u32 $0x1C02, s0;
	(pc) =	sbr.rel @!p2 .LBB2_13-.Ltmp1, $4  }
0x1f: {  	[hbm:s28], [sflag:s0] =	dma.local [spmem:s29], $0x2780  }
0x20: {  	_ =	swait.ge [sflag:s20], $0x2780  }
0x21: {  	[sflag:s20] =	ssyncset.done $0x0  }
0x22: {  	[sflag:s20] =	ssyncadd.s32 $0xFFFFD880  }
.LBB2_1:
.Ltmp2:
0x23: {  	(pc) =	sbr.rel @!p0 .LBB2_2-.Ltmp2, $1  }
0x24: {  	_ =	sdelay $0x3  }
0x25: {  	s0 =	simm.s32 @p1 $0x1FC2  }
0x26: {  	[spmem:s16], [sflag:s0] =	dma.local @p1 [hbm:s15], $0x2080  }
0x27: {  	s0 =	simm.s32 @p1 $0x2  }
0x28: {  	_ =	swait.ge @p1 [sflag:s0], $0x2080  }
0x29: {  	[sflag:s0] =	ssyncset.done @p1 $0x0  }
0x2a: {  	[sflag:s0] =	ssyncadd.s32 @p1 $0xFFFFDF80;
	s0 =	simm.s32 @!p1 $0x2  }
0x2b: {  	[spmem:s19], [sflag:s18] =	dma.local @!p1 [hbm:s17], $0x2780  }
0x2c: {  	_ =	swait.ge @!p1 [sflag:s0], $0x2780  }
0x2d: {  	[sflag:s0] =	ssyncset.done @!p1 $0x0  }
0x2e: {  	[sflag:s0] =	ssyncadd.s32 @!p1 $0xFFFFD880  }
0x2f: {  	s31 =	simm.s32 $0x0;
	[bflag:$0x0] =	sbarrier.arrive $0xFFFF  }
0x30: {  	[tilespmem:s31], [sflag:$0x2] =	stream.linear.gather [hbm4b:s8+s31], $0x1400, $0x38;
	[tilespmem:$0x1E400] =	vst v63  }
0x31: {  	_ =	swait.ge [sflag:s20], $0x1400  }
0x32: {  	[sflag:s20] =	ssyncset.done $0x0  }
0x33: {  	s28 =	simm.s32 $0x1400;
	[sflag:s20] =	ssyncadd.s32 $0xFFFFEC00  }
0x34: {  	[tilespmem:s28], [sflag:$0x2] =	stream.linear.gather [hbm4b:s9+s31], $0x1400, $0x38;
	[tilespmem:$0x1E400] =	vst v63  }
0x35: {  	_ =	swait.ge [sflag:s20], $0x1400  }
0x36: {  	[sflag:s20] =	ssyncset.done $0x0  }
0x37: {  	s29 =	simm.s32 $0x80;
	[sflag:s20] =	ssyncadd.s32 $0xFFFFEC00  }
0x38: {  	[tilespmem:s21], [sflag:$0x1] =	stream.indirect.gather [hbm4b:s13+s29], $0x80, s31, s29, $0xb8;
	[tilespmem:$0x1E400] =	vst v63  }
0x39: {  	s31 =	simm.s32 $0x0;
	_ =	swait.ge [sflag:s22], $0x4000  }
0x3a: {  	s0 =	sand.u32 $0x4000, s31;
	[sflag:s22] =	ssyncset.done $0x0  }
0x3b: {  	s30 =	sxor.u32 $0x6800, s0;
	[sflag:s22] =	ssyncadd.s32 $0xFFFFC000  }
0x3c: {  	[tilespmem:s30], [sflag:$0x1] =	stream.indirect.gather [hbm4b:s13+s23], $0x80, s29, s23, $0xb8;
	[tilespmem:$0x1E400] =	vst v63  }
0x3d: {  	s0 =	sor.u32 $0x2800, s0  }
0x3e: {  	[spmem:s1] =	stream.indirect.scatter.add.f32 [tilespmem:s0], [sflag:$0x2], $0x80, s28, s23, $0xb8;
	[tilespmem:$0x1E400] =	vst v63  }
0x3f: {  	_ =	swait.ge [sflag:s20], $0x4000  }
0x40: {  	s30 =	simm.s32 $0x1;
	[sflag:s20] =	ssyncset.done $0x0  }
.LBB2_8:
0x41: {  	[sflag:s20] =	ssyncadd.s32 $0xFFFFC000;
	s28 =	sadd.s32 $0x80, s28;
	s29 =	sadd.s32 $0x80, s29  }
0x42: {  	p2 =	sne.s32 s30, $0x26;
	s0 =	smov.u32 s30;
	s30 =	sadd.s32 $0x1, s30  }
0x43: {  	s0 =	sshll.u32 s0, $0xE;
	_ =	swait.ge [sflag:s22], $0x4000  }
0x44: {  	s0 =	sand.u32 $0x4000, s0;
	[sflag:s22] =	ssyncset.done $0x0  }
0x45: {  	s31 =	sxor.u32 $0x6800, s0;
	[sflag:s22] =	ssyncadd.s32 $0xFFFFC000  }
0x46: {  	[tilespmem:s31], [sflag:$0x1] =	stream.indirect.gather [hbm4b:s13+s23], $0x80, s29, s23, $0xb8;
	[tilespmem:$0x1E400] =	vst v63  }
.Ltmp3:
0x47: {  	_ = 	snop;
	(pc) =	sbr.rel @p2 .LBB2_8-.Ltmp3, $4  }
0x48: {  	s0 =	sor.u32 $0x2800, s0  }
0x49: {  	[spmem:s1] =	stream.indirect.scatter.add.f32 [tilespmem:s0], [sflag:$0x2], $0x80, s28, s23, $0xb8;
	[tilespmem:$0x1E400] =	vst v63  }
0x4a: {  	_ =	swait.ge [sflag:s20], $0x4000  }
0x4b: {  	[sflag:s20] =	ssyncset.done $0x0  }
0x4c: {  	[sflag:s20] =	ssyncadd.s32 $0xFFFFC000  }
0x4d: {  	_ =	swait.ge [sflag:s22], $0x4000  }
0x4e: {  	[sflag:s22] =	ssyncset.done $0x0  }
0x4f: {  	s28 =	simm.s32 $0x80;
	[sflag:s22] =	ssyncadd.s32 $0xFFFFC000  }
0x50: {  	[spmem:s1] =	stream.indirect.scatter.add.f32 [tilespmem:s26], [sflag:$0x2], $0x80, s25, s28, $0xb8;
	[tilespmem:$0x1E400] =	vst v63  }
0x51: {  	_ =	swait.ge [sflag:s20], $0x4000  }
0x52: {  	[sflag:s20] =	ssyncset.done $0x0  }
0x53: {  	s0 =	simm.s32 $0x0;
	[sflag:s20] =	ssyncadd.s32 $0xFFFFC000  }
0x54: {  	[tilespmem:s0], [sflag:$0x2] =	stream.linear.gather [hbm4b:s10+s0], $0x1400, $0x38;
	[tilespmem:$0x1E400] =	vst v63  }
0x55: {  	_ =	swait.ge [sflag:s20], $0x1400  }
0x56: {  	[sflag:s20] =	ssyncset.done $0x0  }
0x57: {  	s29 =	simm.s32 $0x1400;
	[sflag:s20] =	ssyncadd.s32 $0xFFFFEC00  }
0x58: {  	[tilespmem:s29], [sflag:$0x2] =	stream.linear.gather [hbm4b:s11+s0], $0x1400, $0x38;
	[tilespmem:$0x1E400] =	vst v63  }
0x59: {  	_ =	swait.ge [sflag:s20], $0x1400  }
0x5a: {  	[sflag:s20] =	ssyncset.done $0x0  }
0x5b: {  	[sflag:s20] =	ssyncadd.s32 $0xFFFFEC00  }
0x5c: {  	[tilespmem:s21], [sflag:$0x1] =	stream.indirect.gather [hbm4b:s13+s28], $0x80, s0, s28, $0xb8;
	[tilespmem:$0x1E400] =	vst v63  }
0x5d: {  	s31 =	simm.s32 $0x0;
	_ =	swait.ge [sflag:s22], $0x4000  }
0x5e: {  	s0 =	sand.u32 $0x4000, s31;
	[sflag:s22] =	ssyncset.done $0x0  }
0x5f: {  	s30 =	sxor.u32 $0x6800, s0;
	[sflag:s22] =	ssyncadd.s32 $0xFFFFC000  }
0x60: {  	[tilespmem:s30], [sflag:$0x1] =	stream.indirect.gather [hbm4b:s13+s23], $0x80, s28, s23, $0xb8;
	[tilespmem:$0x1E400] =	vst v63  }
0x61: {  	s0 =	sor.u32 $0x2800, s0  }
0x62: {  	[spmem:s1] =	stream.indirect.scatter.add.f32 [tilespmem:s0], [sflag:$0x2], $0x80, s29, s23, $0xb8;
	[tilespmem:$0x1E400] =	vst v63  }
0x63: {  	_ =	swait.ge [sflag:s20], $0x4000  }
0x64: {  	s30 =	simm.s32 $0x1;
	[sflag:s20] =	ssyncset.done $0x0  }
.LBB2_10:
0x65: {  	[sflag:s20] =	ssyncadd.s32 $0xFFFFC000;
	s29 =	sadd.s32 $0x80, s29;
	s28 =	sadd.s32 $0x80, s28  }
0x66: {  	p2 =	sne.s32 s30, $0x26;
	s0 =	smov.u32 s30;
	s30 =	sadd.s32 $0x1, s30  }
0x67: {  	s0 =	sshll.u32 s0, $0xE;
	_ =	swait.ge [sflag:s22], $0x4000  }
0x68: {  	s0 =	sand.u32 $0x4000, s0;
	[sflag:s22] =	ssyncset.done $0x0  }
0x69: {  	s31 =	sxor.u32 $0x6800, s0;
	[sflag:s22] =	ssyncadd.s32 $0xFFFFC000  }
0x6a: {  	[tilespmem:s31], [sflag:$0x1] =	stream.indirect.gather [hbm4b:s13+s23], $0x80, s28, s23, $0xb8;
	[tilespmem:$0x1E400] =	vst v63  }
.Ltmp4:
0x6b: {  	_ = 	snop;
	(pc) =	sbr.rel @p2 .LBB2_10-.Ltmp4, $4  }
0x6c: {  	s0 =	sor.u32 $0x2800, s0  }
0x6d: {  	[spmem:s1] =	stream.indirect.scatter.add.f32 [tilespmem:s0], [sflag:$0x2], $0x80, s29, s23, $0xb8;
	[tilespmem:$0x1E400] =	vst v63  }
0x6e: {  	_ =	swait.ge [sflag:s20], $0x4000  }
0x6f: {  	[sflag:s20] =	ssyncset.done $0x0  }
.Ltmp5:
0x70: {  	_ = 	snop;
	(pc) =	sbr.rel .LBB2_11-.Ltmp5, $1  }
0x71: {  	_ =	sdelay $0x3  }
.LBB2_2:
0x72: {  	s28 =	simm.s32 @p1 $0x1FC2  }
0x73: {  	[spmem:s16], [sflag:s28] =	dma.local @p1 [hbm:s7], $0x2080  }
0x74: {  	s28 =	simm.s32 @p1 $0x2  }
0x75: {  	_ =	swait.ge @p1 [sflag:s28], $0x2080  }
0x76: {  	[sflag:s28] =	ssyncset.done @p1 $0x0  }
0x77: {  	[sflag:s28] =	ssyncadd.s32 @p1 $0xFFFFDF80;
	s28 =	simm.s32 @!p1 $0x2  }
0x78: {  	[spmem:s19], [sflag:s18] =	dma.local @!p1 [hbm:s6], $0x2780  }
0x79: {  	_ =	swait.ge @!p1 [sflag:s28], $0x2780  }
0x7a: {  	[sflag:s28] =	ssyncset.done @!p1 $0x0  }
0x7b: {  	[sflag:s28] =	ssyncadd.s32 @!p1 $0xFFFFD880  }
0x7c: {  	s30 =	simm.s32 $0x0;
	[bflag:$0x0] =	sbarrier.arrive $0xFFFF  }
0x7d: {  	[tilespmem:s30], [sflag:$0x2] =	stream.linear.gather [hbm4b:s8+s30], $0x1400, $0x38;
	[tilespmem:$0x1E400] =	vst v63  }
0x7e: {  	_ =	swait.ge [sflag:s20], $0x1400  }
0x7f: {  	[sflag:s20] =	ssyncset.done $0x0  }
0x80: {  	s28 =	simm.s32 $0x1400;
	[sflag:s20] =	ssyncadd.s32 $0xFFFFEC00  }
0x81: {  	[tilespmem:s28], [sflag:$0x2] =	stream.linear.gather [hbm4b:s9+s30], $0x1400, $0x38;
	[tilespmem:$0x1E400] =	vst v63  }
0x82: {  	_ =	swait.ge [sflag:s20], $0x1400  }
0x83: {  	[sflag:s20] =	ssyncset.done $0x0  }
0x84: {  	s29 =	simm.s32 $0x80;
	[sflag:s20] =	ssyncadd.s32 $0xFFFFEC00  }
0x85: {  	[tilespmem:s21], [sflag:$0x1] =	stream.indirect.gather [hbm4b:s4+s29], $0x80, s30, s29, $0xb8;
	[tilespmem:$0x1E400] =	vst v63  }
0x86: {  	s30 =	simm.s32 $0x0;
	_ =	swait.ge [sflag:s22], $0x4000  }
0x87: {  	s30 =	sand.u32 $0x4000, s30;
	[sflag:s22] =	ssyncset.done $0x0  }
0x88: {  	s31 =	sxor.u32 $0x6800, s30;
	[sflag:s22] =	ssyncadd.s32 $0xFFFFC000  }
0x89: {  	[tilespmem:s31], [sflag:$0x1] =	stream.indirect.gather [hbm4b:s4+s23], $0x80, s29, s23, $0xb8;
	[tilespmem:$0x1E400] =	vst v63  }
0x8a: {  	s30 =	sor.u32 $0x2800, s30  }
0x8b: {  	[spmem:s1] =	stream.indirect.scatter.add.f32 [tilespmem:s30], [sflag:$0x2], $0x80, s28, s23, $0xb8;
	[tilespmem:$0x1E400] =	vst v63  }
0x8c: {  	_ =	swait.ge [sflag:s20], $0x4000  }
0x8d: {  	s30 =	simm.s32 $0x1;
	[sflag:s20] =	ssyncset.done $0x0  }
.LBB2_3:
0x8e: {  	[sflag:s20] =	ssyncadd.s32 $0xFFFFC000;
	s28 =	sadd.s32 $0x80, s28;
	s29 =	sadd.s32 $0x80, s29  }
0x8f: {  	p2 =	sne.s32 s30, $0x26;
	s31 =	smov.u32 s30;
	s30 =	sadd.s32 $0x1, s30  }
0x90: {  	s31 =	sshll.u32 s31, $0xE;
	_ =	swait.ge [sflag:s22], $0x4000  }
0x91: {  	s31 =	sand.u32 $0x4000, s31;
	[sflag:s22] =	ssyncset.done $0x0  }
0x92: {  	s0 =	sxor.u32 $0x6800, s31;
	[sflag:s22] =	ssyncadd.s32 $0xFFFFC000  }
0x93: {  	[tilespmem:s0], [sflag:$0x1] =	stream.indirect.gather [hbm4b:s4+s23], $0x80, s29, s23, $0xb8;
	[tilespmem:$0x1E400] =	vst v63  }
.Ltmp6:
0x94: {  	_ = 	snop;
	(pc) =	sbr.rel @p2 .LBB2_3-.Ltmp6, $4  }
0x95: {  	s0 =	sor.u32 $0x2800, s31  }
0x96: {  	[spmem:s1] =	stream.indirect.scatter.add.f32 [tilespmem:s0], [sflag:$0x2], $0x80, s28, s23, $0xb8;
	[tilespmem:$0x1E400] =	vst v63  }
0x97: {  	_ =	swait.ge [sflag:s20], $0x4000  }
0x98: {  	[sflag:s20] =	ssyncset.done $0x0  }
0x99: {  	[sflag:s20] =	ssyncadd.s32 $0xFFFFC000  }
0x9a: {  	_ =	swait.ge [sflag:s22], $0x4000  }
0x9b: {  	[sflag:s22] =	ssyncset.done $0x0  }
0x9c: {  	s28 =	simm.s32 $0x80;
	[sflag:s22] =	ssyncadd.s32 $0xFFFFC000  }
0x9d: {  	[spmem:s1] =	stream.indirect.scatter.add.f32 [tilespmem:s26], [sflag:$0x2], $0x80, s25, s28, $0xb8;
	[tilespmem:$0x1E400] =	vst v63  }
0x9e: {  	_ =	swait.ge [sflag:s20], $0x4000  }
0x9f: {  	[sflag:s20] =	ssyncset.done $0x0  }
0xa0: {  	s0 =	simm.s32 $0x0;
	[sflag:s20] =	ssyncadd.s32 $0xFFFFC000  }
0xa1: {  	[tilespmem:s0], [sflag:$0x2] =	stream.linear.gather [hbm4b:s10+s0], $0x1400, $0x38;
	[tilespmem:$0x1E400] =	vst v63  }
0xa2: {  	_ =	swait.ge [sflag:s20], $0x1400  }
0xa3: {  	[sflag:s20] =	ssyncset.done $0x0  }
0xa4: {  	s29 =	simm.s32 $0x1400;
	[sflag:s20] =	ssyncadd.s32 $0xFFFFEC00  }
0xa5: {  	[tilespmem:s29], [sflag:$0x2] =	stream.linear.gather [hbm4b:s11+s0], $0x1400, $0x38;
	[tilespmem:$0x1E400] =	vst v63  }
0xa6: {  	_ =	swait.ge [sflag:s20], $0x1400  }
0xa7: {  	[sflag:s20] =	ssyncset.done $0x0  }
0xa8: {  	[sflag:s20] =	ssyncadd.s32 $0xFFFFEC00  }
0xa9: {  	[tilespmem:s21], [sflag:$0x1] =	stream.indirect.gather [hbm4b:s4+s28], $0x80, s0, s28, $0xb8;
	[tilespmem:$0x1E400] =	vst v63  }
0xaa: {  	s31 =	simm.s32 $0x0;
	_ =	swait.ge [sflag:s22], $0x4000  }
0xab: {  	s0 =	sand.u32 $0x4000, s31;
	[sflag:s22] =	ssyncset.done $0x0  }
0xac: {  	s30 =	sxor.u32 $0x6800, s0;
	[sflag:s22] =	ssyncadd.s32 $0xFFFFC000  }
0xad: {  	[tilespmem:s30], [sflag:$0x1] =	stream.indirect.gather [hbm4b:s4+s23], $0x80, s28, s23, $0xb8;
	[tilespmem:$0x1E400] =	vst v63  }
0xae: {  	s0 =	sor.u32 $0x2800, s0  }
0xaf: {  	[spmem:s1] =	stream.indirect.scatter.add.f32 [tilespmem:s0], [sflag:$0x2], $0x80, s29, s23, $0xb8;
	[tilespmem:$0x1E400] =	vst v63  }
0xb0: {  	_ =	swait.ge [sflag:s20], $0x4000  }
0xb1: {  	s30 =	simm.s32 $0x1;
	[sflag:s20] =	ssyncset.done $0x0  }
.LBB2_5:
0xb2: {  	[sflag:s20] =	ssyncadd.s32 $0xFFFFC000;
	s29 =	sadd.s32 $0x80, s29;
	s28 =	sadd.s32 $0x80, s28  }
0xb3: {  	p2 =	sne.s32 s30, $0x26;
	s0 =	smov.u32 s30;
	s30 =	sadd.s32 $0x1, s30  }
0xb4: {  	s0 =	sshll.u32 s0, $0xE;
	_ =	swait.ge [sflag:s22], $0x4000  }
0xb5: {  	s0 =	sand.u32 $0x4000, s0;
	[sflag:s22] =	ssyncset.done $0x0  }
0xb6: {  	s31 =	sxor.u32 $0x6800, s0;
	[sflag:s22] =	ssyncadd.s32 $0xFFFFC000  }
0xb7: {  	[tilespmem:s31], [sflag:$0x1] =	stream.indirect.gather [hbm4b:s4+s23], $0x80, s28, s23, $0xb8;
	[tilespmem:$0x1E400] =	vst v63  }
.Ltmp7:
0xb8: {  	_ = 	snop;
	(pc) =	sbr.rel @p2 .LBB2_5-.Ltmp7, $4  }
0xb9: {  	s0 =	sor.u32 $0x2800, s0  }
0xba: {  	[spmem:s1] =	stream.indirect.scatter.add.f32 [tilespmem:s0], [sflag:$0x2], $0x80, s29, s23, $0xb8;
	[tilespmem:$0x1E400] =	vst v63  }
0xbb: {  	_ =	swait.ge [sflag:s20], $0x4000  }
0xbc: {  	[sflag:s20] =	ssyncset.done $0x0  }
0xbd: {  	[sflag:s20] =	ssyncadd.s32 $0xFFFFC000  }
0xbe: {  	_ =	swait.ge [sflag:s22], $0x4000  }
0xbf: {  	[sflag:s22] =	ssyncset.done $0x0  }
0xc0: {  	[sflag:s22] =	ssyncadd.s32 $0xFFFFC000  }
0xc1: {  	[spmem:s1] =	stream.indirect.scatter.add.f32 [tilespmem:s26], [sflag:$0x2], $0x80, s25, s23, $0xb8;
	[tilespmem:$0x1E400] =	vst v63  }
.Ltmp8:
0xc2: {  	_ =	swait.ge [sflag:s20], $0x4000;
	(pc) =	sbr.rel .LBB2_12-.Ltmp8, $4  }
0xc3: {  	[sflag:s20] =	ssyncset.done $0x0  }
0xc4: {  	[sflag:s20] =	ssyncadd.s32 $0xFFFFC000  }
0xc5: {  	[bflag:$0x0] =	sbarrier.arrive $0xFFFF  }
0xc6: {  	s28 =	smov.u32 s12  }
.LBB2_13:
0xc7: {  	_ =	sfence.sel $0x180000  }
0xc8: {  	[bflag:$0x0] =	sbarrier.arrive $0xFFFF  }
0xc9: {  	_ =	strace $0x9000004A  }
0xca: {  	[bflag:$0x2] =	sbarrier.arrive $0xFFFF  }
0xcb: {  	p0 =	sne.s32 s2, $0x0;
	s0 =	rddreg [dreg:$0x2]  }
0xcc: {  	s0 =	sadd.s32 @!p0 $0x100000, s0  }
0xcd: {  	[sflag:s0] =	ssyncadd.tile.s32 @!p0 $0x1;
	_ =	shalt  }
.Lfunc_end2:
_tile_overlayer_lowered:
.L_overlay_start_2:
0xce: {  	(tag) =	ssettag $0x2  }
0xcf: {  	s0 =	rddreg [dreg:$0x0];
	s2 =	stileid.u32  }
0xd0: {  	s1 =	rddreg [dreg:$0x1];
	p0 =	sne.s32 s2, $0x0  }
0xd1: {  	s3 =	rddreg [dreg:$0x2];
	[bflag:$0x3] =	sbarrier.arrive $0xFFFF;
	s2 =	simm.s32 @!p0 $0x1C02  }
0xd2: {  	[timem:s3], [sflag:s2] =	dma.local @!p0 [hbm:s0], s1  }
0xd3: {  	s0 =	simm.s32 @!p0 $0x2  }
0xd4: {  	_ =	swait.ge @!p0 [sflag:s0], s1  }
0xd5: {  	s1 =	ssub.s32 @!p0 $0x0, s1;
	[sflag:s0] =	ssyncset.done @!p0 $0x0  }
0xd6: {  	[sflag:s0] =	ssyncadd.s32 @!p0 s1  }
0xd7: {  	[bflag:$0x3] =	sbarrier.arrive $0xFFFF  }
0xd8: {  	_ =	shalt  }

// kernel: kernel.14.cloned.1.call-start
scs
__scs_entry_jumppad:
0x0: {  	(pc) =	sbr.rel $0x88, $3  }
0x1: {  	(tag) =	ssettag $0x0;
	lr =	simm.s32 $0x1  }
0x2: {  	[smem:$0x3F99] =	sst lr;
	_ =	strace $0xD0000000  }
0x3: {  	_ = 	snop  }
0x4: {  	_ = 	snop  }
0x5: {  	_ = 	snop  }
0x6: {  	_ = 	snop  }
0x7: {  	_ = 	snop  }
__scs_overlays_trampoline_lowered:
0x8: {  	[smem:$0x3FA8] =	sst s0  }
0x9: {  	[smem:$0x3FA9] =	sst s1  }
0xa: {  	[smem:$0x3FAA] =	sst s2  }
0xb: {  	[smem:$0x3FAB] =	sst s3  }
0xc: {  	[smem:$0x3FAC] =	sst s4  }
0xd: {  	[smem:$0x3FAD] =	sst s5  }
0xe: {  	[smem:$0x3FAE] =	sst s6  }
0xf: {  	[smem:$0x3FAF] =	sst s7  }
0x10: {  	[smem:$0x3FB0] =	sst s8  }
0x11: {  	[smem:$0x3FB1] =	sst s9;
	s0 =	simm.s32 @!p0 $0x0  }
0x12: {  	s1 =	sld [smem:$0x3F97];
	s0 =	simm.s32 @p0 $0x1  }
0x13: {  	[smem:$0x3FB2] =	sst s0;
	s0 =	simm.s32 @!p1 $0x0  }
0x14: {  	s2 =	sld [smem:$0x3F96];
	s0 =	simm.s32 @p1 $0x1  }
0x15: {  	[smem:$0x3FB3] =	sst s0;
	s0 =	simm.s32 @!p2 $0x0  }
0x16: {  	s3 =	sld [smem:$0x3FDB];
	s0 =	simm.s32 @p2 $0x1  }
0x17: {  	s4 =	simm.s32 $0x1BF5;
	[smem:$0x3FB5] =	sst s0  }
0x18: {  	s0 =	sld [smem:$0x3F98];
	_ =	swait.ge [sflag:s4], $0x0  }
0x19: {  	s7 =	sld [smem:$0x3F99]  }
0x1a: {  	s8 =	sadd.s32 $0xFFFFE003, lr  }
0x1b: {  	s9 =	sadd.s32 $0xFFFFFEF7, lr;
	s5 =	simm.s32 $0xFFFFFFFF;
	p2 =	slt.u32 s8, $0xFFFFF086  }
0x1c: {  	p1 =	slt.u32 s9, $0xF7A;
	s5 =	simm.s32 @!p2 $0x0  }
0x1d: {  	s5 =	simm.s32 @p1 $0x1;
	p0 =	seq.s32 s7, s2  }
0x1e: {  	s7 =	smul.u32 @!p0 $0xF7A, s2;
	p2 =	seq.s32 @!p0 s5, $0x0  }
0x1f: {  	s9 =	smul.u32 $0xF7A, s1;
	s8 =	simm.s32 @!p0 $0x1BF5;
	p2 =	por !p2, p0  }
0x20: {  	[sflag:s8] =	ssyncset.s32 @!p0 $0xFFFFF086;
	s6 =	sadd.s32 @!p0 s3, s7;
	s7 =	simm.s32 @!p0 $0x108  }
0x21: {  	s3 =	sadd.s32 s3, s9;
	s6 =	sadd.s32 @!p0 $0x88, s6;
	s7 =	simm.s32 @p2 $0x1082  }
0x22: {  	[simem:s7], [sflag:s8] =	dma.local @!p0 [hbm:s6], $0xF7A  }
0x23: {  	s9 =	sor.u32 $0xD0000000, s2;
	s6 =	simm.s32 $0x108;
	_ =	swait.ge @!p0 [sflag:s8], $0x0  }
0x24: {  	s3 =	sadd.s32 $0x88, s3;
	s6 =	simm.s32 @!p1 $0x1082;
	[sflag:s4] =	ssyncset.s32 $0xFFFFF086  }
0x25: {  	[simem:s6], [sflag:s4] =	dma.local [hbm:s3], $0xF7A  }
0x26: {  	[smem:$0x3F99] =	sst s1;
	(tag) =	ssettag s2;
	_ =	strace s9  }
0x27: {  	s1 =	sld [smem:$0x3FA9]  }
0x28: {  	s2 =	sld [smem:$0x3FAA]  }
0x29: {  	s4 =	sld [smem:$0x3FAC]  }
0x2a: {  	p0 =	seq.s32 s5, $0x0;
	s5 =	sld [smem:$0x3FAD]  }
0x2b: {  	s6 =	sld [smem:$0x3FAE]  }
0x2c: {  	s7 =	sld [smem:$0x3FAF]  }
0x2d: {  	s3 =	simm.s32 $0x108;
	s8 =	sld [smem:$0x3FB0]  }
0x2e: {  	s3 =	simm.s32 @!p0 $0x1082;
	s9 =	sld [smem:$0x3FB1]  }
0x2f: {  	lr =	sadd.s32 s0, s3;
	s0 =	sld [smem:$0x3FA8]  }
0x30: {  	s3 =	sld [smem:$0x3FAB]  }
0x31: {  	[smem:$0x3FB4] =	sst s10  }
0x32: {  	s10 =	sld [smem:$0x3FB2];
	_ =	sdelay $0x3  }
0x33: {  	p0 =	seq.s32 s10, $0x1;
	s10 =	sld [smem:$0x3FB4];
	_ =	sdelay $0x3  }
0x34: {  	[smem:$0x3FB4] =	sst s10  }
0x35: {  	s10 =	sld [smem:$0x3FB3];
	_ =	sdelay $0x3  }
0x36: {  	p1 =	seq.s32 s10, $0x1;
	s10 =	sld [smem:$0x3FB4];
	_ =	sdelay $0x3  }
0x37: {  	[smem:$0x3FB4] =	sst s10  }
0x38: {  	s10 =	sld [smem:$0x3FB5]  }
0x39: {  	_ = 	snop;
	(pc) =	sbr.ind lr, $3  }
0x3a: {  	_ = 	snop  }
0x3b: {  	_ = 	snop  }
0x3c: {  	p2 =	seq.s32 s10, $0x1;
	s10 =	sld [smem:$0x3FB4]  }
0x3d: {  	_ =	shalt  }
0x3e: {  	_ =	shalt  }
0x3f: {  	_ =	shalt  }
0x40: {  	_ =	shalt  }
0x41: {  	_ =	shalt  }
0x42: {  	_ =	shalt  }
0x43: {  	_ =	shalt  }
0x44: {  	_ =	shalt  }
0x45: {  	_ =	shalt  }
0x46: {  	_ =	shalt  }
0x47: {  	_ =	shalt  }
0x48: {  	_ =	shalt  }
0x49: {  	_ =	shalt  }
0x4a: {  	_ =	shalt  }
0x4b: {  	_ =	shalt  }
0x4c: {  	_ =	shalt  }
0x4d: {  	_ =	shalt  }
0x4e: {  	_ =	shalt  }
0x4f: {  	_ =	shalt  }
0x50: {  	_ =	shalt  }
0x51: {  	_ =	shalt  }
0x52: {  	_ =	shalt  }
0x53: {  	_ =	shalt  }
0x54: {  	_ =	shalt  }
0x55: {  	_ =	shalt  }
0x56: {  	_ =	shalt  }
0x57: {  	_ =	shalt  }
0x58: {  	_ =	shalt  }
0x59: {  	_ =	shalt  }
0x5a: {  	_ =	shalt  }
0x5b: {  	_ =	shalt  }
0x5c: {  	_ =	shalt  }
0x5d: {  	_ =	shalt  }
0x5e: {  	_ =	shalt  }
0x5f: {  	_ =	shalt  }
0x60: {  	_ =	shalt  }
0x61: {  	_ =	shalt  }
0x62: {  	_ =	shalt  }
0x63: {  	_ =	shalt  }
0x64: {  	_ =	shalt  }
0x65: {  	_ =	shalt  }
0x66: {  	_ =	shalt  }
0x67: {  	_ =	shalt  }
0x68: {  	_ =	shalt  }
0x69: {  	_ =	shalt  }
0x6a: {  	_ =	shalt  }
0x6b: {  	_ =	shalt  }
0x6c: {  	_ =	shalt  }
0x6d: {  	_ =	shalt  }
0x6e: {  	_ =	shalt  }
0x6f: {  	_ =	shalt  }
0x70: {  	_ =	shalt  }
0x71: {  	_ =	shalt  }
0x72: {  	_ =	shalt  }
0x73: {  	_ =	shalt  }
0x74: {  	_ =	shalt  }
0x75: {  	_ =	shalt  }
0x76: {  	_ =	shalt  }
0x77: {  	_ =	shalt  }
0x78: {  	_ =	shalt  }
0x79: {  	_ =	shalt  }
0x7a: {  	_ =	shalt  }
0x7b: {  	_ =	shalt  }
0x7c: {  	_ =	shalt  }
0x7d: {  	_ =	shalt  }
0x7e: {  	_ =	shalt  }
0x7f: {  	_ =	shalt  }
0x80: {  	_ =	shalt  }
0x81: {  	_ =	shalt  }
0x82: {  	_ =	shalt  }
0x83: {  	_ =	shalt  }
0x84: {  	_ =	shalt  }
0x85: {  	_ =	shalt  }
0x86: {  	_ =	shalt  }
0x87: {  	_ =	shalt  }
.Lfunc_end0:
.L_simem_size_0:
called_computation.2_lowered:
.L_overlay_start_0:
0x88: {  	s2 =	sld [smem:$0x3FD9]  }
0x89: {  	s3 =	sld [smem:$0x3FFE];
	_ =	sdelay $0x1  }
0x8a: {  	s1 =	srdreg.scid  }
0x8b: {  	s0 =	sand.u32 $0x1, s1  }
0x8c: {  	s16 =	sshll.u32 s0, $0xA;
	s2 =	sadd.s32 s3, s2  }
0x8d: {  	s2 =	sadd.s32 s2, s16  }
0x8e: {  	[smem:$0x3FC0] =	sst s2  }
0x8f: {  	_ = 	snop  }
0x90: {  	(tm) =	ssettm $0x1  }
0x91: {  	s17 =	sld [smem:$0x3FFB];
	_ =	sdelay $0x3  }
0x92: {  	_ =	strace s17  }
0x93: {  	s2 =	sld [smem:$0x3FFC];
	_ =	sdelay $0x3  }
0x94: {  	_ =	strace s2  }
0x95: {  	s2 =	sld [smem:$0x3FFD];
	_ =	sdelay $0x3  }
0x96: {  	_ =	strace s2  }
0x97: {  	_ =	strace $0x8FFFFFFF  }
0x98: {  	s18 =	sld [smem:$0x3FDB];
	_ =	sdelay $0x1  }
0x99: {  	s19 =	simm.s32 $_scs_section_size  }
0x9a: {  	s4 =	simm.s32 $_size__tile_overlayer_lowered;
	s5 =	simm.s32 $_tile_overlayer_lowered  }
0x9b: {  	s22 =	simm.s32 $0x1BFF;
	s21 =	sshll.u32 s5, $0x1;
	s2 =	sadd.s32 s19, s18  }
0x9c: {  	s6 =	simm.s32 $0x0;
	s20 =	sshll.u32 s4, $0x1;
	s4 =	sadd.s32 s21, s2  }
0x9d: {  	[timem:s6], [sflag:s22] =	dma.local [hbm:s4], s20  }
0x9e: {  	_ =	swait.ge [sflag:s22], s20  }
0x9f: {  	s3 =	ssub.s32 $0x0, s20;
	[sflag:s22] =	ssyncset.done $0x0  }
0xa0: {  	[sflag:s22] =	ssyncadd.s32 s3;
	_ =	sdelay $0x1  }
0xa1: {  	s23 =	simm.s32 $0x1B8B  }
0xa2: {  	_ =	swait.ge [sflag:s23], $0x1  }
0xa3: {  	[sflag:s23] =	ssyncset.done $0x0  }
0xa4: {  	s25 =	simm.s32 $0x1B8E;
	s24 =	sld [smem:$0x3FFE];
	[sflag:s23] =	ssyncadd.s32 $0xFFFFFFFF  }
0xa5: {  	s26 =	simm.s32 $execute0_lowered;
	[smem:$0x3FD2] =	sst s25  }
0xa6: {  	s4 =	sshll.u32 s26, $0x1;
	_ =	strace $0x8000004C;
	[dreg:$0x1] =	wrdreg $0xFFFFFFFF  }
0xa7: {  	s28 =	simm.s32 $_size_execute0_lowered;
	s2 =	sadd.s32 s2, s4;
	[dreg:$0x0] =	wrdreg $0x0  }
0xa8: {  	s4 =	sshll.u32 s28, $0x1;
	[dreg:$0x2] =	wrdreg s2  }
0xa9: {  	[dreg:$0x3] =	wrdreg s4  }
0xaa: {  	[dreg:$0x4] =	wrdreg $0xC0  }
0xab: {  	_ =	task [dreg:s6], $0x5FFFF  }
0xac: {  	[dreg:$0x1] =	wrdreg $0xFFFFFFFF  }
0xad: {  	[dreg:$0x0] =	wrdreg $0x60  }
0xae: {  	[dreg:$0x2] =	wrdreg s24  }
0xaf: {  	[dreg:$0x3] =	wrdreg $0xA8000  }
0xb0: {  	[dreg:$0x4] =	wrdreg $0x9  }
0xb1: {  	_ =	task.clear_ibuf [dreg:s6], $0x5FFFF;
	_ =	strace $0x9000004C  }
0xb2: {  	s29 =	simm.s32 $0x9;
	_ =	strace $0x8000004E  }
0xb3: {  	_ =	swait.ge [sflag:s29], $0x1  }
0xb4: {  	[sflag:s29] =	ssyncadd.s32 $0xFFFFFFFF  }
0xb5: {  	_ =	strace $0x9000004E  }
0xb6: {  	_ =	sfence  }
0xb7: {  	s30 =	sld [smem:$0x0];
	_ =	sdelay $0x2  }
0xb8: {  	s31 =	sshll.u32 s1, $0xD;
	s1 =	sshrl.u32 s1, $0x2  }
0xb9: {  	s3 =	sand.u32 $0x4000, s31;
	s1 =	sadd.s32 s1, s30  }
0xba: {  	s0 =	sor.u32 s3, s0;
	s1 =	sshll.u32 s1, $0x11  }
0xbb: {  	s0 =	sor.u32 s1, s0  }
0xbc: {  	s0 =	sadd.s32 $0x8F2B, s0  }
0xbd: {  	[sflag:s0] =	ssyncadd.remote.s32 $0x1  }
0xbe: {  	_ =	sfence.sel $0xFFFF  }
0xbf: {  	[dreg:$0x0] =	wrdreg $0xFFFFFFFF;
	(pc) =	sbr.abs _section_cstart, $3  }
0xc0: {  	[dreg:$0x1] =	wrdreg $0xFFFFFFFF  }
0xc1: {  	_ =	task.clear_ibuf [dreg:s6], $0x2FFFF;
	_ =	strace $0x9FFFFFFF  }
0xc2: {  	(tm) =	ssettm $0x7FFFFFFF  }
0xc3: {  	_ =	shalt  }
tec
execute0_lowered:
.L_overlay_start_1:
0x0: {  	(tag) =	ssettag $0x1  }
0x1: {  	s0 =	rddreg [dreg:$0x0]  }
0x2: {  	s1 =	rddreg [dreg:$0x1];
	s3 =	simm.s32 $0x0  }
0x3: {  	s2 =	stileid.u32;
	s5 =	srdreg.scid;
	s19 =	simm.s32 $0x2  }
0x4: {  	s20 =	simm.s32 $0x2800;
	s21 =	simm.s32 $0x1;
	s22 =	simm.s32 $0x80  }
0x5: {  	s28 =	simm.s32 $0x6800;
	[smem:$0x7FF] =	sst s3;
	s4 =	smul.u32 $0x2780, s2  }
0x6: {  	s10 =	sadd.s32 $0xC200, s0;
	s11 =	sadd.s32 $0x7200, s0;
	s7 =	smul.u32 $0x4F000, s2  }
0x7: {  	s12 =	sand.u32 $0x1, s5;
	s5 =	sadd.s32 $0x11200, s0;
	s9 =	smul.u32 $0x2800, s2  }
0x8: {  	s13 =	smul.u32 $0x500, s2;
	s18 =	sadd.s32 $0x128400, s1;
	s24 =	sadd.s32 $0xD4E00, s0  }
0x9: {  	s30 =	sadd.s32 $0x36280, s0;
	s23 =	sadd.s32 $0xFC600, s0;
	s16 =	sadd.s32 $0x86500, s0  }
0xa: {  	p0 =	seq.s32 s2, $0xF;
	_ =	strace $0x8000004D;
	s6 =	ssub.s32 $0x2, s12  }
0xb: {  	[dreg:$0x4] =	wrdreg s30;
	p1 =	sne.s32 s12, $0x0;
	s18 =	sshrl.u32 @p0 s18, $0x3  }
0xc: {  	s14 =	sadd.s32 s4, s0;
	s8 =	sshrl.u32 s6, $0x1;
	s26 =	sshrl.u32 s7, $0x2  }
0xd: {  	s7 =	sadd.s32 $0x38300, s0;
	s9 =	sshrl.u32 s9, $0x3;
	s29 =	sadd.s32 s5, s4  }
0xe: {  	s23 =	sadd.s32 s4, s23;
	s24 =	sadd.s32 s4, s24;
	s17 =	ssub.s32 s6, s8  }
.Ltmp0:
0xf: {  	s6 =	sadd.s32 s26, s1;
	s8 =	sadd.s32 s10, s13;
	(pc) =	sbr.rel .LBB2_1-.Ltmp0, $4  }
0x10: {  	s15 =	sadd.s32 $0x280, s9;
	s9 =	sadd.s32 s11, s13;
	[dreg:$0x3] =	wrdreg s29  }
0x11: {  	s31 =	sadd.s32 $0xAD600, s14;
	s26 =	simm.s32 $0x2780;
	s10 =	sadd.s32 s10, s15  }
0x12: {  	s11 =	sadd.s32 s11, s15;
	s15 =	sadd.s32 $0x5F400, s0;
	s0 =	sadd.s32 $0x123E00, s0  }
0x13: {  	[dreg:$0x5] =	wrdreg s31;
	s17 =	smax.u32 s17, $0x1;
	s25 =	sadd.s32 s4, s0  }
.LBB2_19:
0x14: {  	[sflag:s19] =	ssyncadd.s32 $0xFFFFC000  }
0x15: {  	_ =	swait.ge [sflag:s21], $0x4000  }
0x16: {  	[sflag:s21] =	ssyncset.done $0x0  }
0x17: {  	[sflag:s21] =	ssyncadd.s32 $0xFFFFC000  }
0x18: {  	[spmem:s1] =	stream.indirect.scatter.add.f32 [tilespmem:s28], [sflag:$0x2], $0x80, s26, s22, $0xb8;
	[tilespmem:$0x1E400] =	vst v63  }
0x19: {  	_ =	swait.ge [sflag:s19], $0x4000  }
0x1a: {  	[sflag:s19] =	ssyncset.done $0x0  }
0x1b: {  	[sflag:s19] =	ssyncadd.s32 $0xFFFFC000  }
0x1c: {  	[bflag:$0x0] =	sbarrier.arrive $0xFFFF  }
0x1d: {  	[hbm:s25], [sflag:s30] =	dma.local [spmem:s31], $0x2780  }
.LBB2_20:
0x1e: {  	s3 =	sadd.s32 $0x1, s3  }
0x1f: {  	p2 =	sne.s32 s3, s17  }
.Ltmp1:
0x20: {  	_ = 	snop;
	(pc) =	sbr.rel @!p2 .LBB2_21-.Ltmp1, $4  }
0x21: {  	_ = 	snop  }
0x22: {  	_ =	swait.ge [sflag:s19], $0x2780  }
0x23: {  	[sflag:s19] =	ssyncset.done $0x0  }
0x24: {  	[sflag:s19] =	ssyncadd.s32 $0xFFFFD880  }
.LBB2_1:
.Ltmp2:
0x25: {  	(pc) =	sbr.rel @p1 .LBB2_11-.Ltmp2, $3  }
0x26: {  	_ =	sdelay $0x1  }
0x27: {  	s0 =	sshll.u32 @!p0 s2, $0x6  }
0x28: {  	s29 =	sshrl.u32 @!p0 s6, $0x3;
	s0 =	sor.u32 @!p0 $0x1C02, s0  }
0x29: {  	s12 =	simm.s32 @p0 $0x1FC2;
	s13 =	rddreg [dreg:$0x4]  }
0x2a: {  	[spmem:s18], [sflag:s12] =	dma.local @p0 [hbm:s13], $0x2080  }
0x2b: {  	s12 =	simm.s32 @p0 $0x2  }
0x2c: {  	_ =	swait.ge @p0 [sflag:s12], $0x2080  }
0x2d: {  	[sflag:s12] =	ssyncset.done @p0 $0x0  }
0x2e: {  	[sflag:s12] =	ssyncadd.s32 @p0 $0xFFFFDF80;
	s12 =	rddreg [dreg:$0x3]  }
0x2f: {  	[spmem:s29], [sflag:s0] =	dma.local @!p0 [hbm:s12], $0x2780  }
0x30: {  	s0 =	simm.s32 @!p0 $0x2  }
0x31: {  	_ =	swait.ge @!p0 [sflag:s0], $0x2780  }
0x32: {  	[sflag:s0] =	ssyncset.done @!p0 $0x0  }
0x33: {  	[sflag:s0] =	ssyncadd.s32 @!p0 $0xFFFFD880  }
0x34: {  	s13 =	simm.s32 $0x0;
	[bflag:$0x0] =	sbarrier.arrive $0xFFFF  }
0x35: {  	[tilespmem:s13], [sflag:$0x2] =	stream.linear.gather [hbm4b:s8+s13], $0x1400, $0x38;
	[tilespmem:$0x1E400] =	vst v63  }
0x36: {  	_ =	swait.ge [sflag:s19], $0x1400  }
0x37: {  	[sflag:s19] =	ssyncset.done $0x0  }
0x38: {  	s30 =	simm.s32 $0x1400;
	[sflag:s19] =	ssyncadd.s32 $0xFFFFEC00  }
0x39: {  	[tilespmem:s30], [sflag:$0x2] =	stream.linear.gather [hbm4b:s9+s13], $0x1400, $0x38;
	[tilespmem:$0x1E400] =	vst v63  }
0x3a: {  	_ =	swait.ge [sflag:s19], $0x1400  }
0x3b: {  	[sflag:s19] =	ssyncset.done $0x0  }
0x3c: {  	s0 =	simm.s32 $0x80;
	[sflag:s19] =	ssyncadd.s32 $0xFFFFEC00  }
0x3d: {  	[tilespmem:s20], [sflag:$0x1] =	stream.indirect.gather [hbm4b:s5+s0], $0x80, s13, s0, $0xb8;
	[tilespmem:$0x1E400] =	vst v63  }
0x3e: {  	s14 =	simm.s32 $0x0;
	_ =	swait.ge [sflag:s21], $0x4000  }
0x3f: {  	s12 =	sand.u32 $0x4000, s14;
	[sflag:s21] =	ssyncset.done $0x0  }
0x40: {  	s31 =	sxor.u32 $0x6800, s12;
	[sflag:s21] =	ssyncadd.s32 $0xFFFFC000  }
0x41: {  	[tilespmem:s31], [sflag:$0x1] =	stream.indirect.gather [hbm4b:s5+s22], $0x80, s0, s22, $0xb8;
	[tilespmem:$0x1E400] =	vst v63  }
0x42: {  	s12 =	sor.u32 $0x2800, s12  }
0x43: {  	[spmem:s1] =	stream.indirect.scatter.add.f32 [tilespmem:s12], [sflag:$0x2], $0x80, s30, s22, $0xb8;
	[tilespmem:$0x1E400] =	vst v63  }
0x44: {  	_ =	swait.ge [sflag:s19], $0x4000  }
0x45: {  	s31 =	simm.s32 $0x1;
	[sflag:s19] =	ssyncset.done $0x0  }
.LBB2_3:
0x46: {  	[sflag:s19] =	ssyncadd.s32 $0xFFFFC000;
	s30 =	sadd.s32 $0x80, s30;
	s0 =	sadd.s32 $0x80, s0  }
0x47: {  	p2 =	sne.s32 s31, $0x26;
	s12 =	smov.u32 s31;
	s31 =	sadd.s32 $0x1, s31  }
0x48: {  	s12 =	sshll.u32 s12, $0xE;
	_ =	swait.ge [sflag:s21], $0x4000  }
0x49: {  	s12 =	sand.u32 $0x4000, s12;
	[sflag:s21] =	ssyncset.done $0x0  }
0x4a: {  	s13 =	sxor.u32 $0x6800, s12;
	[sflag:s21] =	ssyncadd.s32 $0xFFFFC000  }
0x4b: {  	[tilespmem:s13], [sflag:$0x1] =	stream.indirect.gather [hbm4b:s5+s22], $0x80, s0, s22, $0xb8;
	[tilespmem:$0x1E400] =	vst v63  }
.Ltmp3:
0x4c: {  	_ = 	snop;
	(pc) =	sbr.rel @p2 .LBB2_3-.Ltmp3, $4  }
0x4d: {  	s12 =	sor.u32 $0x2800, s12  }
0x4e: {  	[spmem:s1] =	stream.indirect.scatter.add.f32 [tilespmem:s12], [sflag:$0x2], $0x80, s30, s22, $0xb8;
	[tilespmem:$0x1E400] =	vst v63  }
0x4f: {  	_ =	swait.ge [sflag:s19], $0x4000  }
0x50: {  	[sflag:s19] =	ssyncset.done $0x0  }
0x51: {  	[sflag:s19] =	ssyncadd.s32 $0xFFFFC000  }
0x52: {  	_ =	swait.ge [sflag:s21], $0x4000  }
0x53: {  	[sflag:s21] =	ssyncset.done $0x0  }
0x54: {  	s30 =	simm.s32 $0x80;
	[sflag:s21] =	ssyncadd.s32 $0xFFFFC000  }
0x55: {  	[spmem:s1] =	stream.indirect.scatter.add.f32 [tilespmem:s28], [sflag:$0x2], $0x80, s26, s30, $0xb8;
	[tilespmem:$0x1E400] =	vst v63  }
0x56: {  	_ =	swait.ge [sflag:s19], $0x4000  }
0x57: {  	[sflag:s19] =	ssyncset.done $0x0  }
0x58: {  	s0 =	simm.s32 $0x0;
	[sflag:s19] =	ssyncadd.s32 $0xFFFFC000  }
0x59: {  	[tilespmem:s0], [sflag:$0x2] =	stream.linear.gather [hbm4b:s10+s0], $0x1400, $0x38;
	[tilespmem:$0x1E400] =	vst v63  }
0x5a: {  	_ =	swait.ge [sflag:s19], $0x1400  }
0x5b: {  	[sflag:s19] =	ssyncset.done $0x0  }
0x5c: {  	s31 =	simm.s32 $0x1400;
	[sflag:s19] =	ssyncadd.s32 $0xFFFFEC00  }
0x5d: {  	[tilespmem:s31], [sflag:$0x2] =	stream.linear.gather [hbm4b:s11+s0], $0x1400, $0x38;
	[tilespmem:$0x1E400] =	vst v63  }
0x5e: {  	_ =	swait.ge [sflag:s19], $0x1400  }
0x5f: {  	[sflag:s19] =	ssyncset.done $0x0  }
0x60: {  	[sflag:s19] =	ssyncadd.s32 $0xFFFFEC00  }
0x61: {  	[tilespmem:s20], [sflag:$0x1] =	stream.indirect.gather [hbm4b:s5+s30], $0x80, s0, s30, $0xb8;
	[tilespmem:$0x1E400] =	vst v63  }
0x62: {  	s14 =	simm.s32 $0x0;
	_ =	swait.ge [sflag:s21], $0x4000  }
0x63: {  	s0 =	sand.u32 $0x4000, s14;
	[sflag:s21] =	ssyncset.done $0x0  }
0x64: {  	s12 =	sxor.u32 $0x6800, s0;
	[sflag:s21] =	ssyncadd.s32 $0xFFFFC000  }
0x65: {  	[tilespmem:s12], [sflag:$0x1] =	stream.indirect.gather [hbm4b:s5+s22], $0x80, s30, s22, $0xb8;
	[tilespmem:$0x1E400] =	vst v63  }
0x66: {  	s0 =	sor.u32 $0x2800, s0  }
0x67: {  	[spmem:s1] =	stream.indirect.scatter.add.f32 [tilespmem:s0], [sflag:$0x2], $0x80, s31, s22, $0xb8;
	[tilespmem:$0x1E400] =	vst v63  }
0x68: {  	_ =	swait.ge [sflag:s19], $0x4000  }
0x69: {  	s0 =	simm.s32 $0x1;
	[sflag:s19] =	ssyncset.done $0x0  }
.LBB2_5:
0x6a: {  	[sflag:s19] =	ssyncadd.s32 $0xFFFFC000;
	s31 =	sadd.s32 $0x80, s31;
	s30 =	sadd.s32 $0x80, s30  }
0x6b: {  	p2 =	sne.s32 s0, $0x26;
	s12 =	smov.u32 s0;
	s0 =	sadd.s32 $0x1, s0  }
0x6c: {  	s12 =	sshll.u32 s12, $0xE;
	_ =	swait.ge [sflag:s21], $0x4000  }
0x6d: {  	s12 =	sand.u32 $0x4000, s12;
	[sflag:s21] =	ssyncset.done $0x0  }
0x6e: {  	s13 =	sxor.u32 $0x6800, s12;
	[sflag:s21] =	ssyncadd.s32 $0xFFFFC000  }
0x6f: {  	[tilespmem:s13], [sflag:$0x1] =	stream.indirect.gather [hbm4b:s5+s22], $0x80, s30, s22, $0xb8;
	[tilespmem:$0x1E400] =	vst v63  }
.Ltmp4:
0x70: {  	_ = 	snop;
	(pc) =	sbr.rel @p2 .LBB2_5-.Ltmp4, $4  }
0x71: {  	s12 =	sor.u32 $0x2800, s12  }
0x72: {  	[spmem:s1] =	stream.indirect.scatter.add.f32 [tilespmem:s12], [sflag:$0x2], $0x80, s31, s22, $0xb8;
	[tilespmem:$0x1E400] =	vst v63  }
0x73: {  	_ =	swait.ge [sflag:s19], $0x4000  }
0x74: {  	[sflag:s19] =	ssyncset.done $0x0  }
0x75: {  	[sflag:s19] =	ssyncadd.s32 $0xFFFFC000  }
0x76: {  	_ =	swait.ge [sflag:s21], $0x4000  }
0x77: {  	[sflag:s21] =	ssyncset.done $0x0  }
0x78: {  	[sflag:s21] =	ssyncadd.s32 $0xFFFFC000  }
0x79: {  	[spmem:s1] =	stream.indirect.scatter.add.f32 [tilespmem:s28], [sflag:$0x2], $0x80, s26, s22, $0xb8;
	[tilespmem:$0x1E400] =	vst v63  }
0x7a: {  	_ =	swait.ge [sflag:s19], $0x4000  }
0x7b: {  	[sflag:s19] =	ssyncset.done $0x0  }
0x7c: {  	[sflag:s19] =	ssyncadd.s32 $0xFFFFC000  }
0x7d: {  	s0 =	sshll.u32 s2, $0x6;
	[bflag:$0x0] =	sbarrier.arrive $0xFFFF  }
0x7e: {  	s31 =	sshrl.u32 s6, $0x3;
	s30 =	sor.u32 $0x1C02, s0;
	s12 =	rddreg [dreg:$0x5]  }
0x7f: {  	[hbm:s12], [sflag:s30] =	dma.local [spmem:s31], $0x2780  }
0x80: {  	_ =	swait.ge [sflag:s19], $0x2780  }
0x81: {  	[sflag:s19] =	ssyncset.done $0x0  }
0x82: {  	s0 =	sadd.s32 @p0 $0x25080, s15;
	s12 =	simm.s32 @p0 $0x1FC2;
	[sflag:s19] =	ssyncadd.s32 $0xFFFFD880  }
0x83: {  	[spmem:s18], [sflag:s12] =	dma.local @p0 [hbm:s0], $0x2080  }
0x84: {  	s0 =	simm.s32 @p0 $0x2  }
0x85: {  	_ =	swait.ge @p0 [sflag:s0], $0x2080  }
0x86: {  	[sflag:s0] =	ssyncset.done @p0 $0x0  }
0x87: {  	[sflag:s0] =	ssyncadd.s32 @p0 $0xFFFFDF80;
	s0 =	sadd.s32 @!p0 s4, s15  }
0x88: {  	[spmem:s29], [sflag:s30] =	dma.local @!p0 [hbm:s0], $0x2780  }
0x89: {  	s0 =	simm.s32 @!p0 $0x2  }
0x8a: {  	_ =	swait.ge @!p0 [sflag:s0], $0x2780  }
0x8b: {  	[sflag:s0] =	ssyncset.done @!p0 $0x0  }
0x8c: {  	[sflag:s0] =	ssyncadd.s32 @!p0 $0xFFFFD880  }
0x8d: {  	s13 =	simm.s32 $0x0;
	[bflag:$0x0] =	sbarrier.arrive $0xFFFF  }
0x8e: {  	[tilespmem:s13], [sflag:$0x2] =	stream.linear.gather [hbm4b:s8+s13], $0x1400, $0x38;
	[tilespmem:$0x1E400] =	vst v63  }
0x8f: {  	_ =	swait.ge [sflag:s19], $0x1400  }
0x90: {  	[sflag:s19] =	ssyncset.done $0x0  }
0x91: {  	s29 =	simm.s32 $0x1400;
	[sflag:s19] =	ssyncadd.s32 $0xFFFFEC00  }
0x92: {  	[tilespmem:s29], [sflag:$0x2] =	stream.linear.gather [hbm4b:s9+s13], $0x1400, $0x38;
	[tilespmem:$0x1E400] =	vst v63  }
0x93: {  	_ =	swait.ge [sflag:s19], $0x1400  }
0x94: {  	[sflag:s19] =	ssyncset.done $0x0  }
0x95: {  	s0 =	simm.s32 $0x80;
	[sflag:s19] =	ssyncadd.s32 $0xFFFFEC00  }
0x96: {  	[tilespmem:s20], [sflag:$0x1] =	stream.indirect.gather [hbm4b:s15+s0], $0x80, s13, s0, $0xb8;
	[tilespmem:$0x1E400] =	vst v63  }
0x97: {  	s14 =	simm.s32 $0x0;
	_ =	swait.ge [sflag:s21], $0x4000  }
0x98: {  	s12 =	sand.u32 $0x4000, s14;
	[sflag:s21] =	ssyncset.done $0x0  }
0x99: {  	s13 =	sxor.u32 $0x6800, s12;
	[sflag:s21] =	ssyncadd.s32 $0xFFFFC000  }
0x9a: {  	[tilespmem:s13], [sflag:$0x1] =	stream.indirect.gather [hbm4b:s15+s22], $0x80, s0, s22, $0xb8;
	[tilespmem:$0x1E400] =	vst v63  }
0x9b: {  	s12 =	sor.u32 $0x2800, s12  }
0x9c: {  	[spmem:s1] =	stream.indirect.scatter.add.f32 [tilespmem:s12], [sflag:$0x2], $0x80, s29, s22, $0xb8;
	[tilespmem:$0x1E400] =	vst v63  }
0x9d: {  	_ =	swait.ge [sflag:s19], $0x4000  }
0x9e: {  	s12 =	simm.s32 $0x1;
	[sflag:s19] =	ssyncset.done $0x0  }
.LBB2_7:
0x9f: {  	[sflag:s19] =	ssyncadd.s32 $0xFFFFC000;
	s29 =	sadd.s32 $0x80, s29;
	s0 =	sadd.s32 $0x80, s0  }
0xa0: {  	p2 =	sne.s32 s12, $0x26;
	s13 =	smov.u32 s12;
	s12 =	sadd.s32 $0x1, s12  }
0xa1: {  	s13 =	sshll.u32 s13, $0xE;
	_ =	swait.ge [sflag:s21], $0x4000  }
0xa2: {  	s13 =	sand.u32 $0x4000, s13;
	[sflag:s21] =	ssyncset.done $0x0  }
0xa3: {  	s14 =	sxor.u32 $0x6800, s13;
	[sflag:s21] =	ssyncadd.s32 $0xFFFFC000  }
0xa4: {  	[tilespmem:s14], [sflag:$0x1] =	stream.indirect.gather [hbm4b:s15+s22], $0x80, s0, s22, $0xb8;
	[tilespmem:$0x1E400] =	vst v63  }
.Ltmp5:
0xa5: {  	_ = 	snop;
	(pc) =	sbr.rel @p2 .LBB2_7-.Ltmp5, $4  }
0xa6: {  	s13 =	sor.u32 $0x2800, s13  }
0xa7: {  	[spmem:s1] =	stream.indirect.scatter.add.f32 [tilespmem:s13], [sflag:$0x2], $0x80, s29, s22, $0xb8;
	[tilespmem:$0x1E400] =	vst v63  }
0xa8: {  	_ =	swait.ge [sflag:s19], $0x4000  }
0xa9: {  	[sflag:s19] =	ssyncset.done $0x0  }
0xaa: {  	[sflag:s19] =	ssyncadd.s32 $0xFFFFC000  }
0xab: {  	_ =	swait.ge [sflag:s21], $0x4000  }
0xac: {  	[sflag:s21] =	ssyncset.done $0x0  }
0xad: {  	s29 =	simm.s32 $0x80;
	[sflag:s21] =	ssyncadd.s32 $0xFFFFC000  }
0xae: {  	[spmem:s1] =	stream.indirect.scatter.add.f32 [tilespmem:s28], [sflag:$0x2], $0x80, s26, s29, $0xb8;
	[tilespmem:$0x1E400] =	vst v63  }
0xaf: {  	_ =	swait.ge [sflag:s19], $0x4000  }
0xb0: {  	[sflag:s19] =	ssyncset.done $0x0  }
0xb1: {  	s12 =	simm.s32 $0x0;
	[sflag:s19] =	ssyncadd.s32 $0xFFFFC000  }
0xb2: {  	[tilespmem:s12], [sflag:$0x2] =	stream.linear.gather [hbm4b:s10+s12], $0x1400, $0x38;
	[tilespmem:$0x1E400] =	vst v63  }
0xb3: {  	_ =	swait.ge [sflag:s19], $0x1400  }
0xb4: {  	[sflag:s19] =	ssyncset.done $0x0  }
0xb5: {  	s0 =	simm.s32 $0x1400;
	[sflag:s19] =	ssyncadd.s32 $0xFFFFEC00  }
0xb6: {  	[tilespmem:s0], [sflag:$0x2] =	stream.linear.gather [hbm4b:s11+s12], $0x1400, $0x38;
	[tilespmem:$0x1E400] =	vst v63  }
0xb7: {  	_ =	swait.ge [sflag:s19], $0x1400  }
0xb8: {  	[sflag:s19] =	ssyncset.done $0x0  }
0xb9: {  	[sflag:s19] =	ssyncadd.s32 $0xFFFFEC00  }
0xba: {  	[tilespmem:s20], [sflag:$0x1] =	stream.indirect.gather [hbm4b:s15+s29], $0x80, s12, s29, $0xb8;
	[tilespmem:$0x1E400] =	vst v63  }
0xbb: {  	s14 =	simm.s32 $0x0;
	_ =	swait.ge [sflag:s21], $0x4000  }
0xbc: {  	s12 =	sand.u32 $0x4000, s14;
	[sflag:s21] =	ssyncset.done $0x0  }
0xbd: {  	s13 =	sxor.u32 $0x6800, s12;
	[sflag:s21] =	ssyncadd.s32 $0xFFFFC000  }
0xbe: {  	[tilespmem:s13], [sflag:$0x1] =	stream.indirect.gather [hbm4b:s15+s22], $0x80, s29, s22, $0xb8;
	[tilespmem:$0x1E400] =	vst v63  }
0xbf: {  	s12 =	sor.u32 $0x2800, s12  }
0xc0: {  	[spmem:s1] =	stream.indirect.scatter.add.f32 [tilespmem:s12], [sflag:$0x2], $0x80, s0, s22, $0xb8;
	[tilespmem:$0x1E400] =	vst v63  }
0xc1: {  	_ =	swait.ge [sflag:s19], $0x4000  }
0xc2: {  	s12 =	simm.s32 $0x1;
	[sflag:s19] =	ssyncset.done $0x0  }
.LBB2_9:
0xc3: {  	[sflag:s19] =	ssyncadd.s32 $0xFFFFC000;
	s0 =	sadd.s32 $0x80, s0;
	s29 =	sadd.s32 $0x80, s29  }
0xc4: {  	p2 =	sne.s32 s12, $0x26;
	s13 =	smov.u32 s12;
	s12 =	sadd.s32 $0x1, s12  }
0xc5: {  	s13 =	sshll.u32 s13, $0xE;
	_ =	swait.ge [sflag:s21], $0x4000  }
0xc6: {  	s13 =	sand.u32 $0x4000, s13;
	[sflag:s21] =	ssyncset.done $0x0  }
0xc7: {  	s14 =	sxor.u32 $0x6800, s13;
	[sflag:s21] =	ssyncadd.s32 $0xFFFFC000  }
0xc8: {  	[tilespmem:s14], [sflag:$0x1] =	stream.indirect.gather [hbm4b:s15+s22], $0x80, s29, s22, $0xb8;
	[tilespmem:$0x1E400] =	vst v63  }
.Ltmp6:
0xc9: {  	_ = 	snop;
	(pc) =	sbr.rel @p2 .LBB2_9-.Ltmp6, $4  }
0xca: {  	s13 =	sor.u32 $0x2800, s13  }
0xcb: {  	[spmem:s1] =	stream.indirect.scatter.add.f32 [tilespmem:s13], [sflag:$0x2], $0x80, s0, s22, $0xb8;
	[tilespmem:$0x1E400] =	vst v63  }
0xcc: {  	_ =	swait.ge [sflag:s19], $0x4000  }
0xcd: {  	[sflag:s19] =	ssyncset.done $0x0  }
0xce: {  	[sflag:s19] =	ssyncadd.s32 $0xFFFFC000  }
0xcf: {  	_ =	swait.ge [sflag:s21], $0x4000  }
0xd0: {  	[sflag:s21] =	ssyncset.done $0x0  }
0xd1: {  	[sflag:s21] =	ssyncadd.s32 $0xFFFFC000  }
0xd2: {  	[spmem:s1] =	stream.indirect.scatter.add.f32 [tilespmem:s28], [sflag:$0x2], $0x80, s26, s22, $0xb8;
	[tilespmem:$0x1E400] =	vst v63  }
.Ltmp7:
0xd3: {  	_ =	swait.ge [sflag:s19], $0x4000;
	(pc) =	sbr.rel .LBB2_20-.Ltmp7, $4  }
0xd4: {  	[sflag:s19] =	ssyncset.done $0x0  }
0xd5: {  	[sflag:s19] =	ssyncadd.s32 $0xFFFFC000  }
0xd6: {  	[bflag:$0x0] =	sbarrier.arrive $0xFFFF  }
0xd7: {  	[hbm:s23], [sflag:s30] =	dma.local [spmem:s31], $0x2780  }
.LBB2_11:
0xd8: {  	s12 =	sadd.s32 @p0 $0x25080, s7;
	s13 =	simm.s32 @p0 $0x1FC2  }
0xd9: {  	[spmem:s18], [sflag:s13] =	dma.local @p0 [hbm:s12], $0x2080  }
0xda: {  	s12 =	simm.s32 @p0 $0x2  }
0xdb: {  	_ =	swait.ge @p0 [sflag:s12], $0x2080  }
0xdc: {  	[sflag:s12] =	ssyncset.done @p0 $0x0  }
0xdd: {  	[sflag:s12] =	ssyncadd.s32 @p0 $0xFFFFDF80;
	s12 =	sadd.s32 @!p0 s4, s7  }
0xde: {  	[spmem:s29], [sflag:s0] =	dma.local @!p0 [hbm:s12], $0x2780  }
0xdf: {  	s0 =	simm.s32 @!p0 $0x2  }
0xe0: {  	_ =	swait.ge @!p0 [sflag:s0], $0x2780  }
0xe1: {  	[sflag:s0] =	ssyncset.done @!p0 $0x0  }
0xe2: {  	[sflag:s0] =	ssyncadd.s32 @!p0 $0xFFFFD880  }
0xe3: {  	s14 =	simm.s32 $0x0;
	[bflag:$0x0] =	sbarrier.arrive $0xFFFF  }
0xe4: {  	[tilespmem:s14], [sflag:$0x2] =	stream.linear.gather [hbm4b:s8+s14], $0x1400, $0x38;
	[tilespmem:$0x1E400] =	vst v63  }
0xe5: {  	_ =	swait.ge [sflag:s19], $0x1400  }
0xe6: {  	[sflag:s19] =	ssyncset.done $0x0  }
0xe7: {  	s30 =	simm.s32 $0x1400;
	[sflag:s19] =	ssyncadd.s32 $0xFFFFEC00  }
0xe8: {  	[tilespmem:s30], [sflag:$0x2] =	stream.linear.gather [hbm4b:s9+s14], $0x1400, $0x38;
	[tilespmem:$0x1E400] =	vst v63  }
0xe9: {  	_ =	swait.ge [sflag:s19], $0x1400  }
0xea: {  	[sflag:s19] =	ssyncset.done $0x0  }
0xeb: {  	s0 =	simm.s32 $0x80;
	[sflag:s19] =	ssyncadd.s32 $0xFFFFEC00  }
0xec: {  	[tilespmem:s20], [sflag:$0x1] =	stream.indirect.gather [hbm4b:s7+s0], $0x80, s14, s0, $0xb8;
	[tilespmem:$0x1E400] =	vst v63  }
0xed: {  	s13 =	simm.s32 $0x0;
	_ =	swait.ge [sflag:s21], $0x4000  }
0xee: {  	s12 =	sand.u32 $0x4000, s13;
	[sflag:s21] =	ssyncset.done $0x0  }
0xef: {  	s14 =	sxor.u32 $0x6800, s12;
	[sflag:s21] =	ssyncadd.s32 $0xFFFFC000  }
0xf0: {  	[tilespmem:s14], [sflag:$0x1] =	stream.indirect.gather [hbm4b:s7+s22], $0x80, s0, s22, $0xb8;
	[tilespmem:$0x1E400] =	vst v63  }
0xf1: {  	s12 =	sor.u32 $0x2800, s12  }
0xf2: {  	[spmem:s1] =	stream.indirect.scatter.add.f32 [tilespmem:s12], [sflag:$0x2], $0x80, s30, s22, $0xb8;
	[tilespmem:$0x1E400] =	vst v63  }
0xf3: {  	_ =	swait.ge [sflag:s19], $0x4000  }
0xf4: {  	s31 =	simm.s32 $0x1;
	[sflag:s19] =	ssyncset.done $0x0  }
.LBB2_12:
0xf5: {  	[sflag:s19] =	ssyncadd.s32 $0xFFFFC000;
	s30 =	sadd.s32 $0x80, s30;
	s0 =	sadd.s32 $0x80, s0  }
0xf6: {  	p2 =	sne.s32 s31, $0x26;
	s12 =	smov.u32 s31;
	s31 =	sadd.s32 $0x1, s31  }
0xf7: {  	s12 =	sshll.u32 s12, $0xE;
	_ =	swait.ge [sflag:s21], $0x4000  }
0xf8: {  	s12 =	sand.u32 $0x4000, s12;
	[sflag:s21] =	ssyncset.done $0x0  }
0xf9: {  	s13 =	sxor.u32 $0x6800, s12;
	[sflag:s21] =	ssyncadd.s32 $0xFFFFC000  }
0xfa: {  	[tilespmem:s13], [sflag:$0x1] =	stream.indirect.gather [hbm4b:s7+s22], $0x80, s0, s22, $0xb8;
	[tilespmem:$0x1E400] =	vst v63  }
.Ltmp8:
0xfb: {  	_ = 	snop;
	(pc) =	sbr.rel @p2 .LBB2_12-.Ltmp8, $4  }
0xfc: {  	s12 =	sor.u32 $0x2800, s12  }
0xfd: {  	[spmem:s1] =	stream.indirect.scatter.add.f32 [tilespmem:s12], [sflag:$0x2], $0x80, s30, s22, $0xb8;
	[tilespmem:$0x1E400] =	vst v63  }
0xfe: {  	_ =	swait.ge [sflag:s19], $0x4000  }
0xff: {  	[sflag:s19] =	ssyncset.done $0x0  }
0x100: {  	[sflag:s19] =	ssyncadd.s32 $0xFFFFC000  }
0x101: {  	_ =	swait.ge [sflag:s21], $0x4000  }
0x102: {  	[sflag:s21] =	ssyncset.done $0x0  }
0x103: {  	s30 =	simm.s32 $0x80;
	[sflag:s21] =	ssyncadd.s32 $0xFFFFC000  }
0x104: {  	[spmem:s1] =	stream.indirect.scatter.add.f32 [tilespmem:s28], [sflag:$0x2], $0x80, s26, s30, $0xb8;
	[tilespmem:$0x1E400] =	vst v63  }
0x105: {  	_ =	swait.ge [sflag:s19], $0x4000  }
0x106: {  	[sflag:s19] =	ssyncset.done $0x0  }
0x107: {  	s0 =	simm.s32 $0x0;
	[sflag:s19] =	ssyncadd.s32 $0xFFFFC000  }
0x108: {  	[tilespmem:s0], [sflag:$0x2] =	stream.linear.gather [hbm4b:s10+s0], $0x1400, $0x38;
	[tilespmem:$0x1E400] =	vst v63  }
0x109: {  	_ =	swait.ge [sflag:s19], $0x1400  }
0x10a: {  	[sflag:s19] =	ssyncset.done $0x0  }
0x10b: {  	s31 =	simm.s32 $0x1400;
	[sflag:s19] =	ssyncadd.s32 $0xFFFFEC00  }
0x10c: {  	[tilespmem:s31], [sflag:$0x2] =	stream.linear.gather [hbm4b:s11+s0], $0x1400, $0x38;
	[tilespmem:$0x1E400] =	vst v63  }
0x10d: {  	_ =	swait.ge [sflag:s19], $0x1400  }
0x10e: {  	[sflag:s19] =	ssyncset.done $0x0  }
0x10f: {  	[sflag:s19] =	ssyncadd.s32 $0xFFFFEC00  }
0x110: {  	[tilespmem:s20], [sflag:$0x1] =	stream.indirect.gather [hbm4b:s7+s30], $0x80, s0, s30, $0xb8;
	[tilespmem:$0x1E400] =	vst v63  }
0x111: {  	s14 =	simm.s32 $0x0;
	_ =	swait.ge [sflag:s21], $0x4000  }
0x112: {  	s0 =	sand.u32 $0x4000, s14;
	[sflag:s21] =	ssyncset.done $0x0  }
0x113: {  	s12 =	sxor.u32 $0x6800, s0;
	[sflag:s21] =	ssyncadd.s32 $0xFFFFC000  }
0x114: {  	[tilespmem:s12], [sflag:$0x1] =	stream.indirect.gather [hbm4b:s7+s22], $0x80, s30, s22, $0xb8;
	[tilespmem:$0x1E400] =	vst v63  }
0x115: {  	s0 =	sor.u32 $0x2800, s0  }
0x116: {  	[spmem:s1] =	stream.indirect.scatter.add.f32 [tilespmem:s0], [sflag:$0x2], $0x80, s31, s22, $0xb8;
	[tilespmem:$0x1E400] =	vst v63  }
0x117: {  	_ =	swait.ge [sflag:s19], $0x4000  }
0x118: {  	s0 =	simm.s32 $0x1;
	[sflag:s19] =	ssyncset.done $0x0  }
.LBB2_14:
0x119: {  	[sflag:s19] =	ssyncadd.s32 $0xFFFFC000;
	s31 =	sadd.s32 $0x80, s31;
	s30 =	sadd.s32 $0x80, s30  }
0x11a: {  	p2 =	seq.s32 s0, $0x26;
	s12 =	smov.u32 s0;
	s0 =	sadd.s32 $0x1, s0  }
0x11b: {  	s12 =	sshll.u32 s12, $0xE;
	_ =	swait.ge [sflag:s21], $0x4000  }
0x11c: {  	s12 =	sand.u32 $0x4000, s12;
	[sflag:s21] =	ssyncset.done $0x0  }
0x11d: {  	s13 =	sxor.u32 $0x6800, s12;
	[sflag:s21] =	ssyncadd.s32 $0xFFFFC000  }
0x11e: {  	[tilespmem:s13], [sflag:$0x1] =	stream.indirect.gather [hbm4b:s7+s22], $0x80, s30, s22, $0xb8;
	[tilespmem:$0x1E400] =	vst v63  }
.Ltmp9:
0x11f: {  	_ = 	snop;
	(pc) =	sbr.rel @!p2 .LBB2_14-.Ltmp9, $4  }
0x120: {  	s12 =	sor.u32 $0x2800, s12  }
0x121: {  	[spmem:s1] =	stream.indirect.scatter.add.f32 [tilespmem:s12], [sflag:$0x2], $0x80, s31, s22, $0xb8;
	[tilespmem:$0x1E400] =	vst v63  }
0x122: {  	_ =	swait.ge [sflag:s19], $0x4000  }
0x123: {  	[sflag:s19] =	ssyncset.done $0x0  }
0x124: {  	[sflag:s19] =	ssyncadd.s32 $0xFFFFC000  }
0x125: {  	_ =	swait.ge [sflag:s21], $0x4000  }
0x126: {  	[sflag:s21] =	ssyncset.done $0x0  }
0x127: {  	[sflag:s21] =	ssyncadd.s32 $0xFFFFC000  }
0x128: {  	[spmem:s1] =	stream.indirect.scatter.add.f32 [tilespmem:s28], [sflag:$0x2], $0x80, s26, s22, $0xb8;
	[tilespmem:$0x1E400] =	vst v63  }
0x129: {  	_ =	swait.ge [sflag:s19], $0x4000  }
0x12a: {  	[sflag:s19] =	ssyncset.done $0x0  }
0x12b: {  	s0 =	sshll.u32 s2, $0x6;
	[sflag:s19] =	ssyncadd.s32 $0xFFFFC000  }
0x12c: {  	s31 =	sshrl.u32 s6, $0x3;
	s30 =	sor.u32 $0x1C02, s0;
	[bflag:$0x0] =	sbarrier.arrive $0xFFFF  }
0x12d: {  	[hbm:s24], [sflag:s30] =	dma.local [spmem:s31], $0x2780  }
0x12e: {  	_ =	swait.ge [sflag:s19], $0x2780  }
0x12f: {  	[sflag:s19] =	ssyncset.done $0x0  }
0x130: {  	s12 =	simm.s32 @p0 $0x1FC2;
	s0 =	sadd.s32 @p0 $0x25080, s16;
	[sflag:s19] =	ssyncadd.s32 $0xFFFFD880  }
0x131: {  	[spmem:s18], [sflag:s12] =	dma.local @p0 [hbm:s0], $0x2080  }
0x132: {  	s0 =	simm.s32 @p0 $0x2  }
0x133: {  	_ =	swait.ge @p0 [sflag:s0], $0x2080  }
0x134: {  	[sflag:s0] =	ssyncset.done @p0 $0x0  }
0x135: {  	[sflag:s0] =	ssyncadd.s32 @p0 $0xFFFFDF80;
	s0 =	sadd.s32 @!p0 s4, s16  }
0x136: {  	[spmem:s29], [sflag:s30] =	dma.local @!p0 [hbm:s0], $0x2780  }
0x137: {  	s0 =	simm.s32 @!p0 $0x2  }
0x138: {  	_ =	swait.ge @!p0 [sflag:s0], $0x2780  }
0x139: {  	[sflag:s0] =	ssyncset.done @!p0 $0x0  }
0x13a: {  	[sflag:s0] =	ssyncadd.s32 @!p0 $0xFFFFD880  }
0x13b: {  	s13 =	simm.s32 $0x0;
	[bflag:$0x0] =	sbarrier.arrive $0xFFFF  }
0x13c: {  	[tilespmem:s13], [sflag:$0x2] =	stream.linear.gather [hbm4b:s8+s13], $0x1400, $0x38;
	[tilespmem:$0x1E400] =	vst v63  }
0x13d: {  	_ =	swait.ge [sflag:s19], $0x1400  }
0x13e: {  	[sflag:s19] =	ssyncset.done $0x0  }
0x13f: {  	s29 =	simm.s32 $0x1400;
	[sflag:s19] =	ssyncadd.s32 $0xFFFFEC00  }
0x140: {  	[tilespmem:s29], [sflag:$0x2] =	stream.linear.gather [hbm4b:s9+s13], $0x1400, $0x38;
	[tilespmem:$0x1E400] =	vst v63  }
0x141: {  	_ =	swait.ge [sflag:s19], $0x1400  }
0x142: {  	[sflag:s19] =	ssyncset.done $0x0  }
0x143: {  	s0 =	simm.s32 $0x80;
	[sflag:s19] =	ssyncadd.s32 $0xFFFFEC00  }
0x144: {  	[tilespmem:s20], [sflag:$0x1] =	stream.indirect.gather [hbm4b:s16+s0], $0x80, s13, s0, $0xb8;
	[tilespmem:$0x1E400] =	vst v63  }
0x145: {  	s14 =	simm.s32 $0x0;
	_ =	swait.ge [sflag:s21], $0x4000  }
0x146: {  	s12 =	sand.u32 $0x4000, s14;
	[sflag:s21] =	ssyncset.done $0x0  }
0x147: {  	s13 =	sxor.u32 $0x6800, s12;
	[sflag:s21] =	ssyncadd.s32 $0xFFFFC000  }
0x148: {  	[tilespmem:s13], [sflag:$0x1] =	stream.indirect.gather [hbm4b:s16+s22], $0x80, s0, s22, $0xb8;
	[tilespmem:$0x1E400] =	vst v63  }
0x149: {  	s12 =	sor.u32 $0x2800, s12  }
0x14a: {  	[spmem:s1] =	stream.indirect.scatter.add.f32 [tilespmem:s12], [sflag:$0x2], $0x80, s29, s22, $0xb8;
	[tilespmem:$0x1E400] =	vst v63  }
0x14b: {  	_ =	swait.ge [sflag:s19], $0x4000  }
0x14c: {  	s12 =	simm.s32 $0x1;
	[sflag:s19] =	ssyncset.done $0x0  }
.LBB2_16:
0x14d: {  	[sflag:s19] =	ssyncadd.s32 $0xFFFFC000;
	s29 =	sadd.s32 $0x80, s29;
	s0 =	sadd.s32 $0x80, s0  }
0x14e: {  	p2 =	sne.s32 s12, $0x26;
	s13 =	smov.u32 s12;
	s12 =	sadd.s32 $0x1, s12  }
0x14f: {  	s13 =	sshll.u32 s13, $0xE;
	_ =	swait.ge [sflag:s21], $0x4000  }
0x150: {  	s13 =	sand.u32 $0x4000, s13;
	[sflag:s21] =	ssyncset.done $0x0  }
0x151: {  	s14 =	sxor.u32 $0x6800, s13;
	[sflag:s21] =	ssyncadd.s32 $0xFFFFC000  }
0x152: {  	[tilespmem:s14], [sflag:$0x1] =	stream.indirect.gather [hbm4b:s16+s22], $0x80, s0, s22, $0xb8;
	[tilespmem:$0x1E400] =	vst v63  }
.Ltmp10:
0x153: {  	_ = 	snop;
	(pc) =	sbr.rel @p2 .LBB2_16-.Ltmp10, $4  }
0x154: {  	s13 =	sor.u32 $0x2800, s13  }
0x155: {  	[spmem:s1] =	stream.indirect.scatter.add.f32 [tilespmem:s13], [sflag:$0x2], $0x80, s29, s22, $0xb8;
	[tilespmem:$0x1E400] =	vst v63  }
0x156: {  	_ =	swait.ge [sflag:s19], $0x4000  }
0x157: {  	[sflag:s19] =	ssyncset.done $0x0  }
0x158: {  	[sflag:s19] =	ssyncadd.s32 $0xFFFFC000  }
0x159: {  	_ =	swait.ge [sflag:s21], $0x4000  }
0x15a: {  	[sflag:s21] =	ssyncset.done $0x0  }
0x15b: {  	s29 =	simm.s32 $0x80;
	[sflag:s21] =	ssyncadd.s32 $0xFFFFC000  }
0x15c: {  	[spmem:s1] =	stream.indirect.scatter.add.f32 [tilespmem:s28], [sflag:$0x2], $0x80, s26, s29, $0xb8;
	[tilespmem:$0x1E400] =	vst v63  }
0x15d: {  	_ =	swait.ge [sflag:s19], $0x4000  }
0x15e: {  	[sflag:s19] =	ssyncset.done $0x0  }
0x15f: {  	s12 =	simm.s32 $0x0;
	[sflag:s19] =	ssyncadd.s32 $0xFFFFC000  }
0x160: {  	[tilespmem:s12], [sflag:$0x2] =	stream.linear.gather [hbm4b:s10+s12], $0x1400, $0x38;
	[tilespmem:$0x1E400] =	vst v63  }
0x161: {  	_ =	swait.ge [sflag:s19], $0x1400  }
0x162: {  	[sflag:s19] =	ssyncset.done $0x0  }
0x163: {  	s0 =	simm.s32 $0x1400;
	[sflag:s19] =	ssyncadd.s32 $0xFFFFEC00  }
0x164: {  	[tilespmem:s0], [sflag:$0x2] =	stream.linear.gather [hbm4b:s11+s12], $0x1400, $0x38;
	[tilespmem:$0x1E400] =	vst v63  }
0x165: {  	_ =	swait.ge [sflag:s19], $0x1400  }
0x166: {  	[sflag:s19] =	ssyncset.done $0x0  }
0x167: {  	[sflag:s19] =	ssyncadd.s32 $0xFFFFEC00  }
0x168: {  	[tilespmem:s20], [sflag:$0x1] =	stream.indirect.gather [hbm4b:s16+s29], $0x80, s12, s29, $0xb8;
	[tilespmem:$0x1E400] =	vst v63  }
0x169: {  	s14 =	simm.s32 $0x0;
	_ =	swait.ge [sflag:s21], $0x4000  }
0x16a: {  	s12 =	sand.u32 $0x4000, s14;
	[sflag:s21] =	ssyncset.done $0x0  }
0x16b: {  	s13 =	sxor.u32 $0x6800, s12;
	[sflag:s21] =	ssyncadd.s32 $0xFFFFC000  }
0x16c: {  	[tilespmem:s13], [sflag:$0x1] =	stream.indirect.gather [hbm4b:s16+s22], $0x80, s29, s22, $0xb8;
	[tilespmem:$0x1E400] =	vst v63  }
0x16d: {  	s12 =	sor.u32 $0x2800, s12  }
0x16e: {  	[spmem:s1] =	stream.indirect.scatter.add.f32 [tilespmem:s12], [sflag:$0x2], $0x80, s0, s22, $0xb8;
	[tilespmem:$0x1E400] =	vst v63  }
0x16f: {  	_ =	swait.ge [sflag:s19], $0x4000  }
0x170: {  	s12 =	simm.s32 $0x1;
	[sflag:s19] =	ssyncset.done $0x0  }
.LBB2_18:
0x171: {  	[sflag:s19] =	ssyncadd.s32 $0xFFFFC000;
	s0 =	sadd.s32 $0x80, s0;
	s29 =	sadd.s32 $0x80, s29  }
0x172: {  	p2 =	sne.s32 s12, $0x26;
	s13 =	smov.u32 s12;
	s12 =	sadd.s32 $0x1, s12  }
0x173: {  	s13 =	sshll.u32 s13, $0xE;
	_ =	swait.ge [sflag:s21], $0x4000  }
0x174: {  	s13 =	sand.u32 $0x4000, s13;
	[sflag:s21] =	ssyncset.done $0x0  }
0x175: {  	s14 =	sxor.u32 $0x6800, s13;
	[sflag:s21] =	ssyncadd.s32 $0xFFFFC000  }
0x176: {  	[tilespmem:s14], [sflag:$0x1] =	stream.indirect.gather [hbm4b:s16+s22], $0x80, s29, s22, $0xb8;
	[tilespmem:$0x1E400] =	vst v63  }
.Ltmp11:
0x177: {  	_ = 	snop;
	(pc) =	sbr.rel @p2 .LBB2_18-.Ltmp11, $4  }
0x178: {  	s13 =	sor.u32 $0x2800, s13  }
0x179: {  	[spmem:s1] =	stream.indirect.scatter.add.f32 [tilespmem:s13], [sflag:$0x2], $0x80, s0, s22, $0xb8;
	[tilespmem:$0x1E400] =	vst v63  }
0x17a: {  	_ =	swait.ge [sflag:s19], $0x4000  }
0x17b: {  	[sflag:s19] =	ssyncset.done $0x0  }
.Ltmp12:
0x17c: {  	_ = 	snop;
	(pc) =	sbr.rel .LBB2_19-.Ltmp12, $1  }
0x17d: {  	_ =	sdelay $0x3  }
.LBB2_21:
0x17e: {  	_ =	sfence.sel $0x180000  }
0x17f: {  	[bflag:$0x0] =	sbarrier.arrive $0xFFFF  }
0x180: {  	_ =	strace $0x9000004D  }
0x181: {  	[bflag:$0x2] =	sbarrier.arrive $0xFFFF  }
0x182: {  	p0 =	sne.s32 s2, $0x0;
	s0 =	rddreg [dreg:$0x2]  }
0x183: {  	s0 =	sadd.s32 @!p0 $0x100000, s0  }
0x184: {  	[sflag:s0] =	ssyncadd.tile.s32 @!p0 $0x1;
	_ =	shalt  }
.Lfunc_end2:
_tile_overlayer_lowered:
.L_overlay_start_2:
0x185: {  	(tag) =	ssettag $0x2  }
0x186: {  	s0 =	rddreg [dreg:$0x0];
	s2 =	stileid.u32  }
0x187: {  	s1 =	rddreg [dreg:$0x1];
	p0 =	sne.s32 s2, $0x0  }
0x188: {  	s3 =	rddreg [dreg:$0x2];
	[bflag:$0x3] =	sbarrier.arrive $0xFFFF;
	s2 =	simm.s32 @!p0 $0x1C02  }
0x189: {  	[timem:s3], [sflag:s2] =	dma.local @!p0 [hbm:s0], s1  }
0x18a: {  	s0 =	simm.s32 @!p0 $0x2  }
0x18b: {  	_ =	swait.ge @!p0 [sflag:s0], s1  }
0x18c: {  	s1 =	ssub.s32 @!p0 $0x0, s1;
	[sflag:s0] =	ssyncset.done @!p0 $0x0  }
0x18d: {  	[sflag:s0] =	ssyncadd.s32 @!p0 s1  }
0x18e: {  	[bflag:$0x3] =	sbarrier.arrive $0xFFFF  }
0x18f: {  	_ =	shalt  }

// kernel: kernel.8.cloned.1.call-start
scs
__scs_entry_jumppad:
0x0: {  	(pc) =	sbr.rel $0x88, $3  }
0x1: {  	(tag) =	ssettag $0x0;
	lr =	simm.s32 $0x1  }
0x2: {  	[smem:$0x3F99] =	sst lr;
	_ =	strace $0xD0000000  }
0x3: {  	_ = 	snop  }
0x4: {  	_ = 	snop  }
0x5: {  	_ = 	snop  }
0x6: {  	_ = 	snop  }
0x7: {  	_ = 	snop  }
__scs_overlays_trampoline_lowered:
0x8: {  	[smem:$0x3FA8] =	sst s0  }
0x9: {  	[smem:$0x3FA9] =	sst s1  }
0xa: {  	[smem:$0x3FAA] =	sst s2  }
0xb: {  	[smem:$0x3FAB] =	sst s3  }
0xc: {  	[smem:$0x3FAC] =	sst s4  }
0xd: {  	[smem:$0x3FAD] =	sst s5  }
0xe: {  	[smem:$0x3FAE] =	sst s6  }
0xf: {  	[smem:$0x3FAF] =	sst s7  }
0x10: {  	[smem:$0x3FB0] =	sst s8  }
0x11: {  	[smem:$0x3FB1] =	sst s9;
	s0 =	simm.s32 @!p0 $0x0  }
0x12: {  	s1 =	sld [smem:$0x3F97];
	s0 =	simm.s32 @p0 $0x1  }
0x13: {  	[smem:$0x3FB2] =	sst s0;
	s0 =	simm.s32 @!p1 $0x0  }
0x14: {  	s2 =	sld [smem:$0x3F96];
	s0 =	simm.s32 @p1 $0x1  }
0x15: {  	[smem:$0x3FB3] =	sst s0;
	s0 =	simm.s32 @!p2 $0x0  }
0x16: {  	s3 =	sld [smem:$0x3FDB];
	s0 =	simm.s32 @p2 $0x1  }
0x17: {  	s4 =	simm.s32 $0x1BF5;
	[smem:$0x3FB5] =	sst s0  }
0x18: {  	s0 =	sld [smem:$0x3F98];
	_ =	swait.ge [sflag:s4], $0x0  }
0x19: {  	s7 =	sld [smem:$0x3F99]  }
0x1a: {  	s8 =	sadd.s32 $0xFFFFE003, lr  }
0x1b: {  	s9 =	sadd.s32 $0xFFFFFEF7, lr;
	s5 =	simm.s32 $0xFFFFFFFF;
	p2 =	slt.u32 s8, $0xFFFFF086  }
0x1c: {  	p1 =	slt.u32 s9, $0xF7A;
	s5 =	simm.s32 @!p2 $0x0  }
0x1d: {  	s5 =	simm.s32 @p1 $0x1;
	p0 =	seq.s32 s7, s2  }
0x1e: {  	s7 =	smul.u32 @!p0 $0xF7A, s2;
	p2 =	seq.s32 @!p0 s5, $0x0  }
0x1f: {  	s9 =	smul.u32 $0xF7A, s1;
	s8 =	simm.s32 @!p0 $0x1BF5;
	p2 =	por !p2, p0  }
0x20: {  	[sflag:s8] =	ssyncset.s32 @!p0 $0xFFFFF086;
	s6 =	sadd.s32 @!p0 s3, s7;
	s7 =	simm.s32 @!p0 $0x108  }
0x21: {  	s3 =	sadd.s32 s3, s9;
	s6 =	sadd.s32 @!p0 $0x88, s6;
	s7 =	simm.s32 @p2 $0x1082  }
0x22: {  	[simem:s7], [sflag:s8] =	dma.local @!p0 [hbm:s6], $0xF7A  }
0x23: {  	s9 =	sor.u32 $0xD0000000, s2;
	s6 =	simm.s32 $0x108;
	_ =	swait.ge @!p0 [sflag:s8], $0x0  }
0x24: {  	s3 =	sadd.s32 $0x88, s3;
	s6 =	simm.s32 @!p1 $0x1082;
	[sflag:s4] =	ssyncset.s32 $0xFFFFF086  }
0x25: {  	[simem:s6], [sflag:s4] =	dma.local [hbm:s3], $0xF7A  }
0x26: {  	[smem:$0x3F99] =	sst s1;
	(tag) =	ssettag s2;
	_ =	strace s9  }
0x27: {  	s1 =	sld [smem:$0x3FA9]  }
0x28: {  	s2 =	sld [smem:$0x3FAA]  }
0x29: {  	s4 =	sld [smem:$0x3FAC]  }
0x2a: {  	p0 =	seq.s32 s5, $0x0;
	s5 =	sld [smem:$0x3FAD]  }
0x2b: {  	s6 =	sld [smem:$0x3FAE]  }
0x2c: {  	s7 =	sld [smem:$0x3FAF]  }
0x2d: {  	s3 =	simm.s32 $0x108;
	s8 =	sld [smem:$0x3FB0]  }
0x2e: {  	s3 =	simm.s32 @!p0 $0x1082;
	s9 =	sld [smem:$0x3FB1]  }
0x2f: {  	lr =	sadd.s32 s0, s3;
	s0 =	sld [smem:$0x3FA8]  }
0x30: {  	s3 =	sld [smem:$0x3FAB]  }
0x31: {  	[smem:$0x3FB4] =	sst s10  }
0x32: {  	s10 =	sld [smem:$0x3FB2];
	_ =	sdelay $0x3  }
0x33: {  	p0 =	seq.s32 s10, $0x1;
	s10 =	sld [smem:$0x3FB4];
	_ =	sdelay $0x3  }
0x34: {  	[smem:$0x3FB4] =	sst s10  }
0x35: {  	s10 =	sld [smem:$0x3FB3];
	_ =	sdelay $0x3  }
0x36: {  	p1 =	seq.s32 s10, $0x1;
	s10 =	sld [smem:$0x3FB4];
	_ =	sdelay $0x3  }
0x37: {  	[smem:$0x3FB4] =	sst s10  }
0x38: {  	s10 =	sld [smem:$0x3FB5]  }
0x39: {  	_ = 	snop;
	(pc) =	sbr.ind lr, $3  }
0x3a: {  	_ = 	snop  }
0x3b: {  	_ = 	snop  }
0x3c: {  	p2 =	seq.s32 s10, $0x1;
	s10 =	sld [smem:$0x3FB4]  }
0x3d: {  	_ =	shalt  }
0x3e: {  	_ =	shalt  }
0x3f: {  	_ =	shalt  }
0x40: {  	_ =	shalt  }
0x41: {  	_ =	shalt  }
0x42: {  	_ =	shalt  }
0x43: {  	_ =	shalt  }
0x44: {  	_ =	shalt  }
0x45: {  	_ =	shalt  }
0x46: {  	_ =	shalt  }
0x47: {  	_ =	shalt  }
0x48: {  	_ =	shalt  }
0x49: {  	_ =	shalt  }
0x4a: {  	_ =	shalt  }
0x4b: {  	_ =	shalt  }
0x4c: {  	_ =	shalt  }
0x4d: {  	_ =	shalt  }
0x4e: {  	_ =	shalt  }
0x4f: {  	_ =	shalt  }
0x50: {  	_ =	shalt  }
0x51: {  	_ =	shalt  }
0x52: {  	_ =	shalt  }
0x53: {  	_ =	shalt  }
0x54: {  	_ =	shalt  }
0x55: {  	_ =	shalt  }
0x56: {  	_ =	shalt  }
0x57: {  	_ =	shalt  }
0x58: {  	_ =	shalt  }
0x59: {  	_ =	shalt  }
0x5a: {  	_ =	shalt  }
0x5b: {  	_ =	shalt  }
0x5c: {  	_ =	shalt  }
0x5d: {  	_ =	shalt  }
0x5e: {  	_ =	shalt  }
0x5f: {  	_ =	shalt  }
0x60: {  	_ =	shalt  }
0x61: {  	_ =	shalt  }
0x62: {  	_ =	shalt  }
0x63: {  	_ =	shalt  }
0x64: {  	_ =	shalt  }
0x65: {  	_ =	shalt  }
0x66: {  	_ =	shalt  }
0x67: {  	_ =	shalt  }
0x68: {  	_ =	shalt  }
0x69: {  	_ =	shalt  }
0x6a: {  	_ =	shalt  }
0x6b: {  	_ =	shalt  }
0x6c: {  	_ =	shalt  }
0x6d: {  	_ =	shalt  }
0x6e: {  	_ =	shalt  }
0x6f: {  	_ =	shalt  }
0x70: {  	_ =	shalt  }
0x71: {  	_ =	shalt  }
0x72: {  	_ =	shalt  }
0x73: {  	_ =	shalt  }
0x74: {  	_ =	shalt  }
0x75: {  	_ =	shalt  }
0x76: {  	_ =	shalt  }
0x77: {  	_ =	shalt  }
0x78: {  	_ =	shalt  }
0x79: {  	_ =	shalt  }
0x7a: {  	_ =	shalt  }
0x7b: {  	_ =	shalt  }
0x7c: {  	_ =	shalt  }
0x7d: {  	_ =	shalt  }
0x7e: {  	_ =	shalt  }
0x7f: {  	_ =	shalt  }
0x80: {  	_ =	shalt  }
0x81: {  	_ =	shalt  }
0x82: {  	_ =	shalt  }
0x83: {  	_ =	shalt  }
0x84: {  	_ =	shalt  }
0x85: {  	_ =	shalt  }
0x86: {  	_ =	shalt  }
0x87: {  	_ =	shalt  }
.Lfunc_end0:
.L_simem_size_0:
called_computation_lowered:
.L_overlay_start_0:
0x88: {  	s2 =	sld [smem:$0x3FD9]  }
0x89: {  	s3 =	sld [smem:$0x3FFE];
	_ =	sdelay $0x1  }
0x8a: {  	s1 =	srdreg.scid  }
0x8b: {  	s0 =	sand.u32 $0x1, s1  }
0x8c: {  	s16 =	sshll.u32 s0, $0xA;
	s2 =	sadd.s32 s3, s2  }
0x8d: {  	s2 =	sadd.s32 s2, s16  }
0x8e: {  	[smem:$0x3FC0] =	sst s2  }
0x8f: {  	_ = 	snop  }
0x90: {  	(tm) =	ssettm $0x1  }
0x91: {  	s17 =	sld [smem:$0x3FFB];
	_ =	sdelay $0x3  }
0x92: {  	_ =	strace s17  }
0x93: {  	s2 =	sld [smem:$0x3FFC];
	_ =	sdelay $0x3  }
0x94: {  	_ =	strace s2  }
0x95: {  	s2 =	sld [smem:$0x3FFD];
	_ =	sdelay $0x3  }
0x96: {  	_ =	strace s2  }
0x97: {  	_ =	strace $0x8FFFFFFF  }
0x98: {  	s18 =	sld [smem:$0x3FDB];
	_ =	sdelay $0x1  }
0x99: {  	s19 =	simm.s32 $_scs_section_size  }
0x9a: {  	s4 =	simm.s32 $_size__tile_overlayer_lowered;
	s5 =	simm.s32 $_tile_overlayer_lowered  }
0x9b: {  	s22 =	simm.s32 $0x1BFF;
	s21 =	sshll.u32 s5, $0x1;
	s2 =	sadd.s32 s19, s18  }
0x9c: {  	s6 =	simm.s32 $0x0;
	s20 =	sshll.u32 s4, $0x1;
	s4 =	sadd.s32 s21, s2  }
0x9d: {  	[timem:s6], [sflag:s22] =	dma.local [hbm:s4], s20  }
0x9e: {  	_ =	swait.ge [sflag:s22], s20  }
0x9f: {  	s3 =	ssub.s32 $0x0, s20;
	[sflag:s22] =	ssyncset.done $0x0  }
0xa0: {  	[sflag:s22] =	ssyncadd.s32 s3;
	_ =	sdelay $0x1  }
0xa1: {  	s23 =	simm.s32 $0x1B8B  }
0xa2: {  	_ =	swait.ge [sflag:s23], $0x1  }
0xa3: {  	[sflag:s23] =	ssyncset.done $0x0  }
0xa4: {  	s25 =	simm.s32 $0x1B8E;
	s24 =	sld [smem:$0x3FFE];
	[sflag:s23] =	ssyncadd.s32 $0xFFFFFFFF  }
0xa5: {  	s26 =	simm.s32 $execute0_lowered;
	[smem:$0x3FD2] =	sst s25  }
0xa6: {  	s4 =	sshll.u32 s26, $0x1;
	_ =	strace $0x80000046;
	[dreg:$0x1] =	wrdreg $0xFFFFFFFF  }
0xa7: {  	s28 =	simm.s32 $_size_execute0_lowered;
	s2 =	sadd.s32 s2, s4;
	[dreg:$0x0] =	wrdreg $0x0  }
0xa8: {  	s4 =	sshll.u32 s28, $0x1;
	[dreg:$0x2] =	wrdreg s2  }
0xa9: {  	[dreg:$0x3] =	wrdreg s4  }
0xaa: {  	[dreg:$0x4] =	wrdreg $0xC0  }
0xab: {  	_ =	task [dreg:s6], $0x5FFFF  }
0xac: {  	[dreg:$0x1] =	wrdreg $0xFFFFFFFF  }
0xad: {  	[dreg:$0x0] =	wrdreg $0x60  }
0xae: {  	[dreg:$0x2] =	wrdreg s24  }
0xaf: {  	[dreg:$0x3] =	wrdreg $0x28000  }
0xb0: {  	[dreg:$0x4] =	wrdreg $0x9  }
0xb1: {  	_ =	task.clear_ibuf [dreg:s6], $0x5FFFF;
	_ =	strace $0x90000046  }
0xb2: {  	s29 =	simm.s32 $0x9;
	_ =	strace $0x80000048  }
0xb3: {  	_ =	swait.ge [sflag:s29], $0x1  }
0xb4: {  	[sflag:s29] =	ssyncadd.s32 $0xFFFFFFFF  }
0xb5: {  	_ =	strace $0x90000048  }
0xb6: {  	_ =	sfence  }
0xb7: {  	s30 =	sld [smem:$0x0];
	_ =	sdelay $0x2  }
0xb8: {  	s31 =	sshll.u32 s1, $0xD;
	s1 =	sshrl.u32 s1, $0x2  }
0xb9: {  	s3 =	sand.u32 $0x4000, s31;
	s1 =	sadd.s32 s1, s30  }
0xba: {  	s0 =	sor.u32 s3, s0;
	s1 =	sshll.u32 s1, $0x11  }
0xbb: {  	s0 =	sor.u32 s1, s0  }
0xbc: {  	s0 =	sadd.s32 $0x8F2B, s0  }
0xbd: {  	[sflag:s0] =	ssyncadd.remote.s32 $0x1  }
0xbe: {  	_ =	sfence.sel $0xFFFF  }
0xbf: {  	[dreg:$0x0] =	wrdreg $0xFFFFFFFF;
	(pc) =	sbr.abs _section_cstart, $3  }
0xc0: {  	[dreg:$0x1] =	wrdreg $0xFFFFFFFF  }
0xc1: {  	_ =	task.clear_ibuf [dreg:s6], $0x2FFFF;
	_ =	strace $0x9FFFFFFF  }
0xc2: {  	(tm) =	ssettm $0x7FFFFFFF  }
0xc3: {  	_ =	shalt  }
tec
execute0_lowered:
.L_overlay_start_1:
0x0: {  	(tag) =	ssettag $0x1  }
0x1: {  	s1 =	srdreg.scid;
	s5 =	rddreg [dreg:$0x0]  }
0x2: {  	s0 =	stileid.u32;
	s2 =	rddreg [dreg:$0x1]  }
0x3: {  	s3 =	simm.s32 $0x0;
	s12 =	simm.s32 $0x0;
	s4 =	sand.u32 $0x1, s1  }
0x4: {  	s29 =	sshll.u32 s0, $0x1;
	s7 =	smul.u32 $0x280, s0;
	[smem:$0x7FF] =	sst s3  }
0x5: {  	s31 =	sshll.u32 s0, $0x6;
	s1 =	sor.u32 s4, s29;
	s8 =	smul.u32 $0x2800, s4  }
0x6: {  	s4 =	ssub.s32 $0x2, s4;
	s6 =	smul.u32 $0x280, s1;
	s1 =	rddreg [dreg:$0x2]  }
0x7: {  	_ =	strace $0x80000047;
	s9 =	sshrl.u32 s7, $0x3;
	s30 =	sshrl.u32 s4, $0x1  }
0x8: {  	s11 =	sadd.s32 s7, s2;
	s8 =	sadd.s32 s7, s8;
	s9 =	sadd.s32 s9, s5  }
0x9: {  	s10 =	ssub.s32 s4, s30;
	s6 =	sadd.s32 s6, s5;
	s8 =	sshrl.u32 s8, $0x3  }
0xa: {  	s4 =	sadd.s32 $0x6200, s9;
	s9 =	sshrl.u32 s11, $0x3;
	s11 =	simm.s32 $0x1400  }
0xb: {  	s8 =	sadd.s32 s8, s5;
	s5 =	sor.u32 $0x1C01, s31;
	s6 =	sadd.s32 $0x1200, s6  }
0xc: {  	v0 =	vimm.f32 $1.000000000e+00;
	s7 =	sadd.s32 $0x6800, s8;
	s8 =	smax.u32 s10, $0x1;
	s10 =	simm.s32 $0x1  }
.LBB2_1:
0xd: {  	s13 =	simm.s32 $0x40;
	s14 =	simm.s32 $0x0  }
.LBB2_2:
0xe: {  	p0 =	sne.s32 s13, $0x4FC0;
	[tilespmem:s14+$0x1400] =	vst v0;
	s14 =	smov.u32 s13;
	s13 =	sadd.s32 $0x40, s13  }
.Ltmp0:
0xf: {  	(pc) =	sbr.rel @p0 .LBB2_2-.Ltmp0, $2  }
0x10: {  	_ =	sdelay $0x2  }
0x11: {  	s14 =	sshra.s32 s14, $0x2  }
0x12: {  	[tilespmem:s14+$0x1400] =	vst v0  }
0x13: {  	[spmem:s9], [sflag:s5] =	dma.local [hbm:s4], $0x50  }
0x14: {  	_ =	swait.ge [sflag:s10], $0x50  }
0x15: {  	[sflag:s10] =	ssyncset.done $0x0  }
0x16: {  	[sflag:s10] =	ssyncadd.s32 $0xFFFFFFB0  }
0x17: {  	[bflag:$0x0] =	sbarrier.arrive $0xFFFF  }
0x18: {  	[tilespmem:s3], [sflag:$0x1] =	stream.linear.gather [hbm4b:s6+s3], $0x1400, $0x38;
	[tilespmem:$0x2A80] =	vst v63  }
0x19: {  	_ =	swait.ge [sflag:s10], $0x1400  }
0x1a: {  	[sflag:s10] =	ssyncset.done $0x0  }
0x1b: {  	[sflag:s10] =	ssyncadd.s32 $0xFFFFEC00  }
0x1c: {  	[spmem:s2] =	stream.indirect.scatter.add.f32 [tilespmem:s11], [sflag:$0x1], $0x1, s3, s11, $0xb8;
	[tilespmem:$0x2A80] =	vst v63  }
0x1d: {  	_ =	swait.ge [sflag:s10], $0x1400  }
0x1e: {  	s12 =	sadd.s32 $0x1, s12;
	[sflag:s10] =	ssyncset.done $0x0  }
0x1f: {  	p0 =	sne.s32 s12, s8;
	[sflag:s10] =	ssyncadd.s32 $0xFFFFEC00  }
.Ltmp1:
0x20: {  	[bflag:$0x0] =	sbarrier.arrive $0xFFFF;
	(pc) =	sbr.rel @p0 .LBB2_1-.Ltmp1, $4  }
0x21: {  	[hbm:s7], [sflag:s5] =	dma.local [spmem:s9], $0x50  }
0x22: {  	_ =	swait.ge [sflag:s10], $0x50  }
0x23: {  	[sflag:s10] =	ssyncset.done $0x0  }
0x24: {  	[sflag:s10] =	ssyncadd.s32 $0xFFFFFFB0  }
0x25: {  	_ =	sfence.sel $0x180000  }
0x26: {  	[bflag:$0x0] =	sbarrier.arrive $0xFFFF  }
0x27: {  	p0 =	sne.s32 s0, $0x0;
	_ =	strace $0x90000047  }
0x28: {  	s0 =	sadd.s32 @!p0 $0x100000, s1;
	[bflag:$0x2] =	sbarrier.arrive $0xFFFF  }
0x29: {  	[sflag:s0] =	ssyncadd.tile.s32 @!p0 $0x1;
	_ =	shalt  }
.Lfunc_end2:
_tile_overlayer_lowered:
.L_overlay_start_2:
0x2a: {  	(tag) =	ssettag $0x2  }
0x2b: {  	s0 =	rddreg [dreg:$0x0];
	s2 =	stileid.u32  }
0x2c: {  	s1 =	rddreg [dreg:$0x1];
	p0 =	sne.s32 s2, $0x0  }
0x2d: {  	s3 =	rddreg [dreg:$0x2];
	[bflag:$0x3] =	sbarrier.arrive $0xFFFF;
	s2 =	simm.s32 @!p0 $0x1C01  }
0x2e: {  	[timem:s3], [sflag:s2] =	dma.local @!p0 [hbm:s0], s1  }
0x2f: {  	s0 =	simm.s32 @!p0 $0x1  }
0x30: {  	_ =	swait.ge @!p0 [sflag:s0], s1  }
0x31: {  	s1 =	ssub.s32 @!p0 $0x0, s1;
	[sflag:s0] =	ssyncset.done @!p0 $0x0  }
0x32: {  	[sflag:s0] =	ssyncadd.s32 @!p0 s1  }
0x33: {  	[bflag:$0x3] =	sbarrier.arrive $0xFFFF  }
0x34: {  	_ =	shalt  }

</sc_bundles>
